<compile_context>
chip_gen: v7x
topology: tpu7x:2x2x1
jax: 0.10.2.dev20260603
libtpu: 0.0.44.dev20260713+nightly
codegen_flags: <defaults>
</compile_context>

<pallas_src>
import functools

import jax
import jax.numpy as jnp
from jax import lax
from jax.experimental import pallas as pl
from jax.experimental.pallas import tpu as pltpu
from jax.experimental.pallas import tpu_sc as plsc

T, H, W, C, A = 128, 64, 64, 128, 64
B = T * A
NC, NS, L = 2, 16, 16
NW = NC * NS
APW = A // NW
BPW = B // NW
NQ = 2
QR = BPW // NQ
TPA = T // (NQ // APW)


def _make_sc_gather():
    mesh = plsc.VectorSubcoreMesh(core_axis_name="c", subcore_axis_name="s")

    @functools.partial(
        pl.kernel,
        out_type=jax.ShapeDtypeStruct((B, C), jnp.float32),
        mesh=mesh,
        scratch_types=[
            pltpu.VMEM((APW, 2, T), jnp.int32),
            pltpu.VMEM((NQ, QR), jnp.int32),
            pltpu.VMEM((NQ, QR), jnp.int32),
            pltpu.VMEM((BPW, C), jnp.float32),
            pltpu.SemaphoreType.DMA,
            pltpu.SemaphoreType.DMA,
            pltpu.SemaphoreType.DMA,
            pltpu.SemaphoreType.DMA,
        ],
    )
    def gather_kernel(table, rc, out, rc_v, idx_v, oidx_v, feat_v,
                      csem, g0, g1, wsem):
        gsems = (g0, g1)
        wid = lax.axis_index("s") * NC + lax.axis_index("c")

        cps = [pltpu.async_copy(rc.at[pl.ds(APW * wid + a, 1)],
                                rc_v.at[pl.ds(a, 1)],
                                csem if a == 0 else wsem)
               for a in range(APW)]

        lane = lax.iota(jnp.int32, L)
        one = jnp.full((L,), 1.0, jnp.float32)
        zero = jnp.full((L,), 0.0, jnp.float32)
        copies = []
        for q in range(NQ):
            al = q // (NQ // APW)
            t0 = (q % (NQ // APW)) * TPA
            if q % (NQ // APW) == 0:
                cps[al].wait()
            for kt in range(QR // L):
                tv = t0 + kt * L + lane
                rraw = rc_v[al, 0, pl.ds(t0 + kt * L, L)]
                craw = rc_v[al, 1, pl.ds(t0 + kt * L, L)]
                flat = tv * (H * W) + (rraw & 63) * W + (craw & 63)
                idx_v[q, pl.ds(kt * L, L)] = flat
                oidx_v[q, pl.ds(kt * L, L)] = tv * A + (APW * wid + al)
            copies.append(pltpu.async_copy(
                table.at[idx_v.at[q]], feat_v.at[pl.ds(q * QR, QR)],
                gsems[q]))

        wcopies = []
        for q in range(NQ):
            copies[q].wait()

            def mul_group(g16, _, q=q):
                al = q // (NQ // APW)
                t0 = (q % (NQ // APW)) * TPA
                raw = rc_v[al, 0, pl.ds(t0 + g16 * L, L)]
                mv = jnp.where(raw >= 0, one, zero)
                for j in range(L):
                    mrow = jnp.broadcast_to(
                        lax.slice(mv, (j,), (j + 1,)), (L,))
                    row = q * QR + g16 * L + j
                    for cc in range(C // L):
                        feat_v[row, pl.ds(cc * L, L)] = (
                            feat_v[row, pl.ds(cc * L, L)] * mrow)
                return 0

            lax.fori_loop(0, QR // L, mul_group, 0)
            wcopies.append(pltpu.async_copy(
                feat_v.at[pl.ds(q * QR, QR)], out.at[oidx_v.at[q]], wsem))

        for wc in wcopies:
            wc.wait()

    return gather_kernel


_sc_gather = _make_sc_gather()


def kernel(feature_map, agent_positions, mask):
    table = feature_map.reshape(T * H * W, C)
    signbit = jnp.int32(-2147483648)
    rc = jnp.transpose(
        jnp.where(mask[:, :, None], agent_positions,
                  agent_positions | signbit),
        (1, 2, 0))
    out = _sc_gather(table, rc)
    return out.reshape(T, A, C)

# --- scband reference (transcript-rebuilt; emitter-appended) ---
"""Pipeline reference for scband-spatial-feature-extractor-5145370820827 (READ-ONLY COPY).

The authoritative reference and input builder live on the scoring server;
editing this copy changes nothing except your own understanding.
"""

import jax, jax.numpy as jnp
import numpy as np

T, H, W, C, A = 128, 64, 64, 128, 64

def setup_inputs(seed: int = 0) -> dict:
    key = jax.random.key(seed)
    k1, k2, k3 = jax.random.split(key, 3)
    feature_map = jax.random.normal(k1, (T, H, W, C), dtype=jnp.float32)
    agent_positions = jax.random.randint(k2, (T, A, 2), 0, H, dtype=jnp.int32)
    mask = jax.random.randint(k3, (T, A), 0, 2, dtype=jnp.int32).astype(jnp.bool_)
    return {"feature_map": feature_map, "agent_positions": agent_positions, "mask": mask}

def reference(feature_map, agent_positions, mask):
    # Faithful translation: per-timestep, per-agent gather of fmap[row, col, :],
    # zeroed where the agent mask is invalid.
    def extract_features_for_timestep(fmap, positions, mask_t):
        def extract_feature(pos, valid):
            row = pos[0]
            col = pos[1]
            feat = fmap[row, col, :]
            return jnp.where(valid, feat, jnp.zeros_like(feat))
        return jax.vmap(extract_feature)(positions, mask_t)
    agent_features = jax.vmap(extract_features_for_timestep, in_axes=(0, 0, 0))(
        feature_map, agent_positions, mask
    )
    return agent_features

if __name__ == "__main__":
    import jax
    _d = setup_inputs()
    print(jax.jit(kernel)(*tuple(_d.values())))

</pallas_src>

<mosaic_0001>
#map = affine_map<(d0, d1) -> (0, 0)>
#map1 = affine_map<(d0, d1) -> (0, 0, 0)>
module attributes {stable_mosaic.version = 14 : i64} {
  func.func @gather_kernel(%arg0: i32, %arg1: i32, %arg2: memref<524288x128xf32, #tpu.memory_space<hbm>>, %arg3: memref<64x2x128xi32, #tpu.memory_space<hbm>>, %arg4: memref<8192x128xf32, #tpu.memory_space<hbm>>, %arg5: memref<2x2x128xi32, #tpu.memory_space<vmem>>, %arg6: memref<2x128xi32, #tpu.memory_space<vmem>>, %arg7: memref<2x128xi32, #tpu.memory_space<vmem>>, %arg8: memref<256x128xf32, #tpu.memory_space<vmem>>, %arg9: memref<!tpu.dma_semaphore, #tpu.memory_space<semaphore_mem>>, %arg10: memref<!tpu.dma_semaphore, #tpu.memory_space<semaphore_mem>>, %arg11: memref<!tpu.dma_semaphore, #tpu.memory_space<semaphore_mem>>, %arg12: memref<!tpu.dma_semaphore, #tpu.memory_space<semaphore_mem>>) attributes {dimension_semantics = [#tpu.dimension_semantics<core_parallel>, #tpu.dimension_semantics<subcore_parallel>], iteration_bounds = array<i64: 2, 16>, scalar_prefetch = 0 : i64, scratch_operands = 8 : i64, tpu.core_type = #tpu.core_type<sc_vector_subcore>, window_params = [{transform_indices = #map}, {transform_indices = #map1}, {transform_indices = #map}]} {
    %mul3A = arith.constant 2 : i32
    %mul3A_0 = arith.muli %arg1, %mul3A : i32
    %add3A = arith.addi %mul3A_0, %arg0 : i32
    %mul3A_1 = arith.constant 2 : i32
    %mul3A_2 = arith.muli %mul3A_1, %add3A : i32
    %add3A_3 = arith.constant 0 : i32
    %add3A_4 = arith.addi %mul3A_2, %add3A_3 : i32
    %dma_start3A = arith.constant 0 : i32
    %dma_start3A_5 = arith.constant 0 : i32
    %dma_start3A_6 = arith.constant 0 : i32
    %dma_start3A_7 = tpu.memref_slice %arg5[%dma_start3A, %dma_start3A_5, %dma_start3A_6] : memref<2x2x128xi32, #tpu.memory_space<vmem>> -> memref<1x2x128xi32, #tpu.memory_space<vmem>>
    %dma_start3A_8 = arith.constant 0 : i32
    %dma_start3A_9 = arith.constant 0 : i32
    %dma_start3A_10 = tpu.memref_slice %arg3[%add3A_4, %dma_start3A_8, %dma_start3A_9] : memref<64x2x128xi32, #tpu.memory_space<hbm>> -> memref<1x2x128xi32, #tpu.memory_space<hbm>>
    %dma_start3A_11 = arith.constant 0 : i32
    %dma_start3A_12 = arith.constant 0 : i32
    %dma_start3A_13 = arith.constant 0 : i32
    %dma_start3A_14 = tpu.memref_slice %arg5[%dma_start3A_11, %dma_start3A_12, %dma_start3A_13] : memref<2x2x128xi32, #tpu.memory_space<vmem>> -> memref<1x2x128xi32, #tpu.memory_space<vmem>>
    %dma_start3A_15 = arith.constant 0 : i32
    %dma_start3A_16 = arith.constant 0 : i32
    %dma_start3A_17 = tpu.memref_slice %arg3[%add3A_4, %dma_start3A_15, %dma_start3A_16] : memref<64x2x128xi32, #tpu.memory_space<hbm>> -> memref<1x2x128xi32, #tpu.memory_space<hbm>>
    tpu.enqueue_dma source(%dma_start3A_17 : memref<1x2x128xi32, #tpu.memory_space<hbm>>) target(%dma_start3A_14 : memref<1x2x128xi32, #tpu.memory_space<vmem>>) target_semaphore(%arg9 : memref<!tpu.dma_semaphore, #tpu.memory_space<semaphore_mem>>)
    %mul3A_18 = arith.constant 2 : i32
    %mul3A_19 = arith.muli %mul3A_18, %add3A : i32
    %add3A_20 = arith.constant 1 : i32
    %add3A_21 = arith.addi %mul3A_19, %add3A_20 : i32
    %dma_start3A_22 = arith.constant 1 : i32
    %dma_start3A_23 = arith.constant 0 : i32
    %dma_start3A_24 = arith.constant 0 : i32
    %dma_start3A_25 = tpu.memref_slice %arg5[%dma_start3A_22, %dma_start3A_23, %dma_start3A_24] : memref<2x2x128xi32, #tpu.memory_space<vmem>> -> memref<1x2x128xi32, #tpu.memory_space<vmem>>
    %dma_start3A_26 = arith.constant 0 : i32
    %dma_start3A_27 = arith.constant 0 : i32
    %dma_start3A_28 = tpu.memref_slice %arg3[%add3A_21, %dma_start3A_26, %dma_start3A_27] : memref<64x2x128xi32, #tpu.memory_space<hbm>> -> memref<1x2x128xi32, #tpu.memory_space<hbm>>
    %dma_start3A_29 = arith.constant 1 : i32
    %dma_start3A_30 = arith.constant 0 : i32
    %dma_start3A_31 = arith.constant 0 : i32
    %dma_start3A_32 = tpu.memref_slice %arg5[%dma_start3A_29, %dma_start3A_30, %dma_start3A_31] : memref<2x2x128xi32, #tpu.memory_space<vmem>> -> memref<1x2x128xi32, #tpu.memory_space<vmem>>
    %dma_start3A_33 = arith.constant 0 : i32
    %dma_start3A_34 = arith.constant 0 : i32
    %dma_start3A_35 = tpu.memref_slice %arg3[%add3A_21, %dma_start3A_33, %dma_start3A_34] : memref<64x2x128xi32, #tpu.memory_space<hbm>> -> memref<1x2x128xi32, #tpu.memory_space<hbm>>
    tpu.enqueue_dma source(%dma_start3A_35 : memref<1x2x128xi32, #tpu.memory_space<hbm>>) target(%dma_start3A_32 : memref<1x2x128xi32, #tpu.memory_space<vmem>>) target_semaphore(%arg12 : memref<!tpu.dma_semaphore, #tpu.memory_space<semaphore_mem>>)
    %iota3A = tpu.iota {dimensions = array<i32: 0>} : vector<16xi32>
    %broadcast_in_dim3A = arith.constant 1.000000e+00 : f32
    %broadcast_in_dim3A_36 = vector.broadcast %broadcast_in_dim3A : f32 to vector<16xf32>
    %broadcast_in_dim3A_37 = arith.constant 0.000000e+00 : f32
    %broadcast_in_dim3A_38 = vector.broadcast %broadcast_in_dim3A_37 : f32 to vector<16xf32>
    %dma_wait3A = arith.constant 0 : i32
    %dma_wait3A_39 = arith.constant 0 : i32
    %dma_wait3A_40 = arith.constant 0 : i32
    %dma_wait3A_41 = tpu.memref_slice %arg5[%dma_wait3A, %dma_wait3A_39, %dma_wait3A_40] : memref<2x2x128xi32, #tpu.memory_space<vmem>> -> memref<1x2x128xi32, #tpu.memory_space<vmem>>
    %dma_wait3A_42 = arith.constant 0 : i32
    %dma_wait3A_43 = arith.constant 0 : i32
    %dma_wait3A_44 = tpu.memref_slice %arg3[%add3A_4, %dma_wait3A_42, %dma_wait3A_43] : memref<64x2x128xi32, #tpu.memory_space<hbm>> -> memref<1x2x128xi32, #tpu.memory_space<hbm>>
    %dma_wait3A_45 = arith.constant 0 : i32
    %dma_wait3A_46 = arith.constant 0 : i32
    %dma_wait3A_47 = arith.constant 0 : i32
    %dma_wait3A_48 = tpu.memref_slice %arg5[%dma_wait3A_45, %dma_wait3A_46, %dma_wait3A_47] : memref<2x2x128xi32, #tpu.memory_space<vmem>> -> memref<1x2x128xi32, #tpu.memory_space<vmem>>
    %dma_wait3A_49 = arith.constant 0 : i32
    %dma_wait3A_50 = arith.constant 0 : i32
    %dma_wait3A_51 = tpu.memref_slice %arg3[%add3A_4, %dma_wait3A_49, %dma_wait3A_50] : memref<64x2x128xi32, #tpu.memory_space<hbm>> -> memref<1x2x128xi32, #tpu.memory_space<hbm>>
    tpu.wait_dma2 semaphore(%arg9 : memref<!tpu.dma_semaphore, #tpu.memory_space<semaphore_mem>>) src(%dma_wait3A_51 : memref<1x2x128xi32, #tpu.memory_space<hbm>>) dst(%dma_wait3A_48 : memref<1x2x128xi32, #tpu.memory_space<vmem>>)
    %add3A_52 = arith.constant 0 : i32
    %add3A_53 = vector.broadcast %add3A_52 : i32 to vector<16xi32>
    %add3A_54 = arith.addi %add3A_53, %iota3A : vector<16xi32>
    %get3A = arith.constant 0 : i32
    %get3A_55 = arith.constant 0 : i32
    %get3A_56 = arith.index_cast %get3A : i32 to index
    %get3A_57 = arith.index_cast %get3A_55 : i32 to index
    %get3A_58 = arith.constant 0 : index
    %get3A_59 = tpu.vector_load %arg5[%get3A_56, %get3A_57, %get3A_58] {strides = array<i32>} : memref<2x2x128xi32, #tpu.memory_space<vmem>>, vector<1x1x16xi32>,
    %get3A_60 = vector.shape_cast %get3A_59 : vector<1x1x16xi32> to vector<16xi32>
    %get3A_61 = arith.constant 0 : i32
    %get3A_62 = arith.constant 1 : i32
    %get3A_63 = arith.index_cast %get3A_61 : i32 to index
    %get3A_64 = arith.index_cast %get3A_62 : i32 to index
    %get3A_65 = arith.constant 0 : index
    %get3A_66 = tpu.vector_load %arg5[%get3A_63, %get3A_64, %get3A_65] {strides = array<i32>} : memref<2x2x128xi32, #tpu.memory_space<vmem>>, vector<1x1x16xi32>,
    %get3A_67 = vector.shape_cast %get3A_66 : vector<1x1x16xi32> to vector<16xi32>
    %mul3A_68 = arith.constant 4096 : i32
    %mul3A_69 = vector.broadcast %mul3A_68 : i32 to vector<16xi32>
    %mul3A_70 = arith.muli %add3A_54, %mul3A_69 : vector<16xi32>
    %and3A = arith.constant 63 : i32
    %and3A_71 = vector.broadcast %and3A : i32 to vector<16xi32>
    %and3A_72 = arith.andi %get3A_60, %and3A_71 : vector<16xi32>
    %mul3A_73 = arith.constant 64 : i32
    %mul3A_74 = vector.broadcast %mul3A_73 : i32 to vector<16xi32>
    %mul3A_75 = arith.muli %and3A_72, %mul3A_74 : vector<16xi32>
    %add3A_76 = arith.addi %mul3A_70, %mul3A_75 : vector<16xi32>
    %and3A_77 = arith.constant 63 : i32
    %and3A_78 = vector.broadcast %and3A_77 : i32 to vector<16xi32>
    %and3A_79 = arith.andi %get3A_67, %and3A_78 : vector<16xi32>
    %add3A_80 = arith.addi %add3A_76, %and3A_79 : vector<16xi32>
    %swap3A = arith.constant 0 : i32
    %swap3A_81 = arith.index_cast %swap3A : i32 to index
    %swap3A_82 = arith.constant 0 : index
    %swap3A_83 = tpu.vector_load %arg6[%swap3A_81, %swap3A_82] {strides = array<i32>} : memref<2x128xi32, #tpu.memory_space<vmem>>, vector<1x16xi32>,
    %swap3A_84 = vector.shape_cast %swap3A_83 : vector<1x16xi32> to vector<16xi32>
    %swap3A_85 = vector.shape_cast %add3A_80 : vector<16xi32> to vector<1x16xi32>
    tpu.vector_store %arg6[%swap3A_81, %swap3A_82], %swap3A_85 {strides = array<i32>} : memref<2x128xi32, #tpu.memory_space<vmem>>, vector<1x16xi32>,
    %mul3A_86 = arith.constant 64 : i32
    %mul3A_87 = vector.broadcast %mul3A_86 : i32 to vector<16xi32>
    %mul3A_88 = arith.muli %add3A_54, %mul3A_87 : vector<16xi32>
    %mul3A_89 = arith.constant 2 : i32
    %mul3A_90 = arith.muli %mul3A_89, %add3A : i32
    %add3A_91 = arith.constant 0 : i32
    %add3A_92 = arith.addi %mul3A_90, %add3A_91 : i32
    %add3A_93 = vector.broadcast %add3A_92 : i32 to vector<16xi32>
    %add3A_94 = arith.addi %mul3A_88, %add3A_93 : vector<16xi32>
    %swap3A_95 = arith.constant 0 : i32
    %swap3A_96 = arith.index_cast %swap3A_95 : i32 to index
    %swap3A_97 = arith.constant 0 : index
    %swap3A_98 = tpu.vector_load %arg7[%swap3A_96, %swap3A_97] {strides = array<i32>} : memref<2x128xi32, #tpu.memory_space<vmem>>, vector<1x16xi32>,
    %swap3A_99 = vector.shape_cast %swap3A_98 : vector<1x16xi32> to vector<16xi32>
    %swap3A_100 = vector.shape_cast %add3A_94 : vector<16xi32> to vector<1x16xi32>
    tpu.vector_store %arg7[%swap3A_96, %swap3A_97], %swap3A_100 {strides = array<i32>} : memref<2x128xi32, #tpu.memory_space<vmem>>, vector<1x16xi32>,
    %add3A_101 = arith.constant 16 : i32
    %add3A_102 = vector.broadcast %add3A_101 : i32 to vector<16xi32>
    %add3A_103 = arith.addi %add3A_102, %iota3A : vector<16xi32>
    %get3A_104 = arith.constant 0 : i32
    %get3A_105 = arith.constant 0 : i32
    %get3A_106 = arith.index_cast %get3A_104 : i32 to index
    %get3A_107 = arith.index_cast %get3A_105 : i32 to index
    %get3A_108 = arith.constant 16 : index
    %get3A_109 = tpu.vector_load %arg5[%get3A_106, %get3A_107, %get3A_108] {strides = array<i32>} : memref<2x2x128xi32, #tpu.memory_space<vmem>>, vector<1x1x16xi32>,
    %get3A_110 = vector.shape_cast %get3A_109 : vector<1x1x16xi32> to vector<16xi32>
    %get3A_111 = arith.constant 0 : i32
    %get3A_112 = arith.constant 1 : i32
    %get3A_113 = arith.index_cast %get3A_111 : i32 to index
    %get3A_114 = arith.index_cast %get3A_112 : i32 to index
    %get3A_115 = arith.constant 16 : index
    %get3A_116 = tpu.vector_load %arg5[%get3A_113, %get3A_114, %get3A_115] {strides = array<i32>} : memref<2x2x128xi32, #tpu.memory_space<vmem>>, vector<1x1x16xi32>,
    %get3A_117 = vector.shape_cast %get3A_116 : vector<1x1x16xi32> to vector<16xi32>
    %mul3A_118 = arith.constant 4096 : i32
    %mul3A_119 = vector.broadcast %mul3A_118 : i32 to vector<16xi32>
    %mul3A_120 = arith.muli %add3A_103, %mul3A_119 : vector<16xi32>
    %and3A_121 = arith.constant 63 : i32
    %and3A_122 = vector.broadcast %and3A_121 : i32 to vector<16xi32>
    %and3A_123 = arith.andi %get3A_110, %and3A_122 : vector<16xi32>
    %mul3A_124 = arith.constant 64 : i32
    %mul3A_125 = vector.broadcast %mul3A_124 : i32 to vector<16xi32>
    %mul3A_126 = arith.muli %and3A_123, %mul3A_125 : vector<16xi32>
    %add3A_127 = arith.addi %mul3A_120, %mul3A_126 : vector<16xi32>
    %and3A_128 = arith.constant 63 : i32
    %and3A_129 = vector.broadcast %and3A_128 : i32 to vector<16xi32>
    %and3A_130 = arith.andi %get3A_117, %and3A_129 : vector<16xi32>
    %add3A_131 = arith.addi %add3A_127, %and3A_130 : vector<16xi32>
    %swap3A_132 = arith.constant 0 : i32
    %swap3A_133 = arith.index_cast %swap3A_132 : i32 to index
    %swap3A_134 = arith.constant 16 : index
    %swap3A_135 = tpu.vector_load %arg6[%swap3A_133, %swap3A_134] {strides = array<i32>} : memref<2x128xi32, #tpu.memory_space<vmem>>, vector<1x16xi32>,
    %swap3A_136 = vector.shape_cast %swap3A_135 : vector<1x16xi32> to vector<16xi32>
    %swap3A_137 = vector.shape_cast %add3A_131 : vector<16xi32> to vector<1x16xi32>
    tpu.vector_store %arg6[%swap3A_133, %swap3A_134], %swap3A_137 {strides = array<i32>} : memref<2x128xi32, #tpu.memory_space<vmem>>, vector<1x16xi32>,
    %mul3A_138 = arith.constant 64 : i32
    %mul3A_139 = vector.broadcast %mul3A_138 : i32 to vector<16xi32>
    %mul3A_140 = arith.muli %add3A_103, %mul3A_139 : vector<16xi32>
    %mul3A_141 = arith.constant 2 : i32
    %mul3A_142 = arith.muli %mul3A_141, %add3A : i32
    %add3A_143 = arith.constant 0 : i32
    %add3A_144 = arith.addi %mul3A_142, %add3A_143 : i32
    %add3A_145 = vector.broadcast %add3A_144 : i32 to vector<16xi32>
    %add3A_146 = arith.addi %mul3A_140, %add3A_145 : vector<16xi32>
    %swap3A_147 = arith.constant 0 : i32
    %swap3A_148 = arith.index_cast %swap3A_147 : i32 to index
    %swap3A_149 = arith.constant 16 : index
    %swap3A_150 = tpu.vector_load %arg7[%swap3A_148, %swap3A_149] {strides = array<i32>} : memref<2x128xi32, #tpu.memory_space<vmem>>, vector<1x16xi32>,
    %swap3A_151 = vector.shape_cast %swap3A_150 : vector<1x16xi32> to vector<16xi32>
    %swap3A_152 = vector.shape_cast %add3A_146 : vector<16xi32> to vector<1x16xi32>
    tpu.vector_store %arg7[%swap3A_148, %swap3A_149], %swap3A_152 {strides = array<i32>} : memref<2x128xi32, #tpu.memory_space<vmem>>, vector<1x16xi32>,
    %add3A_153 = arith.constant 32 : i32
    %add3A_154 = vector.broadcast %add3A_153 : i32 to vector<16xi32>
    %add3A_155 = arith.addi %add3A_154, %iota3A : vector<16xi32>
    %get3A_156 = arith.constant 0 : i32
    %get3A_157 = arith.constant 0 : i32
    %get3A_158 = arith.index_cast %get3A_156 : i32 to index
    %get3A_159 = arith.index_cast %get3A_157 : i32 to index
    %get3A_160 = arith.constant 32 : index
    %get3A_161 = tpu.vector_load %arg5[%get3A_158, %get3A_159, %get3A_160] {strides = array<i32>} : memref<2x2x128xi32, #tpu.memory_space<vmem>>, vector<1x1x16xi32>,
    %get3A_162 = vector.shape_cast %get3A_161 : vector<1x1x16xi32> to vector<16xi32>
    %get3A_163 = arith.constant 0 : i32
    %get3A_164 = arith.constant 1 : i32
    %get3A_165 = arith.index_cast %get3A_163 : i32 to index
    %get3A_166 = arith.index_cast %get3A_164 : i32 to index
    %get3A_167 = arith.constant 32 : index
    %get3A_168 = tpu.vector_load %arg5[%get3A_165, %get3A_166, %get3A_167] {strides = array<i32>} : memref<2x2x128xi32, #tpu.memory_space<vmem>>, vector<1x1x16xi32>,
    %get3A_169 = vector.shape_cast %get3A_168 : vector<1x1x16xi32> to vector<16xi32>
    %mul3A_170 = arith.constant 4096 : i32
    %mul3A_171 = vector.broadcast %mul3A_170 : i32 to vector<16xi32>
    %mul3A_172 = arith.muli %add3A_155, %mul3A_171 : vector<16xi32>
    %and3A_173 = arith.constant 63 : i32
    %and3A_174 = vector.broadcast %and3A_173 : i32 to vector<16xi32>
    %and3A_175 = arith.andi %get3A_162, %and3A_174 : vector<16xi32>
    %mul3A_176 = arith.constant 64 : i32
    %mul3A_177 = vector.broadcast %mul3A_176 : i32 to vector<16xi32>
    %mul3A_178 = arith.muli %and3A_175, %mul3A_177 : vector<16xi32>
    %add3A_179 = arith.addi %mul3A_172, %mul3A_178 : vector<16xi32>
    %and3A_180 = arith.constant 63 : i32
    %and3A_181 = vector.broadcast %and3A_180 : i32 to vector<16xi32>
    %and3A_182 = arith.andi %get3A_169, %and3A_181 : vector<16xi32>
    %add3A_183 = arith.addi %add3A_179, %and3A_182 : vector<16xi32>
    %swap3A_184 = arith.constant 0 : i32
    %swap3A_185 = arith.index_cast %swap3A_184 : i32 to index
    %swap3A_186 = arith.constant 32 : index
    %swap3A_187 = tpu.vector_load %arg6[%swap3A_185, %swap3A_186] {strides = array<i32>} : memref<2x128xi32, #tpu.memory_space<vmem>>, vector<1x16xi32>,
    %swap3A_188 = vector.shape_cast %swap3A_187 : vector<1x16xi32> to vector<16xi32>
    %swap3A_189 = vector.shape_cast %add3A_183 : vector<16xi32> to vector<1x16xi32>
    tpu.vector_store %arg6[%swap3A_185, %swap3A_186], %swap3A_189 {strides = array<i32>} : memref<2x128xi32, #tpu.memory_space<vmem>>, vector<1x16xi32>,
    %mul3A_190 = arith.constant 64 : i32
    %mul3A_191 = vector.broadcast %mul3A_190 : i32 to vector<16xi32>
    %mul3A_192 = arith.muli %add3A_155, %mul3A_191 : vector<16xi32>
    %mul3A_193 = arith.constant 2 : i32
    %mul3A_194 = arith.muli %mul3A_193, %add3A : i32
    %add3A_195 = arith.constant 0 : i32
    %add3A_196 = arith.addi %mul3A_194, %add3A_195 : i32
    %add3A_197 = vector.broadcast %add3A_196 : i32 to vector<16xi32>
    %add3A_198 = arith.addi %mul3A_192, %add3A_197 : vector<16xi32>
    %swap3A_199 = arith.constant 0 : i32
    %swap3A_200 = arith.index_cast %swap3A_199 : i32 to index
    %swap3A_201 = arith.constant 32 : index
    %swap3A_202 = tpu.vector_load %arg7[%swap3A_200, %swap3A_201] {strides = array<i32>} : memref<2x128xi32, #tpu.memory_space<vmem>>, vector<1x16xi32>,
    %swap3A_203 = vector.shape_cast %swap3A_202 : vector<1x16xi32> to vector<16xi32>
    %swap3A_204 = vector.shape_cast %add3A_198 : vector<16xi32> to vector<1x16xi32>
    tpu.vector_store %arg7[%swap3A_200, %swap3A_201], %swap3A_204 {strides = array<i32>} : memref<2x128xi32, #tpu.memory_space<vmem>>, vector<1x16xi32>,
    %add3A_205 = arith.constant 48 : i32
    %add3A_206 = vector.broadcast %add3A_205 : i32 to vector<16xi32>
    %add3A_207 = arith.addi %add3A_206, %iota3A : vector<16xi32>
    %get3A_208 = arith.constant 0 : i32
    %get3A_209 = arith.constant 0 : i32
    %get3A_210 = arith.index_cast %get3A_208 : i32 to index
    %get3A_211 = arith.index_cast %get3A_209 : i32 to index
    %get3A_212 = arith.constant 48 : index
    %get3A_213 = tpu.vector_load %arg5[%get3A_210, %get3A_211, %get3A_212] {strides = array<i32>} : memref<2x2x128xi32, #tpu.memory_space<vmem>>, vector<1x1x16xi32>,
    %get3A_214 = vector.shape_cast %get3A_213 : vector<1x1x16xi32> to vector<16xi32>
    %get3A_215 = arith.constant 0 : i32
    %get3A_216 = arith.constant 1 : i32
    %get3A_217 = arith.index_cast %get3A_215 : i32 to index
    %get3A_218 = arith.index_cast %get3A_216 : i32 to index
    %get3A_219 = arith.constant 48 : index
    %get3A_220 = tpu.vector_load %arg5[%get3A_217, %get3A_218, %get3A_219] {strides = array<i32>} : memref<2x2x128xi32, #tpu.memory_space<vmem>>, vector<1x1x16xi32>,
    %get3A_221 = vector.shape_cast %get3A_220 : vector<1x1x16xi32> to vector<16xi32>
    %mul3A_222 = arith.constant 4096 : i32
    %mul3A_223 = vector.broadcast %mul3A_222 : i32 to vector<16xi32>
    %mul3A_224 = arith.muli %add3A_207, %mul3A_223 : vector<16xi32>
    %and3A_225 = arith.constant 63 : i32
    %and3A_226 = vector.broadcast %and3A_225 : i32 to vector<16xi32>
    %and3A_227 = arith.andi %get3A_214, %and3A_226 : vector<16xi32>
    %mul3A_228 = arith.constant 64 : i32
    %mul3A_229 = vector.broadcast %mul3A_228 : i32 to vector<16xi32>
    %mul3A_230 = arith.muli %and3A_227, %mul3A_229 : vector<16xi32>
    %add3A_231 = arith.addi %mul3A_224, %mul3A_230 : vector<16xi32>
    %and3A_232 = arith.constant 63 : i32
    %and3A_233 = vector.broadcast %and3A_232 : i32 to vector<16xi32>
    %and3A_234 = arith.andi %get3A_221, %and3A_233 : vector<16xi32>
    %add3A_235 = arith.addi %add3A_231, %and3A_234 : vector<16xi32>
    %swap3A_236 = arith.constant 0 : i32
    %swap3A_237 = arith.index_cast %swap3A_236 : i32 to index
    %swap3A_238 = arith.constant 48 : index
    %swap3A_239 = tpu.vector_load %arg6[%swap3A_237, %swap3A_238] {strides = array<i32>} : memref<2x128xi32, #tpu.memory_space<vmem>>, vector<1x16xi32>,
    %swap3A_240 = vector.shape_cast %swap3A_239 : vector<1x16xi32> to vector<16xi32>
    %swap3A_241 = vector.shape_cast %add3A_235 : vector<16xi32> to vector<1x16xi32>
    tpu.vector_store %arg6[%swap3A_237, %swap3A_238], %swap3A_241 {strides = array<i32>} : memref<2x128xi32, #tpu.memory_space<vmem>>, vector<1x16xi32>,
    %mul3A_242 = arith.constant 64 : i32
    %mul3A_243 = vector.broadcast %mul3A_242 : i32 to vector<16xi32>
    %mul3A_244 = arith.muli %add3A_207, %mul3A_243 : vector<16xi32>
    %mul3A_245 = arith.constant 2 : i32
    %mul3A_246 = arith.muli %mul3A_245, %add3A : i32
    %add3A_247 = arith.constant 0 : i32
    %add3A_248 = arith.addi %mul3A_246, %add3A_247 : i32
    %add3A_249 = vector.broadcast %add3A_248 : i32 to vector<16xi32>
    %add3A_250 = arith.addi %mul3A_244, %add3A_249 : vector<16xi32>
    %swap3A_251 = arith.constant 0 : i32
    %swap3A_252 = arith.index_cast %swap3A_251 : i32 to index
    %swap3A_253 = arith.constant 48 : index
    %swap3A_254 = tpu.vector_load %arg7[%swap3A_252, %swap3A_253] {strides = array<i32>} : memref<2x128xi32, #tpu.memory_space<vmem>>, vector<1x16xi32>,
    %swap3A_255 = vector.shape_cast %swap3A_254 : vector<1x16xi32> to vector<16xi32>
    %swap3A_256 = vector.shape_cast %add3A_250 : vector<16xi32> to vector<1x16xi32>
    tpu.vector_store %arg7[%swap3A_252, %swap3A_253], %swap3A_256 {strides = array<i32>} : memref<2x128xi32, #tpu.memory_space<vmem>>, vector<1x16xi32>,
    %add3A_257 = arith.constant 64 : i32
    %add3A_258 = vector.broadcast %add3A_257 : i32 to vector<16xi32>
    %add3A_259 = arith.addi %add3A_258, %iota3A : vector<16xi32>
    %get3A_260 = arith.constant 0 : i32
    %get3A_261 = arith.constant 0 : i32
    %get3A_262 = arith.index_cast %get3A_260 : i32 to index
    %get3A_263 = arith.index_cast %get3A_261 : i32 to index
    %get3A_264 = arith.constant 64 : index
    %get3A_265 = tpu.vector_load %arg5[%get3A_262, %get3A_263, %get3A_264] {strides = array<i32>} : memref<2x2x128xi32, #tpu.memory_space<vmem>>, vector<1x1x16xi32>,
    %get3A_266 = vector.shape_cast %get3A_265 : vector<1x1x16xi32> to vector<16xi32>
    %get3A_267 = arith.constant 0 : i32
    %get3A_268 = arith.constant 1 : i32
    %get3A_269 = arith.index_cast %get3A_267 : i32 to index
    %get3A_270 = arith.index_cast %get3A_268 : i32 to index
    %get3A_271 = arith.constant 64 : index
    %get3A_272 = tpu.vector_load %arg5[%get3A_269, %get3A_270, %get3A_271] {strides = array<i32>} : memref<2x2x128xi32, #tpu.memory_space<vmem>>, vector<1x1x16xi32>,
    %get3A_273 = vector.shape_cast %get3A_272 : vector<1x1x16xi32> to vector<16xi32>
    %mul3A_274 = arith.constant 4096 : i32
    %mul3A_275 = vector.broadcast %mul3A_274 : i32 to vector<16xi32>
    %mul3A_276 = arith.muli %add3A_259, %mul3A_275 : vector<16xi32>
    %and3A_277 = arith.constant 63 : i32
    %and3A_278 = vector.broadcast %and3A_277 : i32 to vector<16xi32>
    %and3A_279 = arith.andi %get3A_266, %and3A_278 : vector<16xi32>
    %mul3A_280 = arith.constant 64 : i32
    %mul3A_281 = vector.broadcast %mul3A_280 : i32 to vector<16xi32>
    %mul3A_282 = arith.muli %and3A_279, %mul3A_281 : vector<16xi32>
    %add3A_283 = arith.addi %mul3A_276, %mul3A_282 : vector<16xi32>
    %and3A_284 = arith.constant 63 : i32
    %and3A_285 = vector.broadcast %and3A_284 : i32 to vector<16xi32>
    %and3A_286 = arith.andi %get3A_273, %and3A_285 : vector<16xi32>
    %add3A_287 = arith.addi %add3A_283, %and3A_286 : vector<16xi32>
    %swap3A_288 = arith.constant 0 : i32
    %swap3A_289 = arith.index_cast %swap3A_288 : i32 to index
    %swap3A_290 = arith.constant 64 : index
    %swap3A_291 = tpu.vector_load %arg6[%swap3A_289, %swap3A_290] {strides = array<i32>} : memref<2x128xi32, #tpu.memory_space<vmem>>, vector<1x16xi32>,
    %swap3A_292 = vector.shape_cast %swap3A_291 : vector<1x16xi32> to vector<16xi32>
    %swap3A_293 = vector.shape_cast %add3A_287 : vector<16xi32> to vector<1x16xi32>
    tpu.vector_store %arg6[%swap3A_289, %swap3A_290], %swap3A_293 {strides = array<i32>} : memref<2x128xi32, #tpu.memory_space<vmem>>, vector<1x16xi32>,
    %mul3A_294 = arith.constant 64 : i32
    %mul3A_295 = vector.broadcast %mul3A_294 : i32 to vector<16xi32>
    %mul3A_296 = arith.muli %add3A_259, %mul3A_295 : vector<16xi32>
    %mul3A_297 = arith.constant 2 : i32
    %mul3A_298 = arith.muli %mul3A_297, %add3A : i32
    %add3A_299 = arith.constant 0 : i32
    %add3A_300 = arith.addi %mul3A_298, %add3A_299 : i32
    %add3A_301 = vector.broadcast %add3A_300 : i32 to vector<16xi32>
    %add3A_302 = arith.addi %mul3A_296, %add3A_301 : vector<16xi32>
    %swap3A_303 = arith.constant 0 : i32
    %swap3A_304 = arith.index_cast %swap3A_303 : i32 to index
    %swap3A_305 = arith.constant 64 : index
    %swap3A_306 = tpu.vector_load %arg7[%swap3A_304, %swap3A_305] {strides = array<i32>} : memref<2x128xi32, #tpu.memory_space<vmem>>, vector<1x16xi32>,
    %swap3A_307 = vector.shape_cast %swap3A_306 : vector<1x16xi32> to vector<16xi32>
    %swap3A_308 = vector.shape_cast %add3A_302 : vector<16xi32> to vector<1x16xi32>
    tpu.vector_store %arg7[%swap3A_304, %swap3A_305], %swap3A_308 {strides = array<i32>} : memref<2x128xi32, #tpu.memory_space<vmem>>, vector<1x16xi32>,
    %add3A_309 = arith.constant 80 : i32
    %add3A_310 = vector.broadcast %add3A_309 : i32 to vector<16xi32>
    %add3A_311 = arith.addi %add3A_310, %iota3A : vector<16xi32>
    %get3A_312 = arith.constant 0 : i32
    %get3A_313 = arith.constant 0 : i32
    %get3A_314 = arith.index_cast %get3A_312 : i32 to index
    %get3A_315 = arith.index_cast %get3A_313 : i32 to index
    %get3A_316 = arith.constant 80 : index
    %get3A_317 = tpu.vector_load %arg5[%get3A_314, %get3A_315, %get3A_316] {strides = array<i32>} : memref<2x2x128xi32, #tpu.memory_space<vmem>>, vector<1x1x16xi32>,
    %get3A_318 = vector.shape_cast %get3A_317 : vector<1x1x16xi32> to vector<16xi32>
    %get3A_319 = arith.constant 0 : i32
    %get3A_320 = arith.constant 1 : i32
    %get3A_321 = arith.index_cast %get3A_319 : i32 to index
    %get3A_322 = arith.index_cast %get3A_320 : i32 to index
    %get3A_323 = arith.constant 80 : index
    %get3A_324 = tpu.vector_load %arg5[%get3A_321, %get3A_322, %get3A_323] {strides = array<i32>} : memref<2x2x128xi32, #tpu.memory_space<vmem>>, vector<1x1x16xi32>,
    %get3A_325 = vector.shape_cast %get3A_324 : vector<1x1x16xi32> to vector<16xi32>
    %mul3A_326 = arith.constant 4096 : i32
    %mul3A_327 = vector.broadcast %mul3A_326 : i32 to vector<16xi32>
    %mul3A_328 = arith.muli %add3A_311, %mul3A_327 : vector<16xi32>
    %and3A_329 = arith.constant 63 : i32
    %and3A_330 = vector.broadcast %and3A_329 : i32 to vector<16xi32>
    %and3A_331 = arith.andi %get3A_318, %and3A_330 : vector<16xi32>
    %mul3A_332 = arith.constant 64 : i32
    %mul3A_333 = vector.broadcast %mul3A_332 : i32 to vector<16xi32>
    %mul3A_334 = arith.muli %and3A_331, %mul3A_333 : vector<16xi32>
    %add3A_335 = arith.addi %mul3A_328, %mul3A_334 : vector<16xi32>
    %and3A_336 = arith.constant 63 : i32
    %and3A_337 = vector.broadcast %and3A_336 : i32 to vector<16xi32>
    %and3A_338 = arith.andi %get3A_325, %and3A_337 : vector<16xi32>
    %add3A_339 = arith.addi %add3A_335, %and3A_338 : vector<16xi32>
    %swap3A_340 = arith.constant 0 : i32
    %swap3A_341 = arith.index_cast %swap3A_340 : i32 to index
    %swap3A_342 = arith.constant 80 : index
    %swap3A_343 = tpu.vector_load %arg6[%swap3A_341, %swap3A_342] {strides = array<i32>} : memref<2x128xi32, #tpu.memory_space<vmem>>, vector<1x16xi32>,
    %swap3A_344 = vector.shape_cast %swap3A_343 : vector<1x16xi32> to vector<16xi32>
    %swap3A_345 = vector.shape_cast %add3A_339 : vector<16xi32> to vector<1x16xi32>
    tpu.vector_store %arg6[%swap3A_341, %swap3A_342], %swap3A_345 {strides = array<i32>} : memref<2x128xi32, #tpu.memory_space<vmem>>, vector<1x16xi32>,
    %mul3A_346 = arith.constant 64 : i32
    %mul3A_347 = vector.broadcast %mul3A_346 : i32 to vector<16xi32>
    %mul3A_348 = arith.muli %add3A_311, %mul3A_347 : vector<16xi32>
    %mul3A_349 = arith.constant 2 : i32
    %mul3A_350 = arith.muli %mul3A_349, %add3A : i32
    %add3A_351 = arith.constant 0 : i32
    %add3A_352 = arith.addi %mul3A_350, %add3A_351 : i32
    %add3A_353 = vector.broadcast %add3A_352 : i32 to vector<16xi32>
    %add3A_354 = arith.addi %mul3A_348, %add3A_353 : vector<16xi32>
    %swap3A_355 = arith.constant 0 : i32
    %swap3A_356 = arith.index_cast %swap3A_355 : i32 to index
    %swap3A_357 = arith.constant 80 : index
    %swap3A_358 = tpu.vector_load %arg7[%swap3A_356, %swap3A_357] {strides = array<i32>} : memref<2x128xi32, #tpu.memory_space<vmem>>, vector<1x16xi32>,
    %swap3A_359 = vector.shape_cast %swap3A_358 : vector<1x16xi32> to vector<16xi32>
    %swap3A_360 = vector.shape_cast %add3A_354 : vector<16xi32> to vector<1x16xi32>
    tpu.vector_store %arg7[%swap3A_356, %swap3A_357], %swap3A_360 {strides = array<i32>} : memref<2x128xi32, #tpu.memory_space<vmem>>, vector<1x16xi32>,
    %add3A_361 = arith.constant 96 : i32
    %add3A_362 = vector.broadcast %add3A_361 : i32 to vector<16xi32>
    %add3A_363 = arith.addi %add3A_362, %iota3A : vector<16xi32>
    %get3A_364 = arith.constant 0 : i32
    %get3A_365 = arith.constant 0 : i32
    %get3A_366 = arith.index_cast %get3A_364 : i32 to index
    %get3A_367 = arith.index_cast %get3A_365 : i32 to index
    %get3A_368 = arith.constant 96 : index
    %get3A_369 = tpu.vector_load %arg5[%get3A_366, %get3A_367, %get3A_368] {strides = array<i32>} : memref<2x2x128xi32, #tpu.memory_space<vmem>>, vector<1x1x16xi32>,
    %get3A_370 = vector.shape_cast %get3A_369 : vector<1x1x16xi32> to vector<16xi32>
    %get3A_371 = arith.constant 0 : i32
    %get3A_372 = arith.constant 1 : i32
    %get3A_373 = arith.index_cast %get3A_371 : i32 to index
    %get3A_374 = arith.index_cast %get3A_372 : i32 to index
    %get3A_375 = arith.constant 96 : index
    %get3A_376 = tpu.vector_load %arg5[%get3A_373, %get3A_374, %get3A_375] {strides = array<i32>} : memref<2x2x128xi32, #tpu.memory_space<vmem>>, vector<1x1x16xi32>,
    %get3A_377 = vector.shape_cast %get3A_376 : vector<1x1x16xi32> to vector<16xi32>
    %mul3A_378 = arith.constant 4096 : i32
    %mul3A_379 = vector.broadcast %mul3A_378 : i32 to vector<16xi32>
    %mul3A_380 = arith.muli %add3A_363, %mul3A_379 : vector<16xi32>
    %and3A_381 = arith.constant 63 : i32
    %and3A_382 = vector.broadcast %and3A_381 : i32 to vector<16xi32>
    %and3A_383 = arith.andi %get3A_370, %and3A_382 : vector<16xi32>
    %mul3A_384 = arith.constant 64 : i32
    %mul3A_385 = vector.broadcast %mul3A_384 : i32 to vector<16xi32>
    %mul3A_386 = arith.muli %and3A_383, %mul3A_385 : vector<16xi32>
    %add3A_387 = arith.addi %mul3A_380, %mul3A_386 : vector<16xi32>
    %and3A_388 = arith.constant 63 : i32
    %and3A_389 = vector.broadcast %and3A_388 : i32 to vector<16xi32>
    %and3A_390 = arith.andi %get3A_377, %and3A_389 : vector<16xi32>
    %add3A_391 = arith.addi %add3A_387, %and3A_390 : vector<16xi32>
    %swap3A_392 = arith.constant 0 : i32
    %swap3A_393 = arith.index_cast %swap3A_392 : i32 to index
    %swap3A_394 = arith.constant 96 : index
    %swap3A_395 = tpu.vector_load %arg6[%swap3A_393, %swap3A_394] {strides = array<i32>} : memref<2x128xi32, #tpu.memory_space<vmem>>, vector<1x16xi32>,
    %swap3A_396 = vector.shape_cast %swap3A_395 : vector<1x16xi32> to vector<16xi32>
    %swap3A_397 = vector.shape_cast %add3A_391 : vector<16xi32> to vector<1x16xi32>
    tpu.vector_store %arg6[%swap3A_393, %swap3A_394], %swap3A_397 {strides = array<i32>} : memref<2x128xi32, #tpu.memory_space<vmem>>, vector<1x16xi32>,
    %mul3A_398 = arith.constant 64 : i32
    %mul3A_399 = vector.broadcast %mul3A_398 : i32 to vector<16xi32>
    %mul3A_400 = arith.muli %add3A_363, %mul3A_399 : vector<16xi32>
    %mul3A_401 = arith.constant 2 : i32
    %mul3A_402 = arith.muli %mul3A_401, %add3A : i32
    %add3A_403 = arith.constant 0 : i32
    %add3A_404 = arith.addi %mul3A_402, %add3A_403 : i32
    %add3A_405 = vector.broadcast %add3A_404 : i32 to vector<16xi32>
    %add3A_406 = arith.addi %mul3A_400, %add3A_405 : vector<16xi32>
    %swap3A_407 = arith.constant 0 : i32
    %swap3A_408 = arith.index_cast %swap3A_407 : i32 to index
    %swap3A_409 = arith.constant 96 : index
    %swap3A_410 = tpu.vector_load %arg7[%swap3A_408, %swap3A_409] {strides = array<i32>} : memref<2x128xi32, #tpu.memory_space<vmem>>, vector<1x16xi32>,
    %swap3A_411 = vector.shape_cast %swap3A_410 : vector<1x16xi32> to vector<16xi32>
    %swap3A_412 = vector.shape_cast %add3A_406 : vector<16xi32> to vector<1x16xi32>
    tpu.vector_store %arg7[%swap3A_408, %swap3A_409], %swap3A_412 {strides = array<i32>} : memref<2x128xi32, #tpu.memory_space<vmem>>, vector<1x16xi32>,
    %add3A_413 = arith.constant 112 : i32
    %add3A_414 = vector.broadcast %add3A_413 : i32 to vector<16xi32>
    %add3A_415 = arith.addi %add3A_414, %iota3A : vector<16xi32>
    %get3A_416 = arith.constant 0 : i32
    %get3A_417 = arith.constant 0 : i32
    %get3A_418 = arith.index_cast %get3A_416 : i32 to index
    %get3A_419 = arith.index_cast %get3A_417 : i32 to index
    %get3A_420 = arith.constant 112 : index
    %get3A_421 = tpu.vector_load %arg5[%get3A_418, %get3A_419, %get3A_420] {strides = array<i32>} : memref<2x2x128xi32, #tpu.memory_space<vmem>>, vector<1x1x16xi32>,
    %get3A_422 = vector.shape_cast %get3A_421 : vector<1x1x16xi32> to vector<16xi32>
    %get3A_423 = arith.constant 0 : i32
    %get3A_424 = arith.constant 1 : i32
    %get3A_425 = arith.index_cast %get3A_423 : i32 to index
    %get3A_426 = arith.index_cast %get3A_424 : i32 to index
    %get3A_427 = arith.constant 112 : index
    %get3A_428 = tpu.vector_load %arg5[%get3A_425, %get3A_426, %get3A_427] {strides = array<i32>} : memref<2x2x128xi32, #tpu.memory_space<vmem>>, vector<1x1x16xi32>,
    %get3A_429 = vector.shape_cast %get3A_428 : vector<1x1x16xi32> to vector<16xi32>
    %mul3A_430 = arith.constant 4096 : i32
    %mul3A_431 = vector.broadcast %mul3A_430 : i32 to vector<16xi32>
    %mul3A_432 = arith.muli %add3A_415, %mul3A_431 : vector<16xi32>
    %and3A_433 = arith.constant 63 : i32
    %and3A_434 = vector.broadcast %and3A_433 : i32 to vector<16xi32>
    %and3A_435 = arith.andi %get3A_422, %and3A_434 : vector<16xi32>
    %mul3A_436 = arith.constant 64 : i32
    %mul3A_437 = vector.broadcast %mul3A_436 : i32 to vector<16xi32>
    %mul3A_438 = arith.muli %and3A_435, %mul3A_437 : vector<16xi32>
    %add3A_439 = arith.addi %mul3A_432, %mul3A_438 : vector<16xi32>
    %and3A_440 = arith.constant 63 : i32
    %and3A_441 = vector.broadcast %and3A_440 : i32 to vector<16xi32>
    %and3A_442 = arith.andi %get3A_429, %and3A_441 : vector<16xi32>
    %add3A_443 = arith.addi %add3A_439, %and3A_442 : vector<16xi32>
    %swap3A_444 = arith.constant 0 : i32
    %swap3A_445 = arith.index_cast %swap3A_444 : i32 to index
    %swap3A_446 = arith.constant 112 : index
    %swap3A_447 = tpu.vector_load %arg6[%swap3A_445, %swap3A_446] {strides = array<i32>} : memref<2x128xi32, #tpu.memory_space<vmem>>, vector<1x16xi32>,
    %swap3A_448 = vector.shape_cast %swap3A_447 : vector<1x16xi32> to vector<16xi32>
    %swap3A_449 = vector.shape_cast %add3A_443 : vector<16xi32> to vector<1x16xi32>
    tpu.vector_store %arg6[%swap3A_445, %swap3A_446], %swap3A_449 {strides = array<i32>} : memref<2x128xi32, #tpu.memory_space<vmem>>, vector<1x16xi32>,
    %mul3A_450 = arith.constant 64 : i32
    %mul3A_451 = vector.broadcast %mul3A_450 : i32 to vector<16xi32>
    %mul3A_452 = arith.muli %add3A_415, %mul3A_451 : vector<16xi32>
    %mul3A_453 = arith.constant 2 : i32
    %mul3A_454 = arith.muli %mul3A_453, %add3A : i32
    %add3A_455 = arith.constant 0 : i32
    %add3A_456 = arith.addi %mul3A_454, %add3A_455 : i32
    %add3A_457 = vector.broadcast %add3A_456 : i32 to vector<16xi32>
    %add3A_458 = arith.addi %mul3A_452, %add3A_457 : vector<16xi32>
    %swap3A_459 = arith.constant 0 : i32
    %swap3A_460 = arith.index_cast %swap3A_459 : i32 to index
    %swap3A_461 = arith.constant 112 : index
    %swap3A_462 = tpu.vector_load %arg7[%swap3A_460, %swap3A_461] {strides = array<i32>} : memref<2x128xi32, #tpu.memory_space<vmem>>, vector<1x16xi32>,
    %swap3A_463 = vector.shape_cast %swap3A_462 : vector<1x16xi32> to vector<16xi32>
    %swap3A_464 = vector.shape_cast %add3A_458 : vector<16xi32> to vector<1x16xi32>
    tpu.vector_store %arg7[%swap3A_460, %swap3A_461], %swap3A_464 {strides = array<i32>} : memref<2x128xi32, #tpu.memory_space<vmem>>, vector<1x16xi32>,
    %dma_start3A_465 = arith.constant 0 : i32
    %dma_start3A_466 = arith.constant 0 : i32
    %dma_start3A_467 = arith.constant 0 : i32
    %dma_start3A_468 = tpu.memref_slice %arg8[%dma_start3A_466, %dma_start3A_467] : memref<256x128xf32, #tpu.memory_space<vmem>> -> memref<128x128xf32, #tpu.memory_space<vmem>>
    %dma_start3A_469 = arith.constant 0 : i32
    %dma_start3A_470 = tpu.memref_slice %arg6[%dma_start3A_465, %dma_start3A_469] : memref<2x128xi32, #tpu.memory_space<vmem>> -> memref<1x128xi32, #tpu.memory_space<vmem>>
    %dma_start3A_471 = tpu.memref_squeeze %dma_start3A_470 : memref<1x128xi32, #tpu.memory_space<vmem>> -> memref<128xi32, #tpu.memory_space<vmem>>
    %dma_start3A_472 = arith.constant 0 : i32
    %dma_start3A_473 = arith.constant 0 : i32
    %dma_start3A_474 = tpu.memref_slice %arg2[%dma_start3A_472, %dma_start3A_473] : memref<524288x128xf32, #tpu.memory_space<hbm>> -> memref<524288x128xf32, #tpu.memory_space<hbm>>
    tpu.enqueue_indirect_dma source(%dma_start3A_474 : memref<524288x128xf32, #tpu.memory_space<hbm>>) target(%dma_start3A_468 : memref<128x128xf32, #tpu.memory_space<vmem>>) offsets(%dma_start3A_471 : memref<128xi32, #tpu.memory_space<vmem>>) semaphore(%arg10 : memref<!tpu.dma_semaphore, #tpu.memory_space<semaphore_mem>>)
    %dma_wait3A_475 = arith.constant 1 : i32
    %dma_wait3A_476 = arith.constant 0 : i32
    %dma_wait3A_477 = arith.constant 0 : i32
    %dma_wait3A_478 = tpu.memref_slice %arg5[%dma_wait3A_475, %dma_wait3A_476, %dma_wait3A_477] : memref<2x2x128xi32, #tpu.memory_space<vmem>> -> memref<1x2x128xi32, #tpu.memory_space<vmem>>
    %dma_wait3A_479 = arith.constant 0 : i32
    %dma_wait3A_480 = arith.constant 0 : i32
    %dma_wait3A_481 = tpu.memref_slice %arg3[%add3A_21, %dma_wait3A_479, %dma_wait3A_480] : memref<64x2x128xi32, #tpu.memory_space<hbm>> -> memref<1x2x128xi32, #tpu.memory_space<hbm>>
    %dma_wait3A_482 = arith.constant 1 : i32
    %dma_wait3A_483 = arith.constant 0 : i32
    %dma_wait3A_484 = arith.constant 0 : i32
    %dma_wait3A_485 = tpu.memref_slice %arg5[%dma_wait3A_482, %dma_wait3A_483, %dma_wait3A_484] : memref<2x2x128xi32, #tpu.memory_space<vmem>> -> memref<1x2x128xi32, #tpu.memory_space<vmem>>
    %dma_wait3A_486 = arith.constant 0 : i32
    %dma_wait3A_487 = arith.constant 0 : i32
    %dma_wait3A_488 = tpu.memref_slice %arg3[%add3A_21, %dma_wait3A_486, %dma_wait3A_487] : memref<64x2x128xi32, #tpu.memory_space<hbm>> -> memref<1x2x128xi32, #tpu.memory_space<hbm>>
    tpu.wait_dma2 semaphore(%arg12 : memref<!tpu.dma_semaphore, #tpu.memory_space<semaphore_mem>>) src(%dma_wait3A_488 : memref<1x2x128xi32, #tpu.memory_space<hbm>>) dst(%dma_wait3A_485 : memref<1x2x128xi32, #tpu.memory_space<vmem>>)
    %add3A_489 = arith.constant 0 : i32
    %add3A_490 = vector.broadcast %add3A_489 : i32 to vector<16xi32>
    %add3A_491 = arith.addi %add3A_490, %iota3A : vector<16xi32>
    %get3A_492 = arith.constant 1 : i32
    %get3A_493 = arith.constant 0 : i32
    %get3A_494 = arith.index_cast %get3A_492 : i32 to index
    %get3A_495 = arith.index_cast %get3A_493 : i32 to index
    %get3A_496 = arith.constant 0 : index
    %get3A_497 = tpu.vector_load %arg5[%get3A_494, %get3A_495, %get3A_496] {strides = array<i32>} : memref<2x2x128xi32, #tpu.memory_space<vmem>>, vector<1x1x16xi32>,
    %get3A_498 = vector.shape_cast %get3A_497 : vector<1x1x16xi32> to vector<16xi32>
    %get3A_499 = arith.constant 1 : i32
    %get3A_500 = arith.constant 1 : i32
    %get3A_501 = arith.index_cast %get3A_499 : i32 to index
    %get3A_502 = arith.index_cast %get3A_500 : i32 to index
    %get3A_503 = arith.constant 0 : index
    %get3A_504 = tpu.vector_load %arg5[%get3A_501, %get3A_502, %get3A_503] {strides = array<i32>} : memref<2x2x128xi32, #tpu.memory_space<vmem>>, vector<1x1x16xi32>,
    %get3A_505 = vector.shape_cast %get3A_504 : vector<1x1x16xi32> to vector<16xi32>
    %mul3A_506 = arith.constant 4096 : i32
    %mul3A_507 = vector.broadcast %mul3A_506 : i32 to vector<16xi32>
    %mul3A_508 = arith.muli %add3A_491, %mul3A_507 : vector<16xi32>
    %and3A_509 = arith.constant 63 : i32
    %and3A_510 = vector.broadcast %and3A_509 : i32 to vector<16xi32>
    %and3A_511 = arith.andi %get3A_498, %and3A_510 : vector<16xi32>
    %mul3A_512 = arith.constant 64 : i32
    %mul3A_513 = vector.broadcast %mul3A_512 : i32 to vector<16xi32>
    %mul3A_514 = arith.muli %and3A_511, %mul3A_513 : vector<16xi32>
    %add3A_515 = arith.addi %mul3A_508, %mul3A_514 : vector<16xi32>
    %and3A_516 = arith.constant 63 : i32
    %and3A_517 = vector.broadcast %and3A_516 : i32 to vector<16xi32>
    %and3A_518 = arith.andi %get3A_505, %and3A_517 : vector<16xi32>
    %add3A_519 = arith.addi %add3A_515, %and3A_518 : vector<16xi32>
    %swap3A_520 = arith.constant 1 : i32
    %swap3A_521 = arith.index_cast %swap3A_520 : i32 to index
    %swap3A_522 = arith.constant 0 : index
    %swap3A_523 = tpu.vector_load %arg6[%swap3A_521, %swap3A_522] {strides = array<i32>} : memref<2x128xi32, #tpu.memory_space<vmem>>, vector<1x16xi32>,
    %swap3A_524 = vector.shape_cast %swap3A_523 : vector<1x16xi32> to vector<16xi32>
    %swap3A_525 = vector.shape_cast %add3A_519 : vector<16xi32> to vector<1x16xi32>
    tpu.vector_store %arg6[%swap3A_521, %swap3A_522], %swap3A_525 {strides = array<i32>} : memref<2x128xi32, #tpu.memory_space<vmem>>, vector<1x16xi32>,
    %mul3A_526 = arith.constant 64 : i32
    %mul3A_527 = vector.broadcast %mul3A_526 : i32 to vector<16xi32>
    %mul3A_528 = arith.muli %add3A_491, %mul3A_527 : vector<16xi32>
    %mul3A_529 = arith.constant 2 : i32
    %mul3A_530 = arith.muli %mul3A_529, %add3A : i32
    %add3A_531 = arith.constant 1 : i32
    %add3A_532 = arith.addi %mul3A_530, %add3A_531 : i32
    %add3A_533 = vector.broadcast %add3A_532 : i32 to vector<16xi32>
    %add3A_534 = arith.addi %mul3A_528, %add3A_533 : vector<16xi32>
    %swap3A_535 = arith.constant 1 : i32
    %swap3A_536 = arith.index_cast %swap3A_535 : i32 to index
    %swap3A_537 = arith.constant 0 : index
    %swap3A_538 = tpu.vector_load %arg7[%swap3A_536, %swap3A_537] {strides = array<i32>} : memref<2x128xi32, #tpu.memory_space<vmem>>, vector<1x16xi32>,
    %swap3A_539 = vector.shape_cast %swap3A_538 : vector<1x16xi32> to vector<16xi32>
    %swap3A_540 = vector.shape_cast %add3A_534 : vector<16xi32> to vector<1x16xi32>
    tpu.vector_store %arg7[%swap3A_536, %swap3A_537], %swap3A_540 {strides = array<i32>} : memref<2x128xi32, #tpu.memory_space<vmem>>, vector<1x16xi32>,
    %add3A_541 = arith.constant 16 : i32
    %add3A_542 = vector.broadcast %add3A_541 : i32 to vector<16xi32>
    %add3A_543 = arith.addi %add3A_542, %iota3A : vector<16xi32>
    %get3A_544 = arith.constant 1 : i32
    %get3A_545 = arith.constant 0 : i32
    %get3A_546 = arith.index_cast %get3A_544 : i32 to index
    %get3A_547 = arith.index_cast %get3A_545 : i32 to index
    %get3A_548 = arith.constant 16 : index
    %get3A_549 = tpu.vector_load %arg5[%get3A_546, %get3A_547, %get3A_548] {strides = array<i32>} : memref<2x2x128xi32, #tpu.memory_space<vmem>>, vector<1x1x16xi32>,
    %get3A_550 = vector.shape_cast %get3A_549 : vector<1x1x16xi32> to vector<16xi32>
    %get3A_551 = arith.constant 1 : i32
    %get3A_552 = arith.constant 1 : i32
    %get3A_553 = arith.index_cast %get3A_551 : i32 to index
    %get3A_554 = arith.index_cast %get3A_552 : i32 to index
    %get3A_555 = arith.constant 16 : index
    %get3A_556 = tpu.vector_load %arg5[%get3A_553, %get3A_554, %get3A_555] {strides = array<i32>} : memref<2x2x128xi32, #tpu.memory_space<vmem>>, vector<1x1x16xi32>,
    %get3A_557 = vector.shape_cast %get3A_556 : vector<1x1x16xi32> to vector<16xi32>
    %mul3A_558 = arith.constant 4096 : i32
    %mul3A_559 = vector.broadcast %mul3A_558 : i32 to vector<16xi32>
    %mul3A_560 = arith.muli %add3A_543, %mul3A_559 : vector<16xi32>
    %and3A_561 = arith.constant 63 : i32
    %and3A_562 = vector.broadcast %and3A_561 : i32 to vector<16xi32>
    %and3A_563 = arith.andi %get3A_550, %and3A_562 : vector<16xi32>
    %mul3A_564 = arith.constant 64 : i32
    %mul3A_565 = vector.broadcast %mul3A_564 : i32 to vector<16xi32>
    %mul3A_566 = arith.muli %and3A_563, %mul3A_565 : vector<16xi32>
    %add3A_567 = arith.addi %mul3A_560, %mul3A_566 : vector<16xi32>
    %and3A_568 = arith.constant 63 : i32
    %and3A_569 = vector.broadcast %and3A_568 : i32 to vector<16xi32>
    %and3A_570 = arith.andi %get3A_557, %and3A_569 : vector<16xi32>
    %add3A_571 = arith.addi %add3A_567, %and3A_570 : vector<16xi32>
    %swap3A_572 = arith.constant 1 : i32
    %swap3A_573 = arith.index_cast %swap3A_572 : i32 to index
    %swap3A_574 = arith.constant 16 : index
    %swap3A_575 = tpu.vector_load %arg6[%swap3A_573, %swap3A_574] {strides = array<i32>} : memref<2x128xi32, #tpu.memory_space<vmem>>, vector<1x16xi32>,
    %swap3A_576 = vector.shape_cast %swap3A_575 : vector<1x16xi32> to vector<16xi32>
    %swap3A_577 = vector.shape_cast %add3A_571 : vector<16xi32> to vector<1x16xi32>
    tpu.vector_store %arg6[%swap3A_573, %swap3A_574], %swap3A_577 {strides = array<i32>} : memref<2x128xi32, #tpu.memory_space<vmem>>, vector<1x16xi32>,
    %mul3A_578 = arith.constant 64 : i32
    %mul3A_579 = vector.broadcast %mul3A_578 : i32 to vector<16xi32>
    %mul3A_580 = arith.muli %add3A_543, %mul3A_579 : vector<16xi32>
    %mul3A_581 = arith.constant 2 : i32
    %mul3A_582 = arith.muli %mul3A_581, %add3A : i32
    %add3A_583 = arith.constant 1 : i32
    %add3A_584 = arith.addi %mul3A_582, %add3A_583 : i32
    %add3A_585 = vector.broadcast %add3A_584 : i32 to vector<16xi32>
    %add3A_586 = arith.addi %mul3A_580, %add3A_585 : vector<16xi32>
    %swap3A_587 = arith.constant 1 : i32
    %swap3A_588 = arith.index_cast %swap3A_587 : i32 to index
    %swap3A_589 = arith.constant 16 : index
    %swap3A_590 = tpu.vector_load %arg7[%swap3A_588, %swap3A_589] {strides = array<i32>} : memref<2x128xi32, #tpu.memory_space<vmem>>, vector<1x16xi32>,
    %swap3A_591 = vector.shape_cast %swap3A_590 : vector<1x16xi32> to vector<16xi32>
    %swap3A_592 = vector.shape_cast %add3A_586 : vector<16xi32> to vector<1x16xi32>
    tpu.vector_store %arg7[%swap3A_588, %swap3A_589], %swap3A_592 {strides = array<i32>} : memref<2x128xi32, #tpu.memory_space<vmem>>, vector<1x16xi32>,
    %add3A_593 = arith.constant 32 : i32
    %add3A_594 = vector.broadcast %add3A_593 : i32 to vector<16xi32>
    %add3A_595 = arith.addi %add3A_594, %iota3A : vector<16xi32>
    %get3A_596 = arith.constant 1 : i32
    %get3A_597 = arith.constant 0 : i32
    %get3A_598 = arith.index_cast %get3A_596 : i32 to index
    %get3A_599 = arith.index_cast %get3A_597 : i32 to index
    %get3A_600 = arith.constant 32 : index
    %get3A_601 = tpu.vector_load %arg5[%get3A_598, %get3A_599, %get3A_600] {strides = array<i32>} : memref<2x2x128xi32, #tpu.memory_space<vmem>>, vector<1x1x16xi32>,
    %get3A_602 = vector.shape_cast %get3A_601 : vector<1x1x16xi32> to vector<16xi32>
    %get3A_603 = arith.constant 1 : i32
    %get3A_604 = arith.constant 1 : i32
    %get3A_605 = arith.index_cast %get3A_603 : i32 to index
    %get3A_606 = arith.index_cast %get3A_604 : i32 to index
    %get3A_607 = arith.constant 32 : index
    %get3A_608 = tpu.vector_load %arg5[%get3A_605, %get3A_606, %get3A_607] {strides = array<i32>} : memref<2x2x128xi32, #tpu.memory_space<vmem>>, vector<1x1x16xi32>,
    %get3A_609 = vector.shape_cast %get3A_608 : vector<1x1x16xi32> to vector<16xi32>
    %mul3A_610 = arith.constant 4096 : i32
    %mul3A_611 = vector.broadcast %mul3A_610 : i32 to vector<16xi32>
    %mul3A_612 = arith.muli %add3A_595, %mul3A_611 : vector<16xi32>
    %and3A_613 = arith.constant 63 : i32
    %and3A_614 = vector.broadcast %and3A_613 : i32 to vector<16xi32>
    %and3A_615 = arith.andi %get3A_602, %and3A_614 : vector<16xi32>
    %mul3A_616 = arith.constant 64 : i32
    %mul3A_617 = vector.broadcast %mul3A_616 : i32 to vector<16xi32>
    %mul3A_618 = arith.muli %and3A_615, %mul3A_617 : vector<16xi32>
    %add3A_619 = arith.addi %mul3A_612, %mul3A_618 : vector<16xi32>
    %and3A_620 = arith.constant 63 : i32
    %and3A_621 = vector.broadcast %and3A_620 : i32 to vector<16xi32>
    %and3A_622 = arith.andi %get3A_609, %and3A_621 : vector<16xi32>
    %add3A_623 = arith.addi %add3A_619, %and3A_622 : vector<16xi32>
    %swap3A_624 = arith.constant 1 : i32
    %swap3A_625 = arith.index_cast %swap3A_624 : i32 to index
    %swap3A_626 = arith.constant 32 : index
    %swap3A_627 = tpu.vector_load %arg6[%swap3A_625, %swap3A_626] {strides = array<i32>} : memref<2x128xi32, #tpu.memory_space<vmem>>, vector<1x16xi32>,
    %swap3A_628 = vector.shape_cast %swap3A_627 : vector<1x16xi32> to vector<16xi32>
    %swap3A_629 = vector.shape_cast %add3A_623 : vector<16xi32> to vector<1x16xi32>
    tpu.vector_store %arg6[%swap3A_625, %swap3A_626], %swap3A_629 {strides = array<i32>} : memref<2x128xi32, #tpu.memory_space<vmem>>, vector<1x16xi32>,
    %mul3A_630 = arith.constant 64 : i32
    %mul3A_631 = vector.broadcast %mul3A_630 : i32 to vector<16xi32>
    %mul3A_632 = arith.muli %add3A_595, %mul3A_631 : vector<16xi32>
    %mul3A_633 = arith.constant 2 : i32
    %mul3A_634 = arith.muli %mul3A_633, %add3A : i32
    %add3A_635 = arith.constant 1 : i32
    %add3A_636 = arith.addi %mul3A_634, %add3A_635 : i32
    %add3A_637 = vector.broadcast %add3A_636 : i32 to vector<16xi32>
    %add3A_638 = arith.addi %mul3A_632, %add3A_637 : vector<16xi32>
    %swap3A_639 = arith.constant 1 : i32
    %swap3A_640 = arith.index_cast %swap3A_639 : i32 to index
    %swap3A_641 = arith.constant 32 : index
    %swap3A_642 = tpu.vector_load %arg7[%swap3A_640, %swap3A_641] {strides = array<i32>} : memref<2x128xi32, #tpu.memory_space<vmem>>, vector<1x16xi32>,
    %swap3A_643 = vector.shape_cast %swap3A_642 : vector<1x16xi32> to vector<16xi32>
    %swap3A_644 = vector.shape_cast %add3A_638 : vector<16xi32> to vector<1x16xi32>
    tpu.vector_store %arg7[%swap3A_640, %swap3A_641], %swap3A_644 {strides = array<i32>} : memref<2x128xi32, #tpu.memory_space<vmem>>, vector<1x16xi32>,
    %add3A_645 = arith.constant 48 : i32
    %add3A_646 = vector.broadcast %add3A_645 : i32 to vector<16xi32>
    %add3A_647 = arith.addi %add3A_646, %iota3A : vector<16xi32>
    %get3A_648 = arith.constant 1 : i32
    %get3A_649 = arith.constant 0 : i32
    %get3A_650 = arith.index_cast %get3A_648 : i32 to index
    %get3A_651 = arith.index_cast %get3A_649 : i32 to index
    %get3A_652 = arith.constant 48 : index
    %get3A_653 = tpu.vector_load %arg5[%get3A_650, %get3A_651, %get3A_652] {strides = array<i32>} : memref<2x2x128xi32, #tpu.memory_space<vmem>>, vector<1x1x16xi32>,
    %get3A_654 = vector.shape_cast %get3A_653 : vector<1x1x16xi32> to vector<16xi32>
    %get3A_655 = arith.constant 1 : i32
    %get3A_656 = arith.constant 1 : i32
    %get3A_657 = arith.index_cast %get3A_655 : i32 to index
    %get3A_658 = arith.index_cast %get3A_656 : i32 to index
    %get3A_659 = arith.constant 48 : index
    %get3A_660 = tpu.vector_load %arg5[%get3A_657, %get3A_658, %get3A_659] {strides = array<i32>} : memref<2x2x128xi32, #tpu.memory_space<vmem>>, vector<1x1x16xi32>,
    %get3A_661 = vector.shape_cast %get3A_660 : vector<1x1x16xi32> to vector<16xi32>
    %mul3A_662 = arith.constant 4096 : i32
    %mul3A_663 = vector.broadcast %mul3A_662 : i32 to vector<16xi32>
    %mul3A_664 = arith.muli %add3A_647, %mul3A_663 : vector<16xi32>
    %and3A_665 = arith.constant 63 : i32
    %and3A_666 = vector.broadcast %and3A_665 : i32 to vector<16xi32>
    %and3A_667 = arith.andi %get3A_654, %and3A_666 : vector<16xi32>
    %mul3A_668 = arith.constant 64 : i32
    %mul3A_669 = vector.broadcast %mul3A_668 : i32 to vector<16xi32>
    %mul3A_670 = arith.muli %and3A_667, %mul3A_669 : vector<16xi32>
    %add3A_671 = arith.addi %mul3A_664, %mul3A_670 : vector<16xi32>
    %and3A_672 = arith.constant 63 : i32
    %and3A_673 = vector.broadcast %and3A_672 : i32 to vector<16xi32>
    %and3A_674 = arith.andi %get3A_661, %and3A_673 : vector<16xi32>
    %add3A_675 = arith.addi %add3A_671, %and3A_674 : vector<16xi32>
    %swap3A_676 = arith.constant 1 : i32
    %swap3A_677 = arith.index_cast %swap3A_676 : i32 to index
    %swap3A_678 = arith.constant 48 : index
    %swap3A_679 = tpu.vector_load %arg6[%swap3A_677, %swap3A_678] {strides = array<i32>} : memref<2x128xi32, #tpu.memory_space<vmem>>, vector<1x16xi32>,
    %swap3A_680 = vector.shape_cast %swap3A_679 : vector<1x16xi32> to vector<16xi32>
    %swap3A_681 = vector.shape_cast %add3A_675 : vector<16xi32> to vector<1x16xi32>
    tpu.vector_store %arg6[%swap3A_677, %swap3A_678], %swap3A_681 {strides = array<i32>} : memref<2x128xi32, #tpu.memory_space<vmem>>, vector<1x16xi32>,
    %mul3A_682 = arith.constant 64 : i32
    %mul3A_683 = vector.broadcast %mul3A_682 : i32 to vector<16xi32>
    %mul3A_684 = arith.muli %add3A_647, %mul3A_683 : vector<16xi32>
    %mul3A_685 = arith.constant 2 : i32
    %mul3A_686 = arith.muli %mul3A_685, %add3A : i32
    %add3A_687 = arith.constant 1 : i32
    %add3A_688 = arith.addi %mul3A_686, %add3A_687 : i32
    %add3A_689 = vector.broadcast %add3A_688 : i32 to vector<16xi32>
    %add3A_690 = arith.addi %mul3A_684, %add3A_689 : vector<16xi32>
    %swap3A_691 = arith.constant 1 : i32
    %swap3A_692 = arith.index_cast %swap3A_691 : i32 to index
    %swap3A_693 = arith.constant 48 : index
    %swap3A_694 = tpu.vector_load %arg7[%swap3A_692, %swap3A_693] {strides = array<i32>} : memref<2x128xi32, #tpu.memory_space<vmem>>, vector<1x16xi32>,
    %swap3A_695 = vector.shape_cast %swap3A_694 : vector<1x16xi32> to vector<16xi32>
    %swap3A_696 = vector.shape_cast %add3A_690 : vector<16xi32> to vector<1x16xi32>
    tpu.vector_store %arg7[%swap3A_692, %swap3A_693], %swap3A_696 {strides = array<i32>} : memref<2x128xi32, #tpu.memory_space<vmem>>, vector<1x16xi32>,
    %add3A_697 = arith.constant 64 : i32
    %add3A_698 = vector.broadcast %add3A_697 : i32 to vector<16xi32>
    %add3A_699 = arith.addi %add3A_698, %iota3A : vector<16xi32>
    %get3A_700 = arith.constant 1 : i32
    %get3A_701 = arith.constant 0 : i32
    %get3A_702 = arith.index_cast %get3A_700 : i32 to index
    %get3A_703 = arith.index_cast %get3A_701 : i32 to index
    %get3A_704 = arith.constant 64 : index
    %get3A_705 = tpu.vector_load %arg5[%get3A_702, %get3A_703, %get3A_704] {strides = array<i32>} : memref<2x2x128xi32, #tpu.memory_space<vmem>>, vector<1x1x16xi32>,
    %get3A_706 = vector.shape_cast %get3A_705 : vector<1x1x16xi32> to vector<16xi32>
    %get3A_707 = arith.constant 1 : i32
    %get3A_708 = arith.constant 1 : i32
    %get3A_709 = arith.index_cast %get3A_707 : i32 to index
    %get3A_710 = arith.index_cast %get3A_708 : i32 to index
    %get3A_711 = arith.constant 64 : index
    %get3A_712 = tpu.vector_load %arg5[%get3A_709, %get3A_710, %get3A_711] {strides = array<i32>} : memref<2x2x128xi32, #tpu.memory_space<vmem>>, vector<1x1x16xi32>,
    %get3A_713 = vector.shape_cast %get3A_712 : vector<1x1x16xi32> to vector<16xi32>
    %mul3A_714 = arith.constant 4096 : i32
    %mul3A_715 = vector.broadcast %mul3A_714 : i32 to vector<16xi32>
    %mul3A_716 = arith.muli %add3A_699, %mul3A_715 : vector<16xi32>
    %and3A_717 = arith.constant 63 : i32
    %and3A_718 = vector.broadcast %and3A_717 : i32 to vector<16xi32>
    %and3A_719 = arith.andi %get3A_706, %and3A_718 : vector<16xi32>
    %mul3A_720 = arith.constant 64 : i32
    %mul3A_721 = vector.broadcast %mul3A_720 : i32 to vector<16xi32>
    %mul3A_722 = arith.muli %and3A_719, %mul3A_721 : vector<16xi32>
    %add3A_723 = arith.addi %mul3A_716, %mul3A_722 : vector<16xi32>
    %and3A_724 = arith.constant 63 : i32
    %and3A_725 = vector.broadcast %and3A_724 : i32 to vector<16xi32>
    %and3A_726 = arith.andi %get3A_713, %and3A_725 : vector<16xi32>
    %add3A_727 = arith.addi %add3A_723, %and3A_726 : vector<16xi32>
    %swap3A_728 = arith.constant 1 : i32
    %swap3A_729 = arith.index_cast %swap3A_728 : i32 to index
    %swap3A_730 = arith.constant 64 : index
    %swap3A_731 = tpu.vector_load %arg6[%swap3A_729, %swap3A_730] {strides = array<i32>} : memref<2x128xi32, #tpu.memory_space<vmem>>, vector<1x16xi32>,
    %swap3A_732 = vector.shape_cast %swap3A_731 : vector<1x16xi32> to vector<16xi32>
    %swap3A_733 = vector.shape_cast %add3A_727 : vector<16xi32> to vector<1x16xi32>
    tpu.vector_store %arg6[%swap3A_729, %swap3A_730], %swap3A_733 {strides = array<i32>} : memref<2x128xi32, #tpu.memory_space<vmem>>, vector<1x16xi32>,
    %mul3A_734 = arith.constant 64 : i32
    %mul3A_735 = vector.broadcast %mul3A_734 : i32 to vector<16xi32>
    %mul3A_736 = arith.muli %add3A_699, %mul3A_735 : vector<16xi32>
    %mul3A_737 = arith.constant 2 : i32
    %mul3A_738 = arith.muli %mul3A_737, %add3A : i32
    %add3A_739 = arith.constant 1 : i32
    %add3A_740 = arith.addi %mul3A_738, %add3A_739 : i32
    %add3A_741 = vector.broadcast %add3A_740 : i32 to vector<16xi32>
    %add3A_742 = arith.addi %mul3A_736, %add3A_741 : vector<16xi32>
    %swap3A_743 = arith.constant 1 : i32
    %swap3A_744 = arith.index_cast %swap3A_743 : i32 to index
    %swap3A_745 = arith.constant 64 : index
    %swap3A_746 = tpu.vector_load %arg7[%swap3A_744, %swap3A_745] {strides = array<i32>} : memref<2x128xi32, #tpu.memory_space<vmem>>, vector<1x16xi32>,
    %swap3A_747 = vector.shape_cast %swap3A_746 : vector<1x16xi32> to vector<16xi32>
    %swap3A_748 = vector.shape_cast %add3A_742 : vector<16xi32> to vector<1x16xi32>
    tpu.vector_store %arg7[%swap3A_744, %swap3A_745], %swap3A_748 {strides = array<i32>} : memref<2x128xi32, #tpu.memory_space<vmem>>, vector<1x16xi32>,
    %add3A_749 = arith.constant 80 : i32
    %add3A_750 = vector.broadcast %add3A_749 : i32 to vector<16xi32>
    %add3A_751 = arith.addi %add3A_750, %iota3A : vector<16xi32>
    %get3A_752 = arith.constant 1 : i32
    %get3A_753 = arith.constant 0 : i32
    %get3A_754 = arith.index_cast %get3A_752 : i32 to index
    %get3A_755 = arith.index_cast %get3A_753 : i32 to index
    %get3A_756 = arith.constant 80 : index
    %get3A_757 = tpu.vector_load %arg5[%get3A_754, %get3A_755, %get3A_756] {strides = array<i32>} : memref<2x2x128xi32, #tpu.memory_space<vmem>>, vector<1x1x16xi32>,
    %get3A_758 = vector.shape_cast %get3A_757 : vector<1x1x16xi32> to vector<16xi32>
    %get3A_759 = arith.constant 1 : i32
    %get3A_760 = arith.constant 1 : i32
    %get3A_761 = arith.index_cast %get3A_759 : i32 to index
    %get3A_762 = arith.index_cast %get3A_760 : i32 to index
    %get3A_763 = arith.constant 80 : index
    %get3A_764 = tpu.vector_load %arg5[%get3A_761, %get3A_762, %get3A_763] {strides = array<i32>} : memref<2x2x128xi32, #tpu.memory_space<vmem>>, vector<1x1x16xi32>,
    %get3A_765 = vector.shape_cast %get3A_764 : vector<1x1x16xi32> to vector<16xi32>
    %mul3A_766 = arith.constant 4096 : i32
    %mul3A_767 = vector.broadcast %mul3A_766 : i32 to vector<16xi32>
    %mul3A_768 = arith.muli %add3A_751, %mul3A_767 : vector<16xi32>
    %and3A_769 = arith.constant 63 : i32
    %and3A_770 = vector.broadcast %and3A_769 : i32 to vector<16xi32>
    %and3A_771 = arith.andi %get3A_758, %and3A_770 : vector<16xi32>
    %mul3A_772 = arith.constant 64 : i32
    %mul3A_773 = vector.broadcast %mul3A_772 : i32 to vector<16xi32>
    %mul3A_774 = arith.muli %and3A_771, %mul3A_773 : vector<16xi32>
    %add3A_775 = arith.addi %mul3A_768, %mul3A_774 : vector<16xi32>
    %and3A_776 = arith.constant 63 : i32
    %and3A_777 = vector.broadcast %and3A_776 : i32 to vector<16xi32>
    %and3A_778 = arith.andi %get3A_765, %and3A_777 : vector<16xi32>
    %add3A_779 = arith.addi %add3A_775, %and3A_778 : vector<16xi32>
    %swap3A_780 = arith.constant 1 : i32
    %swap3A_781 = arith.index_cast %swap3A_780 : i32 to index
    %swap3A_782 = arith.constant 80 : index
    %swap3A_783 = tpu.vector_load %arg6[%swap3A_781, %swap3A_782] {strides = array<i32>} : memref<2x128xi32, #tpu.memory_space<vmem>>, vector<1x16xi32>,
    %swap3A_784 = vector.shape_cast %swap3A_783 : vector<1x16xi32> to vector<16xi32>
    %swap3A_785 = vector.shape_cast %add3A_779 : vector<16xi32> to vector<1x16xi32>
    tpu.vector_store %arg6[%swap3A_781, %swap3A_782], %swap3A_785 {strides = array<i32>} : memref<2x128xi32, #tpu.memory_space<vmem>>, vector<1x16xi32>,
    %mul3A_786 = arith.constant 64 : i32
    %mul3A_787 = vector.broadcast %mul3A_786 : i32 to vector<16xi32>
    %mul3A_788 = arith.muli %add3A_751, %mul3A_787 : vector<16xi32>
    %mul3A_789 = arith.constant 2 : i32
    %mul3A_790 = arith.muli %mul3A_789, %add3A : i32
    %add3A_791 = arith.constant 1 : i32
    %add3A_792 = arith.addi %mul3A_790, %add3A_791 : i32
    %add3A_793 = vector.broadcast %add3A_792 : i32 to vector<16xi32>
    %add3A_794 = arith.addi %mul3A_788, %add3A_793 : vector<16xi32>
    %swap3A_795 = arith.constant 1 : i32
    %swap3A_796 = arith.index_cast %swap3A_795 : i32 to index
    %swap3A_797 = arith.constant 80 : index
    %swap3A_798 = tpu.vector_load %arg7[%swap3A_796, %swap3A_797] {strides = array<i32>} : memref<2x128xi32, #tpu.memory_space<vmem>>, vector<1x16xi32>,
    %swap3A_799 = vector.shape_cast %swap3A_798 : vector<1x16xi32> to vector<16xi32>
    %swap3A_800 = vector.shape_cast %add3A_794 : vector<16xi32> to vector<1x16xi32>
    tpu.vector_store %arg7[%swap3A_796, %swap3A_797], %swap3A_800 {strides = array<i32>} : memref<2x128xi32, #tpu.memory_space<vmem>>, vector<1x16xi32>,
    %add3A_801 = arith.constant 96 : i32
    %add3A_802 = vector.broadcast %add3A_801 : i32 to vector<16xi32>
    %add3A_803 = arith.addi %add3A_802, %iota3A : vector<16xi32>
    %get3A_804 = arith.constant 1 : i32
    %get3A_805 = arith.constant 0 : i32
    %get3A_806 = arith.index_cast %get3A_804 : i32 to index
    %get3A_807 = arith.index_cast %get3A_805 : i32 to index
    %get3A_808 = arith.constant 96 : index
    %get3A_809 = tpu.vector_load %arg5[%get3A_806, %get3A_807, %get3A_808] {strides = array<i32>} : memref<2x2x128xi32, #tpu.memory_space<vmem>>, vector<1x1x16xi32>,
    %get3A_810 = vector.shape_cast %get3A_809 : vector<1x1x16xi32> to vector<16xi32>
    %get3A_811 = arith.constant 1 : i32
    %get3A_812 = arith.constant 1 : i32
    %get3A_813 = arith.index_cast %get3A_811 : i32 to index
    %get3A_814 = arith.index_cast %get3A_812 : i32 to index
    %get3A_815 = arith.constant 96 : index
    %get3A_816 = tpu.vector_load %arg5[%get3A_813, %get3A_814, %get3A_815] {strides = array<i32>} : memref<2x2x128xi32, #tpu.memory_space<vmem>>, vector<1x1x16xi32>,
    %get3A_817 = vector.shape_cast %get3A_816 : vector<1x1x16xi32> to vector<16xi32>
    %mul3A_818 = arith.constant 4096 : i32
    %mul3A_819 = vector.broadcast %mul3A_818 : i32 to vector<16xi32>
    %mul3A_820 = arith.muli %add3A_803, %mul3A_819 : vector<16xi32>
    %and3A_821 = arith.constant 63 : i32
    %and3A_822 = vector.broadcast %and3A_821 : i32 to vector<16xi32>
    %and3A_823 = arith.andi %get3A_810, %and3A_822 : vector<16xi32>
    %mul3A_824 = arith.constant 64 : i32
    %mul3A_825 = vector.broadcast %mul3A_824 : i32 to vector<16xi32>
    %mul3A_826 = arith.muli %and3A_823, %mul3A_825 : vector<16xi32>
    %add3A_827 = arith.addi %mul3A_820, %mul3A_826 : vector<16xi32>
    %and3A_828 = arith.constant 63 : i32
    %and3A_829 = vector.broadcast %and3A_828 : i32 to vector<16xi32>
    %and3A_830 = arith.andi %get3A_817, %and3A_829 : vector<16xi32>
    %add3A_831 = arith.addi %add3A_827, %and3A_830 : vector<16xi32>
    %swap3A_832 = arith.constant 1 : i32
    %swap3A_833 = arith.index_cast %swap3A_832 : i32 to index
    %swap3A_834 = arith.constant 96 : index
    %swap3A_835 = tpu.vector_load %arg6[%swap3A_833, %swap3A_834] {strides = array<i32>} : memref<2x128xi32, #tpu.memory_space<vmem>>, vector<1x16xi32>,
    %swap3A_836 = vector.shape_cast %swap3A_835 : vector<1x16xi32> to vector<16xi32>
    %swap3A_837 = vector.shape_cast %add3A_831 : vector<16xi32> to vector<1x16xi32>
    tpu.vector_store %arg6[%swap3A_833, %swap3A_834], %swap3A_837 {strides = array<i32>} : memref<2x128xi32, #tpu.memory_space<vmem>>, vector<1x16xi32>,
    %mul3A_838 = arith.constant 64 : i32
    %mul3A_839 = vector.broadcast %mul3A_838 : i32 to vector<16xi32>
    %mul3A_840 = arith.muli %add3A_803, %mul3A_839 : vector<16xi32>
    %mul3A_841 = arith.constant 2 : i32
    %mul3A_842 = arith.muli %mul3A_841, %add3A : i32
    %add3A_843 = arith.constant 1 : i32
    %add3A_844 = arith.addi %mul3A_842, %add3A_843 : i32
    %add3A_845 = vector.broadcast %add3A_844 : i32 to vector<16xi32>
    %add3A_846 = arith.addi %mul3A_840, %add3A_845 : vector<16xi32>
    %swap3A_847 = arith.constant 1 : i32
    %swap3A_848 = arith.index_cast %swap3A_847 : i32 to index
    %swap3A_849 = arith.constant 96 : index
    %swap3A_850 = tpu.vector_load %arg7[%swap3A_848, %swap3A_849] {strides = array<i32>} : memref<2x128xi32, #tpu.memory_space<vmem>>, vector<1x16xi32>,
    %swap3A_851 = vector.shape_cast %swap3A_850 : vector<1x16xi32> to vector<16xi32>
    %swap3A_852 = vector.shape_cast %add3A_846 : vector<16xi32> to vector<1x16xi32>
    tpu.vector_store %arg7[%swap3A_848, %swap3A_849], %swap3A_852 {strides = array<i32>} : memref<2x128xi32, #tpu.memory_space<vmem>>, vector<1x16xi32>,
    %add3A_853 = arith.constant 112 : i32
    %add3A_854 = vector.broadcast %add3A_853 : i32 to vector<16xi32>
    %add3A_855 = arith.addi %add3A_854, %iota3A : vector<16xi32>
    %get3A_856 = arith.constant 1 : i32
    %get3A_857 = arith.constant 0 : i32
    %get3A_858 = arith.index_cast %get3A_856 : i32 to index
    %get3A_859 = arith.index_cast %get3A_857 : i32 to index
    %get3A_860 = arith.constant 112 : index
    %get3A_861 = tpu.vector_load %arg5[%get3A_858, %get3A_859, %get3A_860] {strides = array<i32>} : memref<2x2x128xi32, #tpu.memory_space<vmem>>, vector<1x1x16xi32>,
    %get3A_862 = vector.shape_cast %get3A_861 : vector<1x1x16xi32> to vector<16xi32>
    %get3A_863 = arith.constant 1 : i32
    %get3A_864 = arith.constant 1 : i32
    %get3A_865 = arith.index_cast %get3A_863 : i32 to index
    %get3A_866 = arith.index_cast %get3A_864 : i32 to index
    %get3A_867 = arith.constant 112 : index
    %get3A_868 = tpu.vector_load %arg5[%get3A_865, %get3A_866, %get3A_867] {strides = array<i32>} : memref<2x2x128xi32, #tpu.memory_space<vmem>>, vector<1x1x16xi32>,
    %get3A_869 = vector.shape_cast %get3A_868 : vector<1x1x16xi32> to vector<16xi32>
    %mul3A_870 = arith.constant 4096 : i32
    %mul3A_871 = vector.broadcast %mul3A_870 : i32 to vector<16xi32>
    %mul3A_872 = arith.muli %add3A_855, %mul3A_871 : vector<16xi32>
    %and3A_873 = arith.constant 63 : i32
    %and3A_874 = vector.broadcast %and3A_873 : i32 to vector<16xi32>
    %and3A_875 = arith.andi %get3A_862, %and3A_874 : vector<16xi32>
    %mul3A_876 = arith.constant 64 : i32
    %mul3A_877 = vector.broadcast %mul3A_876 : i32 to vector<16xi32>
    %mul3A_878 = arith.muli %and3A_875, %mul3A_877 : vector<16xi32>
    %add3A_879 = arith.addi %mul3A_872, %mul3A_878 : vector<16xi32>
    %and3A_880 = arith.constant 63 : i32
    %and3A_881 = vector.broadcast %and3A_880 : i32 to vector<16xi32>
    %and3A_882 = arith.andi %get3A_869, %and3A_881 : vector<16xi32>
    %add3A_883 = arith.addi %add3A_879, %and3A_882 : vector<16xi32>
    %swap3A_884 = arith.constant 1 : i32
    %swap3A_885 = arith.index_cast %swap3A_884 : i32 to index
    %swap3A_886 = arith.constant 112 : index
    %swap3A_887 = tpu.vector_load %arg6[%swap3A_885, %swap3A_886] {strides = array<i32>} : memref<2x128xi32, #tpu.memory_space<vmem>>, vector<1x16xi32>,
    %swap3A_888 = vector.shape_cast %swap3A_887 : vector<1x16xi32> to vector<16xi32>
    %swap3A_889 = vector.shape_cast %add3A_883 : vector<16xi32> to vector<1x16xi32>
    tpu.vector_store %arg6[%swap3A_885, %swap3A_886], %swap3A_889 {strides = array<i32>} : memref<2x128xi32, #tpu.memory_space<vmem>>, vector<1x16xi32>,
    %mul3A_890 = arith.constant 64 : i32
    %mul3A_891 = vector.broadcast %mul3A_890 : i32 to vector<16xi32>
    %mul3A_892 = arith.muli %add3A_855, %mul3A_891 : vector<16xi32>
    %mul3A_893 = arith.constant 2 : i32
    %mul3A_894 = arith.muli %mul3A_893, %add3A : i32
    %add3A_895 = arith.constant 1 : i32
    %add3A_896 = arith.addi %mul3A_894, %add3A_895 : i32
    %add3A_897 = vector.broadcast %add3A_896 : i32 to vector<16xi32>
    %add3A_898 = arith.addi %mul3A_892, %add3A_897 : vector<16xi32>
    %swap3A_899 = arith.constant 1 : i32
    %swap3A_900 = arith.index_cast %swap3A_899 : i32 to index
    %swap3A_901 = arith.constant 112 : index
    %swap3A_902 = tpu.vector_load %arg7[%swap3A_900, %swap3A_901] {strides = array<i32>} : memref<2x128xi32, #tpu.memory_space<vmem>>, vector<1x16xi32>,
    %swap3A_903 = vector.shape_cast %swap3A_902 : vector<1x16xi32> to vector<16xi32>
    %swap3A_904 = vector.shape_cast %add3A_898 : vector<16xi32> to vector<1x16xi32>
    tpu.vector_store %arg7[%swap3A_900, %swap3A_901], %swap3A_904 {strides = array<i32>} : memref<2x128xi32, #tpu.memory_space<vmem>>, vector<1x16xi32>,
    %dma_start3A_905 = arith.constant 1 : i32
    %dma_start3A_906 = arith.constant 128 : i32
    %dma_start3A_907 = arith.constant 0 : i32
    %dma_start3A_908 = tpu.memref_slice %arg8[%dma_start3A_906, %dma_start3A_907] : memref<256x128xf32, #tpu.memory_space<vmem>> -> memref<128x128xf32, #tpu.memory_space<vmem>>
    %dma_start3A_909 = arith.constant 0 : i32
    %dma_start3A_910 = tpu.memref_slice %arg6[%dma_start3A_905, %dma_start3A_909] : memref<2x128xi32, #tpu.memory_space<vmem>> -> memref<1x128xi32, #tpu.memory_space<vmem>>
    %dma_start3A_911 = tpu.memref_squeeze %dma_start3A_910 : memref<1x128xi32, #tpu.memory_space<vmem>> -> memref<128xi32, #tpu.memory_space<vmem>>
    %dma_start3A_912 = arith.constant 0 : i32
    %dma_start3A_913 = arith.constant 0 : i32
    %dma_start3A_914 = tpu.memref_slice %arg2[%dma_start3A_912, %dma_start3A_913] : memref<524288x128xf32, #tpu.memory_space<hbm>> -> memref<524288x128xf32, #tpu.memory_space<hbm>>
    tpu.enqueue_indirect_dma source(%dma_start3A_914 : memref<524288x128xf32, #tpu.memory_space<hbm>>) target(%dma_start3A_908 : memref<128x128xf32, #tpu.memory_space<vmem>>) offsets(%dma_start3A_911 : memref<128xi32, #tpu.memory_space<vmem>>) semaphore(%arg11 : memref<!tpu.dma_semaphore, #tpu.memory_space<semaphore_mem>>)
    %dma_wait3A_915 = arith.constant 0 : i32
    %dma_wait3A_916 = arith.constant 0 : i32
    %dma_wait3A_917 = arith.constant 0 : i32
    %dma_wait3A_918 = tpu.memref_slice %arg8[%dma_wait3A_916, %dma_wait3A_917] : memref<256x128xf32, #tpu.memory_space<vmem>> -> memref<128x128xf32, #tpu.memory_space<vmem>>
    %dma_wait3A_919 = arith.constant 0 : i32
    %dma_wait3A_920 = tpu.memref_slice %arg6[%dma_wait3A_915, %dma_wait3A_919] : memref<2x128xi32, #tpu.memory_space<vmem>> -> memref<1x128xi32, #tpu.memory_space<vmem>>
    %dma_wait3A_921 = tpu.memref_squeeze %dma_wait3A_920 : memref<1x128xi32, #tpu.memory_space<vmem>> -> memref<128xi32, #tpu.memory_space<vmem>>
    %dma_wait3A_922 = arith.constant 0 : i32
    %dma_wait3A_923 = arith.constant 0 : i32
    %dma_wait3A_924 = tpu.memref_slice %arg2[%dma_wait3A_922, %dma_wait3A_923] : memref<524288x128xf32, #tpu.memory_space<hbm>> -> memref<524288x128xf32, #tpu.memory_space<hbm>>
    tpu.wait_indirect_dma semaphore(%arg10 : memref<!tpu.dma_semaphore, #tpu.memory_space<semaphore_mem>>) src(%dma_wait3A_924 : memref<524288x128xf32, #tpu.memory_space<hbm>>) dst(%dma_wait3A_918 : memref<128x128xf32, #tpu.memory_space<vmem>>)
    %scan3A = arith.constant 0 : i32
    %scan3A_925 = arith.constant 0 : i32
    %scan3A_926 = arith.constant 8 : i32
    %scan3A_927 = arith.addi %scan3A_925, %scan3A_926 : i32
    %scan3A_928 = arith.constant 1 : i32
    %scan3A_929 = scf.for %scan3A_988 = %scan3A_925 to %scan3A_927 step %scan3A_928 iter_args(%scan3A_989 = %scan3A) -> (i32)  : i32 {
      %mul3A_990 = arith.constant 16 : i32
      %mul3A_991 = arith.muli %scan3A_988, %mul3A_990 : i32
      %add3A_992 = arith.constant 0 : i32
      %add3A_993 = arith.addi %add3A_992, %mul3A_991 : i32
      %get3A_994 = arith.constant 0 : i32
      %get3A_995 = arith.constant 0 : i32
      %get3A_996 = arith.index_cast %get3A_994 : i32 to index
      %get3A_997 = arith.index_cast %get3A_995 : i32 to index
      %get3A_998 = arith.index_cast %add3A_993 : i32 to index
      %get3A_999 = tpu.vector_load %arg5[%get3A_996, %get3A_997, %get3A_998] {strides = array<i32>} : memref<2x2x128xi32, #tpu.memory_space<vmem>>, vector<1x1x16xi32>,
      %get3A_1000 = vector.shape_cast %get3A_999 : vector<1x1x16xi32> to vector<16xi32>
      %ge3A = arith.constant 0 : i32
      %ge3A_1001 = vector.broadcast %ge3A : i32 to vector<16xi32>
      %ge3A_1002 = arith.cmpi sge, %get3A_1000, %ge3A_1001 : vector<16xi32>
      %select_n3A = arith.select %ge3A_1002, %broadcast_in_dim3A_36, %broadcast_in_dim3A_38 : vector<16xi1>, vector<16xf32>
      %slice3A = vector.extract_strided_slice %select_n3A {offsets = [0], sizes = [1], strides = [1]} : vector<16xf32> to vector<1xf32>
      %broadcast_in_dim3A_1003 = vector.shape_cast %slice3A : vector<1xf32> to vector<1xf32>
      %broadcast_in_dim3A_1004 = vector.broadcast %broadcast_in_dim3A_1003 : vector<1xf32> to vector<16xf32>
      %mul3A_1005 = arith.constant 16 : i32
      %mul3A_1006 = arith.muli %scan3A_988, %mul3A_1005 : i32
      %add3A_1007 = arith.constant 0 : i32
      %add3A_1008 = arith.addi %add3A_1007, %mul3A_1006 : i32
      %add3A_1009 = arith.constant 0 : i32
      %add3A_1010 = arith.addi %add3A_1008, %add3A_1009 : i32
      %get3A_1011 = arith.index_cast %add3A_1010 : i32 to index
      %get3A_1012 = arith.constant 0 : index
      %get3A_1013 = tpu.vector_load %arg8[%get3A_1011, %get3A_1012] {strides = array<i32>} : memref<256x128xf32, #tpu.memory_space<vmem>>, vector<1x16xf32>,
      %get3A_1014 = vector.shape_cast %get3A_1013 : vector<1x16xf32> to vector<16xf32>
      %mul3A_1015 = arith.mulf %get3A_1014, %broadcast_in_dim3A_1004 : vector<16xf32>
      %swap3A_1016 = arith.index_cast %add3A_1010 : i32 to index
      %swap3A_1017 = arith.constant 0 : index
      %swap3A_1018 = tpu.vector_load %arg8[%swap3A_1016, %swap3A_1017] {strides = array<i32>} : memref<256x128xf32, #tpu.memory_space<vmem>>, vector<1x16xf32>,
      %swap3A_1019 = vector.shape_cast %swap3A_1018 : vector<1x16xf32> to vector<16xf32>
      %swap3A_1020 = vector.shape_cast %mul3A_1015 : vector<16xf32> to vector<1x16xf32>
      tpu.vector_store %arg8[%swap3A_1016, %swap3A_1017], %swap3A_1020 {strides = array<i32>} : memref<256x128xf32, #tpu.memory_space<vmem>>, vector<1x16xf32>,
      %get3A_1021 = arith.index_cast %add3A_1010 : i32 to index
      %get3A_1022 = arith.constant 16 : index
      %get3A_1023 = tpu.vector_load %arg8[%get3A_1021, %get3A_1022] {strides = array<i32>} : memref<256x128xf32, #tpu.memory_space<vmem>>, vector<1x16xf32>,
      %get3A_1024 = vector.shape_cast %get3A_1023 : vector<1x16xf32> to vector<16xf32>
      %mul3A_1025 = arith.mulf %get3A_1024, %broadcast_in_dim3A_1004 : vector<16xf32>
      %swap3A_1026 = arith.index_cast %add3A_1010 : i32 to index
      %swap3A_1027 = arith.constant 16 : index
      %swap3A_1028 = tpu.vector_load %arg8[%swap3A_1026, %swap3A_1027] {strides = array<i32>} : memref<256x128xf32, #tpu.memory_space<vmem>>, vector<1x16xf32>,
      %swap3A_1029 = vector.shape_cast %swap3A_1028 : vector<1x16xf32> to vector<16xf32>
      %swap3A_1030 = vector.shape_cast %mul3A_1025 : vector<16xf32> to vector<1x16xf32>
      tpu.vector_store %arg8[%swap3A_1026, %swap3A_1027], %swap3A_1030 {strides = array<i32>} : memref<256x128xf32, #tpu.memory_space<vmem>>, vector<1x16xf32>,
      %get3A_1031 = arith.index_cast %add3A_1010 : i32 to index
      %get3A_1032 = arith.constant 32 : index
      %get3A_1033 = tpu.vector_load %arg8[%get3A_1031, %get3A_1032] {strides = array<i32>} : memref<256x128xf32, #tpu.memory_space<vmem>>, vector<1x16xf32>,
      %get3A_1034 = vector.shape_cast %get3A_1033 : vector<1x16xf32> to vector<16xf32>
      %mul3A_1035 = arith.mulf %get3A_1034, %broadcast_in_dim3A_1004 : vector<16xf32>
      %swap3A_1036 = arith.index_cast %add3A_1010 : i32 to index
      %swap3A_1037 = arith.constant 32 : index
      %swap3A_1038 = tpu.vector_load %arg8[%swap3A_1036, %swap3A_1037] {strides = array<i32>} : memref<256x128xf32, #tpu.memory_space<vmem>>, vector<1x16xf32>,
      %swap3A_1039 = vector.shape_cast %swap3A_1038 : vector<1x16xf32> to vector<16xf32>
      %swap3A_1040 = vector.shape_cast %mul3A_1035 : vector<16xf32> to vector<1x16xf32>
      tpu.vector_store %arg8[%swap3A_1036, %swap3A_1037], %swap3A_1040 {strides = array<i32>} : memref<256x128xf32, #tpu.memory_space<vmem>>, vector<1x16xf32>,
      %get3A_1041 = arith.index_cast %add3A_1010 : i32 to index
      %get3A_1042 = arith.constant 48 : index
      %get3A_1043 = tpu.vector_load %arg8[%get3A_1041, %get3A_1042] {strides = array<i32>} : memref<256x128xf32, #tpu.memory_space<vmem>>, vector<1x16xf32>,
      %get3A_1044 = vector.shape_cast %get3A_1043 : vector<1x16xf32> to vector<16xf32>
      %mul3A_1045 = arith.mulf %get3A_1044, %broadcast_in_dim3A_1004 : vector<16xf32>
      %swap3A_1046 = arith.index_cast %add3A_1010 : i32 to index
      %swap3A_1047 = arith.constant 48 : index
      %swap3A_1048 = tpu.vector_load %arg8[%swap3A_1046, %swap3A_1047] {strides = array<i32>} : memref<256x128xf32, #tpu.memory_space<vmem>>, vector<1x16xf32>,
      %swap3A_1049 = vector.shape_cast %swap3A_1048 : vector<1x16xf32> to vector<16xf32>
      %swap3A_1050 = vector.shape_cast %mul3A_1045 : vector<16xf32> to vector<1x16xf32>
      tpu.vector_store %arg8[%swap3A_1046, %swap3A_1047], %swap3A_1050 {strides = array<i32>} : memref<256x128xf32, #tpu.memory_space<vmem>>, vector<1x16xf32>,
      %get3A_1051 = arith.index_cast %add3A_1010 : i32 to index
      %get3A_1052 = arith.constant 64 : index
      %get3A_1053 = tpu.vector_load %arg8[%get3A_1051, %get3A_1052] {strides = array<i32>} : memref<256x128xf32, #tpu.memory_space<vmem>>, vector<1x16xf32>,
      %get3A_1054 = vector.shape_cast %get3A_1053 : vector<1x16xf32> to vector<16xf32>
      %mul3A_1055 = arith.mulf %get3A_1054, %broadcast_in_dim3A_1004 : vector<16xf32>
      %swap3A_1056 = arith.index_cast %add3A_1010 : i32 to index
      %swap3A_1057 = arith.constant 64 : index
      %swap3A_1058 = tpu.vector_load %arg8[%swap3A_1056, %swap3A_1057] {strides = array<i32>} : memref<256x128xf32, #tpu.memory_space<vmem>>, vector<1x16xf32>,
      %swap3A_1059 = vector.shape_cast %swap3A_1058 : vector<1x16xf32> to vector<16xf32>
      %swap3A_1060 = vector.shape_cast %mul3A_1055 : vector<16xf32> to vector<1x16xf32>
      tpu.vector_store %arg8[%swap3A_1056, %swap3A_1057], %swap3A_1060 {strides = array<i32>} : memref<256x128xf32, #tpu.memory_space<vmem>>, vector<1x16xf32>,
      %get3A_1061 = arith.index_cast %add3A_1010 : i32 to index
      %get3A_1062 = arith.constant 80 : index
      %get3A_1063 = tpu.vector_load %arg8[%get3A_1061, %get3A_1062] {strides = array<i32>} : memref<256x128xf32, #tpu.memory_space<vmem>>, vector<1x16xf32>,
      %get3A_1064 = vector.shape_cast %get3A_1063 : vector<1x16xf32> to vector<16xf32>
      %mul3A_1065 = arith.mulf %get3A_1064, %broadcast_in_dim3A_1004 : vector<16xf32>
      %swap3A_1066 = arith.index_cast %add3A_1010 : i32 to index
      %swap3A_1067 = arith.constant 80 : index
      %swap3A_1068 = tpu.vector_load %arg8[%swap3A_1066, %swap3A_1067] {strides = array<i32>} : memref<256x128xf32, #tpu.memory_space<vmem>>, vector<1x16xf32>,
      %swap3A_1069 = vector.shape_cast %swap3A_1068 : vector<1x16xf32> to vector<16xf32>
      %swap3A_1070 = vector.shape_cast %mul3A_1065 : vector<16xf32> to vector<1x16xf32>
      tpu.vector_store %arg8[%swap3A_1066, %swap3A_1067], %swap3A_1070 {strides = array<i32>} : memref<256x128xf32, #tpu.memory_space<vmem>>, vector<1x16xf32>,
      %get3A_1071 = arith.index_cast %add3A_1010 : i32 to index
      %get3A_1072 = arith.constant 96 : index
      %get3A_1073 = tpu.vector_load %arg8[%get3A_1071, %get3A_1072] {strides = array<i32>} : memref<256x128xf32, #tpu.memory_space<vmem>>, vector<1x16xf32>,
      %get3A_1074 = vector.shape_cast %get3A_1073 : vector<1x16xf32> to vector<16xf32>
      %mul3A_1075 = arith.mulf %get3A_1074, %broadcast_in_dim3A_1004 : vector<16xf32>
      %swap3A_1076 = arith.index_cast %add3A_1010 : i32 to index
      %swap3A_1077 = arith.constant 96 : index
      %swap3A_1078 = tpu.vector_load %arg8[%swap3A_1076, %swap3A_1077] {strides = array<i32>} : memref<256x128xf32, #tpu.memory_space<vmem>>, vector<1x16xf32>,
      %swap3A_1079 = vector.shape_cast %swap3A_1078 : vector<1x16xf32> to vector<16xf32>
      %swap3A_1080 = vector.shape_cast %mul3A_1075 : vector<16xf32> to vector<1x16xf32>
      tpu.vector_store %arg8[%swap3A_1076, %swap3A_1077], %swap3A_1080 {strides = array<i32>} : memref<256x128xf32, #tpu.memory_space<vmem>>, vector<1x16xf32>,
      %get3A_1081 = arith.index_cast %add3A_1010 : i32 to index
      %get3A_1082 = arith.constant 112 : index
      %get3A_1083 = tpu.vector_load %arg8[%get3A_1081, %get3A_1082] {strides = array<i32>} : memref<256x128xf32, #tpu.memory_space<vmem>>, vector<1x16xf32>,
      %get3A_1084 = vector.shape_cast %get3A_1083 : vector<1x16xf32> to vector<16xf32>
      %mul3A_1085 = arith.mulf %get3A_1084, %broadcast_in_dim3A_1004 : vector<16xf32>
      %swap3A_1086 = arith.index_cast %add3A_1010 : i32 to index
      %swap3A_1087 = arith.constant 112 : index
      %swap3A_1088 = tpu.vector_load %arg8[%swap3A_1086, %swap3A_1087] {strides = array<i32>} : memref<256x128xf32, #tpu.memory_space<vmem>>, vector<1x16xf32>,
      %swap3A_1089 = vector.shape_cast %swap3A_1088 : vector<1x16xf32> to vector<16xf32>
      %swap3A_1090 = vector.shape_cast %mul3A_1085 : vector<16xf32> to vector<1x16xf32>
      tpu.vector_store %arg8[%swap3A_1086, %swap3A_1087], %swap3A_1090 {strides = array<i32>} : memref<256x128xf32, #tpu.memory_space<vmem>>, vector<1x16xf32>,
      %slice3A_1091 = vector.extract_strided_slice %select_n3A {offsets = [1], sizes = [1], strides = [1]} : vector<16xf32> to vector<1xf32>
      %broadcast_in_dim3A_1092 = vector.shape_cast %slice3A_1091 : vector<1xf32> to vector<1xf32>
      %broadcast_in_dim3A_1093 = vector.broadcast %broadcast_in_dim3A_1092 : vector<1xf32> to vector<16xf32>
      %mul3A_1094 = arith.constant 16 : i32
      %mul3A_1095 = arith.muli %scan3A_988, %mul3A_1094 : i32
      %add3A_1096 = arith.constant 0 : i32
      %add3A_1097 = arith.addi %add3A_1096, %mul3A_1095 : i32
      %add3A_1098 = arith.constant 1 : i32
      %add3A_1099 = arith.addi %add3A_1097, %add3A_1098 : i32
      %get3A_1100 = arith.index_cast %add3A_1099 : i32 to index
      %get3A_1101 = arith.constant 0 : index
      %get3A_1102 = tpu.vector_load %arg8[%get3A_1100, %get3A_1101] {strides = array<i32>} : memref<256x128xf32, #tpu.memory_space<vmem>>, vector<1x16xf32>,
      %get3A_1103 = vector.shape_cast %get3A_1102 : vector<1x16xf32> to vector<16xf32>
      %mul3A_1104 = arith.mulf %get3A_1103, %broadcast_in_dim3A_1093 : vector<16xf32>
      %swap3A_1105 = arith.index_cast %add3A_1099 : i32 to index
      %swap3A_1106 = arith.constant 0 : index
      %swap3A_1107 = tpu.vector_load %arg8[%swap3A_1105, %swap3A_1106] {strides = array<i32>} : memref<256x128xf32, #tpu.memory_space<vmem>>, vector<1x16xf32>,
      %swap3A_1108 = vector.shape_cast %swap3A_1107 : vector<1x16xf32> to vector<16xf32>
      %swap3A_1109 = vector.shape_cast %mul3A_1104 : vector<16xf32> to vector<1x16xf32>
      tpu.vector_store %arg8[%swap3A_1105, %swap3A_1106], %swap3A_1109 {strides = array<i32>} : memref<256x128xf32, #tpu.memory_space<vmem>>, vector<1x16xf32>,
      %get3A_1110 = arith.index_cast %add3A_1099 : i32 to index
      %get3A_1111 = arith.constant 16 : index
      %get3A_1112 = tpu.vector_load %arg8[%get3A_1110, %get3A_1111] {strides = array<i32>} : memref<256x128xf32, #tpu.memory_space<vmem>>, vector<1x16xf32>,
      %get3A_1113 = vector.shape_cast %get3A_1112 : vector<1x16xf32> to vector<16xf32>
      %mul3A_1114 = arith.mulf %get3A_1113, %broadcast_in_dim3A_1093 : vector<16xf32>
      %swap3A_1115 = arith.index_cast %add3A_1099 : i32 to index
      %swap3A_1116 = arith.constant 16 : index
      %swap3A_1117 = tpu.vector_load %arg8[%swap3A_1115, %swap3A_1116] {strides = array<i32>} : memref<256x128xf32, #tpu.memory_space<vmem>>, vector<1x16xf32>,
      %swap3A_1118 = vector.shape_cast %swap3A_1117 : vector<1x16xf32> to vector<16xf32>
      %swap3A_1119 = vector.shape_cast %mul3A_1114 : vector<16xf32> to vector<1x16xf32>
      tpu.vector_store %arg8[%swap3A_1115, %swap3A_1116], %swap3A_1119 {strides = array<i32>} : memref<256x128xf32, #tpu.memory_space<vmem>>, vector<1x16xf32>,
      %get3A_1120 = arith.index_cast %add3A_1099 : i32 to index
      %get3A_1121 = arith.constant 32 : index
      %get3A_1122 = tpu.vector_load %arg8[%get3A_1120, %get3A_1121] {strides = array<i32>} : memref<256x128xf32, #tpu.memory_space<vmem>>, vector<1x16xf32>,
      %get3A_1123 = vector.shape_cast %get3A_1122 : vector<1x16xf32> to vector<16xf32>
      %mul3A_1124 = arith.mulf %get3A_1123, %broadcast_in_dim3A_1093 : vector<16xf32>
      %swap3A_1125 = arith.index_cast %add3A_1099 : i32 to index
      %swap3A_1126 = arith.constant 32 : index
      %swap3A_1127 = tpu.vector_load %arg8[%swap3A_1125, %swap3A_1126] {strides = array<i32>} : memref<256x128xf32, #tpu.memory_space<vmem>>, vector<1x16xf32>,
      %swap3A_1128 = vector.shape_cast %swap3A_1127 : vector<1x16xf32> to vector<16xf32>
      %swap3A_1129 = vector.shape_cast %mul3A_1124 : vector<16xf32> to vector<1x16xf32>
      tpu.vector_store %arg8[%swap3A_1125, %swap3A_1126], %swap3A_1129 {strides = array<i32>} : memref<256x128xf32, #tpu.memory_space<vmem>>, vector<1x16xf32>,
      %get3A_1130 = arith.index_cast %add3A_1099 : i32 to index
      %get3A_1131 = arith.constant 48 : index
      %get3A_1132 = tpu.vector_load %arg8[%get3A_1130, %get3A_1131] {strides = array<i32>} : memref<256x128xf32, #tpu.memory_space<vmem>>, vector<1x16xf32>,
      %get3A_1133 = vector.shape_cast %get3A_1132 : vector<1x16xf32> to vector<16xf32>
      %mul3A_1134 = arith.mulf %get3A_1133, %broadcast_in_dim3A_1093 : vector<16xf32>
      %swap3A_1135 = arith.index_cast %add3A_1099 : i32 to index
      %swap3A_1136 = arith.constant 48 : index
      %swap3A_1137 = tpu.vector_load %arg8[%swap3A_1135, %swap3A_1136] {strides = array<i32>} : memref<256x128xf32, #tpu.memory_space<vmem>>, vector<1x16xf32>,
      %swap3A_1138 = vector.shape_cast %swap3A_1137 : vector<1x16xf32> to vector<16xf32>
      %swap3A_1139 = vector.shape_cast %mul3A_1134 : vector<16xf32> to vector<1x16xf32>
      tpu.vector_store %arg8[%swap3A_1135, %swap3A_1136], %swap3A_1139 {strides = array<i32>} : memref<256x128xf32, #tpu.memory_space<vmem>>, vector<1x16xf32>,
      %get3A_1140 = arith.index_cast %add3A_1099 : i32 to index
      %get3A_1141 = arith.constant 64 : index
      %get3A_1142 = tpu.vector_load %arg8[%get3A_1140, %get3A_1141] {strides = array<i32>} : memref<256x128xf32, #tpu.memory_space<vmem>>, vector<1x16xf32>,
      %get3A_1143 = vector.shape_cast %get3A_1142 : vector<1x16xf32> to vector<16xf32>
      %mul3A_1144 = arith.mulf %get3A_1143, %broadcast_in_dim3A_1093 : vector<16xf32>
      %swap3A_1145 = arith.index_cast %add3A_1099 : i32 to index
      %swap3A_1146 = arith.constant 64 : index
      %swap3A_1147 = tpu.vector_load %arg8[%swap3A_1145, %swap3A_1146] {strides = array<i32>} : memref<256x128xf32, #tpu.memory_space<vmem>>, vector<1x16xf32>,
      %swap3A_1148 = vector.shape_cast %swap3A_1147 : vector<1x16xf32> to vector<16xf32>
      %swap3A_1149 = vector.shape_cast %mul3A_1144 : vector<16xf32> to vector<1x16xf32>
      tpu.vector_store %arg8[%swap3A_1145, %swap3A_1146], %swap3A_1149 {strides = array<i32>} : memref<256x128xf32, #tpu.memory_space<vmem>>, vector<1x16xf32>,
      %get3A_1150 = arith.index_cast %add3A_1099 : i32 to index
      %get3A_1151 = arith.constant 80 : index
      %get3A_1152 = tpu.vector_load %arg8[%get3A_1150, %get3A_1151] {strides = array<i32>} : memref<256x128xf32, #tpu.memory_space<vmem>>, vector<1x16xf32>,
      %get3A_1153 = vector.shape_cast %get3A_1152 : vector<1x16xf32> to vector<16xf32>
      %mul3A_1154 = arith.mulf %get3A_1153, %broadcast_in_dim3A_1093 : vector<16xf32>
      %swap3A_1155 = arith.index_cast %add3A_1099 : i32 to index
      %swap3A_1156 = arith.constant 80 : index
      %swap3A_1157 = tpu.vector_load %arg8[%swap3A_1155, %swap3A_1156] {strides = array<i32>} : memref<256x128xf32, #tpu.memory_space<vmem>>, vector<1x16xf32>,
      %swap3A_1158 = vector.shape_cast %swap3A_1157 : vector<1x16xf32> to vector<16xf32>
      %swap3A_1159 = vector.shape_cast %mul3A_1154 : vector<16xf32> to vector<1x16xf32>
      tpu.vector_store %arg8[%swap3A_1155, %swap3A_1156], %swap3A_1159 {strides = array<i32>} : memref<256x128xf32, #tpu.memory_space<vmem>>, vector<1x16xf32>,
      %get3A_1160 = arith.index_cast %add3A_1099 : i32 to index
      %get3A_1161 = arith.constant 96 : index
      %get3A_1162 = tpu.vector_load %arg8[%get3A_1160, %get3A_1161] {strides = array<i32>} : memref<256x128xf32, #tpu.memory_space<vmem>>, vector<1x16xf32>,
      %get3A_1163 = vector.shape_cast %get3A_1162 : vector<1x16xf32> to vector<16xf32>
      %mul3A_1164 = arith.mulf %get3A_1163, %broadcast_in_dim3A_1093 : vector<16xf32>
      %swap3A_1165 = arith.index_cast %add3A_1099 : i32 to index
      %swap3A_1166 = arith.constant 96 : index
      %swap3A_1167 = tpu.vector_load %arg8[%swap3A_1165, %swap3A_1166] {strides = array<i32>} : memref<256x128xf32, #tpu.memory_space<vmem>>, vector<1x16xf32>,
      %swap3A_1168 = vector.shape_cast %swap3A_1167 : vector<1x16xf32> to vector<16xf32>
      %swap3A_1169 = vector.shape_cast %mul3A_1164 : vector<16xf32> to vector<1x16xf32>
      tpu.vector_store %arg8[%swap3A_1165, %swap3A_1166], %swap3A_1169 {strides = array<i32>} : memref<256x128xf32, #tpu.memory_space<vmem>>, vector<1x16xf32>,
      %get3A_1170 = arith.index_cast %add3A_1099 : i32 to index
      %get3A_1171 = arith.constant 112 : index
      %get3A_1172 = tpu.vector_load %arg8[%get3A_1170, %get3A_1171] {strides = array<i32>} : memref<256x128xf32, #tpu.memory_space<vmem>>, vector<1x16xf32>,
      %get3A_1173 = vector.shape_cast %get3A_1172 : vector<1x16xf32> to vector<16xf32>
      %mul3A_1174 = arith.mulf %get3A_1173, %broadcast_in_dim3A_1093 : vector<16xf32>
      %swap3A_1175 = arith.index_cast %add3A_1099 : i32 to index
      %swap3A_1176 = arith.constant 112 : index
      %swap3A_1177 = tpu.vector_load %arg8[%swap3A_1175, %swap3A_1176] {strides = array<i32>} : memref<256x128xf32, #tpu.memory_space<vmem>>, vector<1x16xf32>,
      %swap3A_1178 = vector.shape_cast %swap3A_1177 : vector<1x16xf32> to vector<16xf32>
      %swap3A_1179 = vector.shape_cast %mul3A_1174 : vector<16xf32> to vector<1x16xf32>
      tpu.vector_store %arg8[%swap3A_1175, %swap3A_1176], %swap3A_1179 {strides = array<i32>} : memref<256x128xf32, #tpu.memory_space<vmem>>, vector<1x16xf32>,
      %slice3A_1180 = vector.extract_strided_slice %select_n3A {offsets = [2], sizes = [1], strides = [1]} : vector<16xf32> to vector<1xf32>
      %broadcast_in_dim3A_1181 = vector.shape_cast %slice3A_1180 : vector<1xf32> to vector<1xf32>
      %broadcast_in_dim3A_1182 = vector.broadcast %broadcast_in_dim3A_1181 : vector<1xf32> to vector<16xf32>
      %mul3A_1183 = arith.constant 16 : i32
      %mul3A_1184 = arith.muli %scan3A_988, %mul3A_1183 : i32
      %add3A_1185 = arith.constant 0 : i32
      %add3A_1186 = arith.addi %add3A_1185, %mul3A_1184 : i32
      %add3A_1187 = arith.constant 2 : i32
      %add3A_1188 = arith.addi %add3A_1186, %add3A_1187 : i32
      %get3A_1189 = arith.index_cast %add3A_1188 : i32 to index
      %get3A_1190 = arith.constant 0 : index
      %get3A_1191 = tpu.vector_load %arg8[%get3A_1189, %get3A_1190] {strides = array<i32>} : memref<256x128xf32, #tpu.memory_space<vmem>>, vector<1x16xf32>,
      %get3A_1192 = vector.shape_cast %get3A_1191 : vector<1x16xf32> to vector<16xf32>
      %mul3A_1193 = arith.mulf %get3A_1192, %broadcast_in_dim3A_1182 : vector<16xf32>
      %swap3A_1194 = arith.index_cast %add3A_1188 : i32 to index
      %swap3A_1195 = arith.constant 0 : index
      %swap3A_1196 = tpu.vector_load %arg8[%swap3A_1194, %swap3A_1195] {strides = array<i32>} : memref<256x128xf32, #tpu.memory_space<vmem>>, vector<1x16xf32>,
      %swap3A_1197 = vector.shape_cast %swap3A_1196 : vector<1x16xf32> to vector<16xf32>
      %swap3A_1198 = vector.shape_cast %mul3A_1193 : vector<16xf32> to vector<1x16xf32>
      tpu.vector_store %arg8[%swap3A_1194, %swap3A_1195], %swap3A_1198 {strides = array<i32>} : memref<256x128xf32, #tpu.memory_space<vmem>>, vector<1x16xf32>,
      %get3A_1199 = arith.index_cast %add3A_1188 : i32 to index
      %get3A_1200 = arith.constant 16 : index
      %get3A_1201 = tpu.vector_load %arg8[%get3A_1199, %get3A_1200] {strides = array<i32>} : memref<256x128xf32, #tpu.memory_space<vmem>>, vector<1x16xf32>,
      %get3A_1202 = vector.shape_cast %get3A_1201 : vector<1x16xf32> to vector<16xf32>
      %mul3A_1203 = arith.mulf %get3A_1202, %broadcast_in_dim3A_1182 : vector<16xf32>
      %swap3A_1204 = arith.index_cast %add3A_1188 : i32 to index
      %swap3A_1205 = arith.constant 16 : index
      %swap3A_1206 = tpu.vector_load %arg8[%swap3A_1204, %swap3A_1205] {strides = array<i32>} : memref<256x128xf32, #tpu.memory_space<vmem>>, vector<1x16xf32>,
      %swap3A_1207 = vector.shape_cast %swap3A_1206 : vector<1x16xf32> to vector<16xf32>
      %swap3A_1208 = vector.shape_cast %mul3A_1203 : vector<16xf32> to vector<1x16xf32>
      tpu.vector_store %arg8[%swap3A_1204, %swap3A_1205], %swap3A_1208 {strides = array<i32>} : memref<256x128xf32, #tpu.memory_space<vmem>>, vector<1x16xf32>,
      %get3A_1209 = arith.index_cast %add3A_1188 : i32 to index
      %get3A_1210 = arith.constant 32 : index
      %get3A_1211 = tpu.vector_load %arg8[%get3A_1209, %get3A_1210] {strides = array<i32>} : memref<256x128xf32, #tpu.memory_space<vmem>>, vector<1x16xf32>,
      %get3A_1212 = vector.shape_cast %get3A_1211 : vector<1x16xf32> to vector<16xf32>
      %mul3A_1213 = arith.mulf %get3A_1212, %broadcast_in_dim3A_1182 : vector<16xf32>
      %swap3A_1214 = arith.index_cast %add3A_1188 : i32 to index
      %swap3A_1215 = arith.constant 32 : index
      %swap3A_1216 = tpu.vector_load %arg8[%swap3A_1214, %swap3A_1215] {strides = array<i32>} : memref<256x128xf32, #tpu.memory_space<vmem>>, vector<1x16xf32>,
      %swap3A_1217 = vector.shape_cast %swap3A_1216 : vector<1x16xf32> to vector<16xf32>
      %swap3A_1218 = vector.shape_cast %mul3A_1213 : vector<16xf32> to vector<1x16xf32>
      tpu.vector_store %arg8[%swap3A_1214, %swap3A_1215], %swap3A_1218 {strides = array<i32>} : memref<256x128xf32, #tpu.memory_space<vmem>>, vector<1x16xf32>,
      %get3A_1219 = arith.index_cast %add3A_1188 : i32 to index
      %get3A_1220 = arith.constant 48 : index
      %get3A_1221 = tpu.vector_load %arg8[%get3A_1219, %get3A_1220] {strides = array<i32>} : memref<256x128xf32, #tpu.memory_space<vmem>>, vector<1x16xf32>,
      %get3A_1222 = vector.shape_cast %get3A_1221 : vector<1x16xf32> to vector<16xf32>
      %mul3A_1223 = arith.mulf %get3A_1222, %broadcast_in_dim3A_1182 : vector<16xf32>
      %swap3A_1224 = arith.index_cast %add3A_1188 : i32 to index
      %swap3A_1225 = arith.constant 48 : index
      %swap3A_1226 = tpu.vector_load %arg8[%swap3A_1224, %swap3A_1225] {strides = array<i32>} : memref<256x128xf32, #tpu.memory_space<vmem>>, vector<1x16xf32>,
      %swap3A_1227 = vector.shape_cast %swap3A_1226 : vector<1x16xf32> to vector<16xf32>
      %swap3A_1228 = vector.shape_cast %mul3A_1223 : vector<16xf32> to vector<1x16xf32>
      tpu.vector_store %arg8[%swap3A_1224, %swap3A_1225], %swap3A_1228 {strides = array<i32>} : memref<256x128xf32, #tpu.memory_space<vmem>>, vector<1x16xf32>,
      %get3A_1229 = arith.index_cast %add3A_1188 : i32 to index
      %get3A_1230 = arith.constant 64 : index
      %get3A_1231 = tpu.vector_load %arg8[%get3A_1229, %get3A_1230] {strides = array<i32>} : memref<256x128xf32, #tpu.memory_space<vmem>>, vector<1x16xf32>,
      %get3A_1232 = vector.shape_cast %get3A_1231 : vector<1x16xf32> to vector<16xf32>
      %mul3A_1233 = arith.mulf %get3A_1232, %broadcast_in_dim3A_1182 : vector<16xf32>
      %swap3A_1234 = arith.index_cast %add3A_1188 : i32 to index
      %swap3A_1235 = arith.constant 64 : index
      %swap3A_1236 = tpu.vector_load %arg8[%swap3A_1234, %swap3A_1235] {strides = array<i32>} : memref<256x128xf32, #tpu.memory_space<vmem>>, vector<1x16xf32>,
      %swap3A_1237 = vector.shape_cast %swap3A_1236 : vector<1x16xf32> to vector<16xf32>
      %swap3A_1238 = vector.shape_cast %mul3A_1233 : vector<16xf32> to vector<1x16xf32>
      tpu.vector_store %arg8[%swap3A_1234, %swap3A_1235], %swap3A_1238 {strides = array<i32>} : memref<256x128xf32, #tpu.memory_space<vmem>>, vector<1x16xf32>,
      %get3A_1239 = arith.index_cast %add3A_1188 : i32 to index
      %get3A_1240 = arith.constant 80 : index
      %get3A_1241 = tpu.vector_load %arg8[%get3A_1239, %get3A_1240] {strides = array<i32>} : memref<256x128xf32, #tpu.memory_space<vmem>>, vector<1x16xf32>,
      %get3A_1242 = vector.shape_cast %get3A_1241 : vector<1x16xf32> to vector<16xf32>
      %mul3A_1243 = arith.mulf %get3A_1242, %broadcast_in_dim3A_1182 : vector<16xf32>
      %swap3A_1244 = arith.index_cast %add3A_1188 : i32 to index
      %swap3A_1245 = arith.constant 80 : index
      %swap3A_1246 = tpu.vector_load %arg8[%swap3A_1244, %swap3A_1245] {strides = array<i32>} : memref<256x128xf32, #tpu.memory_space<vmem>>, vector<1x16xf32>,
      %swap3A_1247 = vector.shape_cast %swap3A_1246 : vector<1x16xf32> to vector<16xf32>
      %swap3A_1248 = vector.shape_cast %mul3A_1243 : vector<16xf32> to vector<1x16xf32>
      tpu.vector_store %arg8[%swap3A_1244, %swap3A_1245], %swap3A_1248 {strides = array<i32>} : memref<256x128xf32, #tpu.memory_space<vmem>>, vector<1x16xf32>,
      %get3A_1249 = arith.index_cast %add3A_1188 : i32 to index
      %get3A_1250 = arith.constant 96 : index
      %get3A_1251 = tpu.vector_load %arg8[%get3A_1249, %get3A_1250] {strides = array<i32>} : memref<256x128xf32, #tpu.memory_space<vmem>>, vector<1x16xf32>,
      %get3A_1252 = vector.shape_cast %get3A_1251 : vector<1x16xf32> to vector<16xf32>
      %mul3A_1253 = arith.mulf %get3A_1252, %broadcast_in_dim3A_1182 : vector<16xf32>
      %swap3A_1254 = arith.index_cast %add3A_1188 : i32 to index
      %swap3A_1255 = arith.constant 96 : index
      %swap3A_1256 = tpu.vector_load %arg8[%swap3A_1254, %swap3A_1255] {strides = array<i32>} : memref<256x128xf32, #tpu.memory_space<vmem>>, vector<1x16xf32>,
      %swap3A_1257 = vector.shape_cast %swap3A_1256 : vector<1x16xf32> to vector<16xf32>
      %swap3A_1258 = vector.shape_cast %mul3A_1253 : vector<16xf32> to vector<1x16xf32>
      tpu.vector_store %arg8[%swap3A_1254, %swap3A_1255], %swap3A_1258 {strides = array<i32>} : memref<256x128xf32, #tpu.memory_space<vmem>>, vector<1x16xf32>,
      %get3A_1259 = arith.index_cast %add3A_1188 : i32 to index
      %get3A_1260 = arith.constant 112 : index
      %get3A_1261 = tpu.vector_load %arg8[%get3A_1259, %get3A_1260] {strides = array<i32>} : memref<256x128xf32, #tpu.memory_space<vmem>>, vector<1x16xf32>,
      %get3A_1262 = vector.shape_cast %get3A_1261 : vector<1x16xf32> to vector<16xf32>
      %mul3A_1263 = arith.mulf %get3A_1262, %broadcast_in_dim3A_1182 : vector<16xf32>
      %swap3A_1264 = arith.index_cast %add3A_1188 : i32 to index
      %swap3A_1265 = arith.constant 112 : index
      %swap3A_1266 = tpu.vector_load %arg8[%swap3A_1264, %swap3A_1265] {strides = array<i32>} : memref<256x128xf32, #tpu.memory_space<vmem>>, vector<1x16xf32>,
      %swap3A_1267 = vector.shape_cast %swap3A_1266 : vector<1x16xf32> to vector<16xf32>
      %swap3A_1268 = vector.shape_cast %mul3A_1263 : vector<16xf32> to vector<1x16xf32>
      tpu.vector_store %arg8[%swap3A_1264, %swap3A_1265], %swap3A_1268 {strides = array<i32>} : memref<256x128xf32, #tpu.memory_space<vmem>>, vector<1x16xf32>,
      %slice3A_1269 = vector.extract_strided_slice %select_n3A {offsets = [3], sizes = [1], strides = [1]} : vector<16xf32> to vector<1xf32>
      %broadcast_in_dim3A_1270 = vector.shape_cast %slice3A_1269 : vector<1xf32> to vector<1xf32>
      %broadcast_in_dim3A_1271 = vector.broadcast %broadcast_in_dim3A_1270 : vector<1xf32> to vector<16xf32>
      %mul3A_1272 = arith.constant 16 : i32
      %mul3A_1273 = arith.muli %scan3A_988, %mul3A_1272 : i32
      %add3A_1274 = arith.constant 0 : i32
      %add3A_1275 = arith.addi %add3A_1274, %mul3A_1273 : i32
      %add3A_1276 = arith.constant 3 : i32
      %add3A_1277 = arith.addi %add3A_1275, %add3A_1276 : i32
      %get3A_1278 = arith.index_cast %add3A_1277 : i32 to index
      %get3A_1279 = arith.constant 0 : index
      %get3A_1280 = tpu.vector_load %arg8[%get3A_1278, %get3A_1279] {strides = array<i32>} : memref<256x128xf32, #tpu.memory_space<vmem>>, vector<1x16xf32>,
      %get3A_1281 = vector.shape_cast %get3A_1280 : vector<1x16xf32> to vector<16xf32>
      %mul3A_1282 = arith.mulf %get3A_1281, %broadcast_in_dim3A_1271 : vector<16xf32>
      %swap3A_1283 = arith.index_cast %add3A_1277 : i32 to index
      %swap3A_1284 = arith.constant 0 : index
      %swap3A_1285 = tpu.vector_load %arg8[%swap3A_1283, %swap3A_1284] {strides = array<i32>} : memref<256x128xf32, #tpu.memory_space<vmem>>, vector<1x16xf32>,
      %swap3A_1286 = vector.shape_cast %swap3A_1285 : vector<1x16xf32> to vector<16xf32>
      %swap3A_1287 = vector.shape_cast %mul3A_1282 : vector<16xf32> to vector<1x16xf32>
      tpu.vector_store %arg8[%swap3A_1283, %swap3A_1284], %swap3A_1287 {strides = array<i32>} : memref<256x128xf32, #tpu.memory_space<vmem>>, vector<1x16xf32>,
      %get3A_1288 = arith.index_cast %add3A_1277 : i32 to index
      %get3A_1289 = arith.constant 16 : index
      %get3A_1290 = tpu.vector_load %arg8[%get3A_1288, %get3A_1289] {strides = array<i32>} : memref<256x128xf32, #tpu.memory_space<vmem>>, vector<1x16xf32>,
      %get3A_1291 = vector.shape_cast %get3A_1290 : vector<1x16xf32> to vector<16xf32>
      %mul3A_1292 = arith.mulf %get3A_1291, %broadcast_in_dim3A_1271 : vector<16xf32>
      %swap3A_1293 = arith.index_cast %add3A_1277 : i32 to index
      %swap3A_1294 = arith.constant 16 : index
      %swap3A_1295 = tpu.vector_load %arg8[%swap3A_1293, %swap3A_1294] {strides = array<i32>} : memref<256x128xf32, #tpu.memory_space<vmem>>, vector<1x16xf32>,
      %swap3A_1296 = vector.shape_cast %swap3A_1295 : vector<1x16xf32> to vector<16xf32>
      %swap3A_1297 = vector.shape_cast %mul3A_1292 : vector<16xf32> to vector<1x16xf32>
      tpu.vector_store %arg8[%swap3A_1293, %swap3A_1294], %swap3A_1297 {strides = array<i32>} : memref<256x128xf32, #tpu.memory_space<vmem>>, vector<1x16xf32>,
      %get3A_1298 = arith.index_cast %add3A_1277 : i32 to index
      %get3A_1299 = arith.constant 32 : index
      %get3A_1300 = tpu.vector_load %arg8[%get3A_1298, %get3A_1299] {strides = array<i32>} : memref<256x128xf32, #tpu.memory_space<vmem>>, vector<1x16xf32>,
      %get3A_1301 = vector.shape_cast %get3A_1300 : vector<1x16xf32> to vector<16xf32>
      %mul3A_1302 = arith.mulf %get3A_1301, %broadcast_in_dim3A_1271 : vector<16xf32>
      %swap3A_1303 = arith.index_cast %add3A_1277 : i32 to index
      %swap3A_1304 = arith.constant 32 : index
      %swap3A_1305 = tpu.vector_load %arg8[%swap3A_1303, %swap3A_1304] {strides = array<i32>} : memref<256x128xf32, #tpu.memory_space<vmem>>, vector<1x16xf32>,
      %swap3A_1306 = vector.shape_cast %swap3A_1305 : vector<1x16xf32> to vector<16xf32>
      %swap3A_1307 = vector.shape_cast %mul3A_1302 : vector<16xf32> to vector<1x16xf32>
      tpu.vector_store %arg8[%swap3A_1303, %swap3A_1304], %swap3A_1307 {strides = array<i32>} : memref<256x128xf32, #tpu.memory_space<vmem>>, vector<1x16xf32>,
      %get3A_1308 = arith.index_cast %add3A_1277 : i32 to index
      %get3A_1309 = arith.constant 48 : index
      %get3A_1310 = tpu.vector_load %arg8[%get3A_1308, %get3A_1309] {strides = array<i32>} : memref<256x128xf32, #tpu.memory_space<vmem>>, vector<1x16xf32>,
      %get3A_1311 = vector.shape_cast %get3A_1310 : vector<1x16xf32> to vector<16xf32>
      %mul3A_1312 = arith.mulf %get3A_1311, %broadcast_in_dim3A_1271 : vector<16xf32>
      %swap3A_1313 = arith.index_cast %add3A_1277 : i32 to index
      %swap3A_1314 = arith.constant 48 : index
      %swap3A_1315 = tpu.vector_load %arg8[%swap3A_1313, %swap3A_1314] {strides = array<i32>} : memref<256x128xf32, #tpu.memory_space<vmem>>, vector<1x16xf32>,
      %swap3A_1316 = vector.shape_cast %swap3A_1315 : vector<1x16xf32> to vector<16xf32>
      %swap3A_1317 = vector.shape_cast %mul3A_1312 : vector<16xf32> to vector<1x16xf32>
      tpu.vector_store %arg8[%swap3A_1313, %swap3A_1314], %swap3A_1317 {strides = array<i32>} : memref<256x128xf32, #tpu.memory_space<vmem>>, vector<1x16xf32>,
      %get3A_1318 = arith.index_cast %add3A_1277 : i32 to index
      %get3A_1319 = arith.constant 64 : index
      %get3A_1320 = tpu.vector_load %arg8[%get3A_1318, %get3A_1319] {strides = array<i32>} : memref<256x128xf32, #tpu.memory_space<vmem>>, vector<1x16xf32>,
      %get3A_1321 = vector.shape_cast %get3A_1320 : vector<1x16xf32> to vector<16xf32>
      %mul3A_1322 = arith.mulf %get3A_1321, %broadcast_in_dim3A_1271 : vector<16xf32>
      %swap3A_1323 = arith.index_cast %add3A_1277 : i32 to index
      %swap3A_1324 = arith.constant 64 : index
      %swap3A_1325 = tpu.vector_load %arg8[%swap3A_1323, %swap3A_1324] {strides = array<i32>} : memref<256x128xf32, #tpu.memory_space<vmem>>, vector<1x16xf32>,
      %swap3A_1326 = vector.shape_cast %swap3A_1325 : vector<1x16xf32> to vector<16xf32>
      %swap3A_1327 = vector.shape_cast %mul3A_1322 : vector<16xf32> to vector<1x16xf32>
      tpu.vector_store %arg8[%swap3A_1323, %swap3A_1324], %swap3A_1327 {strides = array<i32>} : memref<256x128xf32, #tpu.memory_space<vmem>>, vector<1x16xf32>,
      %get3A_1328 = arith.index_cast %add3A_1277 : i32 to index
      %get3A_1329 = arith.constant 80 : index
      %get3A_1330 = tpu.vector_load %arg8[%get3A_1328, %get3A_1329] {strides = array<i32>} : memref<256x128xf32, #tpu.memory_space<vmem>>, vector<1x16xf32>,
      %get3A_1331 = vector.shape_cast %get3A_1330 : vector<1x16xf32> to vector<16xf32>
      %mul3A_1332 = arith.mulf %get3A_1331, %broadcast_in_dim3A_1271 : vector<16xf32>
      %swap3A_1333 = arith.index_cast %add3A_1277 : i32 to index
      %swap3A_1334 = arith.constant 80 : index
      %swap3A_1335 = tpu.vector_load %arg8[%swap3A_1333, %swap3A_1334] {strides = array<i32>} : memref<256x128xf32, #tpu.memory_space<vmem>>, vector<1x16xf32>,
      %swap3A_1336 = vector.shape_cast %swap3A_1335 : vector<1x16xf32> to vector<16xf32>
      %swap3A_1337 = vector.shape_cast %mul3A_1332 : vector<16xf32> to vector<1x16xf32>
      tpu.vector_store %arg8[%swap3A_1333, %swap3A_1334], %swap3A_1337 {strides = array<i32>} : memref<256x128xf32, #tpu.memory_space<vmem>>, vector<1x16xf32>,
      %get3A_1338 = arith.index_cast %add3A_1277 : i32 to index
      %get3A_1339 = arith.constant 96 : index
      %get3A_1340 = tpu.vector_load %arg8[%get3A_1338, %get3A_1339] {strides = array<i32>} : memref<256x128xf32, #tpu.memory_space<vmem>>, vector<1x16xf32>,
      %get3A_1341 = vector.shape_cast %get3A_1340 : vector<1x16xf32> to vector<16xf32>
      %mul3A_1342 = arith.mulf %get3A_1341, %broadcast_in_dim3A_1271 : vector<16xf32>
      %swap3A_1343 = arith.index_cast %add3A_1277 : i32 to index
      %swap3A_1344 = arith.constant 96 : index
      %swap3A_1345 = tpu.vector_load %arg8[%swap3A_1343, %swap3A_1344] {strides = array<i32>} : memref<256x128xf32, #tpu.memory_space<vmem>>, vector<1x16xf32>,
      %swap3A_1346 = vector.shape_cast %swap3A_1345 : vector<1x16xf32> to vector<16xf32>
      %swap3A_1347 = vector.shape_cast %mul3A_1342 : vector<16xf32> to vector<1x16xf32>
      tpu.vector_store %arg8[%swap3A_1343, %swap3A_1344], %swap3A_1347 {strides = array<i32>} : memref<256x128xf32, #tpu.memory_space<vmem>>, vector<1x16xf32>,
      %get3A_1348 = arith.index_cast %add3A_1277 : i32 to index
      %get3A_1349 = arith.constant 112 : index
      %get3A_1350 = tpu.vector_load %arg8[%get3A_1348, %get3A_1349] {strides = array<i32>} : memref<256x128xf32, #tpu.memory_space<vmem>>, vector<1x16xf32>,
      %get3A_1351 = vector.shape_cast %get3A_1350 : vector<1x16xf32> to vector<16xf32>
      %mul3A_1352 = arith.mulf %get3A_1351, %broadcast_in_dim3A_1271 : vector<16xf32>
      %swap3A_1353 = arith.index_cast %add3A_1277 : i32 to index
      %swap3A_1354 = arith.constant 112 : index
      %swap3A_1355 = tpu.vector_load %arg8[%swap3A_1353, %swap3A_1354] {strides = array<i32>} : memref<256x128xf32, #tpu.memory_space<vmem>>, vector<1x16xf32>,
      %swap3A_1356 = vector.shape_cast %swap3A_1355 : vector<1x16xf32> to vector<16xf32>
      %swap3A_1357 = vector.shape_cast %mul3A_1352 : vector<16xf32> to vector<1x16xf32>
      tpu.vector_store %arg8[%swap3A_1353, %swap3A_1354], %swap3A_1357 {strides = array<i32>} : memref<256x128xf32, #tpu.memory_space<vmem>>, vector<1x16xf32>,
      %slice3A_1358 = vector.extract_strided_slice %select_n3A {offsets = [4], sizes = [1], strides = [1]} : vector<16xf32> to vector<1xf32>
      %broadcast_in_dim3A_1359 = vector.shape_cast %slice3A_1358 : vector<1xf32> to vector<1xf32>
      %broadcast_in_dim3A_1360 = vector.broadcast %broadcast_in_dim3A_1359 : vector<1xf32> to vector<16xf32>
      %mul3A_1361 = arith.constant 16 : i32
      %mul3A_1362 = arith.muli %scan3A_988, %mul3A_1361 : i32
      %add3A_1363 = arith.constant 0 : i32
      %add3A_1364 = arith.addi %add3A_1363, %mul3A_1362 : i32
      %add3A_1365 = arith.constant 4 : i32
      %add3A_1366 = arith.addi %add3A_1364, %add3A_1365 : i32
      %get3A_1367 = arith.index_cast %add3A_1366 : i32 to index
      %get3A_1368 = arith.constant 0 : index
      %get3A_1369 = tpu.vector_load %arg8[%get3A_1367, %get3A_1368] {strides = array<i32>} : memref<256x128xf32, #tpu.memory_space<vmem>>, vector<1x16xf32>,
      %get3A_1370 = vector.shape_cast %get3A_1369 : vector<1x16xf32> to vector<16xf32>
      %mul3A_1371 = arith.mulf %get3A_1370, %broadcast_in_dim3A_1360 : vector<16xf32>
      %swap3A_1372 = arith.index_cast %add3A_1366 : i32 to index
      %swap3A_1373 = arith.constant 0 : index
      %swap3A_1374 = tpu.vector_load %arg8[%swap3A_1372, %swap3A_1373] {strides = array<i32>} : memref<256x128xf32, #tpu.memory_space<vmem>>, vector<1x16xf32>,
      %swap3A_1375 = vector.shape_cast %swap3A_1374 : vector<1x16xf32> to vector<16xf32>
      %swap3A_1376 = vector.shape_cast %mul3A_1371 : vector<16xf32> to vector<1x16xf32>
      tpu.vector_store %arg8[%swap3A_1372, %swap3A_1373], %swap3A_1376 {strides = array<i32>} : memref<256x128xf32, #tpu.memory_space<vmem>>, vector<1x16xf32>,
      %get3A_1377 = arith.index_cast %add3A_1366 : i32 to index
      %get3A_1378 = arith.constant 16 : index
      %get3A_1379 = tpu.vector_load %arg8[%get3A_1377, %get3A_1378] {strides = array<i32>} : memref<256x128xf32, #tpu.memory_space<vmem>>, vector<1x16xf32>,
      %get3A_1380 = vector.shape_cast %get3A_1379 : vector<1x16xf32> to vector<16xf32>
      %mul3A_1381 = arith.mulf %get3A_1380, %broadcast_in_dim3A_1360 : vector<16xf32>
      %swap3A_1382 = arith.index_cast %add3A_1366 : i32 to index
      %swap3A_1383 = arith.constant 16 : index
      %swap3A_1384 = tpu.vector_load %arg8[%swap3A_1382, %swap3A_1383] {strides = array<i32>} : memref<256x128xf32, #tpu.memory_space<vmem>>, vector<1x16xf32>,
      %swap3A_1385 = vector.shape_cast %swap3A_1384 : vector<1x16xf32> to vector<16xf32>
      %swap3A_1386 = vector.shape_cast %mul3A_1381 : vector<16xf32> to vector<1x16xf32>
      tpu.vector_store %arg8[%swap3A_1382, %swap3A_1383], %swap3A_1386 {strides = array<i32>} : memref<256x128xf32, #tpu.memory_space<vmem>>, vector<1x16xf32>,
      %get3A_1387 = arith.index_cast %add3A_1366 : i32 to index
      %get3A_1388 = arith.constant 32 : index
      %get3A_1389 = tpu.vector_load %arg8[%get3A_1387, %get3A_1388] {strides = array<i32>} : memref<256x128xf32, #tpu.memory_space<vmem>>, vector<1x16xf32>,
      %get3A_1390 = vector.shape_cast %get3A_1389 : vector<1x16xf32> to vector<16xf32>
      %mul3A_1391 = arith.mulf %get3A_1390, %broadcast_in_dim3A_1360 : vector<16xf32>
      %swap3A_1392 = arith.index_cast %add3A_1366 : i32 to index
      %swap3A_1393 = arith.constant 32 : index
      %swap3A_1394 = tpu.vector_load %arg8[%swap3A_1392, %swap3A_1393] {strides = array<i32>} : memref<256x128xf32, #tpu.memory_space<vmem>>, vector<1x16xf32>,
      %swap3A_1395 = vector.shape_cast %swap3A_1394 : vector<1x16xf32> to vector<16xf32>
      %swap3A_1396 = vector.shape_cast %mul3A_1391 : vector<16xf32> to vector<1x16xf32>
      tpu.vector_store %arg8[%swap3A_1392, %swap3A_1393], %swap3A_1396 {strides = array<i32>} : memref<256x128xf32, #tpu.memory_space<vmem>>, vector<1x16xf32>,
      %get3A_1397 = arith.index_cast %add3A_1366 : i32 to index
      %get3A_1398 = arith.constant 48 : index
      %get3A_1399 = tpu.vector_load %arg8[%get3A_1397, %get3A_1398] {strides = array<i32>} : memref<256x128xf32, #tpu.memory_space<vmem>>, vector<1x16xf32>,
      %get3A_1400 = vector.shape_cast %get3A_1399 : vector<1x16xf32> to vector<16xf32>
      %mul3A_1401 = arith.mulf %get3A_1400, %broadcast_in_dim3A_1360 : vector<16xf32>
      %swap3A_1402 = arith.index_cast %add3A_1366 : i32 to index
      %swap3A_1403 = arith.constant 48 : index
      %swap3A_1404 = tpu.vector_load %arg8[%swap3A_1402, %swap3A_1403] {strides = array<i32>} : memref<256x128xf32, #tpu.memory_space<vmem>>, vector<1x16xf32>,
      %swap3A_1405 = vector.shape_cast %swap3A_1404 : vector<1x16xf32> to vector<16xf32>
      %swap3A_1406 = vector.shape_cast %mul3A_1401 : vector<16xf32> to vector<1x16xf32>
      tpu.vector_store %arg8[%swap3A_1402, %swap3A_1403], %swap3A_1406 {strides = array<i32>} : memref<256x128xf32, #tpu.memory_space<vmem>>, vector<1x16xf32>,
      %get3A_1407 = arith.index_cast %add3A_1366 : i32 to index
      %get3A_1408 = arith.constant 64 : index
      %get3A_1409 = tpu.vector_load %arg8[%get3A_1407, %get3A_1408] {strides = array<i32>} : memref<256x128xf32, #tpu.memory_space<vmem>>, vector<1x16xf32>,
      %get3A_1410 = vector.shape_cast %get3A_1409 : vector<1x16xf32> to vector<16xf32>
      %mul3A_1411 = arith.mulf %get3A_1410, %broadcast_in_dim3A_1360 : vector<16xf32>
      %swap3A_1412 = arith.index_cast %add3A_1366 : i32 to index
      %swap3A_1413 = arith.constant 64 : index
      %swap3A_1414 = tpu.vector_load %arg8[%swap3A_1412, %swap3A_1413] {strides = array<i32>} : memref<256x128xf32, #tpu.memory_space<vmem>>, vector<1x16xf32>,
      %swap3A_1415 = vector.shape_cast %swap3A_1414 : vector<1x16xf32> to vector<16xf32>
      %swap3A_1416 = vector.shape_cast %mul3A_1411 : vector<16xf32> to vector<1x16xf32>
      tpu.vector_store %arg8[%swap3A_1412, %swap3A_1413], %swap3A_1416 {strides = array<i32>} : memref<256x128xf32, #tpu.memory_space<vmem>>, vector<1x16xf32>,
      %get3A_1417 = arith.index_cast %add3A_1366 : i32 to index
      %get3A_1418 = arith.constant 80 : index
      %get3A_1419 = tpu.vector_load %arg8[%get3A_1417, %get3A_1418] {strides = array<i32>} : memref<256x128xf32, #tpu.memory_space<vmem>>, vector<1x16xf32>,
      %get3A_1420 = vector.shape_cast %get3A_1419 : vector<1x16xf32> to vector<16xf32>
      %mul3A_1421 = arith.mulf %get3A_1420, %broadcast_in_dim3A_1360 : vector<16xf32>
      %swap3A_1422 = arith.index_cast %add3A_1366 : i32 to index
      %swap3A_1423 = arith.constant 80 : index
      %swap3A_1424 = tpu.vector_load %arg8[%swap3A_1422, %swap3A_1423] {strides = array<i32>} : memref<256x128xf32, #tpu.memory_space<vmem>>, vector<1x16xf32>,
      %swap3A_1425 = vector.shape_cast %swap3A_1424 : vector<1x16xf32> to vector<16xf32>
      %swap3A_1426 = vector.shape_cast %mul3A_1421 : vector<16xf32> to vector<1x16xf32>
      tpu.vector_store %arg8[%swap3A_1422, %swap3A_1423], %swap3A_1426 {strides = array<i32>} : memref<256x128xf32, #tpu.memory_space<vmem>>, vector<1x16xf32>,
      %get3A_1427 = arith.index_cast %add3A_1366 : i32 to index
      %get3A_1428 = arith.constant 96 : index
      %get3A_1429 = tpu.vector_load %arg8[%get3A_1427, %get3A_1428] {strides = array<i32>} : memref<256x128xf32, #tpu.memory_space<vmem>>, vector<1x16xf32>,
      %get3A_1430 = vector.shape_cast %get3A_1429 : vector<1x16xf32> to vector<16xf32>
      %mul3A_1431 = arith.mulf %get3A_1430, %broadcast_in_dim3A_1360 : vector<16xf32>
      %swap3A_1432 = arith.index_cast %add3A_1366 : i32 to index
      %swap3A_1433 = arith.constant 96 : index
      %swap3A_1434 = tpu.vector_load %arg8[%swap3A_1432, %swap3A_1433] {strides = array<i32>} : memref<256x128xf32, #tpu.memory_space<vmem>>, vector<1x16xf32>,
      %swap3A_1435 = vector.shape_cast %swap3A_1434 : vector<1x16xf32> to vector<16xf32>
      %swap3A_1436 = vector.shape_cast %mul3A_1431 : vector<16xf32> to vector<1x16xf32>
      tpu.vector_store %arg8[%swap3A_1432, %swap3A_1433], %swap3A_1436 {strides = array<i32>} : memref<256x128xf32, #tpu.memory_space<vmem>>, vector<1x16xf32>,
      %get3A_1437 = arith.index_cast %add3A_1366 : i32 to index
      %get3A_1438 = arith.constant 112 : index
      %get3A_1439 = tpu.vector_load %arg8[%get3A_1437, %get3A_1438] {strides = array<i32>} : memref<256x128xf32, #tpu.memory_space<vmem>>, vector<1x16xf32>,
      %get3A_1440 = vector.shape_cast %get3A_1439 : vector<1x16xf32> to vector<16xf32>
      %mul3A_1441 = arith.mulf %get3A_1440, %broadcast_in_dim3A_1360 : vector<16xf32>
      %swap3A_1442 = arith.index_cast %add3A_1366 : i32 to index
      %swap3A_1443 = arith.constant 112 : index
      %swap3A_1444 = tpu.vector_load %arg8[%swap3A_1442, %swap3A_1443] {strides = array<i32>} : memref<256x128xf32, #tpu.memory_space<vmem>>, vector<1x16xf32>,
      %swap3A_1445 = vector.shape_cast %swap3A_1444 : vector<1x16xf32> to vector<16xf32>
      %swap3A_1446 = vector.shape_cast %mul3A_1441 : vector<16xf32> to vector<1x16xf32>
      tpu.vector_store %arg8[%swap3A_1442, %swap3A_1443], %swap3A_1446 {strides = array<i32>} : memref<256x128xf32, #tpu.memory_space<vmem>>, vector<1x16xf32>,
      %slice3A_1447 = vector.extract_strided_slice %select_n3A {offsets = [5], sizes = [1], strides = [1]} : vector<16xf32> to vector<1xf32>
      %broadcast_in_dim3A_1448 = vector.shape_cast %slice3A_1447 : vector<1xf32> to vector<1xf32>
      %broadcast_in_dim3A_1449 = vector.broadcast %broadcast_in_dim3A_1448 : vector<1xf32> to vector<16xf32>
      %mul3A_1450 = arith.constant 16 : i32
      %mul3A_1451 = arith.muli %scan3A_988, %mul3A_1450 : i32
      %add3A_1452 = arith.constant 0 : i32
      %add3A_1453 = arith.addi %add3A_1452, %mul3A_1451 : i32
      %add3A_1454 = arith.constant 5 : i32
      %add3A_1455 = arith.addi %add3A_1453, %add3A_1454 : i32
      %get3A_1456 = arith.index_cast %add3A_1455 : i32 to index
      %get3A_1457 = arith.constant 0 : index
      %get3A_1458 = tpu.vector_load %arg8[%get3A_1456, %get3A_1457] {strides = array<i32>} : memref<256x128xf32, #tpu.memory_space<vmem>>, vector<1x16xf32>,
      %get3A_1459 = vector.shape_cast %get3A_1458 : vector<1x16xf32> to vector<16xf32>
      %mul3A_1460 = arith.mulf %get3A_1459, %broadcast_in_dim3A_1449 : vector<16xf32>
      %swap3A_1461 = arith.index_cast %add3A_1455 : i32 to index
      %swap3A_1462 = arith.constant 0 : index
      %swap3A_1463 = tpu.vector_load %arg8[%swap3A_1461, %swap3A_1462] {strides = array<i32>} : memref<256x128xf32, #tpu.memory_space<vmem>>, vector<1x16xf32>,
      %swap3A_1464 = vector.shape_cast %swap3A_1463 : vector<1x16xf32> to vector<16xf32>
      %swap3A_1465 = vector.shape_cast %mul3A_1460 : vector<16xf32> to vector<1x16xf32>
      tpu.vector_store %arg8[%swap3A_1461, %swap3A_1462], %swap3A_1465 {strides = array<i32>} : memref<256x128xf32, #tpu.memory_space<vmem>>, vector<1x16xf32>,
      %get3A_1466 = arith.index_cast %add3A_1455 : i32 to index
      %get3A_1467 = arith.constant 16 : index
      %get3A_1468 = tpu.vector_load %arg8[%get3A_1466, %get3A_1467] {strides = array<i32>} : memref<256x128xf32, #tpu.memory_space<vmem>>, vector<1x16xf32>,
      %get3A_1469 = vector.shape_cast %get3A_1468 : vector<1x16xf32> to vector<16xf32>
      %mul3A_1470 = arith.mulf %get3A_1469, %broadcast_in_dim3A_1449 : vector<16xf32>
      %swap3A_1471 = arith.index_cast %add3A_1455 : i32 to index
      %swap3A_1472 = arith.constant 16 : index
      %swap3A_1473 = tpu.vector_load %arg8[%swap3A_1471, %swap3A_1472] {strides = array<i32>} : memref<256x128xf32, #tpu.memory_space<vmem>>, vector<1x16xf32>,
      %swap3A_1474 = vector.shape_cast %swap3A_1473 : vector<1x16xf32> to vector<16xf32>
      %swap3A_1475 = vector.shape_cast %mul3A_1470 : vector<16xf32> to vector<1x16xf32>
      tpu.vector_store %arg8[%swap3A_1471, %swap3A_1472], %swap3A_1475 {strides = array<i32>} : memref<256x128xf32, #tpu.memory_space<vmem>>, vector<1x16xf32>,
      %get3A_1476 = arith.index_cast %add3A_1455 : i32 to index
      %get3A_1477 = arith.constant 32 : index
      %get3A_1478 = tpu.vector_load %arg8[%get3A_1476, %get3A_1477] {strides = array<i32>} : memref<256x128xf32, #tpu.memory_space<vmem>>, vector<1x16xf32>,
      %get3A_1479 = vector.shape_cast %get3A_1478 : vector<1x16xf32> to vector<16xf32>
      %mul3A_1480 = arith.mulf %get3A_1479, %broadcast_in_dim3A_1449 : vector<16xf32>
      %swap3A_1481 = arith.index_cast %add3A_1455 : i32 to index
      %swap3A_1482 = arith.constant 32 : index
      %swap3A_1483 = tpu.vector_load %arg8[%swap3A_1481, %swap3A_1482] {strides = array<i32>} : memref<256x128xf32, #tpu.memory_space<vmem>>, vector<1x16xf32>,
      %swap3A_1484 = vector.shape_cast %swap3A_1483 : vector<1x16xf32> to vector<16xf32>
      %swap3A_1485 = vector.shape_cast %mul3A_1480 : vector<16xf32> to vector<1x16xf32>
      tpu.vector_store %arg8[%swap3A_1481, %swap3A_1482], %swap3A_1485 {strides = array<i32>} : memref<256x128xf32, #tpu.memory_space<vmem>>, vector<1x16xf32>,
      %get3A_1486 = arith.index_cast %add3A_1455 : i32 to index
      %get3A_1487 = arith.constant 48 : index
      %get3A_1488 = tpu.vector_load %arg8[%get3A_1486, %get3A_1487] {strides = array<i32>} : memref<256x128xf32, #tpu.memory_space<vmem>>, vector<1x16xf32>,
      %get3A_1489 = vector.shape_cast %get3A_1488 : vector<1x16xf32> to vector<16xf32>
      %mul3A_1490 = arith.mulf %get3A_1489, %broadcast_in_dim3A_1449 : vector<16xf32>
      %swap3A_1491 = arith.index_cast %add3A_1455 : i32 to index
      %swap3A_1492 = arith.constant 48 : index
      %swap3A_1493 = tpu.vector_load %arg8[%swap3A_1491, %swap3A_1492] {strides = array<i32>} : memref<256x128xf32, #tpu.memory_space<vmem>>, vector<1x16xf32>,
      %swap3A_1494 = vector.shape_cast %swap3A_1493 : vector<1x16xf32> to vector<16xf32>
      %swap3A_1495 = vector.shape_cast %mul3A_1490 : vector<16xf32> to vector<1x16xf32>
      tpu.vector_store %arg8[%swap3A_1491, %swap3A_1492], %swap3A_1495 {strides = array<i32>} : memref<256x128xf32, #tpu.memory_space<vmem>>, vector<1x16xf32>,
      %get3A_1496 = arith.index_cast %add3A_1455 : i32 to index
      %get3A_1497 = arith.constant 64 : index
      %get3A_1498 = tpu.vector_load %arg8[%get3A_1496, %get3A_1497] {strides = array<i32>} : memref<256x128xf32, #tpu.memory_space<vmem>>, vector<1x16xf32>,
      %get3A_1499 = vector.shape_cast %get3A_1498 : vector<1x16xf32> to vector<16xf32>
      %mul3A_1500 = arith.mulf %get3A_1499, %broadcast_in_dim3A_1449 : vector<16xf32>
      %swap3A_1501 = arith.index_cast %add3A_1455 : i32 to index
      %swap3A_1502 = arith.constant 64 : index
      %swap3A_1503 = tpu.vector_load %arg8[%swap3A_1501, %swap3A_1502] {strides = array<i32>} : memref<256x128xf32, #tpu.memory_space<vmem>>, vector<1x16xf32>,
      %swap3A_1504 = vector.shape_cast %swap3A_1503 : vector<1x16xf32> to vector<16xf32>
      %swap3A_1505 = vector.shape_cast %mul3A_1500 : vector<16xf32> to vector<1x16xf32>
      tpu.vector_store %arg8[%swap3A_1501, %swap3A_1502], %swap3A_1505 {strides = array<i32>} : memref<256x128xf32, #tpu.memory_space<vmem>>, vector<1x16xf32>,
      %get3A_1506 = arith.index_cast %add3A_1455 : i32 to index
      %get3A_1507 = arith.constant 80 : index
      %get3A_1508 = tpu.vector_load %arg8[%get3A_1506, %get3A_1507] {strides = array<i32>} : memref<256x128xf32, #tpu.memory_space<vmem>>, vector<1x16xf32>,
      %get3A_1509 = vector.shape_cast %get3A_1508 : vector<1x16xf32> to vector<16xf32>
      %mul3A_1510 = arith.mulf %get3A_1509, %broadcast_in_dim3A_1449 : vector<16xf32>
      %swap3A_1511 = arith.index_cast %add3A_1455 : i32 to index
      %swap3A_1512 = arith.constant 80 : index
      %swap3A_1513 = tpu.vector_load %arg8[%swap3A_1511, %swap3A_1512] {strides = array<i32>} : memref<256x128xf32, #tpu.memory_space<vmem>>, vector<1x16xf32>,
      %swap3A_1514 = vector.shape_cast %swap3A_1513 : vector<1x16xf32> to vector<16xf32>
      %swap3A_1515 = vector.shape_cast %mul3A_1510 : vector<16xf32> to vector<1x16xf32>
      tpu.vector_store %arg8[%swap3A_1511, %swap3A_1512], %swap3A_1515 {strides = array<i32>} : memref<256x128xf32, #tpu.memory_space<vmem>>, vector<1x16xf32>,
      %get3A_1516 = arith.index_cast %add3A_1455 : i32 to index
      %get3A_1517 = arith.constant 96 : index
      %get3A_1518 = tpu.vector_load %arg8[%get3A_1516, %get3A_1517] {strides = array<i32>} : memref<256x128xf32, #tpu.memory_space<vmem>>, vector<1x16xf32>,
      %get3A_1519 = vector.shape_cast %get3A_1518 : vector<1x16xf32> to vector<16xf32>
      %mul3A_1520 = arith.mulf %get3A_1519, %broadcast_in_dim3A_1449 : vector<16xf32>
      %swap3A_1521 = arith.index_cast %add3A_1455 : i32 to index
      %swap3A_1522 = arith.constant 96 : index
      %swap3A_1523 = tpu.vector_load %arg8[%swap3A_1521, %swap3A_1522] {strides = array<i32>} : memref<256x128xf32, #tpu.memory_space<vmem>>, vector<1x16xf32>,
      %swap3A_1524 = vector.shape_cast %swap3A_1523 : vector<1x16xf32> to vector<16xf32>
      %swap3A_1525 = vector.shape_cast %mul3A_1520 : vector<16xf32> to vector<1x16xf32>
      tpu.vector_store %arg8[%swap3A_1521, %swap3A_1522], %swap3A_1525 {strides = array<i32>} : memref<256x128xf32, #tpu.memory_space<vmem>>, vector<1x16xf32>,
      %get3A_1526 = arith.index_cast %add3A_1455 : i32 to index
      %get3A_1527 = arith.constant 112 : index
      %get3A_1528 = tpu.vector_load %arg8[%get3A_1526, %get3A_1527] {strides = array<i32>} : memref<256x128xf32, #tpu.memory_space<vmem>>, vector<1x16xf32>,
      %get3A_1529 = vector.shape_cast %get3A_1528 : vector<1x16xf32> to vector<16xf32>
      %mul3A_1530 = arith.mulf %get3A_1529, %broadcast_in_dim3A_1449 : vector<16xf32>
      %swap3A_1531 = arith.index_cast %add3A_1455 : i32 to index
      %swap3A_1532 = arith.constant 112 : index
      %swap3A_1533 = tpu.vector_load %arg8[%swap3A_1531, %swap3A_1532] {strides = array<i32>} : memref<256x128xf32, #tpu.memory_space<vmem>>, vector<1x16xf32>,
      %swap3A_1534 = vector.shape_cast %swap3A_1533 : vector<1x16xf32> to vector<16xf32>
      %swap3A_1535 = vector.shape_cast %mul3A_1530 : vector<16xf32> to vector<1x16xf32>
      tpu.vector_store %arg8[%swap3A_1531, %swap3A_1532], %swap3A_1535 {strides = array<i32>} : memref<256x128xf32, #tpu.memory_space<vmem>>, vector<1x16xf32>,
      %slice3A_1536 = vector.extract_strided_slice %select_n3A {offsets = [6], sizes = [1], strides = [1]} : vector<16xf32> to vector<1xf32>
      %broadcast_in_dim3A_1537 = vector.shape_cast %slice3A_1536 : vector<1xf32> to vector<1xf32>
      %broadcast_in_dim3A_1538 = vector.broadcast %broadcast_in_dim3A_1537 : vector<1xf32> to vector<16xf32>
      %mul3A_1539 = arith.constant 16 : i32
      %mul3A_1540 = arith.muli %scan3A_988, %mul3A_1539 : i32
      %add3A_1541 = arith.constant 0 : i32
      %add3A_1542 = arith.addi %add3A_1541, %mul3A_1540 : i32
      %add3A_1543 = arith.constant 6 : i32
      %add3A_1544 = arith.addi %add3A_1542, %add3A_1543 : i32
      %get3A_1545 = arith.index_cast %add3A_1544 : i32 to index
      %get3A_1546 = arith.constant 0 : index
      %get3A_1547 = tpu.vector_load %arg8[%get3A_1545, %get3A_1546] {strides = array<i32>} : memref<256x128xf32, #tpu.memory_space<vmem>>, vector<1x16xf32>,
      %get3A_1548 = vector.shape_cast %get3A_1547 : vector<1x16xf32> to vector<16xf32>
      %mul3A_1549 = arith.mulf %get3A_1548, %broadcast_in_dim3A_1538 : vector<16xf32>
      %swap3A_1550 = arith.index_cast %add3A_1544 : i32 to index
      %swap3A_1551 = arith.constant 0 : index
      %swap3A_1552 = tpu.vector_load %arg8[%swap3A_1550, %swap3A_1551] {strides = array<i32>} : memref<256x128xf32, #tpu.memory_space<vmem>>, vector<1x16xf32>,
      %swap3A_1553 = vector.shape_cast %swap3A_1552 : vector<1x16xf32> to vector<16xf32>
      %swap3A_1554 = vector.shape_cast %mul3A_1549 : vector<16xf32> to vector<1x16xf32>
      tpu.vector_store %arg8[%swap3A_1550, %swap3A_1551], %swap3A_1554 {strides = array<i32>} : memref<256x128xf32, #tpu.memory_space<vmem>>, vector<1x16xf32>,
      %get3A_1555 = arith.index_cast %add3A_1544 : i32 to index
      %get3A_1556 = arith.constant 16 : index
      %get3A_1557 = tpu.vector_load %arg8[%get3A_1555, %get3A_1556] {strides = array<i32>} : memref<256x128xf32, #tpu.memory_space<vmem>>, vector<1x16xf32>,
      %get3A_1558 = vector.shape_cast %get3A_1557 : vector<1x16xf32> to vector<16xf32>
      %mul3A_1559 = arith.mulf %get3A_1558, %broadcast_in_dim3A_1538 : vector<16xf32>
      %swap3A_1560 = arith.index_cast %add3A_1544 : i32 to index
      %swap3A_1561 = arith.constant 16 : index
      %swap3A_1562 = tpu.vector_load %arg8[%swap3A_1560, %swap3A_1561] {strides = array<i32>} : memref<256x128xf32, #tpu.memory_space<vmem>>, vector<1x16xf32>,
      %swap3A_1563 = vector.shape_cast %swap3A_1562 : vector<1x16xf32> to vector<16xf32>
      %swap3A_1564 = vector.shape_cast %mul3A_1559 : vector<16xf32> to vector<1x16xf32>
      tpu.vector_store %arg8[%swap3A_1560, %swap3A_1561], %swap3A_1564 {strides = array<i32>} : memref<256x128xf32, #tpu.memory_space<vmem>>, vector<1x16xf32>,
      %get3A_1565 = arith.index_cast %add3A_1544 : i32 to index
      %get3A_1566 = arith.constant 32 : index
      %get3A_1567 = tpu.vector_load %arg8[%get3A_1565, %get3A_1566] {strides = array<i32>} : memref<256x128xf32, #tpu.memory_space<vmem>>, vector<1x16xf32>,
      %get3A_1568 = vector.shape_cast %get3A_1567 : vector<1x16xf32> to vector<16xf32>
      %mul3A_1569 = arith.mulf %get3A_1568, %broadcast_in_dim3A_1538 : vector<16xf32>
      %swap3A_1570 = arith.index_cast %add3A_1544 : i32 to index
      %swap3A_1571 = arith.constant 32 : index
      %swap3A_1572 = tpu.vector_load %arg8[%swap3A_1570, %swap3A_1571] {strides = array<i32>} : memref<256x128xf32, #tpu.memory_space<vmem>>, vector<1x16xf32>,
      %swap3A_1573 = vector.shape_cast %swap3A_1572 : vector<1x16xf32> to vector<16xf32>
      %swap3A_1574 = vector.shape_cast %mul3A_1569 : vector<16xf32> to vector<1x16xf32>
      tpu.vector_store %arg8[%swap3A_1570, %swap3A_1571], %swap3A_1574 {strides = array<i32>} : memref<256x128xf32, #tpu.memory_space<vmem>>, vector<1x16xf32>,
      %get3A_1575 = arith.index_cast %add3A_1544 : i32 to index
      %get3A_1576 = arith.constant 48 : index
      %get3A_1577 = tpu.vector_load %arg8[%get3A_1575, %get3A_1576] {strides = array<i32>} : memref<256x128xf32, #tpu.memory_space<vmem>>, vector<1x16xf32>,
      %get3A_1578 = vector.shape_cast %get3A_1577 : vector<1x16xf32> to vector<16xf32>
      %mul3A_1579 = arith.mulf %get3A_1578, %broadcast_in_dim3A_1538 : vector<16xf32>
      %swap3A_1580 = arith.index_cast %add3A_1544 : i32 to index
      %swap3A_1581 = arith.constant 48 : index
      %swap3A_1582 = tpu.vector_load %arg8[%swap3A_1580, %swap3A_1581] {strides = array<i32>} : memref<256x128xf32, #tpu.memory_space<vmem>>, vector<1x16xf32>,
      %swap3A_1583 = vector.shape_cast %swap3A_1582 : vector<1x16xf32> to vector<16xf32>
      %swap3A_1584 = vector.shape_cast %mul3A_1579 : vector<16xf32> to vector<1x16xf32>
      tpu.vector_store %arg8[%swap3A_1580, %swap3A_1581], %swap3A_1584 {strides = array<i32>} : memref<256x128xf32, #tpu.memory_space<vmem>>, vector<1x16xf32>,
      %get3A_1585 = arith.index_cast %add3A_1544 : i32 to index
      %get3A_1586 = arith.constant 64 : index
      %get3A_1587 = tpu.vector_load %arg8[%get3A_1585, %get3A_1586] {strides = array<i32>} : memref<256x128xf32, #tpu.memory_space<vmem>>, vector<1x16xf32>,
      %get3A_1588 = vector.shape_cast %get3A_1587 : vector<1x16xf32> to vector<16xf32>
      %mul3A_1589 = arith.mulf %get3A_1588, %broadcast_in_dim3A_1538 : vector<16xf32>
      %swap3A_1590 = arith.index_cast %add3A_1544 : i32 to index
      %swap3A_1591 = arith.constant 64 : index
      %swap3A_1592 = tpu.vector_load %arg8[%swap3A_1590, %swap3A_1591] {strides = array<i32>} : memref<256x128xf32, #tpu.memory_space<vmem>>, vector<1x16xf32>,
      %swap3A_1593 = vector.shape_cast %swap3A_1592 : vector<1x16xf32> to vector<16xf32>
      %swap3A_1594 = vector.shape_cast %mul3A_1589 : vector<16xf32> to vector<1x16xf32>
      tpu.vector_store %arg8[%swap3A_1590, %swap3A_1591], %swap3A_1594 {strides = array<i32>} : memref<256x128xf32, #tpu.memory_space<vmem>>, vector<1x16xf32>,
      %get3A_1595 = arith.index_cast %add3A_1544 : i32 to index
      %get3A_1596 = arith.constant 80 : index
      %get3A_1597 = tpu.vector_load %arg8[%get3A_1595, %get3A_1596] {strides = array<i32>} : memref<256x128xf32, #tpu.memory_space<vmem>>, vector<1x16xf32>,
      %get3A_1598 = vector.shape_cast %get3A_1597 : vector<1x16xf32> to vector<16xf32>
      %mul3A_1599 = arith.mulf %get3A_1598, %broadcast_in_dim3A_1538 : vector<16xf32>
      %swap3A_1600 = arith.index_cast %add3A_1544 : i32 to index
      %swap3A_1601 = arith.constant 80 : index
      %swap3A_1602 = tpu.vector_load %arg8[%swap3A_1600, %swap3A_1601] {strides = array<i32>} : memref<256x128xf32, #tpu.memory_space<vmem>>, vector<1x16xf32>,
      %swap3A_1603 = vector.shape_cast %swap3A_1602 : vector<1x16xf32> to vector<16xf32>
      %swap3A_1604 = vector.shape_cast %mul3A_1599 : vector<16xf32> to vector<1x16xf32>
      tpu.vector_store %arg8[%swap3A_1600, %swap3A_1601], %swap3A_1604 {strides = array<i32>} : memref<256x128xf32, #tpu.memory_space<vmem>>, vector<1x16xf32>,
      %get3A_1605 = arith.index_cast %add3A_1544 : i32 to index
      %get3A_1606 = arith.constant 96 : index
      %get3A_1607 = tpu.vector_load %arg8[%get3A_1605, %get3A_1606] {strides = array<i32>} : memref<256x128xf32, #tpu.memory_space<vmem>>, vector<1x16xf32>,
      %get3A_1608 = vector.shape_cast %get3A_1607 : vector<1x16xf32> to vector<16xf32>
      %mul3A_1609 = arith.mulf %get3A_1608, %broadcast_in_dim3A_1538 : vector<16xf32>
      %swap3A_1610 = arith.index_cast %add3A_1544 : i32 to index
      %swap3A_1611 = arith.constant 96 : index
      %swap3A_1612 = tpu.vector_load %arg8[%swap3A_1610, %swap3A_1611] {strides = array<i32>} : memref<256x128xf32, #tpu.memory_space<vmem>>, vector<1x16xf32>,
      %swap3A_1613 = vector.shape_cast %swap3A_1612 : vector<1x16xf32> to vector<16xf32>
      %swap3A_1614 = vector.shape_cast %mul3A_1609 : vector<16xf32> to vector<1x16xf32>
      tpu.vector_store %arg8[%swap3A_1610, %swap3A_1611], %swap3A_1614 {strides = array<i32>} : memref<256x128xf32, #tpu.memory_space<vmem>>, vector<1x16xf32>,
      %get3A_1615 = arith.index_cast %add3A_1544 : i32 to index
      %get3A_1616 = arith.constant 112 : index
      %get3A_1617 = tpu.vector_load %arg8[%get3A_1615, %get3A_1616] {strides = array<i32>} : memref<256x128xf32, #tpu.memory_space<vmem>>, vector<1x16xf32>,
      %get3A_1618 = vector.shape_cast %get3A_1617 : vector<1x16xf32> to vector<16xf32>
      %mul3A_1619 = arith.mulf %get3A_1618, %broadcast_in_dim3A_1538 : vector<16xf32>
      %swap3A_1620 = arith.index_cast %add3A_1544 : i32 to index
      %swap3A_1621 = arith.constant 112 : index
      %swap3A_1622 = tpu.vector_load %arg8[%swap3A_1620, %swap3A_1621] {strides = array<i32>} : memref<256x128xf32, #tpu.memory_space<vmem>>, vector<1x16xf32>,
      %swap3A_1623 = vector.shape_cast %swap3A_1622 : vector<1x16xf32> to vector<16xf32>
      %swap3A_1624 = vector.shape_cast %mul3A_1619 : vector<16xf32> to vector<1x16xf32>
      tpu.vector_store %arg8[%swap3A_1620, %swap3A_1621], %swap3A_1624 {strides = array<i32>} : memref<256x128xf32, #tpu.memory_space<vmem>>, vector<1x16xf32>,
      %slice3A_1625 = vector.extract_strided_slice %select_n3A {offsets = [7], sizes = [1], strides = [1]} : vector<16xf32> to vector<1xf32>
      %broadcast_in_dim3A_1626 = vector.shape_cast %slice3A_1625 : vector<1xf32> to vector<1xf32>
      %broadcast_in_dim3A_1627 = vector.broadcast %broadcast_in_dim3A_1626 : vector<1xf32> to vector<16xf32>
      %mul3A_1628 = arith.constant 16 : i32
      %mul3A_1629 = arith.muli %scan3A_988, %mul3A_1628 : i32
      %add3A_1630 = arith.constant 0 : i32
      %add3A_1631 = arith.addi %add3A_1630, %mul3A_1629 : i32
      %add3A_1632 = arith.constant 7 : i32
      %add3A_1633 = arith.addi %add3A_1631, %add3A_1632 : i32
      %get3A_1634 = arith.index_cast %add3A_1633 : i32 to index
      %get3A_1635 = arith.constant 0 : index
      %get3A_1636 = tpu.vector_load %arg8[%get3A_1634, %get3A_1635] {strides = array<i32>} : memref<256x128xf32, #tpu.memory_space<vmem>>, vector<1x16xf32>,
      %get3A_1637 = vector.shape_cast %get3A_1636 : vector<1x16xf32> to vector<16xf32>
      %mul3A_1638 = arith.mulf %get3A_1637, %broadcast_in_dim3A_1627 : vector<16xf32>
      %swap3A_1639 = arith.index_cast %add3A_1633 : i32 to index
      %swap3A_1640 = arith.constant 0 : index
      %swap3A_1641 = tpu.vector_load %arg8[%swap3A_1639, %swap3A_1640] {strides = array<i32>} : memref<256x128xf32, #tpu.memory_space<vmem>>, vector<1x16xf32>,
      %swap3A_1642 = vector.shape_cast %swap3A_1641 : vector<1x16xf32> to vector<16xf32>
      %swap3A_1643 = vector.shape_cast %mul3A_1638 : vector<16xf32> to vector<1x16xf32>
      tpu.vector_store %arg8[%swap3A_1639, %swap3A_1640], %swap3A_1643 {strides = array<i32>} : memref<256x128xf32, #tpu.memory_space<vmem>>, vector<1x16xf32>,
      %get3A_1644 = arith.index_cast %add3A_1633 : i32 to index
      %get3A_1645 = arith.constant 16 : index
      %get3A_1646 = tpu.vector_load %arg8[%get3A_1644, %get3A_1645] {strides = array<i32>} : memref<256x128xf32, #tpu.memory_space<vmem>>, vector<1x16xf32>,
      %get3A_1647 = vector.shape_cast %get3A_1646 : vector<1x16xf32> to vector<16xf32>
      %mul3A_1648 = arith.mulf %get3A_1647, %broadcast_in_dim3A_1627 : vector<16xf32>
      %swap3A_1649 = arith.index_cast %add3A_1633 : i32 to index
      %swap3A_1650 = arith.constant 16 : index
      %swap3A_1651 = tpu.vector_load %arg8[%swap3A_1649, %swap3A_1650] {strides = array<i32>} : memref<256x128xf32, #tpu.memory_space<vmem>>, vector<1x16xf32>,
      %swap3A_1652 = vector.shape_cast %swap3A_1651 : vector<1x16xf32> to vector<16xf32>
      %swap3A_1653 = vector.shape_cast %mul3A_1648 : vector<16xf32> to vector<1x16xf32>
      tpu.vector_store %arg8[%swap3A_1649, %swap3A_1650], %swap3A_1653 {strides = array<i32>} : memref<256x128xf32, #tpu.memory_space<vmem>>, vector<1x16xf32>,
      %get3A_1654 = arith.index_cast %add3A_1633 : i32 to index
      %get3A_1655 = arith.constant 32 : index
      %get3A_1656 = tpu.vector_load %arg8[%get3A_1654, %get3A_1655] {strides = array<i32>} : memref<256x128xf32, #tpu.memory_space<vmem>>, vector<1x16xf32>,
      %get3A_1657 = vector.shape_cast %get3A_1656 : vector<1x16xf32> to vector<16xf32>
      %mul3A_1658 = arith.mulf %get3A_1657, %broadcast_in_dim3A_1627 : vector<16xf32>
      %swap3A_1659 = arith.index_cast %add3A_1633 : i32 to index
      %swap3A_1660 = arith.constant 32 : index
      %swap3A_1661 = tpu.vector_load %arg8[%swap3A_1659, %swap3A_1660] {strides = array<i32>} : memref<256x128xf32, #tpu.memory_space<vmem>>, vector<1x16xf32>,
      %swap3A_1662 = vector.shape_cast %swap3A_1661 : vector<1x16xf32> to vector<16xf32>
      %swap3A_1663 = vector.shape_cast %mul3A_1658 : vector<16xf32> to vector<1x16xf32>
      tpu.vector_store %arg8[%swap3A_1659, %swap3A_1660], %swap3A_1663 {strides = array<i32>} : memref<256x128xf32, #tpu.memory_space<vmem>>, vector<1x16xf32>,
      %get3A_1664 = arith.index_cast %add3A_1633 : i32 to index
      %get3A_1665 = arith.constant 48 : index
      %get3A_1666 = tpu.vector_load %arg8[%get3A_1664, %get3A_1665] {strides = array<i32>} : memref<256x128xf32, #tpu.memory_space<vmem>>, vector<1x16xf32>,
      %get3A_1667 = vector.shape_cast %get3A_1666 : vector<1x16xf32> to vector<16xf32>
      %mul3A_1668 = arith.mulf %get3A_1667, %broadcast_in_dim3A_1627 : vector<16xf32>
      %swap3A_1669 = arith.index_cast %add3A_1633 : i32 to index
      %swap3A_1670 = arith.constant 48 : index
      %swap3A_1671 = tpu.vector_load %arg8[%swap3A_1669, %swap3A_1670] {strides = array<i32>} : memref<256x128xf32, #tpu.memory_space<vmem>>, vector<1x16xf32>,
      %swap3A_1672 = vector.shape_cast %swap3A_1671 : vector<1x16xf32> to vector<16xf32>
      %swap3A_1673 = vector.shape_cast %mul3A_1668 : vector<16xf32> to vector<1x16xf32>
      tpu.vector_store %arg8[%swap3A_1669, %swap3A_1670], %swap3A_1673 {strides = array<i32>} : memref<256x128xf32, #tpu.memory_space<vmem>>, vector<1x16xf32>,
      %get3A_1674 = arith.index_cast %add3A_1633 : i32 to index
      %get3A_1675 = arith.constant 64 : index
      %get3A_1676 = tpu.vector_load %arg8[%get3A_1674, %get3A_1675] {strides = array<i32>} : memref<256x128xf32, #tpu.memory_space<vmem>>, vector<1x16xf32>,
      %get3A_1677 = vector.shape_cast %get3A_1676 : vector<1x16xf32> to vector<16xf32>
      %mul3A_1678 = arith.mulf %get3A_1677, %broadcast_in_dim3A_1627 : vector<16xf32>
      %swap3A_1679 = arith.index_cast %add3A_1633 : i32 to index
      %swap3A_1680 = arith.constant 64 : index
      %swap3A_1681 = tpu.vector_load %arg8[%swap3A_1679, %swap3A_1680] {strides = array<i32>} : memref<256x128xf32, #tpu.memory_space<vmem>>, vector<1x16xf32>,
      %swap3A_1682 = vector.shape_cast %swap3A_1681 : vector<1x16xf32> to vector<16xf32>
      %swap3A_1683 = vector.shape_cast %mul3A_1678 : vector<16xf32> to vector<1x16xf32>
      tpu.vector_store %arg8[%swap3A_1679, %swap3A_1680], %swap3A_1683 {strides = array<i32>} : memref<256x128xf32, #tpu.memory_space<vmem>>, vector<1x16xf32>,
      %get3A_1684 = arith.index_cast %add3A_1633 : i32 to index
      %get3A_1685 = arith.constant 80 : index
      %get3A_1686 = tpu.vector_load %arg8[%get3A_1684, %get3A_1685] {strides = array<i32>} : memref<256x128xf32, #tpu.memory_space<vmem>>, vector<1x16xf32>,
      %get3A_1687 = vector.shape_cast %get3A_1686 : vector<1x16xf32> to vector<16xf32>
      %mul3A_1688 = arith.mulf %get3A_1687, %broadcast_in_dim3A_1627 : vector<16xf32>
      %swap3A_1689 = arith.index_cast %add3A_1633 : i32 to index
      %swap3A_1690 = arith.constant 80 : index
      %swap3A_1691 = tpu.vector_load %arg8[%swap3A_1689, %swap3A_1690] {strides = array<i32>} : memref<256x128xf32, #tpu.memory_space<vmem>>, vector<1x16xf32>,
      %swap3A_1692 = vector.shape_cast %swap3A_1691 : vector<1x16xf32> to vector<16xf32>
      %swap3A_1693 = vector.shape_cast %mul3A_1688 : vector<16xf32> to vector<1x16xf32>
      tpu.vector_store %arg8[%swap3A_1689, %swap3A_1690], %swap3A_1693 {strides = array<i32>} : memref<256x128xf32, #tpu.memory_space<vmem>>, vector<1x16xf32>,
      %get3A_1694 = arith.index_cast %add3A_1633 : i32 to index
      %get3A_1695 = arith.constant 96 : index
      %get3A_1696 = tpu.vector_load %arg8[%get3A_1694, %get3A_1695] {strides = array<i32>} : memref<256x128xf32, #tpu.memory_space<vmem>>, vector<1x16xf32>,
      %get3A_1697 = vector.shape_cast %get3A_1696 : vector<1x16xf32> to vector<16xf32>
      %mul3A_1698 = arith.mulf %get3A_1697, %broadcast_in_dim3A_1627 : vector<16xf32>
      %swap3A_1699 = arith.index_cast %add3A_1633 : i32 to index
      %swap3A_1700 = arith.constant 96 : index
      %swap3A_1701 = tpu.vector_load %arg8[%swap3A_1699, %swap3A_1700] {strides = array<i32>} : memref<256x128xf32, #tpu.memory_space<vmem>>, vector<1x16xf32>,
      %swap3A_1702 = vector.shape_cast %swap3A_1701 : vector<1x16xf32> to vector<16xf32>
      %swap3A_1703 = vector.shape_cast %mul3A_1698 : vector<16xf32> to vector<1x16xf32>
      tpu.vector_store %arg8[%swap3A_1699, %swap3A_1700], %swap3A_1703 {strides = array<i32>} : memref<256x128xf32, #tpu.memory_space<vmem>>, vector<1x16xf32>,
      %get3A_1704 = arith.index_cast %add3A_1633 : i32 to index
      %get3A_1705 = arith.constant 112 : index
      %get3A_1706 = tpu.vector_load %arg8[%get3A_1704, %get3A_1705] {strides = array<i32>} : memref<256x128xf32, #tpu.memory_space<vmem>>, vector<1x16xf32>,
      %get3A_1707 = vector.shape_cast %get3A_1706 : vector<1x16xf32> to vector<16xf32>
      %mul3A_1708 = arith.mulf %get3A_1707, %broadcast_in_dim3A_1627 : vector<16xf32>
      %swap3A_1709 = arith.index_cast %add3A_1633 : i32 to index
      %swap3A_1710 = arith.constant 112 : index
      %swap3A_1711 = tpu.vector_load %arg8[%swap3A_1709, %swap3A_1710] {strides = array<i32>} : memref<256x128xf32, #tpu.memory_space<vmem>>, vector<1x16xf32>,
      %swap3A_1712 = vector.shape_cast %swap3A_1711 : vector<1x16xf32> to vector<16xf32>
      %swap3A_1713 = vector.shape_cast %mul3A_1708 : vector<16xf32> to vector<1x16xf32>
      tpu.vector_store %arg8[%swap3A_1709, %swap3A_1710], %swap3A_1713 {strides = array<i32>} : memref<256x128xf32, #tpu.memory_space<vmem>>, vector<1x16xf32>,
      %slice3A_1714 = vector.extract_strided_slice %select_n3A {offsets = [8], sizes = [1], strides = [1]} : vector<16xf32> to vector<1xf32>
      %broadcast_in_dim3A_1715 = vector.shape_cast %slice3A_1714 : vector<1xf32> to vector<1xf32>
      %broadcast_in_dim3A_1716 = vector.broadcast %broadcast_in_dim3A_1715 : vector<1xf32> to vector<16xf32>
      %mul3A_1717 = arith.constant 16 : i32
      %mul3A_1718 = arith.muli %scan3A_988, %mul3A_1717 : i32
      %add3A_1719 = arith.constant 0 : i32
      %add3A_1720 = arith.addi %add3A_1719, %mul3A_1718 : i32
      %add3A_1721 = arith.constant 8 : i32
      %add3A_1722 = arith.addi %add3A_1720, %add3A_1721 : i32
      %get3A_1723 = arith.index_cast %add3A_1722 : i32 to index
      %get3A_1724 = arith.constant 0 : index
      %get3A_1725 = tpu.vector_load %arg8[%get3A_1723, %get3A_1724] {strides = array<i32>} : memref<256x128xf32, #tpu.memory_space<vmem>>, vector<1x16xf32>,
      %get3A_1726 = vector.shape_cast %get3A_1725 : vector<1x16xf32> to vector<16xf32>
      %mul3A_1727 = arith.mulf %get3A_1726, %broadcast_in_dim3A_1716 : vector<16xf32>
      %swap3A_1728 = arith.index_cast %add3A_1722 : i32 to index
      %swap3A_1729 = arith.constant 0 : index
      %swap3A_1730 = tpu.vector_load %arg8[%swap3A_1728, %swap3A_1729] {strides = array<i32>} : memref<256x128xf32, #tpu.memory_space<vmem>>, vector<1x16xf32>,
      %swap3A_1731 = vector.shape_cast %swap3A_1730 : vector<1x16xf32> to vector<16xf32>
      %swap3A_1732 = vector.shape_cast %mul3A_1727 : vector<16xf32> to vector<1x16xf32>
      tpu.vector_store %arg8[%swap3A_1728, %swap3A_1729], %swap3A_1732 {strides = array<i32>} : memref<256x128xf32, #tpu.memory_space<vmem>>, vector<1x16xf32>,
      %get3A_1733 = arith.index_cast %add3A_1722 : i32 to index
      %get3A_1734 = arith.constant 16 : index
      %get3A_1735 = tpu.vector_load %arg8[%get3A_1733, %get3A_1734] {strides = array<i32>} : memref<256x128xf32, #tpu.memory_space<vmem>>, vector<1x16xf32>,
      %get3A_1736 = vector.shape_cast %get3A_1735 : vector<1x16xf32> to vector<16xf32>
      %mul3A_1737 = arith.mulf %get3A_1736, %broadcast_in_dim3A_1716 : vector<16xf32>
      %swap3A_1738 = arith.index_cast %add3A_1722 : i32 to index
      %swap3A_1739 = arith.constant 16 : index
      %swap3A_1740 = tpu.vector_load %arg8[%swap3A_1738, %swap3A_1739] {strides = array<i32>} : memref<256x128xf32, #tpu.memory_space<vmem>>, vector<1x16xf32>,
      %swap3A_1741 = vector.shape_cast %swap3A_1740 : vector<1x16xf32> to vector<16xf32>
      %swap3A_1742 = vector.shape_cast %mul3A_1737 : vector<16xf32> to vector<1x16xf32>
      tpu.vector_store %arg8[%swap3A_1738, %swap3A_1739], %swap3A_1742 {strides = array<i32>} : memref<256x128xf32, #tpu.memory_space<vmem>>, vector<1x16xf32>,
      %get3A_1743 = arith.index_cast %add3A_1722 : i32 to index
      %get3A_1744 = arith.constant 32 : index
      %get3A_1745 = tpu.vector_load %arg8[%get3A_1743, %get3A_1744] {strides = array<i32>} : memref<256x128xf32, #tpu.memory_space<vmem>>, vector<1x16xf32>,
      %get3A_1746 = vector.shape_cast %get3A_1745 : vector<1x16xf32> to vector<16xf32>
      %mul3A_1747 = arith.mulf %get3A_1746, %broadcast_in_dim3A_1716 : vector<16xf32>
      %swap3A_1748 = arith.index_cast %add3A_1722 : i32 to index
      %swap3A_1749 = arith.constant 32 : index
      %swap3A_1750 = tpu.vector_load %arg8[%swap3A_1748, %swap3A_1749] {strides = array<i32>} : memref<256x128xf32, #tpu.memory_space<vmem>>, vector<1x16xf32>,
      %swap3A_1751 = vector.shape_cast %swap3A_1750 : vector<1x16xf32> to vector<16xf32>
      %swap3A_1752 = vector.shape_cast %mul3A_1747 : vector<16xf32> to vector<1x16xf32>
      tpu.vector_store %arg8[%swap3A_1748, %swap3A_1749], %swap3A_1752 {strides = array<i32>} : memref<256x128xf32, #tpu.memory_space<vmem>>, vector<1x16xf32>,
      %get3A_1753 = arith.index_cast %add3A_1722 : i32 to index
      %get3A_1754 = arith.constant 48 : index
      %get3A_1755 = tpu.vector_load %arg8[%get3A_1753, %get3A_1754] {strides = array<i32>} : memref<256x128xf32, #tpu.memory_space<vmem>>, vector<1x16xf32>,
      %get3A_1756 = vector.shape_cast %get3A_1755 : vector<1x16xf32> to vector<16xf32>
      %mul3A_1757 = arith.mulf %get3A_1756, %broadcast_in_dim3A_1716 : vector<16xf32>
      %swap3A_1758 = arith.index_cast %add3A_1722 : i32 to index
      %swap3A_1759 = arith.constant 48 : index
      %swap3A_1760 = tpu.vector_load %arg8[%swap3A_1758, %swap3A_1759] {strides = array<i32>} : memref<256x128xf32, #tpu.memory_space<vmem>>, vector<1x16xf32>,
      %swap3A_1761 = vector.shape_cast %swap3A_1760 : vector<1x16xf32> to vector<16xf32>
      %swap3A_1762 = vector.shape_cast %mul3A_1757 : vector<16xf32> to vector<1x16xf32>
      tpu.vector_store %arg8[%swap3A_1758, %swap3A_1759], %swap3A_1762 {strides = array<i32>} : memref<256x128xf32, #tpu.memory_space<vmem>>, vector<1x16xf32>,
      %get3A_1763 = arith.index_cast %add3A_1722 : i32 to index
      %get3A_1764 = arith.constant 64 : index
      %get3A_1765 = tpu.vector_load %arg8[%get3A_1763, %get3A_1764] {strides = array<i32>} : memref<256x128xf32, #tpu.memory_space<vmem>>, vector<1x16xf32>,
      %get3A_1766 = vector.shape_cast %get3A_1765 : vector<1x16xf32> to vector<16xf32>
      %mul3A_1767 = arith.mulf %get3A_1766, %broadcast_in_dim3A_1716 : vector<16xf32>
      %swap3A_1768 = arith.index_cast %add3A_1722 : i32 to index
      %swap3A_1769 = arith.constant 64 : index
      %swap3A_1770 = tpu.vector_load %arg8[%swap3A_1768, %swap3A_1769] {strides = array<i32>} : memref<256x128xf32, #tpu.memory_space<vmem>>, vector<1x16xf32>,
      %swap3A_1771 = vector.shape_cast %swap3A_1770 : vector<1x16xf32> to vector<16xf32>
      %swap3A_1772 = vector.shape_cast %mul3A_1767 : vector<16xf32> to vector<1x16xf32>
      tpu.vector_store %arg8[%swap3A_1768, %swap3A_1769], %swap3A_1772 {strides = array<i32>} : memref<256x128xf32, #tpu.memory_space<vmem>>, vector<1x16xf32>,
      %get3A_1773 = arith.index_cast %add3A_1722 : i32 to index
      %get3A_1774 = arith.constant 80 : index
      %get3A_1775 = tpu.vector_load %arg8[%get3A_1773, %get3A_1774] {strides = array<i32>} : memref<256x128xf32, #tpu.memory_space<vmem>>, vector<1x16xf32>,
      %get3A_1776 = vector.shape_cast %get3A_1775 : vector<1x16xf32> to vector<16xf32>
      %mul3A_1777 = arith.mulf %get3A_1776, %broadcast_in_dim3A_1716 : vector<16xf32>
      %swap3A_1778 = arith.index_cast %add3A_1722 : i32 to index
      %swap3A_1779 = arith.constant 80 : index
      %swap3A_1780 = tpu.vector_load %arg8[%swap3A_1778, %swap3A_1779] {strides = array<i32>} : memref<256x128xf32, #tpu.memory_space<vmem>>, vector<1x16xf32>,
      %swap3A_1781 = vector.shape_cast %swap3A_1780 : vector<1x16xf32> to vector<16xf32>
      %swap3A_1782 = vector.shape_cast %mul3A_1777 : vector<16xf32> to vector<1x16xf32>
      tpu.vector_store %arg8[%swap3A_1778, %swap3A_1779], %swap3A_1782 {strides = array<i32>} : memref<256x128xf32, #tpu.memory_space<vmem>>, vector<1x16xf32>,
      %get3A_1783 = arith.index_cast %add3A_1722 : i32 to index
      %get3A_1784 = arith.constant 96 : index
      %get3A_1785 = tpu.vector_load %arg8[%get3A_1783, %get3A_1784] {strides = array<i32>} : memref<256x128xf32, #tpu.memory_space<vmem>>, vector<1x16xf32>,
      %get3A_1786 = vector.shape_cast %get3A_1785 : vector<1x16xf32> to vector<16xf32>
      %mul3A_1787 = arith.mulf %get3A_1786, %broadcast_in_dim3A_1716 : vector<16xf32>
      %swap3A_1788 = arith.index_cast %add3A_1722 : i32 to index
      %swap3A_1789 = arith.constant 96 : index
      %swap3A_1790 = tpu.vector_load %arg8[%swap3A_1788, %swap3A_1789] {strides = array<i32>} : memref<256x128xf32, #tpu.memory_space<vmem>>, vector<1x16xf32>,
      %swap3A_1791 = vector.shape_cast %swap3A_1790 : vector<1x16xf32> to vector<16xf32>
      %swap3A_1792 = vector.shape_cast %mul3A_1787 : vector<16xf32> to vector<1x16xf32>
      tpu.vector_store %arg8[%swap3A_1788, %swap3A_1789], %swap3A_1792 {strides = array<i32>} : memref<256x128xf32, #tpu.memory_space<vmem>>, vector<1x16xf32>,
      %get3A_1793 = arith.index_cast %add3A_1722 : i32 to index
      %get3A_1794 = arith.constant 112 : index
      %get3A_1795 = tpu.vector_load %arg8[%get3A_1793, %get3A_1794] {strides = array<i32>} : memref<256x128xf32, #tpu.memory_space<vmem>>, vector<1x16xf32>,
      %get3A_1796 = vector.shape_cast %get3A_1795 : vector<1x16xf32> to vector<16xf32>
      %mul3A_1797 = arith.mulf %get3A_1796, %broadcast_in_dim3A_1716 : vector<16xf32>
      %swap3A_1798 = arith.index_cast %add3A_1722 : i32 to index
      %swap3A_1799 = arith.constant 112 : index
      %swap3A_1800 = tpu.vector_load %arg8[%swap3A_1798, %swap3A_1799] {strides = array<i32>} : memref<256x128xf32, #tpu.memory_space<vmem>>, vector<1x16xf32>,
      %swap3A_1801 = vector.shape_cast %swap3A_1800 : vector<1x16xf32> to vector<16xf32>
      %swap3A_1802 = vector.shape_cast %mul3A_1797 : vector<16xf32> to vector<1x16xf32>
      tpu.vector_store %arg8[%swap3A_1798, %swap3A_1799], %swap3A_1802 {strides = array<i32>} : memref<256x128xf32, #tpu.memory_space<vmem>>, vector<1x16xf32>,
      %slice3A_1803 = vector.extract_strided_slice %select_n3A {offsets = [9], sizes = [1], strides = [1]} : vector<16xf32> to vector<1xf32>
      %broadcast_in_dim3A_1804 = vector.shape_cast %slice3A_1803 : vector<1xf32> to vector<1xf32>
      %broadcast_in_dim3A_1805 = vector.broadcast %broadcast_in_dim3A_1804 : vector<1xf32> to vector<16xf32>
      %mul3A_1806 = arith.constant 16 : i32
      %mul3A_1807 = arith.muli %scan3A_988, %mul3A_1806 : i32
      %add3A_1808 = arith.constant 0 : i32
      %add3A_1809 = arith.addi %add3A_1808, %mul3A_1807 : i32
      %add3A_1810 = arith.constant 9 : i32
      %add3A_1811 = arith.addi %add3A_1809, %add3A_1810 : i32
      %get3A_1812 = arith.index_cast %add3A_1811 : i32 to index
      %get3A_1813 = arith.constant 0 : index
      %get3A_1814 = tpu.vector_load %arg8[%get3A_1812, %get3A_1813] {strides = array<i32>} : memref<256x128xf32, #tpu.memory_space<vmem>>, vector<1x16xf32>,
      %get3A_1815 = vector.shape_cast %get3A_1814 : vector<1x16xf32> to vector<16xf32>
      %mul3A_1816 = arith.mulf %get3A_1815, %broadcast_in_dim3A_1805 : vector<16xf32>
      %swap3A_1817 = arith.index_cast %add3A_1811 : i32 to index
      %swap3A_1818 = arith.constant 0 : index
      %swap3A_1819 = tpu.vector_load %arg8[%swap3A_1817, %swap3A_1818] {strides = array<i32>} : memref<256x128xf32, #tpu.memory_space<vmem>>, vector<1x16xf32>,
      %swap3A_1820 = vector.shape_cast %swap3A_1819 : vector<1x16xf32> to vector<16xf32>
      %swap3A_1821 = vector.shape_cast %mul3A_1816 : vector<16xf32> to vector<1x16xf32>
      tpu.vector_store %arg8[%swap3A_1817, %swap3A_1818], %swap3A_1821 {strides = array<i32>} : memref<256x128xf32, #tpu.memory_space<vmem>>, vector<1x16xf32>,
      %get3A_1822 = arith.index_cast %add3A_1811 : i32 to index
      %get3A_1823 = arith.constant 16 : index
      %get3A_1824 = tpu.vector_load %arg8[%get3A_1822, %get3A_1823] {strides = array<i32>} : memref<256x128xf32, #tpu.memory_space<vmem>>, vector<1x16xf32>,
      %get3A_1825 = vector.shape_cast %get3A_1824 : vector<1x16xf32> to vector<16xf32>
      %mul3A_1826 = arith.mulf %get3A_1825, %broadcast_in_dim3A_1805 : vector<16xf32>
      %swap3A_1827 = arith.index_cast %add3A_1811 : i32 to index
      %swap3A_1828 = arith.constant 16 : index
      %swap3A_1829 = tpu.vector_load %arg8[%swap3A_1827, %swap3A_1828] {strides = array<i32>} : memref<256x128xf32, #tpu.memory_space<vmem>>, vector<1x16xf32>,
      %swap3A_1830 = vector.shape_cast %swap3A_1829 : vector<1x16xf32> to vector<16xf32>
      %swap3A_1831 = vector.shape_cast %mul3A_1826 : vector<16xf32> to vector<1x16xf32>
      tpu.vector_store %arg8[%swap3A_1827, %swap3A_1828], %swap3A_1831 {strides = array<i32>} : memref<256x128xf32, #tpu.memory_space<vmem>>, vector<1x16xf32>,
      %get3A_1832 = arith.index_cast %add3A_1811 : i32 to index
      %get3A_1833 = arith.constant 32 : index
      %get3A_1834 = tpu.vector_load %arg8[%get3A_1832, %get3A_1833] {strides = array<i32>} : memref<256x128xf32, #tpu.memory_space<vmem>>, vector<1x16xf32>,
      %get3A_1835 = vector.shape_cast %get3A_1834 : vector<1x16xf32> to vector<16xf32>
      %mul3A_1836 = arith.mulf %get3A_1835, %broadcast_in_dim3A_1805 : vector<16xf32>
      %swap3A_1837 = arith.index_cast %add3A_1811 : i32 to index
      %swap3A_1838 = arith.constant 32 : index
      %swap3A_1839 = tpu.vector_load %arg8[%swap3A_1837, %swap3A_1838] {strides = array<i32>} : memref<256x128xf32, #tpu.memory_space<vmem>>, vector<1x16xf32>,
      %swap3A_1840 = vector.shape_cast %swap3A_1839 : vector<1x16xf32> to vector<16xf32>
      %swap3A_1841 = vector.shape_cast %mul3A_1836 : vector<16xf32> to vector<1x16xf32>
      tpu.vector_store %arg8[%swap3A_1837, %swap3A_1838], %swap3A_1841 {strides = array<i32>} : memref<256x128xf32, #tpu.memory_space<vmem>>, vector<1x16xf32>,
      %get3A_1842 = arith.index_cast %add3A_1811 : i32 to index
      %get3A_1843 = arith.constant 48 : index
      %get3A_1844 = tpu.vector_load %arg8[%get3A_1842, %get3A_1843] {strides = array<i32>} : memref<256x128xf32, #tpu.memory_space<vmem>>, vector<1x16xf32>,
      %get3A_1845 = vector.shape_cast %get3A_1844 : vector<1x16xf32> to vector<16xf32>
      %mul3A_1846 = arith.mulf %get3A_1845, %broadcast_in_dim3A_1805 : vector<16xf32>
      %swap3A_1847 = arith.index_cast %add3A_1811 : i32 to index
      %swap3A_1848 = arith.constant 48 : index
      %swap3A_1849 = tpu.vector_load %arg8[%swap3A_1847, %swap3A_1848] {strides = array<i32>} : memref<256x128xf32, #tpu.memory_space<vmem>>, vector<1x16xf32>,
      %swap3A_1850 = vector.shape_cast %swap3A_1849 : vector<1x16xf32> to vector<16xf32>
      %swap3A_1851 = vector.shape_cast %mul3A_1846 : vector<16xf32> to vector<1x16xf32>
      tpu.vector_store %arg8[%swap3A_1847, %swap3A_1848], %swap3A_1851 {strides = array<i32>} : memref<256x128xf32, #tpu.memory_space<vmem>>, vector<1x16xf32>,
      %get3A_1852 = arith.index_cast %add3A_1811 : i32 to index
      %get3A_1853 = arith.constant 64 : index
      %get3A_1854 = tpu.vector_load %arg8[%get3A_1852, %get3A_1853] {strides = array<i32>} : memref<256x128xf32, #tpu.memory_space<vmem>>, vector<1x16xf32>,
      %get3A_1855 = vector.shape_cast %get3A_1854 : vector<1x16xf32> to vector<16xf32>
      %mul3A_1856 = arith.mulf %get3A_1855, %broadcast_in_dim3A_1805 : vector<16xf32>
      %swap3A_1857 = arith.index_cast %add3A_1811 : i32 to index
      %swap3A_1858 = arith.constant 64 : index
      %swap3A_1859 = tpu.vector_load %arg8[%swap3A_1857, %swap3A_1858] {strides = array<i32>} : memref<256x128xf32, #tpu.memory_space<vmem>>, vector<1x16xf32>,
      %swap3A_1860 = vector.shape_cast %swap3A_1859 : vector<1x16xf32> to vector<16xf32>
      %swap3A_1861 = vector.shape_cast %mul3A_1856 : vector<16xf32> to vector<1x16xf32>
      tpu.vector_store %arg8[%swap3A_1857, %swap3A_1858], %swap3A_1861 {strides = array<i32>} : memref<256x128xf32, #tpu.memory_space<vmem>>, vector<1x16xf32>,
      %get3A_1862 = arith.index_cast %add3A_1811 : i32 to index
      %get3A_1863 = arith.constant 80 : index
      %get3A_1864 = tpu.vector_load %arg8[%get3A_1862, %get3A_1863] {strides = array<i32>} : memref<256x128xf32, #tpu.memory_space<vmem>>, vector<1x16xf32>,
      %get3A_1865 = vector.shape_cast %get3A_1864 : vector<1x16xf32> to vector<16xf32>
      %mul3A_1866 = arith.mulf %get3A_1865, %broadcast_in_dim3A_1805 : vector<16xf32>
      %swap3A_1867 = arith.index_cast %add3A_1811 : i32 to index
      %swap3A_1868 = arith.constant 80 : index
      %swap3A_1869 = tpu.vector_load %arg8[%swap3A_1867, %swap3A_1868] {strides = array<i32>} : memref<256x128xf32, #tpu.memory_space<vmem>>, vector<1x16xf32>,
      %swap3A_1870 = vector.shape_cast %swap3A_1869 : vector<1x16xf32> to vector<16xf32>
      %swap3A_1871 = vector.shape_cast %mul3A_1866 : vector<16xf32> to vector<1x16xf32>
      tpu.vector_store %arg8[%swap3A_1867, %swap3A_1868], %swap3A_1871 {strides = array<i32>} : memref<256x128xf32, #tpu.memory_space<vmem>>, vector<1x16xf32>,
      %get3A_1872 = arith.index_cast %add3A_1811 : i32 to index
      %get3A_1873 = arith.constant 96 : index
      %get3A_1874 = tpu.vector_load %arg8[%get3A_1872, %get3A_1873] {strides = array<i32>} : memref<256x128xf32, #tpu.memory_space<vmem>>, vector<1x16xf32>,
      %get3A_1875 = vector.shape_cast %get3A_1874 : vector<1x16xf32> to vector<16xf32>
      %mul3A_1876 = arith.mulf %get3A_1875, %broadcast_in_dim3A_1805 : vector<16xf32>
      %swap3A_1877 = arith.index_cast %add3A_1811 : i32 to index
      %swap3A_1878 = arith.constant 96 : index
      %swap3A_1879 = tpu.vector_load %arg8[%swap3A_1877, %swap3A_1878] {strides = array<i32>} : memref<256x128xf32, #tpu.memory_space<vmem>>, vector<1x16xf32>,
      %swap3A_1880 = vector.shape_cast %swap3A_1879 : vector<1x16xf32> to vector<16xf32>
      %swap3A_1881 = vector.shape_cast %mul3A_1876 : vector<16xf32> to vector<1x16xf32>
      tpu.vector_store %arg8[%swap3A_1877, %swap3A_1878], %swap3A_1881 {strides = array<i32>} : memref<256x128xf32, #tpu.memory_space<vmem>>, vector<1x16xf32>,
      %get3A_1882 = arith.index_cast %add3A_1811 : i32 to index
      %get3A_1883 = arith.constant 112 : index
      %get3A_1884 = tpu.vector_load %arg8[%get3A_1882, %get3A_1883] {strides = array<i32>} : memref<256x128xf32, #tpu.memory_space<vmem>>, vector<1x16xf32>,
      %get3A_1885 = vector.shape_cast %get3A_1884 : vector<1x16xf32> to vector<16xf32>
      %mul3A_1886 = arith.mulf %get3A_1885, %broadcast_in_dim3A_1805 : vector<16xf32>
      %swap3A_1887 = arith.index_cast %add3A_1811 : i32 to index
      %swap3A_1888 = arith.constant 112 : index
      %swap3A_1889 = tpu.vector_load %arg8[%swap3A_1887, %swap3A_1888] {strides = array<i32>} : memref<256x128xf32, #tpu.memory_space<vmem>>, vector<1x16xf32>,
      %swap3A_1890 = vector.shape_cast %swap3A_1889 : vector<1x16xf32> to vector<16xf32>
      %swap3A_1891 = vector.shape_cast %mul3A_1886 : vector<16xf32> to vector<1x16xf32>
      tpu.vector_store %arg8[%swap3A_1887, %swap3A_1888], %swap3A_1891 {strides = array<i32>} : memref<256x128xf32, #tpu.memory_space<vmem>>, vector<1x16xf32>,
      %slice3A_1892 = vector.extract_strided_slice %select_n3A {offsets = [10], sizes = [1], strides = [1]} : vector<16xf32> to vector<1xf32>
      %broadcast_in_dim3A_1893 = vector.shape_cast %slice3A_1892 : vector<1xf32> to vector<1xf32>
      %broadcast_in_dim3A_1894 = vector.broadcast %broadcast_in_dim3A_1893 : vector<1xf32> to vector<16xf32>
      %mul3A_1895 = arith.constant 16 : i32
      %mul3A_1896 = arith.muli %scan3A_988, %mul3A_1895 : i32
      %add3A_1897 = arith.constant 0 : i32
      %add3A_1898 = arith.addi %add3A_1897, %mul3A_1896 : i32
      %add3A_1899 = arith.constant 10 : i32
      %add3A_1900 = arith.addi %add3A_1898, %add3A_1899 : i32
      %get3A_1901 = arith.index_cast %add3A_1900 : i32 to index
      %get3A_1902 = arith.constant 0 : index
      %get3A_1903 = tpu.vector_load %arg8[%get3A_1901, %get3A_1902] {strides = array<i32>} : memref<256x128xf32, #tpu.memory_space<vmem>>, vector<1x16xf32>,
      %get3A_1904 = vector.shape_cast %get3A_1903 : vector<1x16xf32> to vector<16xf32>
      %mul3A_1905 = arith.mulf %get3A_1904, %broadcast_in_dim3A_1894 : vector<16xf32>
      %swap3A_1906 = arith.index_cast %add3A_1900 : i32 to index
      %swap3A_1907 = arith.constant 0 : index
      %swap3A_1908 = tpu.vector_load %arg8[%swap3A_1906, %swap3A_1907] {strides = array<i32>} : memref<256x128xf32, #tpu.memory_space<vmem>>, vector<1x16xf32>,
      %swap3A_1909 = vector.shape_cast %swap3A_1908 : vector<1x16xf32> to vector<16xf32>
      %swap3A_1910 = vector.shape_cast %mul3A_1905 : vector<16xf32> to vector<1x16xf32>
      tpu.vector_store %arg8[%swap3A_1906, %swap3A_1907], %swap3A_1910 {strides = array<i32>} : memref<256x128xf32, #tpu.memory_space<vmem>>, vector<1x16xf32>,
      %get3A_1911 = arith.index_cast %add3A_1900 : i32 to index
      %get3A_1912 = arith.constant 16 : index
      %get3A_1913 = tpu.vector_load %arg8[%get3A_1911, %get3A_1912] {strides = array<i32>} : memref<256x128xf32, #tpu.memory_space<vmem>>, vector<1x16xf32>,
      %get3A_1914 = vector.shape_cast %get3A_1913 : vector<1x16xf32> to vector<16xf32>
      %mul3A_1915 = arith.mulf %get3A_1914, %broadcast_in_dim3A_1894 : vector<16xf32>
      %swap3A_1916 = arith.index_cast %add3A_1900 : i32 to index
      %swap3A_1917 = arith.constant 16 : index
      %swap3A_1918 = tpu.vector_load %arg8[%swap3A_1916, %swap3A_1917] {strides = array<i32>} : memref<256x128xf32, #tpu.memory_space<vmem>>, vector<1x16xf32>,
      %swap3A_1919 = vector.shape_cast %swap3A_1918 : vector<1x16xf32> to vector<16xf32>
      %swap3A_1920 = vector.shape_cast %mul3A_1915 : vector<16xf32> to vector<1x16xf32>
      tpu.vector_store %arg8[%swap3A_1916, %swap3A_1917], %swap3A_1920 {strides = array<i32>} : memref<256x128xf32, #tpu.memory_space<vmem>>, vector<1x16xf32>,
      %get3A_1921 = arith.index_cast %add3A_1900 : i32 to index
      %get3A_1922 = arith.constant 32 : index
      %get3A_1923 = tpu.vector_load %arg8[%get3A_1921, %get3A_1922] {strides = array<i32>} : memref<256x128xf32, #tpu.memory_space<vmem>>, vector<1x16xf32>,
      %get3A_1924 = vector.shape_cast %get3A_1923 : vector<1x16xf32> to vector<16xf32>
      %mul3A_1925 = arith.mulf %get3A_1924, %broadcast_in_dim3A_1894 : vector<16xf32>
      %swap3A_1926 = arith.index_cast %add3A_1900 : i32 to index
      %swap3A_1927 = arith.constant 32 : index
      %swap3A_1928 = tpu.vector_load %arg8[%swap3A_1926, %swap3A_1927] {strides = array<i32>} : memref<256x128xf32, #tpu.memory_space<vmem>>, vector<1x16xf32>,
      %swap3A_1929 = vector.shape_cast %swap3A_1928 : vector<1x16xf32> to vector<16xf32>
      %swap3A_1930 = vector.shape_cast %mul3A_1925 : vector<16xf32> to vector<1x16xf32>
      tpu.vector_store %arg8[%swap3A_1926, %swap3A_1927], %swap3A_1930 {strides = array<i32>} : memref<256x128xf32, #tpu.memory_space<vmem>>, vector<1x16xf32>,
      %get3A_1931 = arith.index_cast %add3A_1900 : i32 to index
      %get3A_1932 = arith.constant 48 : index
      %get3A_1933 = tpu.vector_load %arg8[%get3A_1931, %get3A_1932] {strides = array<i32>} : memref<256x128xf32, #tpu.memory_space<vmem>>, vector<1x16xf32>,
      %get3A_1934 = vector.shape_cast %get3A_1933 : vector<1x16xf32> to vector<16xf32>
      %mul3A_1935 = arith.mulf %get3A_1934, %broadcast_in_dim3A_1894 : vector<16xf32>
      %swap3A_1936 = arith.index_cast %add3A_1900 : i32 to index
      %swap3A_1937 = arith.constant 48 : index
      %swap3A_1938 = tpu.vector_load %arg8[%swap3A_1936, %swap3A_1937] {strides = array<i32>} : memref<256x128xf32, #tpu.memory_space<vmem>>, vector<1x16xf32>,
      %swap3A_1939 = vector.shape_cast %swap3A_1938 : vector<1x16xf32> to vector<16xf32>
      %swap3A_1940 = vector.shape_cast %mul3A_1935 : vector<16xf32> to vector<1x16xf32>
      tpu.vector_store %arg8[%swap3A_1936, %swap3A_1937], %swap3A_1940 {strides = array<i32>} : memref<256x128xf32, #tpu.memory_space<vmem>>, vector<1x16xf32>,
      %get3A_1941 = arith.index_cast %add3A_1900 : i32 to index
      %get3A_1942 = arith.constant 64 : index
      %get3A_1943 = tpu.vector_load %arg8[%get3A_1941, %get3A_1942] {strides = array<i32>} : memref<256x128xf32, #tpu.memory_space<vmem>>, vector<1x16xf32>,
      %get3A_1944 = vector.shape_cast %get3A_1943 : vector<1x16xf32> to vector<16xf32>
      %mul3A_1945 = arith.mulf %get3A_1944, %broadcast_in_dim3A_1894 : vector<16xf32>
      %swap3A_1946 = arith.index_cast %add3A_1900 : i32 to index
      %swap3A_1947 = arith.constant 64 : index
      %swap3A_1948 = tpu.vector_load %arg8[%swap3A_1946, %swap3A_1947] {strides = array<i32>} : memref<256x128xf32, #tpu.memory_space<vmem>>, vector<1x16xf32>,
      %swap3A_1949 = vector.shape_cast %swap3A_1948 : vector<1x16xf32> to vector<16xf32>
      %swap3A_1950 = vector.shape_cast %mul3A_1945 : vector<16xf32> to vector<1x16xf32>
      tpu.vector_store %arg8[%swap3A_1946, %swap3A_1947], %swap3A_1950 {strides = array<i32>} : memref<256x128xf32, #tpu.memory_space<vmem>>, vector<1x16xf32>,
      %get3A_1951 = arith.index_cast %add3A_1900 : i32 to index
      %get3A_1952 = arith.constant 80 : index
      %get3A_1953 = tpu.vector_load %arg8[%get3A_1951, %get3A_1952] {strides = array<i32>} : memref<256x128xf32, #tpu.memory_space<vmem>>, vector<1x16xf32>,
      %get3A_1954 = vector.shape_cast %get3A_1953 : vector<1x16xf32> to vector<16xf32>
      %mul3A_1955 = arith.mulf %get3A_1954, %broadcast_in_dim3A_1894 : vector<16xf32>
      %swap3A_1956 = arith.index_cast %add3A_1900 : i32 to index
      %swap3A_1957 = arith.constant 80 : index
      %swap3A_1958 = tpu.vector_load %arg8[%swap3A_1956, %swap3A_1957] {strides = array<i32>} : memref<256x128xf32, #tpu.memory_space<vmem>>, vector<1x16xf32>,
      %swap3A_1959 = vector.shape_cast %swap3A_1958 : vector<1x16xf32> to vector<16xf32>
      %swap3A_1960 = vector.shape_cast %mul3A_1955 : vector<16xf32> to vector<1x16xf32>
      tpu.vector_store %arg8[%swap3A_1956, %swap3A_1957], %swap3A_1960 {strides = array<i32>} : memref<256x128xf32, #tpu.memory_space<vmem>>, vector<1x16xf32>,
      %get3A_1961 = arith.index_cast %add3A_1900 : i32 to index
      %get3A_1962 = arith.constant 96 : index
      %get3A_1963 = tpu.vector_load %arg8[%get3A_1961, %get3A_1962] {strides = array<i32>} : memref<256x128xf32, #tpu.memory_space<vmem>>, vector<1x16xf32>,
      %get3A_1964 = vector.shape_cast %get3A_1963 : vector<1x16xf32> to vector<16xf32>
      %mul3A_1965 = arith.mulf %get3A_1964, %broadcast_in_dim3A_1894 : vector<16xf32>
      %swap3A_1966 = arith.index_cast %add3A_1900 : i32 to index
      %swap3A_1967 = arith.constant 96 : index
      %swap3A_1968 = tpu.vector_load %arg8[%swap3A_1966, %swap3A_1967] {strides = array<i32>} : memref<256x128xf32, #tpu.memory_space<vmem>>, vector<1x16xf32>,
      %swap3A_1969 = vector.shape_cast %swap3A_1968 : vector<1x16xf32> to vector<16xf32>
      %swap3A_1970 = vector.shape_cast %mul3A_1965 : vector<16xf32> to vector<1x16xf32>
      tpu.vector_store %arg8[%swap3A_1966, %swap3A_1967], %swap3A_1970 {strides = array<i32>} : memref<256x128xf32, #tpu.memory_space<vmem>>, vector<1x16xf32>,
      %get3A_1971 = arith.index_cast %add3A_1900 : i32 to index
      %get3A_1972 = arith.constant 112 : index
      %get3A_1973 = tpu.vector_load %arg8[%get3A_1971, %get3A_1972] {strides = array<i32>} : memref<256x128xf32, #tpu.memory_space<vmem>>, vector<1x16xf32>,
      %get3A_1974 = vector.shape_cast %get3A_1973 : vector<1x16xf32> to vector<16xf32>
      %mul3A_1975 = arith.mulf %get3A_1974, %broadcast_in_dim3A_1894 : vector<16xf32>
      %swap3A_1976 = arith.index_cast %add3A_1900 : i32 to index
      %swap3A_1977 = arith.constant 112 : index
      %swap3A_1978 = tpu.vector_load %arg8[%swap3A_1976, %swap3A_1977] {strides = array<i32>} : memref<256x128xf32, #tpu.memory_space<vmem>>, vector<1x16xf32>,
      %swap3A_1979 = vector.shape_cast %swap3A_1978 : vector<1x16xf32> to vector<16xf32>
      %swap3A_1980 = vector.shape_cast %mul3A_1975 : vector<16xf32> to vector<1x16xf32>
      tpu.vector_store %arg8[%swap3A_1976, %swap3A_1977], %swap3A_1980 {strides = array<i32>} : memref<256x128xf32, #tpu.memory_space<vmem>>, vector<1x16xf32>,
      %slice3A_1981 = vector.extract_strided_slice %select_n3A {offsets = [11], sizes = [1], strides = [1]} : vector<16xf32> to vector<1xf32>
      %broadcast_in_dim3A_1982 = vector.shape_cast %slice3A_1981 : vector<1xf32> to vector<1xf32>
      %broadcast_in_dim3A_1983 = vector.broadcast %broadcast_in_dim3A_1982 : vector<1xf32> to vector<16xf32>
      %mul3A_1984 = arith.constant 16 : i32
      %mul3A_1985 = arith.muli %scan3A_988, %mul3A_1984 : i32
      %add3A_1986 = arith.constant 0 : i32
      %add3A_1987 = arith.addi %add3A_1986, %mul3A_1985 : i32
      %add3A_1988 = arith.constant 11 : i32
      %add3A_1989 = arith.addi %add3A_1987, %add3A_1988 : i32
      %get3A_1990 = arith.index_cast %add3A_1989 : i32 to index
      %get3A_1991 = arith.constant 0 : index
      %get3A_1992 = tpu.vector_load %arg8[%get3A_1990, %get3A_1991] {strides = array<i32>} : memref<256x128xf32, #tpu.memory_space<vmem>>, vector<1x16xf32>,
      %get3A_1993 = vector.shape_cast %get3A_1992 : vector<1x16xf32> to vector<16xf32>
      %mul3A_1994 = arith.mulf %get3A_1993, %broadcast_in_dim3A_1983 : vector<16xf32>
      %swap3A_1995 = arith.index_cast %add3A_1989 : i32 to index
      %swap3A_1996 = arith.constant 0 : index
      %swap3A_1997 = tpu.vector_load %arg8[%swap3A_1995, %swap3A_1996] {strides = array<i32>} : memref<256x128xf32, #tpu.memory_space<vmem>>, vector<1x16xf32>,
      %swap3A_1998 = vector.shape_cast %swap3A_1997 : vector<1x16xf32> to vector<16xf32>
      %swap3A_1999 = vector.shape_cast %mul3A_1994 : vector<16xf32> to vector<1x16xf32>
      tpu.vector_store %arg8[%swap3A_1995, %swap3A_1996], %swap3A_1999 {strides = array<i32>} : memref<256x128xf32, #tpu.memory_space<vmem>>, vector<1x16xf32>,
      %get3A_2000 = arith.index_cast %add3A_1989 : i32 to index
      %get3A_2001 = arith.constant 16 : index
      %get3A_2002 = tpu.vector_load %arg8[%get3A_2000, %get3A_2001] {strides = array<i32>} : memref<256x128xf32, #tpu.memory_space<vmem>>, vector<1x16xf32>,
      %get3A_2003 = vector.shape_cast %get3A_2002 : vector<1x16xf32> to vector<16xf32>
      %mul3A_2004 = arith.mulf %get3A_2003, %broadcast_in_dim3A_1983 : vector<16xf32>
      %swap3A_2005 = arith.index_cast %add3A_1989 : i32 to index
      %swap3A_2006 = arith.constant 16 : index
      %swap3A_2007 = tpu.vector_load %arg8[%swap3A_2005, %swap3A_2006] {strides = array<i32>} : memref<256x128xf32, #tpu.memory_space<vmem>>, vector<1x16xf32>,
      %swap3A_2008 = vector.shape_cast %swap3A_2007 : vector<1x16xf32> to vector<16xf32>
      %swap3A_2009 = vector.shape_cast %mul3A_2004 : vector<16xf32> to vector<1x16xf32>
      tpu.vector_store %arg8[%swap3A_2005, %swap3A_2006], %swap3A_2009 {strides = array<i32>} : memref<256x128xf32, #tpu.memory_space<vmem>>, vector<1x16xf32>,
      %get3A_2010 = arith.index_cast %add3A_1989 : i32 to index
      %get3A_2011 = arith.constant 32 : index
      %get3A_2012 = tpu.vector_load %arg8[%get3A_2010, %get3A_2011] {strides = array<i32>} : memref<256x128xf32, #tpu.memory_space<vmem>>, vector<1x16xf32>,
      %get3A_2013 = vector.shape_cast %get3A_2012 : vector<1x16xf32> to vector<16xf32>
      %mul3A_2014 = arith.mulf %get3A_2013, %broadcast_in_dim3A_1983 : vector<16xf32>
      %swap3A_2015 = arith.index_cast %add3A_1989 : i32 to index
      %swap3A_2016 = arith.constant 32 : index
      %swap3A_2017 = tpu.vector_load %arg8[%swap3A_2015, %swap3A_2016] {strides = array<i32>} : memref<256x128xf32, #tpu.memory_space<vmem>>, vector<1x16xf32>,
      %swap3A_2018 = vector.shape_cast %swap3A_2017 : vector<1x16xf32> to vector<16xf32>
      %swap3A_2019 = vector.shape_cast %mul3A_2014 : vector<16xf32> to vector<1x16xf32>
      tpu.vector_store %arg8[%swap3A_2015, %swap3A_2016], %swap3A_2019 {strides = array<i32>} : memref<256x128xf32, #tpu.memory_space<vmem>>, vector<1x16xf32>,
      %get3A_2020 = arith.index_cast %add3A_1989 : i32 to index
      %get3A_2021 = arith.constant 48 : index
      %get3A_2022 = tpu.vector_load %arg8[%get3A_2020, %get3A_2021] {strides = array<i32>} : memref<256x128xf32, #tpu.memory_space<vmem>>, vector<1x16xf32>,
      %get3A_2023 = vector.shape_cast %get3A_2022 : vector<1x16xf32> to vector<16xf32>
      %mul3A_2024 = arith.mulf %get3A_2023, %broadcast_in_dim3A_1983 : vector<16xf32>
      %swap3A_2025 = arith.index_cast %add3A_1989 : i32 to index
      %swap3A_2026 = arith.constant 48 : index
      %swap3A_2027 = tpu.vector_load %arg8[%swap3A_2025, %swap3A_2026] {strides = array<i32>} : memref<256x128xf32, #tpu.memory_space<vmem>>, vector<1x16xf32>,
      %swap3A_2028 = vector.shape_cast %swap3A_2027 : vector<1x16xf32> to vector<16xf32>
      %swap3A_2029 = vector.shape_cast %mul3A_2024 : vector<16xf32> to vector<1x16xf32>
      tpu.vector_store %arg8[%swap3A_2025, %swap3A_2026], %swap3A_2029 {strides = array<i32>} : memref<256x128xf32, #tpu.memory_space<vmem>>, vector<1x16xf32>,
      %get3A_2030 = arith.index_cast %add3A_1989 : i32 to index
      %get3A_2031 = arith.constant 64 : index
      %get3A_2032 = tpu.vector_load %arg8[%get3A_2030, %get3A_2031] {strides = array<i32>} : memref<256x128xf32, #tpu.memory_space<vmem>>, vector<1x16xf32>,
      %get3A_2033 = vector.shape_cast %get3A_2032 : vector<1x16xf32> to vector<16xf32>
      %mul3A_2034 = arith.mulf %get3A_2033, %broadcast_in_dim3A_1983 : vector<16xf32>
      %swap3A_2035 = arith.index_cast %add3A_1989 : i32 to index
      %swap3A_2036 = arith.constant 64 : index
      %swap3A_2037 = tpu.vector_load %arg8[%swap3A_2035, %swap3A_2036] {strides = array<i32>} : memref<256x128xf32, #tpu.memory_space<vmem>>, vector<1x16xf32>,
      %swap3A_2038 = vector.shape_cast %swap3A_2037 : vector<1x16xf32> to vector<16xf32>
      %swap3A_2039 = vector.shape_cast %mul3A_2034 : vector<16xf32> to vector<1x16xf32>
      tpu.vector_store %arg8[%swap3A_2035, %swap3A_2036], %swap3A_2039 {strides = array<i32>} : memref<256x128xf32, #tpu.memory_space<vmem>>, vector<1x16xf32>,
      %get3A_2040 = arith.index_cast %add3A_1989 : i32 to index
      %get3A_2041 = arith.constant 80 : index
      %get3A_2042 = tpu.vector_load %arg8[%get3A_2040, %get3A_2041] {strides = array<i32>} : memref<256x128xf32, #tpu.memory_space<vmem>>, vector<1x16xf32>,
      %get3A_2043 = vector.shape_cast %get3A_2042 : vector<1x16xf32> to vector<16xf32>
      %mul3A_2044 = arith.mulf %get3A_2043, %broadcast_in_dim3A_1983 : vector<16xf32>
      %swap3A_2045 = arith.index_cast %add3A_1989 : i32 to index
      %swap3A_2046 = arith.constant 80 : index
      %swap3A_2047 = tpu.vector_load %arg8[%swap3A_2045, %swap3A_2046] {strides = array<i32>} : memref<256x128xf32, #tpu.memory_space<vmem>>, vector<1x16xf32>,
      %swap3A_2048 = vector.shape_cast %swap3A_2047 : vector<1x16xf32> to vector<16xf32>
      %swap3A_2049 = vector.shape_cast %mul3A_2044 : vector<16xf32> to vector<1x16xf32>
      tpu.vector_store %arg8[%swap3A_2045, %swap3A_2046], %swap3A_2049 {strides = array<i32>} : memref<256x128xf32, #tpu.memory_space<vmem>>, vector<1x16xf32>,
      %get3A_2050 = arith.index_cast %add3A_1989 : i32 to index
      %get3A_2051 = arith.constant 96 : index
      %get3A_2052 = tpu.vector_load %arg8[%get3A_2050, %get3A_2051] {strides = array<i32>} : memref<256x128xf32, #tpu.memory_space<vmem>>, vector<1x16xf32>,
      %get3A_2053 = vector.shape_cast %get3A_2052 : vector<1x16xf32> to vector<16xf32>
      %mul3A_2054 = arith.mulf %get3A_2053, %broadcast_in_dim3A_1983 : vector<16xf32>
      %swap3A_2055 = arith.index_cast %add3A_1989 : i32 to index
      %swap3A_2056 = arith.constant 96 : index
      %swap3A_2057 = tpu.vector_load %arg8[%swap3A_2055, %swap3A_2056] {strides = array<i32>} : memref<256x128xf32, #tpu.memory_space<vmem>>, vector<1x16xf32>,
      %swap3A_2058 = vector.shape_cast %swap3A_2057 : vector<1x16xf32> to vector<16xf32>
      %swap3A_2059 = vector.shape_cast %mul3A_2054 : vector<16xf32> to vector<1x16xf32>
      tpu.vector_store %arg8[%swap3A_2055, %swap3A_2056], %swap3A_2059 {strides = array<i32>} : memref<256x128xf32, #tpu.memory_space<vmem>>, vector<1x16xf32>,
      %get3A_2060 = arith.index_cast %add3A_1989 : i32 to index
      %get3A_2061 = arith.constant 112 : index
      %get3A_2062 = tpu.vector_load %arg8[%get3A_2060, %get3A_2061] {strides = array<i32>} : memref<256x128xf32, #tpu.memory_space<vmem>>, vector<1x16xf32>,
      %get3A_2063 = vector.shape_cast %get3A_2062 : vector<1x16xf32> to vector<16xf32>
      %mul3A_2064 = arith.mulf %get3A_2063, %broadcast_in_dim3A_1983 : vector<16xf32>
      %swap3A_2065 = arith.index_cast %add3A_1989 : i32 to index
      %swap3A_2066 = arith.constant 112 : index
      %swap3A_2067 = tpu.vector_load %arg8[%swap3A_2065, %swap3A_2066] {strides = array<i32>} : memref<256x128xf32, #tpu.memory_space<vmem>>, vector<1x16xf32>,
      %swap3A_2068 = vector.shape_cast %swap3A_2067 : vector<1x16xf32> to vector<16xf32>
      %swap3A_2069 = vector.shape_cast %mul3A_2064 : vector<16xf32> to vector<1x16xf32>
      tpu.vector_store %arg8[%swap3A_2065, %swap3A_2066], %swap3A_2069 {strides = array<i32>} : memref<256x128xf32, #tpu.memory_space<vmem>>, vector<1x16xf32>,
      %slice3A_2070 = vector.extract_strided_slice %select_n3A {offsets = [12], sizes = [1], strides = [1]} : vector<16xf32> to vector<1xf32>
      %broadcast_in_dim3A_2071 = vector.shape_cast %slice3A_2070 : vector<1xf32> to vector<1xf32>
      %broadcast_in_dim3A_2072 = vector.broadcast %broadcast_in_dim3A_2071 : vector<1xf32> to vector<16xf32>
      %mul3A_2073 = arith.constant 16 : i32
      %mul3A_2074 = arith.muli %scan3A_988, %mul3A_2073 : i32
      %add3A_2075 = arith.constant 0 : i32
      %add3A_2076 = arith.addi %add3A_2075, %mul3A_2074 : i32
      %add3A_2077 = arith.constant 12 : i32
      %add3A_2078 = arith.addi %add3A_2076, %add3A_2077 : i32
      %get3A_2079 = arith.index_cast %add3A_2078 : i32 to index
      %get3A_2080 = arith.constant 0 : index
      %get3A_2081 = tpu.vector_load %arg8[%get3A_2079, %get3A_2080] {strides = array<i32>} : memref<256x128xf32, #tpu.memory_space<vmem>>, vector<1x16xf32>,
      %get3A_2082 = vector.shape_cast %get3A_2081 : vector<1x16xf32> to vector<16xf32>
      %mul3A_2083 = arith.mulf %get3A_2082, %broadcast_in_dim3A_2072 : vector<16xf32>
      %swap3A_2084 = arith.index_cast %add3A_2078 : i32 to index
      %swap3A_2085 = arith.constant 0 : index
      %swap3A_2086 = tpu.vector_load %arg8[%swap3A_2084, %swap3A_2085] {strides = array<i32>} : memref<256x128xf32, #tpu.memory_space<vmem>>, vector<1x16xf32>,
      %swap3A_2087 = vector.shape_cast %swap3A_2086 : vector<1x16xf32> to vector<16xf32>
      %swap3A_2088 = vector.shape_cast %mul3A_2083 : vector<16xf32> to vector<1x16xf32>
      tpu.vector_store %arg8[%swap3A_2084, %swap3A_2085], %swap3A_2088 {strides = array<i32>} : memref<256x128xf32, #tpu.memory_space<vmem>>, vector<1x16xf32>,
      %get3A_2089 = arith.index_cast %add3A_2078 : i32 to index
      %get3A_2090 = arith.constant 16 : index
      %get3A_2091 = tpu.vector_load %arg8[%get3A_2089, %get3A_2090] {strides = array<i32>} : memref<256x128xf32, #tpu.memory_space<vmem>>, vector<1x16xf32>,
      %get3A_2092 = vector.shape_cast %get3A_2091 : vector<1x16xf32> to vector<16xf32>
      %mul3A_2093 = arith.mulf %get3A_2092, %broadcast_in_dim3A_2072 : vector<16xf32>
      %swap3A_2094 = arith.index_cast %add3A_2078 : i32 to index
      %swap3A_2095 = arith.constant 16 : index
      %swap3A_2096 = tpu.vector_load %arg8[%swap3A_2094, %swap3A_2095] {strides = array<i32>} : memref<256x128xf32, #tpu.memory_space<vmem>>, vector<1x16xf32>,
      %swap3A_2097 = vector.shape_cast %swap3A_2096 : vector<1x16xf32> to vector<16xf32>
      %swap3A_2098 = vector.shape_cast %mul3A_2093 : vector<16xf32> to vector<1x16xf32>
      tpu.vector_store %arg8[%swap3A_2094, %swap3A_2095], %swap3A_2098 {strides = array<i32>} : memref<256x128xf32, #tpu.memory_space<vmem>>, vector<1x16xf32>,
      %get3A_2099 = arith.index_cast %add3A_2078 : i32 to index
      %get3A_2100 = arith.constant 32 : index
      %get3A_2101 = tpu.vector_load %arg8[%get3A_2099, %get3A_2100] {strides = array<i32>} : memref<256x128xf32, #tpu.memory_space<vmem>>, vector<1x16xf32>,
      %get3A_2102 = vector.shape_cast %get3A_2101 : vector<1x16xf32> to vector<16xf32>
      %mul3A_2103 = arith.mulf %get3A_2102, %broadcast_in_dim3A_2072 : vector<16xf32>
      %swap3A_2104 = arith.index_cast %add3A_2078 : i32 to index
      %swap3A_2105 = arith.constant 32 : index
      %swap3A_2106 = tpu.vector_load %arg8[%swap3A_2104, %swap3A_2105] {strides = array<i32>} : memref<256x128xf32, #tpu.memory_space<vmem>>, vector<1x16xf32>,
      %swap3A_2107 = vector.shape_cast %swap3A_2106 : vector<1x16xf32> to vector<16xf32>
      %swap3A_2108 = vector.shape_cast %mul3A_2103 : vector<16xf32> to vector<1x16xf32>
      tpu.vector_store %arg8[%swap3A_2104, %swap3A_2105], %swap3A_2108 {strides = array<i32>} : memref<256x128xf32, #tpu.memory_space<vmem>>, vector<1x16xf32>,
      %get3A_2109 = arith.index_cast %add3A_2078 : i32 to index
      %get3A_2110 = arith.constant 48 : index
      %get3A_2111 = tpu.vector_load %arg8[%get3A_2109, %get3A_2110] {strides = array<i32>} : memref<256x128xf32, #tpu.memory_space<vmem>>, vector<1x16xf32>,
      %get3A_2112 = vector.shape_cast %get3A_2111 : vector<1x16xf32> to vector<16xf32>
      %mul3A_2113 = arith.mulf %get3A_2112, %broadcast_in_dim3A_2072 : vector<16xf32>
      %swap3A_2114 = arith.index_cast %add3A_2078 : i32 to index
      %swap3A_2115 = arith.constant 48 : index
      %swap3A_2116 = tpu.vector_load %arg8[%swap3A_2114, %swap3A_2115] {strides = array<i32>} : memref<256x128xf32, #tpu.memory_space<vmem>>, vector<1x16xf32>,
      %swap3A_2117 = vector.shape_cast %swap3A_2116 : vector<1x16xf32> to vector<16xf32>
      %swap3A_2118 = vector.shape_cast %mul3A_2113 : vector<16xf32> to vector<1x16xf32>
      tpu.vector_store %arg8[%swap3A_2114, %swap3A_2115], %swap3A_2118 {strides = array<i32>} : memref<256x128xf32, #tpu.memory_space<vmem>>, vector<1x16xf32>,
      %get3A_2119 = arith.index_cast %add3A_2078 : i32 to index
      %get3A_2120 = arith.constant 64 : index
      %get3A_2121 = tpu.vector_load %arg8[%get3A_2119, %get3A_2120] {strides = array<i32>} : memref<256x128xf32, #tpu.memory_space<vmem>>, vector<1x16xf32>,
      %get3A_2122 = vector.shape_cast %get3A_2121 : vector<1x16xf32> to vector<16xf32>
      %mul3A_2123 = arith.mulf %get3A_2122, %broadcast_in_dim3A_2072 : vector<16xf32>
      %swap3A_2124 = arith.index_cast %add3A_2078 : i32 to index
      %swap3A_2125 = arith.constant 64 : index
      %swap3A_2126 = tpu.vector_load %arg8[%swap3A_2124, %swap3A_2125] {strides = array<i32>} : memref<256x128xf32, #tpu.memory_space<vmem>>, vector<1x16xf32>,
      %swap3A_2127 = vector.shape_cast %swap3A_2126 : vector<1x16xf32> to vector<16xf32>
      %swap3A_2128 = vector.shape_cast %mul3A_2123 : vector<16xf32> to vector<1x16xf32>
      tpu.vector_store %arg8[%swap3A_2124, %swap3A_2125], %swap3A_2128 {strides = array<i32>} : memref<256x128xf32, #tpu.memory_space<vmem>>, vector<1x16xf32>,
      %get3A_2129 = arith.index_cast %add3A_2078 : i32 to index
      %get3A_2130 = arith.constant 80 : index
      %get3A_2131 = tpu.vector_load %arg8[%get3A_2129, %get3A_2130] {strides = array<i32>} : memref<256x128xf32, #tpu.memory_space<vmem>>, vector<1x16xf32>,
      %get3A_2132 = vector.shape_cast %get3A_2131 : vector<1x16xf32> to vector<16xf32>
      %mul3A_2133 = arith.mulf %get3A_2132, %broadcast_in_dim3A_2072 : vector<16xf32>
      %swap3A_2134 = arith.index_cast %add3A_2078 : i32 to index
      %swap3A_2135 = arith.constant 80 : index
      %swap3A_2136 = tpu.vector_load %arg8[%swap3A_2134, %swap3A_2135] {strides = array<i32>} : memref<256x128xf32, #tpu.memory_space<vmem>>, vector<1x16xf32>,
      %swap3A_2137 = vector.shape_cast %swap3A_2136 : vector<1x16xf32> to vector<16xf32>
      %swap3A_2138 = vector.shape_cast %mul3A_2133 : vector<16xf32> to vector<1x16xf32>
      tpu.vector_store %arg8[%swap3A_2134, %swap3A_2135], %swap3A_2138 {strides = array<i32>} : memref<256x128xf32, #tpu.memory_space<vmem>>, vector<1x16xf32>,
      %get3A_2139 = arith.index_cast %add3A_2078 : i32 to index
      %get3A_2140 = arith.constant 96 : index
      %get3A_2141 = tpu.vector_load %arg8[%get3A_2139, %get3A_2140] {strides = array<i32>} : memref<256x128xf32, #tpu.memory_space<vmem>>, vector<1x16xf32>,
      %get3A_2142 = vector.shape_cast %get3A_2141 : vector<1x16xf32> to vector<16xf32>
      %mul3A_2143 = arith.mulf %get3A_2142, %broadcast_in_dim3A_2072 : vector<16xf32>
      %swap3A_2144 = arith.index_cast %add3A_2078 : i32 to index
      %swap3A_2145 = arith.constant 96 : index
      %swap3A_2146 = tpu.vector_load %arg8[%swap3A_2144, %swap3A_2145] {strides = array<i32>} : memref<256x128xf32, #tpu.memory_space<vmem>>, vector<1x16xf32>,
      %swap3A_2147 = vector.shape_cast %swap3A_2146 : vector<1x16xf32> to vector<16xf32>
      %swap3A_2148 = vector.shape_cast %mul3A_2143 : vector<16xf32> to vector<1x16xf32>
      tpu.vector_store %arg8[%swap3A_2144, %swap3A_2145], %swap3A_2148 {strides = array<i32>} : memref<256x128xf32, #tpu.memory_space<vmem>>, vector<1x16xf32>,
      %get3A_2149 = arith.index_cast %add3A_2078 : i32 to index
      %get3A_2150 = arith.constant 112 : index
      %get3A_2151 = tpu.vector_load %arg8[%get3A_2149, %get3A_2150] {strides = array<i32>} : memref<256x128xf32, #tpu.memory_space<vmem>>, vector<1x16xf32>,
      %get3A_2152 = vector.shape_cast %get3A_2151 : vector<1x16xf32> to vector<16xf32>
      %mul3A_2153 = arith.mulf %get3A_2152, %broadcast_in_dim3A_2072 : vector<16xf32>
      %swap3A_2154 = arith.index_cast %add3A_2078 : i32 to index
      %swap3A_2155 = arith.constant 112 : index
      %swap3A_2156 = tpu.vector_load %arg8[%swap3A_2154, %swap3A_2155] {strides = array<i32>} : memref<256x128xf32, #tpu.memory_space<vmem>>, vector<1x16xf32>,
      %swap3A_2157 = vector.shape_cast %swap3A_2156 : vector<1x16xf32> to vector<16xf32>
      %swap3A_2158 = vector.shape_cast %mul3A_2153 : vector<16xf32> to vector<1x16xf32>
      tpu.vector_store %arg8[%swap3A_2154, %swap3A_2155], %swap3A_2158 {strides = array<i32>} : memref<256x128xf32, #tpu.memory_space<vmem>>, vector<1x16xf32>,
      %slice3A_2159 = vector.extract_strided_slice %select_n3A {offsets = [13], sizes = [1], strides = [1]} : vector<16xf32> to vector<1xf32>
      %broadcast_in_dim3A_2160 = vector.shape_cast %slice3A_2159 : vector<1xf32> to vector<1xf32>
      %broadcast_in_dim3A_2161 = vector.broadcast %broadcast_in_dim3A_2160 : vector<1xf32> to vector<16xf32>
      %mul3A_2162 = arith.constant 16 : i32
      %mul3A_2163 = arith.muli %scan3A_988, %mul3A_2162 : i32
      %add3A_2164 = arith.constant 0 : i32
      %add3A_2165 = arith.addi %add3A_2164, %mul3A_2163 : i32
      %add3A_2166 = arith.constant 13 : i32
      %add3A_2167 = arith.addi %add3A_2165, %add3A_2166 : i32
      %get3A_2168 = arith.index_cast %add3A_2167 : i32 to index
      %get3A_2169 = arith.constant 0 : index
      %get3A_2170 = tpu.vector_load %arg8[%get3A_2168, %get3A_2169] {strides = array<i32>} : memref<256x128xf32, #tpu.memory_space<vmem>>, vector<1x16xf32>,
      %get3A_2171 = vector.shape_cast %get3A_2170 : vector<1x16xf32> to vector<16xf32>
      %mul3A_2172 = arith.mulf %get3A_2171, %broadcast_in_dim3A_2161 : vector<16xf32>
      %swap3A_2173 = arith.index_cast %add3A_2167 : i32 to index
      %swap3A_2174 = arith.constant 0 : index
      %swap3A_2175 = tpu.vector_load %arg8[%swap3A_2173, %swap3A_2174] {strides = array<i32>} : memref<256x128xf32, #tpu.memory_space<vmem>>, vector<1x16xf32>,
      %swap3A_2176 = vector.shape_cast %swap3A_2175 : vector<1x16xf32> to vector<16xf32>
      %swap3A_2177 = vector.shape_cast %mul3A_2172 : vector<16xf32> to vector<1x16xf32>
      tpu.vector_store %arg8[%swap3A_2173, %swap3A_2174], %swap3A_2177 {strides = array<i32>} : memref<256x128xf32, #tpu.memory_space<vmem>>, vector<1x16xf32>,
      %get3A_2178 = arith.index_cast %add3A_2167 : i32 to index
      %get3A_2179 = arith.constant 16 : index
      %get3A_2180 = tpu.vector_load %arg8[%get3A_2178, %get3A_2179] {strides = array<i32>} : memref<256x128xf32, #tpu.memory_space<vmem>>, vector<1x16xf32>,
      %get3A_2181 = vector.shape_cast %get3A_2180 : vector<1x16xf32> to vector<16xf32>
      %mul3A_2182 = arith.mulf %get3A_2181, %broadcast_in_dim3A_2161 : vector<16xf32>
      %swap3A_2183 = arith.index_cast %add3A_2167 : i32 to index
      %swap3A_2184 = arith.constant 16 : index
      %swap3A_2185 = tpu.vector_load %arg8[%swap3A_2183, %swap3A_2184] {strides = array<i32>} : memref<256x128xf32, #tpu.memory_space<vmem>>, vector<1x16xf32>,
      %swap3A_2186 = vector.shape_cast %swap3A_2185 : vector<1x16xf32> to vector<16xf32>
      %swap3A_2187 = vector.shape_cast %mul3A_2182 : vector<16xf32> to vector<1x16xf32>
      tpu.vector_store %arg8[%swap3A_2183, %swap3A_2184], %swap3A_2187 {strides = array<i32>} : memref<256x128xf32, #tpu.memory_space<vmem>>, vector<1x16xf32>,
      %get3A_2188 = arith.index_cast %add3A_2167 : i32 to index
      %get3A_2189 = arith.constant 32 : index
      %get3A_2190 = tpu.vector_load %arg8[%get3A_2188, %get3A_2189] {strides = array<i32>} : memref<256x128xf32, #tpu.memory_space<vmem>>, vector<1x16xf32>,
      %get3A_2191 = vector.shape_cast %get3A_2190 : vector<1x16xf32> to vector<16xf32>
      %mul3A_2192 = arith.mulf %get3A_2191, %broadcast_in_dim3A_2161 : vector<16xf32>
      %swap3A_2193 = arith.index_cast %add3A_2167 : i32 to index
      %swap3A_2194 = arith.constant 32 : index
      %swap3A_2195 = tpu.vector_load %arg8[%swap3A_2193, %swap3A_2194] {strides = array<i32>} : memref<256x128xf32, #tpu.memory_space<vmem>>, vector<1x16xf32>,
      %swap3A_2196 = vector.shape_cast %swap3A_2195 : vector<1x16xf32> to vector<16xf32>
      %swap3A_2197 = vector.shape_cast %mul3A_2192 : vector<16xf32> to vector<1x16xf32>
      tpu.vector_store %arg8[%swap3A_2193, %swap3A_2194], %swap3A_2197 {strides = array<i32>} : memref<256x128xf32, #tpu.memory_space<vmem>>, vector<1x16xf32>,
      %get3A_2198 = arith.index_cast %add3A_2167 : i32 to index
      %get3A_2199 = arith.constant 48 : index
      %get3A_2200 = tpu.vector_load %arg8[%get3A_2198, %get3A_2199] {strides = array<i32>} : memref<256x128xf32, #tpu.memory_space<vmem>>, vector<1x16xf32>,
      %get3A_2201 = vector.shape_cast %get3A_2200 : vector<1x16xf32> to vector<16xf32>
      %mul3A_2202 = arith.mulf %get3A_2201, %broadcast_in_dim3A_2161 : vector<16xf32>
      %swap3A_2203 = arith.index_cast %add3A_2167 : i32 to index
      %swap3A_2204 = arith.constant 48 : index
      %swap3A_2205 = tpu.vector_load %arg8[%swap3A_2203, %swap3A_2204] {strides = array<i32>} : memref<256x128xf32, #tpu.memory_space<vmem>>, vector<1x16xf32>,
      %swap3A_2206 = vector.shape_cast %swap3A_2205 : vector<1x16xf32> to vector<16xf32>
      %swap3A_2207 = vector.shape_cast %mul3A_2202 : vector<16xf32> to vector<1x16xf32>
      tpu.vector_store %arg8[%swap3A_2203, %swap3A_2204], %swap3A_2207 {strides = array<i32>} : memref<256x128xf32, #tpu.memory_space<vmem>>, vector<1x16xf32>,
      %get3A_2208 = arith.index_cast %add3A_2167 : i32 to index
      %get3A_2209 = arith.constant 64 : index
      %get3A_2210 = tpu.vector_load %arg8[%get3A_2208, %get3A_2209] {strides = array<i32>} : memref<256x128xf32, #tpu.memory_space<vmem>>, vector<1x16xf32>,
      %get3A_2211 = vector.shape_cast %get3A_2210 : vector<1x16xf32> to vector<16xf32>
      %mul3A_2212 = arith.mulf %get3A_2211, %broadcast_in_dim3A_2161 : vector<16xf32>
      %swap3A_2213 = arith.index_cast %add3A_2167 : i32 to index
      %swap3A_2214 = arith.constant 64 : index
      %swap3A_2215 = tpu.vector_load %arg8[%swap3A_2213, %swap3A_2214] {strides = array<i32>} : memref<256x128xf32, #tpu.memory_space<vmem>>, vector<1x16xf32>,
      %swap3A_2216 = vector.shape_cast %swap3A_2215 : vector<1x16xf32> to vector<16xf32>
      %swap3A_2217 = vector.shape_cast %mul3A_2212 : vector<16xf32> to vector<1x16xf32>
      tpu.vector_store %arg8[%swap3A_2213, %swap3A_2214], %swap3A_2217 {strides = array<i32>} : memref<256x128xf32, #tpu.memory_space<vmem>>, vector<1x16xf32>,
      %get3A_2218 = arith.index_cast %add3A_2167 : i32 to index
      %get3A_2219 = arith.constant 80 : index
      %get3A_2220 = tpu.vector_load %arg8[%get3A_2218, %get3A_2219] {strides = array<i32>} : memref<256x128xf32, #tpu.memory_space<vmem>>, vector<1x16xf32>,
      %get3A_2221 = vector.shape_cast %get3A_2220 : vector<1x16xf32> to vector<16xf32>
      %mul3A_2222 = arith.mulf %get3A_2221, %broadcast_in_dim3A_2161 : vector<16xf32>
      %swap3A_2223 = arith.index_cast %add3A_2167 : i32 to index
      %swap3A_2224 = arith.constant 80 : index
      %swap3A_2225 = tpu.vector_load %arg8[%swap3A_2223, %swap3A_2224] {strides = array<i32>} : memref<256x128xf32, #tpu.memory_space<vmem>>, vector<1x16xf32>,
      %swap3A_2226 = vector.shape_cast %swap3A_2225 : vector<1x16xf32> to vector<16xf32>
      %swap3A_2227 = vector.shape_cast %mul3A_2222 : vector<16xf32> to vector<1x16xf32>
      tpu.vector_store %arg8[%swap3A_2223, %swap3A_2224], %swap3A_2227 {strides = array<i32>} : memref<256x128xf32, #tpu.memory_space<vmem>>, vector<1x16xf32>,
      %get3A_2228 = arith.index_cast %add3A_2167 : i32 to index
      %get3A_2229 = arith.constant 96 : index
      %get3A_2230 = tpu.vector_load %arg8[%get3A_2228, %get3A_2229] {strides = array<i32>} : memref<256x128xf32, #tpu.memory_space<vmem>>, vector<1x16xf32>,
      %get3A_2231 = vector.shape_cast %get3A_2230 : vector<1x16xf32> to vector<16xf32>
      %mul3A_2232 = arith.mulf %get3A_2231, %broadcast_in_dim3A_2161 : vector<16xf32>
      %swap3A_2233 = arith.index_cast %add3A_2167 : i32 to index
      %swap3A_2234 = arith.constant 96 : index
      %swap3A_2235 = tpu.vector_load %arg8[%swap3A_2233, %swap3A_2234] {strides = array<i32>} : memref<256x128xf32, #tpu.memory_space<vmem>>, vector<1x16xf32>,
      %swap3A_2236 = vector.shape_cast %swap3A_2235 : vector<1x16xf32> to vector<16xf32>
      %swap3A_2237 = vector.shape_cast %mul3A_2232 : vector<16xf32> to vector<1x16xf32>
      tpu.vector_store %arg8[%swap3A_2233, %swap3A_2234], %swap3A_2237 {strides = array<i32>} : memref<256x128xf32, #tpu.memory_space<vmem>>, vector<1x16xf32>,
      %get3A_2238 = arith.index_cast %add3A_2167 : i32 to index
      %get3A_2239 = arith.constant 112 : index
      %get3A_2240 = tpu.vector_load %arg8[%get3A_2238, %get3A_2239] {strides = array<i32>} : memref<256x128xf32, #tpu.memory_space<vmem>>, vector<1x16xf32>,
      %get3A_2241 = vector.shape_cast %get3A_2240 : vector<1x16xf32> to vector<16xf32>
      %mul3A_2242 = arith.mulf %get3A_2241, %broadcast_in_dim3A_2161 : vector<16xf32>
      %swap3A_2243 = arith.index_cast %add3A_2167 : i32 to index
      %swap3A_2244 = arith.constant 112 : index
      %swap3A_2245 = tpu.vector_load %arg8[%swap3A_2243, %swap3A_2244] {strides = array<i32>} : memref<256x128xf32, #tpu.memory_space<vmem>>, vector<1x16xf32>,
      %swap3A_2246 = vector.shape_cast %swap3A_2245 : vector<1x16xf32> to vector<16xf32>
      %swap3A_2247 = vector.shape_cast %mul3A_2242 : vector<16xf32> to vector<1x16xf32>
      tpu.vector_store %arg8[%swap3A_2243, %swap3A_2244], %swap3A_2247 {strides = array<i32>} : memref<256x128xf32, #tpu.memory_space<vmem>>, vector<1x16xf32>,
      %slice3A_2248 = vector.extract_strided_slice %select_n3A {offsets = [14], sizes = [1], strides = [1]} : vector<16xf32> to vector<1xf32>
      %broadcast_in_dim3A_2249 = vector.shape_cast %slice3A_2248 : vector<1xf32> to vector<1xf32>
      %broadcast_in_dim3A_2250 = vector.broadcast %broadcast_in_dim3A_2249 : vector<1xf32> to vector<16xf32>
      %mul3A_2251 = arith.constant 16 : i32
      %mul3A_2252 = arith.muli %scan3A_988, %mul3A_2251 : i32
      %add3A_2253 = arith.constant 0 : i32
      %add3A_2254 = arith.addi %add3A_2253, %mul3A_2252 : i32
      %add3A_2255 = arith.constant 14 : i32
      %add3A_2256 = arith.addi %add3A_2254, %add3A_2255 : i32
      %get3A_2257 = arith.index_cast %add3A_2256 : i32 to index
      %get3A_2258 = arith.constant 0 : index
      %get3A_2259 = tpu.vector_load %arg8[%get3A_2257, %get3A_2258] {strides = array<i32>} : memref<256x128xf32, #tpu.memory_space<vmem>>, vector<1x16xf32>,
      %get3A_2260 = vector.shape_cast %get3A_2259 : vector<1x16xf32> to vector<16xf32>
      %mul3A_2261 = arith.mulf %get3A_2260, %broadcast_in_dim3A_2250 : vector<16xf32>
      %swap3A_2262 = arith.index_cast %add3A_2256 : i32 to index
      %swap3A_2263 = arith.constant 0 : index
      %swap3A_2264 = tpu.vector_load %arg8[%swap3A_2262, %swap3A_2263] {strides = array<i32>} : memref<256x128xf32, #tpu.memory_space<vmem>>, vector<1x16xf32>,
      %swap3A_2265 = vector.shape_cast %swap3A_2264 : vector<1x16xf32> to vector<16xf32>
      %swap3A_2266 = vector.shape_cast %mul3A_2261 : vector<16xf32> to vector<1x16xf32>
      tpu.vector_store %arg8[%swap3A_2262, %swap3A_2263], %swap3A_2266 {strides = array<i32>} : memref<256x128xf32, #tpu.memory_space<vmem>>, vector<1x16xf32>,
      %get3A_2267 = arith.index_cast %add3A_2256 : i32 to index
      %get3A_2268 = arith.constant 16 : index
      %get3A_2269 = tpu.vector_load %arg8[%get3A_2267, %get3A_2268] {strides = array<i32>} : memref<256x128xf32, #tpu.memory_space<vmem>>, vector<1x16xf32>,
      %get3A_2270 = vector.shape_cast %get3A_2269 : vector<1x16xf32> to vector<16xf32>
      %mul3A_2271 = arith.mulf %get3A_2270, %broadcast_in_dim3A_2250 : vector<16xf32>
      %swap3A_2272 = arith.index_cast %add3A_2256 : i32 to index
      %swap3A_2273 = arith.constant 16 : index
      %swap3A_2274 = tpu.vector_load %arg8[%swap3A_2272, %swap3A_2273] {strides = array<i32>} : memref<256x128xf32, #tpu.memory_space<vmem>>, vector<1x16xf32>,
      %swap3A_2275 = vector.shape_cast %swap3A_2274 : vector<1x16xf32> to vector<16xf32>
      %swap3A_2276 = vector.shape_cast %mul3A_2271 : vector<16xf32> to vector<1x16xf32>
      tpu.vector_store %arg8[%swap3A_2272, %swap3A_2273], %swap3A_2276 {strides = array<i32>} : memref<256x128xf32, #tpu.memory_space<vmem>>, vector<1x16xf32>,
      %get3A_2277 = arith.index_cast %add3A_2256 : i32 to index
      %get3A_2278 = arith.constant 32 : index
      %get3A_2279 = tpu.vector_load %arg8[%get3A_2277, %get3A_2278] {strides = array<i32>} : memref<256x128xf32, #tpu.memory_space<vmem>>, vector<1x16xf32>,
      %get3A_2280 = vector.shape_cast %get3A_2279 : vector<1x16xf32> to vector<16xf32>
      %mul3A_2281 = arith.mulf %get3A_2280, %broadcast_in_dim3A_2250 : vector<16xf32>
      %swap3A_2282 = arith.index_cast %add3A_2256 : i32 to index
      %swap3A_2283 = arith.constant 32 : index
      %swap3A_2284 = tpu.vector_load %arg8[%swap3A_2282, %swap3A_2283] {strides = array<i32>} : memref<256x128xf32, #tpu.memory_space<vmem>>, vector<1x16xf32>,
      %swap3A_2285 = vector.shape_cast %swap3A_2284 : vector<1x16xf32> to vector<16xf32>
      %swap3A_2286 = vector.shape_cast %mul3A_2281 : vector<16xf32> to vector<1x16xf32>
      tpu.vector_store %arg8[%swap3A_2282, %swap3A_2283], %swap3A_2286 {strides = array<i32>} : memref<256x128xf32, #tpu.memory_space<vmem>>, vector<1x16xf32>,
      %get3A_2287 = arith.index_cast %add3A_2256 : i32 to index
      %get3A_2288 = arith.constant 48 : index
      %get3A_2289 = tpu.vector_load %arg8[%get3A_2287, %get3A_2288] {strides = array<i32>} : memref<256x128xf32, #tpu.memory_space<vmem>>, vector<1x16xf32>,
      %get3A_2290 = vector.shape_cast %get3A_2289 : vector<1x16xf32> to vector<16xf32>
      %mul3A_2291 = arith.mulf %get3A_2290, %broadcast_in_dim3A_2250 : vector<16xf32>
      %swap3A_2292 = arith.index_cast %add3A_2256 : i32 to index
      %swap3A_2293 = arith.constant 48 : index
      %swap3A_2294 = tpu.vector_load %arg8[%swap3A_2292, %swap3A_2293] {strides = array<i32>} : memref<256x128xf32, #tpu.memory_space<vmem>>, vector<1x16xf32>,
      %swap3A_2295 = vector.shape_cast %swap3A_2294 : vector<1x16xf32> to vector<16xf32>
      %swap3A_2296 = vector.shape_cast %mul3A_2291 : vector<16xf32> to vector<1x16xf32>
      tpu.vector_store %arg8[%swap3A_2292, %swap3A_2293], %swap3A_2296 {strides = array<i32>} : memref<256x128xf32, #tpu.memory_space<vmem>>, vector<1x16xf32>,
      %get3A_2297 = arith.index_cast %add3A_2256 : i32 to index
      %get3A_2298 = arith.constant 64 : index
      %get3A_2299 = tpu.vector_load %arg8[%get3A_2297, %get3A_2298] {strides = array<i32>} : memref<256x128xf32, #tpu.memory_space<vmem>>, vector<1x16xf32>,
      %get3A_2300 = vector.shape_cast %get3A_2299 : vector<1x16xf32> to vector<16xf32>
      %mul3A_2301 = arith.mulf %get3A_2300, %broadcast_in_dim3A_2250 : vector<16xf32>
      %swap3A_2302 = arith.index_cast %add3A_2256 : i32 to index
      %swap3A_2303 = arith.constant 64 : index
      %swap3A_2304 = tpu.vector_load %arg8[%swap3A_2302, %swap3A_2303] {strides = array<i32>} : memref<256x128xf32, #tpu.memory_space<vmem>>, vector<1x16xf32>,
      %swap3A_2305 = vector.shape_cast %swap3A_2304 : vector<1x16xf32> to vector<16xf32>
      %swap3A_2306 = vector.shape_cast %mul3A_2301 : vector<16xf32> to vector<1x16xf32>
      tpu.vector_store %arg8[%swap3A_2302, %swap3A_2303], %swap3A_2306 {strides = array<i32>} : memref<256x128xf32, #tpu.memory_space<vmem>>, vector<1x16xf32>,
      %get3A_2307 = arith.index_cast %add3A_2256 : i32 to index
      %get3A_2308 = arith.constant 80 : index
      %get3A_2309 = tpu.vector_load %arg8[%get3A_2307, %get3A_2308] {strides = array<i32>} : memref<256x128xf32, #tpu.memory_space<vmem>>, vector<1x16xf32>,
      %get3A_2310 = vector.shape_cast %get3A_2309 : vector<1x16xf32> to vector<16xf32>
      %mul3A_2311 = arith.mulf %get3A_2310, %broadcast_in_dim3A_2250 : vector<16xf32>
      %swap3A_2312 = arith.index_cast %add3A_2256 : i32 to index
      %swap3A_2313 = arith.constant 80 : index
      %swap3A_2314 = tpu.vector_load %arg8[%swap3A_2312, %swap3A_2313] {strides = array<i32>} : memref<256x128xf32, #tpu.memory_space<vmem>>, vector<1x16xf32>,
      %swap3A_2315 = vector.shape_cast %swap3A_2314 : vector<1x16xf32> to vector<16xf32>
      %swap3A_2316 = vector.shape_cast %mul3A_2311 : vector<16xf32> to vector<1x16xf32>
      tpu.vector_store %arg8[%swap3A_2312, %swap3A_2313], %swap3A_2316 {strides = array<i32>} : memref<256x128xf32, #tpu.memory_space<vmem>>, vector<1x16xf32>,
      %get3A_2317 = arith.index_cast %add3A_2256 : i32 to index
      %get3A_2318 = arith.constant 96 : index
      %get3A_2319 = tpu.vector_load %arg8[%get3A_2317, %get3A_2318] {strides = array<i32>} : memref<256x128xf32, #tpu.memory_space<vmem>>, vector<1x16xf32>,
      %get3A_2320 = vector.shape_cast %get3A_2319 : vector<1x16xf32> to vector<16xf32>
      %mul3A_2321 = arith.mulf %get3A_2320, %broadcast_in_dim3A_2250 : vector<16xf32>
      %swap3A_2322 = arith.index_cast %add3A_2256 : i32 to index
      %swap3A_2323 = arith.constant 96 : index
      %swap3A_2324 = tpu.vector_load %arg8[%swap3A_2322, %swap3A_2323] {strides = array<i32>} : memref<256x128xf32, #tpu.memory_space<vmem>>, vector<1x16xf32>,
      %swap3A_2325 = vector.shape_cast %swap3A_2324 : vector<1x16xf32> to vector<16xf32>
      %swap3A_2326 = vector.shape_cast %mul3A_2321 : vector<16xf32> to vector<1x16xf32>
      tpu.vector_store %arg8[%swap3A_2322, %swap3A_2323], %swap3A_2326 {strides = array<i32>} : memref<256x128xf32, #tpu.memory_space<vmem>>, vector<1x16xf32>,
      %get3A_2327 = arith.index_cast %add3A_2256 : i32 to index
      %get3A_2328 = arith.constant 112 : index
      %get3A_2329 = tpu.vector_load %arg8[%get3A_2327, %get3A_2328] {strides = array<i32>} : memref<256x128xf32, #tpu.memory_space<vmem>>, vector<1x16xf32>,
      %get3A_2330 = vector.shape_cast %get3A_2329 : vector<1x16xf32> to vector<16xf32>
      %mul3A_2331 = arith.mulf %get3A_2330, %broadcast_in_dim3A_2250 : vector<16xf32>
      %swap3A_2332 = arith.index_cast %add3A_2256 : i32 to index
      %swap3A_2333 = arith.constant 112 : index
      %swap3A_2334 = tpu.vector_load %arg8[%swap3A_2332, %swap3A_2333] {strides = array<i32>} : memref<256x128xf32, #tpu.memory_space<vmem>>, vector<1x16xf32>,
      %swap3A_2335 = vector.shape_cast %swap3A_2334 : vector<1x16xf32> to vector<16xf32>
      %swap3A_2336 = vector.shape_cast %mul3A_2331 : vector<16xf32> to vector<1x16xf32>
      tpu.vector_store %arg8[%swap3A_2332, %swap3A_2333], %swap3A_2336 {strides = array<i32>} : memref<256x128xf32, #tpu.memory_space<vmem>>, vector<1x16xf32>,
      %slice3A_2337 = vector.extract_strided_slice %select_n3A {offsets = [15], sizes = [1], strides = [1]} : vector<16xf32> to vector<1xf32>
      %broadcast_in_dim3A_2338 = vector.shape_cast %slice3A_2337 : vector<1xf32> to vector<1xf32>
      %broadcast_in_dim3A_2339 = vector.broadcast %broadcast_in_dim3A_2338 : vector<1xf32> to vector<16xf32>
      %mul3A_2340 = arith.constant 16 : i32
      %mul3A_2341 = arith.muli %scan3A_988, %mul3A_2340 : i32
      %add3A_2342 = arith.constant 0 : i32
      %add3A_2343 = arith.addi %add3A_2342, %mul3A_2341 : i32
      %add3A_2344 = arith.constant 15 : i32
      %add3A_2345 = arith.addi %add3A_2343, %add3A_2344 : i32
      %get3A_2346 = arith.index_cast %add3A_2345 : i32 to index
      %get3A_2347 = arith.constant 0 : index
      %get3A_2348 = tpu.vector_load %arg8[%get3A_2346, %get3A_2347] {strides = array<i32>} : memref<256x128xf32, #tpu.memory_space<vmem>>, vector<1x16xf32>,
      %get3A_2349 = vector.shape_cast %get3A_2348 : vector<1x16xf32> to vector<16xf32>
      %mul3A_2350 = arith.mulf %get3A_2349, %broadcast_in_dim3A_2339 : vector<16xf32>
      %swap3A_2351 = arith.index_cast %add3A_2345 : i32 to index
      %swap3A_2352 = arith.constant 0 : index
      %swap3A_2353 = tpu.vector_load %arg8[%swap3A_2351, %swap3A_2352] {strides = array<i32>} : memref<256x128xf32, #tpu.memory_space<vmem>>, vector<1x16xf32>,
      %swap3A_2354 = vector.shape_cast %swap3A_2353 : vector<1x16xf32> to vector<16xf32>
      %swap3A_2355 = vector.shape_cast %mul3A_2350 : vector<16xf32> to vector<1x16xf32>
      tpu.vector_store %arg8[%swap3A_2351, %swap3A_2352], %swap3A_2355 {strides = array<i32>} : memref<256x128xf32, #tpu.memory_space<vmem>>, vector<1x16xf32>,
      %get3A_2356 = arith.index_cast %add3A_2345 : i32 to index
      %get3A_2357 = arith.constant 16 : index
      %get3A_2358 = tpu.vector_load %arg8[%get3A_2356, %get3A_2357] {strides = array<i32>} : memref<256x128xf32, #tpu.memory_space<vmem>>, vector<1x16xf32>,
      %get3A_2359 = vector.shape_cast %get3A_2358 : vector<1x16xf32> to vector<16xf32>
      %mul3A_2360 = arith.mulf %get3A_2359, %broadcast_in_dim3A_2339 : vector<16xf32>
      %swap3A_2361 = arith.index_cast %add3A_2345 : i32 to index
      %swap3A_2362 = arith.constant 16 : index
      %swap3A_2363 = tpu.vector_load %arg8[%swap3A_2361, %swap3A_2362] {strides = array<i32>} : memref<256x128xf32, #tpu.memory_space<vmem>>, vector<1x16xf32>,
      %swap3A_2364 = vector.shape_cast %swap3A_2363 : vector<1x16xf32> to vector<16xf32>
      %swap3A_2365 = vector.shape_cast %mul3A_2360 : vector<16xf32> to vector<1x16xf32>
      tpu.vector_store %arg8[%swap3A_2361, %swap3A_2362], %swap3A_2365 {strides = array<i32>} : memref<256x128xf32, #tpu.memory_space<vmem>>, vector<1x16xf32>,
      %get3A_2366 = arith.index_cast %add3A_2345 : i32 to index
      %get3A_2367 = arith.constant 32 : index
      %get3A_2368 = tpu.vector_load %arg8[%get3A_2366, %get3A_2367] {strides = array<i32>} : memref<256x128xf32, #tpu.memory_space<vmem>>, vector<1x16xf32>,
      %get3A_2369 = vector.shape_cast %get3A_2368 : vector<1x16xf32> to vector<16xf32>
      %mul3A_2370 = arith.mulf %get3A_2369, %broadcast_in_dim3A_2339 : vector<16xf32>
      %swap3A_2371 = arith.index_cast %add3A_2345 : i32 to index
      %swap3A_2372 = arith.constant 32 : index
      %swap3A_2373 = tpu.vector_load %arg8[%swap3A_2371, %swap3A_2372] {strides = array<i32>} : memref<256x128xf32, #tpu.memory_space<vmem>>, vector<1x16xf32>,
      %swap3A_2374 = vector.shape_cast %swap3A_2373 : vector<1x16xf32> to vector<16xf32>
      %swap3A_2375 = vector.shape_cast %mul3A_2370 : vector<16xf32> to vector<1x16xf32>
      tpu.vector_store %arg8[%swap3A_2371, %swap3A_2372], %swap3A_2375 {strides = array<i32>} : memref<256x128xf32, #tpu.memory_space<vmem>>, vector<1x16xf32>,
      %get3A_2376 = arith.index_cast %add3A_2345 : i32 to index
      %get3A_2377 = arith.constant 48 : index
      %get3A_2378 = tpu.vector_load %arg8[%get3A_2376, %get3A_2377] {strides = array<i32>} : memref<256x128xf32, #tpu.memory_space<vmem>>, vector<1x16xf32>,
      %get3A_2379 = vector.shape_cast %get3A_2378 : vector<1x16xf32> to vector<16xf32>
      %mul3A_2380 = arith.mulf %get3A_2379, %broadcast_in_dim3A_2339 : vector<16xf32>
      %swap3A_2381 = arith.index_cast %add3A_2345 : i32 to index
      %swap3A_2382 = arith.constant 48 : index
      %swap3A_2383 = tpu.vector_load %arg8[%swap3A_2381, %swap3A_2382] {strides = array<i32>} : memref<256x128xf32, #tpu.memory_space<vmem>>, vector<1x16xf32>,
      %swap3A_2384 = vector.shape_cast %swap3A_2383 : vector<1x16xf32> to vector<16xf32>
      %swap3A_2385 = vector.shape_cast %mul3A_2380 : vector<16xf32> to vector<1x16xf32>
      tpu.vector_store %arg8[%swap3A_2381, %swap3A_2382], %swap3A_2385 {strides = array<i32>} : memref<256x128xf32, #tpu.memory_space<vmem>>, vector<1x16xf32>,
      %get3A_2386 = arith.index_cast %add3A_2345 : i32 to index
      %get3A_2387 = arith.constant 64 : index
      %get3A_2388 = tpu.vector_load %arg8[%get3A_2386, %get3A_2387] {strides = array<i32>} : memref<256x128xf32, #tpu.memory_space<vmem>>, vector<1x16xf32>,
      %get3A_2389 = vector.shape_cast %get3A_2388 : vector<1x16xf32> to vector<16xf32>
      %mul3A_2390 = arith.mulf %get3A_2389, %broadcast_in_dim3A_2339 : vector<16xf32>
      %swap3A_2391 = arith.index_cast %add3A_2345 : i32 to index
      %swap3A_2392 = arith.constant 64 : index
      %swap3A_2393 = tpu.vector_load %arg8[%swap3A_2391, %swap3A_2392] {strides = array<i32>} : memref<256x128xf32, #tpu.memory_space<vmem>>, vector<1x16xf32>,
      %swap3A_2394 = vector.shape_cast %swap3A_2393 : vector<1x16xf32> to vector<16xf32>
      %swap3A_2395 = vector.shape_cast %mul3A_2390 : vector<16xf32> to vector<1x16xf32>
      tpu.vector_store %arg8[%swap3A_2391, %swap3A_2392], %swap3A_2395 {strides = array<i32>} : memref<256x128xf32, #tpu.memory_space<vmem>>, vector<1x16xf32>,
      %get3A_2396 = arith.index_cast %add3A_2345 : i32 to index
      %get3A_2397 = arith.constant 80 : index
      %get3A_2398 = tpu.vector_load %arg8[%get3A_2396, %get3A_2397] {strides = array<i32>} : memref<256x128xf32, #tpu.memory_space<vmem>>, vector<1x16xf32>,
      %get3A_2399 = vector.shape_cast %get3A_2398 : vector<1x16xf32> to vector<16xf32>
      %mul3A_2400 = arith.mulf %get3A_2399, %broadcast_in_dim3A_2339 : vector<16xf32>
      %swap3A_2401 = arith.index_cast %add3A_2345 : i32 to index
      %swap3A_2402 = arith.constant 80 : index
      %swap3A_2403 = tpu.vector_load %arg8[%swap3A_2401, %swap3A_2402] {strides = array<i32>} : memref<256x128xf32, #tpu.memory_space<vmem>>, vector<1x16xf32>,
      %swap3A_2404 = vector.shape_cast %swap3A_2403 : vector<1x16xf32> to vector<16xf32>
      %swap3A_2405 = vector.shape_cast %mul3A_2400 : vector<16xf32> to vector<1x16xf32>
      tpu.vector_store %arg8[%swap3A_2401, %swap3A_2402], %swap3A_2405 {strides = array<i32>} : memref<256x128xf32, #tpu.memory_space<vmem>>, vector<1x16xf32>,
      %get3A_2406 = arith.index_cast %add3A_2345 : i32 to index
      %get3A_2407 = arith.constant 96 : index
      %get3A_2408 = tpu.vector_load %arg8[%get3A_2406, %get3A_2407] {strides = array<i32>} : memref<256x128xf32, #tpu.memory_space<vmem>>, vector<1x16xf32>,
      %get3A_2409 = vector.shape_cast %get3A_2408 : vector<1x16xf32> to vector<16xf32>
      %mul3A_2410 = arith.mulf %get3A_2409, %broadcast_in_dim3A_2339 : vector<16xf32>
      %swap3A_2411 = arith.index_cast %add3A_2345 : i32 to index
      %swap3A_2412 = arith.constant 96 : index
      %swap3A_2413 = tpu.vector_load %arg8[%swap3A_2411, %swap3A_2412] {strides = array<i32>} : memref<256x128xf32, #tpu.memory_space<vmem>>, vector<1x16xf32>,
      %swap3A_2414 = vector.shape_cast %swap3A_2413 : vector<1x16xf32> to vector<16xf32>
      %swap3A_2415 = vector.shape_cast %mul3A_2410 : vector<16xf32> to vector<1x16xf32>
      tpu.vector_store %arg8[%swap3A_2411, %swap3A_2412], %swap3A_2415 {strides = array<i32>} : memref<256x128xf32, #tpu.memory_space<vmem>>, vector<1x16xf32>,
      %get3A_2416 = arith.index_cast %add3A_2345 : i32 to index
      %get3A_2417 = arith.constant 112 : index
      %get3A_2418 = tpu.vector_load %arg8[%get3A_2416, %get3A_2417] {strides = array<i32>} : memref<256x128xf32, #tpu.memory_space<vmem>>, vector<1x16xf32>,
      %get3A_2419 = vector.shape_cast %get3A_2418 : vector<1x16xf32> to vector<16xf32>
      %mul3A_2420 = arith.mulf %get3A_2419, %broadcast_in_dim3A_2339 : vector<16xf32>
      %swap3A_2421 = arith.index_cast %add3A_2345 : i32 to index
      %swap3A_2422 = arith.constant 112 : index
      %swap3A_2423 = tpu.vector_load %arg8[%swap3A_2421, %swap3A_2422] {strides = array<i32>} : memref<256x128xf32, #tpu.memory_space<vmem>>, vector<1x16xf32>,
      %swap3A_2424 = vector.shape_cast %swap3A_2423 : vector<1x16xf32> to vector<16xf32>
      %swap3A_2425 = vector.shape_cast %mul3A_2420 : vector<16xf32> to vector<1x16xf32>
      tpu.vector_store %arg8[%swap3A_2421, %swap3A_2422], %swap3A_2425 {strides = array<i32>} : memref<256x128xf32, #tpu.memory_space<vmem>>, vector<1x16xf32>,
      %scan3A_2426 = arith.constant 0 : i32
      scf.yield %scan3A_2426 : i32
    }
    %scan3A_930 = arith.constant 8 : i32
    %dma_start3A_931 = arith.constant 0 : i32
    %dma_start3A_932 = arith.constant 0 : i32
    %dma_start3A_933 = arith.constant 0 : i32
    %dma_start3A_934 = tpu.memref_slice %arg8[%dma_start3A_932, %dma_start3A_933] : memref<256x128xf32, #tpu.memory_space<vmem>> -> memref<128x128xf32, #tpu.memory_space<vmem>>
    %dma_start3A_935 = arith.constant 0 : i32
    %dma_start3A_936 = tpu.memref_slice %arg7[%dma_start3A_931, %dma_start3A_935] : memref<2x128xi32, #tpu.memory_space<vmem>> -> memref<1x128xi32, #tpu.memory_space<vmem>>
    %dma_start3A_937 = tpu.memref_squeeze %dma_start3A_936 : memref<1x128xi32, #tpu.memory_space<vmem>> -> memref<128xi32, #tpu.memory_space<vmem>>
    %dma_start3A_938 = arith.constant 0 : i32
    %dma_start3A_939 = arith.constant 0 : i32
    %dma_start3A_940 = tpu.memref_slice %arg4[%dma_start3A_938, %dma_start3A_939] : memref<8192x128xf32, #tpu.memory_space<hbm>> -> memref<8192x128xf32, #tpu.memory_space<hbm>>
    tpu.enqueue_indirect_dma source(%dma_start3A_934 : memref<128x128xf32, #tpu.memory_space<vmem>>) target(%dma_start3A_940 : memref<8192x128xf32, #tpu.memory_space<hbm>>) offsets(%dma_start3A_937 : memref<128xi32, #tpu.memory_space<vmem>>) semaphore(%arg12 : memref<!tpu.dma_semaphore, #tpu.memory_space<semaphore_mem>>)
    %dma_wait3A_941 = arith.constant 1 : i32
    %dma_wait3A_942 = arith.constant 128 : i32
    %dma_wait3A_943 = arith.constant 0 : i32
    %dma_wait3A_944 = tpu.memref_slice %arg8[%dma_wait3A_942, %dma_wait3A_943] : memref<256x128xf32, #tpu.memory_space<vmem>> -> memref<128x128xf32, #tpu.memory_space<vmem>>
    %dma_wait3A_945 = arith.constant 0 : i32
    %dma_wait3A_946 = tpu.memref_slice %arg6[%dma_wait3A_941, %dma_wait3A_945] : memref<2x128xi32, #tpu.memory_space<vmem>> -> memref<1x128xi32, #tpu.memory_space<vmem>>
    %dma_wait3A_947 = tpu.memref_squeeze %dma_wait3A_946 : memref<1x128xi32, #tpu.memory_space<vmem>> -> memref<128xi32, #tpu.memory_space<vmem>>
    %dma_wait3A_948 = arith.constant 0 : i32
    %dma_wait3A_949 = arith.constant 0 : i32
    %dma_wait3A_950 = tpu.memref_slice %arg2[%dma_wait3A_948, %dma_wait3A_949] : memref<524288x128xf32, #tpu.memory_space<hbm>> -> memref<524288x128xf32, #tpu.memory_space<hbm>>
    tpu.wait_indirect_dma semaphore(%arg11 : memref<!tpu.dma_semaphore, #tpu.memory_space<semaphore_mem>>) src(%dma_wait3A_950 : memref<524288x128xf32, #tpu.memory_space<hbm>>) dst(%dma_wait3A_944 : memref<128x128xf32, #tpu.memory_space<vmem>>)
    %scan3A_951 = arith.constant 0 : i32
    %scan3A_952 = arith.constant 0 : i32
    %scan3A_953 = arith.constant 8 : i32
    %scan3A_954 = arith.addi %scan3A_952, %scan3A_953 : i32
    %scan3A_955 = arith.constant 1 : i32
    %scan3A_956 = scf.for %scan3A_988 = %scan3A_952 to %scan3A_954 step %scan3A_955 iter_args(%scan3A_989 = %scan3A_951) -> (i32)  : i32 {
      %mul3A_990 = arith.constant 16 : i32
      %mul3A_991 = arith.muli %scan3A_988, %mul3A_990 : i32
      %add3A_992 = arith.constant 0 : i32
      %add3A_993 = arith.addi %add3A_992, %mul3A_991 : i32
      %get3A_994 = arith.constant 1 : i32
      %get3A_995 = arith.constant 0 : i32
      %get3A_996 = arith.index_cast %get3A_994 : i32 to index
      %get3A_997 = arith.index_cast %get3A_995 : i32 to index
      %get3A_998 = arith.index_cast %add3A_993 : i32 to index
      %get3A_999 = tpu.vector_load %arg5[%get3A_996, %get3A_997, %get3A_998] {strides = array<i32>} : memref<2x2x128xi32, #tpu.memory_space<vmem>>, vector<1x1x16xi32>,
      %get3A_1000 = vector.shape_cast %get3A_999 : vector<1x1x16xi32> to vector<16xi32>
      %ge3A = arith.constant 0 : i32
      %ge3A_1001 = vector.broadcast %ge3A : i32 to vector<16xi32>
      %ge3A_1002 = arith.cmpi sge, %get3A_1000, %ge3A_1001 : vector<16xi32>
      %select_n3A = arith.select %ge3A_1002, %broadcast_in_dim3A_36, %broadcast_in_dim3A_38 : vector<16xi1>, vector<16xf32>
      %slice3A = vector.extract_strided_slice %select_n3A {offsets = [0], sizes = [1], strides = [1]} : vector<16xf32> to vector<1xf32>
      %broadcast_in_dim3A_1003 = vector.shape_cast %slice3A : vector<1xf32> to vector<1xf32>
      %broadcast_in_dim3A_1004 = vector.broadcast %broadcast_in_dim3A_1003 : vector<1xf32> to vector<16xf32>
      %mul3A_1005 = arith.constant 16 : i32
      %mul3A_1006 = arith.muli %scan3A_988, %mul3A_1005 : i32
      %add3A_1007 = arith.constant 128 : i32
      %add3A_1008 = arith.addi %add3A_1007, %mul3A_1006 : i32
      %add3A_1009 = arith.constant 0 : i32
      %add3A_1010 = arith.addi %add3A_1008, %add3A_1009 : i32
      %get3A_1011 = arith.index_cast %add3A_1010 : i32 to index
      %get3A_1012 = arith.constant 0 : index
      %get3A_1013 = tpu.vector_load %arg8[%get3A_1011, %get3A_1012] {strides = array<i32>} : memref<256x128xf32, #tpu.memory_space<vmem>>, vector<1x16xf32>,
      %get3A_1014 = vector.shape_cast %get3A_1013 : vector<1x16xf32> to vector<16xf32>
      %mul3A_1015 = arith.mulf %get3A_1014, %broadcast_in_dim3A_1004 : vector<16xf32>
      %swap3A_1016 = arith.index_cast %add3A_1010 : i32 to index
      %swap3A_1017 = arith.constant 0 : index
      %swap3A_1018 = tpu.vector_load %arg8[%swap3A_1016, %swap3A_1017] {strides = array<i32>} : memref<256x128xf32, #tpu.memory_space<vmem>>, vector<1x16xf32>,
      %swap3A_1019 = vector.shape_cast %swap3A_1018 : vector<1x16xf32> to vector<16xf32>
      %swap3A_1020 = vector.shape_cast %mul3A_1015 : vector<16xf32> to vector<1x16xf32>
      tpu.vector_store %arg8[%swap3A_1016, %swap3A_1017], %swap3A_1020 {strides = array<i32>} : memref<256x128xf32, #tpu.memory_space<vmem>>, vector<1x16xf32>,
      %get3A_1021 = arith.index_cast %add3A_1010 : i32 to index
      %get3A_1022 = arith.constant 16 : index
      %get3A_1023 = tpu.vector_load %arg8[%get3A_1021, %get3A_1022] {strides = array<i32>} : memref<256x128xf32, #tpu.memory_space<vmem>>, vector<1x16xf32>,
      %get3A_1024 = vector.shape_cast %get3A_1023 : vector<1x16xf32> to vector<16xf32>
      %mul3A_1025 = arith.mulf %get3A_1024, %broadcast_in_dim3A_1004 : vector<16xf32>
      %swap3A_1026 = arith.index_cast %add3A_1010 : i32 to index
      %swap3A_1027 = arith.constant 16 : index
      %swap3A_1028 = tpu.vector_load %arg8[%swap3A_1026, %swap3A_1027] {strides = array<i32>} : memref<256x128xf32, #tpu.memory_space<vmem>>, vector<1x16xf32>,
      %swap3A_1029 = vector.shape_cast %swap3A_1028 : vector<1x16xf32> to vector<16xf32>
      %swap3A_1030 = vector.shape_cast %mul3A_1025 : vector<16xf32> to vector<1x16xf32>
      tpu.vector_store %arg8[%swap3A_1026, %swap3A_1027], %swap3A_1030 {strides = array<i32>} : memref<256x128xf32, #tpu.memory_space<vmem>>, vector<1x16xf32>,
      %get3A_1031 = arith.index_cast %add3A_1010 : i32 to index
      %get3A_1032 = arith.constant 32 : index
      %get3A_1033 = tpu.vector_load %arg8[%get3A_1031, %get3A_1032] {strides = array<i32>} : memref<256x128xf32, #tpu.memory_space<vmem>>, vector<1x16xf32>,
      %get3A_1034 = vector.shape_cast %get3A_1033 : vector<1x16xf32> to vector<16xf32>
      %mul3A_1035 = arith.mulf %get3A_1034, %broadcast_in_dim3A_1004 : vector<16xf32>
      %swap3A_1036 = arith.index_cast %add3A_1010 : i32 to index
      %swap3A_1037 = arith.constant 32 : index
      %swap3A_1038 = tpu.vector_load %arg8[%swap3A_1036, %swap3A_1037] {strides = array<i32>} : memref<256x128xf32, #tpu.memory_space<vmem>>, vector<1x16xf32>,
      %swap3A_1039 = vector.shape_cast %swap3A_1038 : vector<1x16xf32> to vector<16xf32>
      %swap3A_1040 = vector.shape_cast %mul3A_1035 : vector<16xf32> to vector<1x16xf32>
      tpu.vector_store %arg8[%swap3A_1036, %swap3A_1037], %swap3A_1040 {strides = array<i32>} : memref<256x128xf32, #tpu.memory_space<vmem>>, vector<1x16xf32>,
      %get3A_1041 = arith.index_cast %add3A_1010 : i32 to index
      %get3A_1042 = arith.constant 48 : index
      %get3A_1043 = tpu.vector_load %arg8[%get3A_1041, %get3A_1042] {strides = array<i32>} : memref<256x128xf32, #tpu.memory_space<vmem>>, vector<1x16xf32>,
      %get3A_1044 = vector.shape_cast %get3A_1043 : vector<1x16xf32> to vector<16xf32>
      %mul3A_1045 = arith.mulf %get3A_1044, %broadcast_in_dim3A_1004 : vector<16xf32>
      %swap3A_1046 = arith.index_cast %add3A_1010 : i32 to index
      %swap3A_1047 = arith.constant 48 : index
      %swap3A_1048 = tpu.vector_load %arg8[%swap3A_1046, %swap3A_1047] {strides = array<i32>} : memref<256x128xf32, #tpu.memory_space<vmem>>, vector<1x16xf32>,
      %swap3A_1049 = vector.shape_cast %swap3A_1048 : vector<1x16xf32> to vector<16xf32>
      %swap3A_1050 = vector.shape_cast %mul3A_1045 : vector<16xf32> to vector<1x16xf32>
      tpu.vector_store %arg8[%swap3A_1046, %swap3A_1047], %swap3A_1050 {strides = array<i32>} : memref<256x128xf32, #tpu.memory_space<vmem>>, vector<1x16xf32>,
      %get3A_1051 = arith.index_cast %add3A_1010 : i32 to index
      %get3A_1052 = arith.constant 64 : index
      %get3A_1053 = tpu.vector_load %arg8[%get3A_1051, %get3A_1052] {strides = array<i32>} : memref<256x128xf32, #tpu.memory_space<vmem>>, vector<1x16xf32>,
      %get3A_1054 = vector.shape_cast %get3A_1053 : vector<1x16xf32> to vector<16xf32>
      %mul3A_1055 = arith.mulf %get3A_1054, %broadcast_in_dim3A_1004 : vector<16xf32>
      %swap3A_1056 = arith.index_cast %add3A_1010 : i32 to index
      %swap3A_1057 = arith.constant 64 : index
      %swap3A_1058 = tpu.vector_load %arg8[%swap3A_1056, %swap3A_1057] {strides = array<i32>} : memref<256x128xf32, #tpu.memory_space<vmem>>, vector<1x16xf32>,
      %swap3A_1059 = vector.shape_cast %swap3A_1058 : vector<1x16xf32> to vector<16xf32>
      %swap3A_1060 = vector.shape_cast %mul3A_1055 : vector<16xf32> to vector<1x16xf32>
      tpu.vector_store %arg8[%swap3A_1056, %swap3A_1057], %swap3A_1060 {strides = array<i32>} : memref<256x128xf32, #tpu.memory_space<vmem>>, vector<1x16xf32>,
      %get3A_1061 = arith.index_cast %add3A_1010 : i32 to index
      %get3A_1062 = arith.constant 80 : index
      %get3A_1063 = tpu.vector_load %arg8[%get3A_1061, %get3A_1062] {strides = array<i32>} : memref<256x128xf32, #tpu.memory_space<vmem>>, vector<1x16xf32>,
      %get3A_1064 = vector.shape_cast %get3A_1063 : vector<1x16xf32> to vector<16xf32>
      %mul3A_1065 = arith.mulf %get3A_1064, %broadcast_in_dim3A_1004 : vector<16xf32>
      %swap3A_1066 = arith.index_cast %add3A_1010 : i32 to index
      %swap3A_1067 = arith.constant 80 : index
      %swap3A_1068 = tpu.vector_load %arg8[%swap3A_1066, %swap3A_1067] {strides = array<i32>} : memref<256x128xf32, #tpu.memory_space<vmem>>, vector<1x16xf32>,
      %swap3A_1069 = vector.shape_cast %swap3A_1068 : vector<1x16xf32> to vector<16xf32>
      %swap3A_1070 = vector.shape_cast %mul3A_1065 : vector<16xf32> to vector<1x16xf32>
      tpu.vector_store %arg8[%swap3A_1066, %swap3A_1067], %swap3A_1070 {strides = array<i32>} : memref<256x128xf32, #tpu.memory_space<vmem>>, vector<1x16xf32>,
      %get3A_1071 = arith.index_cast %add3A_1010 : i32 to index
      %get3A_1072 = arith.constant 96 : index
      %get3A_1073 = tpu.vector_load %arg8[%get3A_1071, %get3A_1072] {strides = array<i32>} : memref<256x128xf32, #tpu.memory_space<vmem>>, vector<1x16xf32>,
      %get3A_1074 = vector.shape_cast %get3A_1073 : vector<1x16xf32> to vector<16xf32>
      %mul3A_1075 = arith.mulf %get3A_1074, %broadcast_in_dim3A_1004 : vector<16xf32>
      %swap3A_1076 = arith.index_cast %add3A_1010 : i32 to index
      %swap3A_1077 = arith.constant 96 : index
      %swap3A_1078 = tpu.vector_load %arg8[%swap3A_1076, %swap3A_1077] {strides = array<i32>} : memref<256x128xf32, #tpu.memory_space<vmem>>, vector<1x16xf32>,
      %swap3A_1079 = vector.shape_cast %swap3A_1078 : vector<1x16xf32> to vector<16xf32>
      %swap3A_1080 = vector.shape_cast %mul3A_1075 : vector<16xf32> to vector<1x16xf32>
      tpu.vector_store %arg8[%swap3A_1076, %swap3A_1077], %swap3A_1080 {strides = array<i32>} : memref<256x128xf32, #tpu.memory_space<vmem>>, vector<1x16xf32>,
      %get3A_1081 = arith.index_cast %add3A_1010 : i32 to index
      %get3A_1082 = arith.constant 112 : index
      %get3A_1083 = tpu.vector_load %arg8[%get3A_1081, %get3A_1082] {strides = array<i32>} : memref<256x128xf32, #tpu.memory_space<vmem>>, vector<1x16xf32>,
      %get3A_1084 = vector.shape_cast %get3A_1083 : vector<1x16xf32> to vector<16xf32>
      %mul3A_1085 = arith.mulf %get3A_1084, %broadcast_in_dim3A_1004 : vector<16xf32>
      %swap3A_1086 = arith.index_cast %add3A_1010 : i32 to index
      %swap3A_1087 = arith.constant 112 : index
      %swap3A_1088 = tpu.vector_load %arg8[%swap3A_1086, %swap3A_1087] {strides = array<i32>} : memref<256x128xf32, #tpu.memory_space<vmem>>, vector<1x16xf32>,
      %swap3A_1089 = vector.shape_cast %swap3A_1088 : vector<1x16xf32> to vector<16xf32>
      %swap3A_1090 = vector.shape_cast %mul3A_1085 : vector<16xf32> to vector<1x16xf32>
      tpu.vector_store %arg8[%swap3A_1086, %swap3A_1087], %swap3A_1090 {strides = array<i32>} : memref<256x128xf32, #tpu.memory_space<vmem>>, vector<1x16xf32>,
      %slice3A_1091 = vector.extract_strided_slice %select_n3A {offsets = [1], sizes = [1], strides = [1]} : vector<16xf32> to vector<1xf32>
      %broadcast_in_dim3A_1092 = vector.shape_cast %slice3A_1091 : vector<1xf32> to vector<1xf32>
      %broadcast_in_dim3A_1093 = vector.broadcast %broadcast_in_dim3A_1092 : vector<1xf32> to vector<16xf32>
      %mul3A_1094 = arith.constant 16 : i32
      %mul3A_1095 = arith.muli %scan3A_988, %mul3A_1094 : i32
      %add3A_1096 = arith.constant 128 : i32
      %add3A_1097 = arith.addi %add3A_1096, %mul3A_1095 : i32
      %add3A_1098 = arith.constant 1 : i32
      %add3A_1099 = arith.addi %add3A_1097, %add3A_1098 : i32
      %get3A_1100 = arith.index_cast %add3A_1099 : i32 to index
      %get3A_1101 = arith.constant 0 : index
      %get3A_1102 = tpu.vector_load %arg8[%get3A_1100, %get3A_1101] {strides = array<i32>} : memref<256x128xf32, #tpu.memory_space<vmem>>, vector<1x16xf32>,
      %get3A_1103 = vector.shape_cast %get3A_1102 : vector<1x16xf32> to vector<16xf32>
      %mul3A_1104 = arith.mulf %get3A_1103, %broadcast_in_dim3A_1093 : vector<16xf32>
      %swap3A_1105 = arith.index_cast %add3A_1099 : i32 to index
      %swap3A_1106 = arith.constant 0 : index
      %swap3A_1107 = tpu.vector_load %arg8[%swap3A_1105, %swap3A_1106] {strides = array<i32>} : memref<256x128xf32, #tpu.memory_space<vmem>>, vector<1x16xf32>,
      %swap3A_1108 = vector.shape_cast %swap3A_1107 : vector<1x16xf32> to vector<16xf32>
      %swap3A_1109 = vector.shape_cast %mul3A_1104 : vector<16xf32> to vector<1x16xf32>
      tpu.vector_store %arg8[%swap3A_1105, %swap3A_1106], %swap3A_1109 {strides = array<i32>} : memref<256x128xf32, #tpu.memory_space<vmem>>, vector<1x16xf32>,
      %get3A_1110 = arith.index_cast %add3A_1099 : i32 to index
      %get3A_1111 = arith.constant 16 : index
      %get3A_1112 = tpu.vector_load %arg8[%get3A_1110, %get3A_1111] {strides = array<i32>} : memref<256x128xf32, #tpu.memory_space<vmem>>, vector<1x16xf32>,
      %get3A_1113 = vector.shape_cast %get3A_1112 : vector<1x16xf32> to vector<16xf32>
      %mul3A_1114 = arith.mulf %get3A_1113, %broadcast_in_dim3A_1093 : vector<16xf32>
      %swap3A_1115 = arith.index_cast %add3A_1099 : i32 to index
      %swap3A_1116 = arith.constant 16 : index
      %swap3A_1117 = tpu.vector_load %arg8[%swap3A_1115, %swap3A_1116] {strides = array<i32>} : memref<256x128xf32, #tpu.memory_space<vmem>>, vector<1x16xf32>,
      %swap3A_1118 = vector.shape_cast %swap3A_1117 : vector<1x16xf32> to vector<16xf32>
      %swap3A_1119 = vector.shape_cast %mul3A_1114 : vector<16xf32> to vector<1x16xf32>
      tpu.vector_store %arg8[%swap3A_1115, %swap3A_1116], %swap3A_1119 {strides = array<i32>} : memref<256x128xf32, #tpu.memory_space<vmem>>, vector<1x16xf32>,
      %get3A_1120 = arith.index_cast %add3A_1099 : i32 to index
      %get3A_1121 = arith.constant 32 : index
      %get3A_1122 = tpu.vector_load %arg8[%get3A_1120, %get3A_1121] {strides = array<i32>} : memref<256x128xf32, #tpu.memory_space<vmem>>, vector<1x16xf32>,
      %get3A_1123 = vector.shape_cast %get3A_1122 : vector<1x16xf32> to vector<16xf32>
      %mul3A_1124 = arith.mulf %get3A_1123, %broadcast_in_dim3A_1093 : vector<16xf32>
      %swap3A_1125 = arith.index_cast %add3A_1099 : i32 to index
      %swap3A_1126 = arith.constant 32 : index
      %swap3A_1127 = tpu.vector_load %arg8[%swap3A_1125, %swap3A_1126] {strides = array<i32>} : memref<256x128xf32, #tpu.memory_space<vmem>>, vector<1x16xf32>,
      %swap3A_1128 = vector.shape_cast %swap3A_1127 : vector<1x16xf32> to vector<16xf32>
      %swap3A_1129 = vector.shape_cast %mul3A_1124 : vector<16xf32> to vector<1x16xf32>
      tpu.vector_store %arg8[%swap3A_1125, %swap3A_1126], %swap3A_1129 {strides = array<i32>} : memref<256x128xf32, #tpu.memory_space<vmem>>, vector<1x16xf32>,
      %get3A_1130 = arith.index_cast %add3A_1099 : i32 to index
      %get3A_1131 = arith.constant 48 : index
      %get3A_1132 = tpu.vector_load %arg8[%get3A_1130, %get3A_1131] {strides = array<i32>} : memref<256x128xf32, #tpu.memory_space<vmem>>, vector<1x16xf32>,
      %get3A_1133 = vector.shape_cast %get3A_1132 : vector<1x16xf32> to vector<16xf32>
      %mul3A_1134 = arith.mulf %get3A_1133, %broadcast_in_dim3A_1093 : vector<16xf32>
      %swap3A_1135 = arith.index_cast %add3A_1099 : i32 to index
      %swap3A_1136 = arith.constant 48 : index
      %swap3A_1137 = tpu.vector_load %arg8[%swap3A_1135, %swap3A_1136] {strides = array<i32>} : memref<256x128xf32, #tpu.memory_space<vmem>>, vector<1x16xf32>,
      %swap3A_1138 = vector.shape_cast %swap3A_1137 : vector<1x16xf32> to vector<16xf32>
      %swap3A_1139 = vector.shape_cast %mul3A_1134 : vector<16xf32> to vector<1x16xf32>
      tpu.vector_store %arg8[%swap3A_1135, %swap3A_1136], %swap3A_1139 {strides = array<i32>} : memref<256x128xf32, #tpu.memory_space<vmem>>, vector<1x16xf32>,
      %get3A_1140 = arith.index_cast %add3A_1099 : i32 to index
      %get3A_1141 = arith.constant 64 : index
      %get3A_1142 = tpu.vector_load %arg8[%get3A_1140, %get3A_1141] {strides = array<i32>} : memref<256x128xf32, #tpu.memory_space<vmem>>, vector<1x16xf32>,
      %get3A_1143 = vector.shape_cast %get3A_1142 : vector<1x16xf32> to vector<16xf32>
      %mul3A_1144 = arith.mulf %get3A_1143, %broadcast_in_dim3A_1093 : vector<16xf32>
      %swap3A_1145 = arith.index_cast %add3A_1099 : i32 to index
      %swap3A_1146 = arith.constant 64 : index
      %swap3A_1147 = tpu.vector_load %arg8[%swap3A_1145, %swap3A_1146] {strides = array<i32>} : memref<256x128xf32, #tpu.memory_space<vmem>>, vector<1x16xf32>,
      %swap3A_1148 = vector.shape_cast %swap3A_1147 : vector<1x16xf32> to vector<16xf32>
      %swap3A_1149 = vector.shape_cast %mul3A_1144 : vector<16xf32> to vector<1x16xf32>
      tpu.vector_store %arg8[%swap3A_1145, %swap3A_1146], %swap3A_1149 {strides = array<i32>} : memref<256x128xf32, #tpu.memory_space<vmem>>, vector<1x16xf32>,
      %get3A_1150 = arith.index_cast %add3A_1099 : i32 to index
      %get3A_1151 = arith.constant 80 : index
      %get3A_1152 = tpu.vector_load %arg8[%get3A_1150, %get3A_1151] {strides = array<i32>} : memref<256x128xf32, #tpu.memory_space<vmem>>, vector<1x16xf32>,
      %get3A_1153 = vector.shape_cast %get3A_1152 : vector<1x16xf32> to vector<16xf32>
      %mul3A_1154 = arith.mulf %get3A_1153, %broadcast_in_dim3A_1093 : vector<16xf32>
      %swap3A_1155 = arith.index_cast %add3A_1099 : i32 to index
      %swap3A_1156 = arith.constant 80 : index
      %swap3A_1157 = tpu.vector_load %arg8[%swap3A_1155, %swap3A_1156] {strides = array<i32>} : memref<256x128xf32, #tpu.memory_space<vmem>>, vector<1x16xf32>,
      %swap3A_1158 = vector.shape_cast %swap3A_1157 : vector<1x16xf32> to vector<16xf32>
      %swap3A_1159 = vector.shape_cast %mul3A_1154 : vector<16xf32> to vector<1x16xf32>
      tpu.vector_store %arg8[%swap3A_1155, %swap3A_1156], %swap3A_1159 {strides = array<i32>} : memref<256x128xf32, #tpu.memory_space<vmem>>, vector<1x16xf32>,
      %get3A_1160 = arith.index_cast %add3A_1099 : i32 to index
      %get3A_1161 = arith.constant 96 : index
      %get3A_1162 = tpu.vector_load %arg8[%get3A_1160, %get3A_1161] {strides = array<i32>} : memref<256x128xf32, #tpu.memory_space<vmem>>, vector<1x16xf32>,
      %get3A_1163 = vector.shape_cast %get3A_1162 : vector<1x16xf32> to vector<16xf32>
      %mul3A_1164 = arith.mulf %get3A_1163, %broadcast_in_dim3A_1093 : vector<16xf32>
      %swap3A_1165 = arith.index_cast %add3A_1099 : i32 to index
      %swap3A_1166 = arith.constant 96 : index
      %swap3A_1167 = tpu.vector_load %arg8[%swap3A_1165, %swap3A_1166] {strides = array<i32>} : memref<256x128xf32, #tpu.memory_space<vmem>>, vector<1x16xf32>,
      %swap3A_1168 = vector.shape_cast %swap3A_1167 : vector<1x16xf32> to vector<16xf32>
      %swap3A_1169 = vector.shape_cast %mul3A_1164 : vector<16xf32> to vector<1x16xf32>
      tpu.vector_store %arg8[%swap3A_1165, %swap3A_1166], %swap3A_1169 {strides = array<i32>} : memref<256x128xf32, #tpu.memory_space<vmem>>, vector<1x16xf32>,
      %get3A_1170 = arith.index_cast %add3A_1099 : i32 to index
      %get3A_1171 = arith.constant 112 : index
      %get3A_1172 = tpu.vector_load %arg8[%get3A_1170, %get3A_1171] {strides = array<i32>} : memref<256x128xf32, #tpu.memory_space<vmem>>, vector<1x16xf32>,
      %get3A_1173 = vector.shape_cast %get3A_1172 : vector<1x16xf32> to vector<16xf32>
      %mul3A_1174 = arith.mulf %get3A_1173, %broadcast_in_dim3A_1093 : vector<16xf32>
      %swap3A_1175 = arith.index_cast %add3A_1099 : i32 to index
      %swap3A_1176 = arith.constant 112 : index
      %swap3A_1177 = tpu.vector_load %arg8[%swap3A_1175, %swap3A_1176] {strides = array<i32>} : memref<256x128xf32, #tpu.memory_space<vmem>>, vector<1x16xf32>,
      %swap3A_1178 = vector.shape_cast %swap3A_1177 : vector<1x16xf32> to vector<16xf32>
      %swap3A_1179 = vector.shape_cast %mul3A_1174 : vector<16xf32> to vector<1x16xf32>
      tpu.vector_store %arg8[%swap3A_1175, %swap3A_1176], %swap3A_1179 {strides = array<i32>} : memref<256x128xf32, #tpu.memory_space<vmem>>, vector<1x16xf32>,
      %slice3A_1180 = vector.extract_strided_slice %select_n3A {offsets = [2], sizes = [1], strides = [1]} : vector<16xf32> to vector<1xf32>
      %broadcast_in_dim3A_1181 = vector.shape_cast %slice3A_1180 : vector<1xf32> to vector<1xf32>
      %broadcast_in_dim3A_1182 = vector.broadcast %broadcast_in_dim3A_1181 : vector<1xf32> to vector<16xf32>
      %mul3A_1183 = arith.constant 16 : i32
      %mul3A_1184 = arith.muli %scan3A_988, %mul3A_1183 : i32
      %add3A_1185 = arith.constant 128 : i32
      %add3A_1186 = arith.addi %add3A_1185, %mul3A_1184 : i32
      %add3A_1187 = arith.constant 2 : i32
      %add3A_1188 = arith.addi %add3A_1186, %add3A_1187 : i32
      %get3A_1189 = arith.index_cast %add3A_1188 : i32 to index
      %get3A_1190 = arith.constant 0 : index
      %get3A_1191 = tpu.vector_load %arg8[%get3A_1189, %get3A_1190] {strides = array<i32>} : memref<256x128xf32, #tpu.memory_space<vmem>>, vector<1x16xf32>,
      %get3A_1192 = vector.shape_cast %get3A_1191 : vector<1x16xf32> to vector<16xf32>
      %mul3A_1193 = arith.mulf %get3A_1192, %broadcast_in_dim3A_1182 : vector<16xf32>
      %swap3A_1194 = arith.index_cast %add3A_1188 : i32 to index
      %swap3A_1195 = arith.constant 0 : index
      %swap3A_1196 = tpu.vector_load %arg8[%swap3A_1194, %swap3A_1195] {strides = array<i32>} : memref<256x128xf32, #tpu.memory_space<vmem>>, vector<1x16xf32>,
      %swap3A_1197 = vector.shape_cast %swap3A_1196 : vector<1x16xf32> to vector<16xf32>
      %swap3A_1198 = vector.shape_cast %mul3A_1193 : vector<16xf32> to vector<1x16xf32>
      tpu.vector_store %arg8[%swap3A_1194, %swap3A_1195], %swap3A_1198 {strides = array<i32>} : memref<256x128xf32, #tpu.memory_space<vmem>>, vector<1x16xf32>,
      %get3A_1199 = arith.index_cast %add3A_1188 : i32 to index
      %get3A_1200 = arith.constant 16 : index
      %get3A_1201 = tpu.vector_load %arg8[%get3A_1199, %get3A_1200] {strides = array<i32>} : memref<256x128xf32, #tpu.memory_space<vmem>>, vector<1x16xf32>,
      %get3A_1202 = vector.shape_cast %get3A_1201 : vector<1x16xf32> to vector<16xf32>
      %mul3A_1203 = arith.mulf %get3A_1202, %broadcast_in_dim3A_1182 : vector<16xf32>
      %swap3A_1204 = arith.index_cast %add3A_1188 : i32 to index
      %swap3A_1205 = arith.constant 16 : index
      %swap3A_1206 = tpu.vector_load %arg8[%swap3A_1204, %swap3A_1205] {strides = array<i32>} : memref<256x128xf32, #tpu.memory_space<vmem>>, vector<1x16xf32>,
      %swap3A_1207 = vector.shape_cast %swap3A_1206 : vector<1x16xf32> to vector<16xf32>
      %swap3A_1208 = vector.shape_cast %mul3A_1203 : vector<16xf32> to vector<1x16xf32>
      tpu.vector_store %arg8[%swap3A_1204, %swap3A_1205], %swap3A_1208 {strides = array<i32>} : memref<256x128xf32, #tpu.memory_space<vmem>>, vector<1x16xf32>,
      %get3A_1209 = arith.index_cast %add3A_1188 : i32 to index
      %get3A_1210 = arith.constant 32 : index
      %get3A_1211 = tpu.vector_load %arg8[%get3A_1209, %get3A_1210] {strides = array<i32>} : memref<256x128xf32, #tpu.memory_space<vmem>>, vector<1x16xf32>,
      %get3A_1212 = vector.shape_cast %get3A_1211 : vector<1x16xf32> to vector<16xf32>
      %mul3A_1213 = arith.mulf %get3A_1212, %broadcast_in_dim3A_1182 : vector<16xf32>
      %swap3A_1214 = arith.index_cast %add3A_1188 : i32 to index
      %swap3A_1215 = arith.constant 32 : index
      %swap3A_1216 = tpu.vector_load %arg8[%swap3A_1214, %swap3A_1215] {strides = array<i32>} : memref<256x128xf32, #tpu.memory_space<vmem>>, vector<1x16xf32>,
      %swap3A_1217 = vector.shape_cast %swap3A_1216 : vector<1x16xf32> to vector<16xf32>
      %swap3A_1218 = vector.shape_cast %mul3A_1213 : vector<16xf32> to vector<1x16xf32>
      tpu.vector_store %arg8[%swap3A_1214, %swap3A_1215], %swap3A_1218 {strides = array<i32>} : memref<256x128xf32, #tpu.memory_space<vmem>>, vector<1x16xf32>,
      %get3A_1219 = arith.index_cast %add3A_1188 : i32 to index
      %get3A_1220 = arith.constant 48 : index
      %get3A_1221 = tpu.vector_load %arg8[%get3A_1219, %get3A_1220] {strides = array<i32>} : memref<256x128xf32, #tpu.memory_space<vmem>>, vector<1x16xf32>,
      %get3A_1222 = vector.shape_cast %get3A_1221 : vector<1x16xf32> to vector<16xf32>
      %mul3A_1223 = arith.mulf %get3A_1222, %broadcast_in_dim3A_1182 : vector<16xf32>
      %swap3A_1224 = arith.index_cast %add3A_1188 : i32 to index
      %swap3A_1225 = arith.constant 48 : index
      %swap3A_1226 = tpu.vector_load %arg8[%swap3A_1224, %swap3A_1225] {strides = array<i32>} : memref<256x128xf32, #tpu.memory_space<vmem>>, vector<1x16xf32>,
      %swap3A_1227 = vector.shape_cast %swap3A_1226 : vector<1x16xf32> to vector<16xf32>
      %swap3A_1228 = vector.shape_cast %mul3A_1223 : vector<16xf32> to vector<1x16xf32>
      tpu.vector_store %arg8[%swap3A_1224, %swap3A_1225], %swap3A_1228 {strides = array<i32>} : memref<256x128xf32, #tpu.memory_space<vmem>>, vector<1x16xf32>,
      %get3A_1229 = arith.index_cast %add3A_1188 : i32 to index
      %get3A_1230 = arith.constant 64 : index
      %get3A_1231 = tpu.vector_load %arg8[%get3A_1229, %get3A_1230] {strides = array<i32>} : memref<256x128xf32, #tpu.memory_space<vmem>>, vector<1x16xf32>,
      %get3A_1232 = vector.shape_cast %get3A_1231 : vector<1x16xf32> to vector<16xf32>
      %mul3A_1233 = arith.mulf %get3A_1232, %broadcast_in_dim3A_1182 : vector<16xf32>
      %swap3A_1234 = arith.index_cast %add3A_1188 : i32 to index
      %swap3A_1235 = arith.constant 64 : index
      %swap3A_1236 = tpu.vector_load %arg8[%swap3A_1234, %swap3A_1235] {strides = array<i32>} : memref<256x128xf32, #tpu.memory_space<vmem>>, vector<1x16xf32>,
      %swap3A_1237 = vector.shape_cast %swap3A_1236 : vector<1x16xf32> to vector<16xf32>
      %swap3A_1238 = vector.shape_cast %mul3A_1233 : vector<16xf32> to vector<1x16xf32>
      tpu.vector_store %arg8[%swap3A_1234, %swap3A_1235], %swap3A_1238 {strides = array<i32>} : memref<256x128xf32, #tpu.memory_space<vmem>>, vector<1x16xf32>,
      %get3A_1239 = arith.index_cast %add3A_1188 : i32 to index
      %get3A_1240 = arith.constant 80 : index
      %get3A_1241 = tpu.vector_load %arg8[%get3A_1239, %get3A_1240] {strides = array<i32>} : memref<256x128xf32, #tpu.memory_space<vmem>>, vector<1x16xf32>,
      %get3A_1242 = vector.shape_cast %get3A_1241 : vector<1x16xf32> to vector<16xf32>
      %mul3A_1243 = arith.mulf %get3A_1242, %broadcast_in_dim3A_1182 : vector<16xf32>
      %swap3A_1244 = arith.index_cast %add3A_1188 : i32 to index
      %swap3A_1245 = arith.constant 80 : index
      %swap3A_1246 = tpu.vector_load %arg8[%swap3A_1244, %swap3A_1245] {strides = array<i32>} : memref<256x128xf32, #tpu.memory_space<vmem>>, vector<1x16xf32>,
      %swap3A_1247 = vector.shape_cast %swap3A_1246 : vector<1x16xf32> to vector<16xf32>
      %swap3A_1248 = vector.shape_cast %mul3A_1243 : vector<16xf32> to vector<1x16xf32>
      tpu.vector_store %arg8[%swap3A_1244, %swap3A_1245], %swap3A_1248 {strides = array<i32>} : memref<256x128xf32, #tpu.memory_space<vmem>>, vector<1x16xf32>,
      %get3A_1249 = arith.index_cast %add3A_1188 : i32 to index
      %get3A_1250 = arith.constant 96 : index
      %get3A_1251 = tpu.vector_load %arg8[%get3A_1249, %get3A_1250] {strides = array<i32>} : memref<256x128xf32, #tpu.memory_space<vmem>>, vector<1x16xf32>,
      %get3A_1252 = vector.shape_cast %get3A_1251 : vector<1x16xf32> to vector<16xf32>
      %mul3A_1253 = arith.mulf %get3A_1252, %broadcast_in_dim3A_1182 : vector<16xf32>
      %swap3A_1254 = arith.index_cast %add3A_1188 : i32 to index
      %swap3A_1255 = arith.constant 96 : index
      %swap3A_1256 = tpu.vector_load %arg8[%swap3A_1254, %swap3A_1255] {strides = array<i32>} : memref<256x128xf32, #tpu.memory_space<vmem>>, vector<1x16xf32>,
      %swap3A_1257 = vector.shape_cast %swap3A_1256 : vector<1x16xf32> to vector<16xf32>
      %swap3A_1258 = vector.shape_cast %mul3A_1253 : vector<16xf32> to vector<1x16xf32>
      tpu.vector_store %arg8[%swap3A_1254, %swap3A_1255], %swap3A_1258 {strides = array<i32>} : memref<256x128xf32, #tpu.memory_space<vmem>>, vector<1x16xf32>,
      %get3A_1259 = arith.index_cast %add3A_1188 : i32 to index
      %get3A_1260 = arith.constant 112 : index
      %get3A_1261 = tpu.vector_load %arg8[%get3A_1259, %get3A_1260] {strides = array<i32>} : memref<256x128xf32, #tpu.memory_space<vmem>>, vector<1x16xf32>,
      %get3A_1262 = vector.shape_cast %get3A_1261 : vector<1x16xf32> to vector<16xf32>
      %mul3A_1263 = arith.mulf %get3A_1262, %broadcast_in_dim3A_1182 : vector<16xf32>
      %swap3A_1264 = arith.index_cast %add3A_1188 : i32 to index
      %swap3A_1265 = arith.constant 112 : index
      %swap3A_1266 = tpu.vector_load %arg8[%swap3A_1264, %swap3A_1265] {strides = array<i32>} : memref<256x128xf32, #tpu.memory_space<vmem>>, vector<1x16xf32>,
      %swap3A_1267 = vector.shape_cast %swap3A_1266 : vector<1x16xf32> to vector<16xf32>
      %swap3A_1268 = vector.shape_cast %mul3A_1263 : vector<16xf32> to vector<1x16xf32>
      tpu.vector_store %arg8[%swap3A_1264, %swap3A_1265], %swap3A_1268 {strides = array<i32>} : memref<256x128xf32, #tpu.memory_space<vmem>>, vector<1x16xf32>,
      %slice3A_1269 = vector.extract_strided_slice %select_n3A {offsets = [3], sizes = [1], strides = [1]} : vector<16xf32> to vector<1xf32>
      %broadcast_in_dim3A_1270 = vector.shape_cast %slice3A_1269 : vector<1xf32> to vector<1xf32>
      %broadcast_in_dim3A_1271 = vector.broadcast %broadcast_in_dim3A_1270 : vector<1xf32> to vector<16xf32>
      %mul3A_1272 = arith.constant 16 : i32
      %mul3A_1273 = arith.muli %scan3A_988, %mul3A_1272 : i32
      %add3A_1274 = arith.constant 128 : i32
      %add3A_1275 = arith.addi %add3A_1274, %mul3A_1273 : i32
      %add3A_1276 = arith.constant 3 : i32
      %add3A_1277 = arith.addi %add3A_1275, %add3A_1276 : i32
      %get3A_1278 = arith.index_cast %add3A_1277 : i32 to index
      %get3A_1279 = arith.constant 0 : index
      %get3A_1280 = tpu.vector_load %arg8[%get3A_1278, %get3A_1279] {strides = array<i32>} : memref<256x128xf32, #tpu.memory_space<vmem>>, vector<1x16xf32>,
      %get3A_1281 = vector.shape_cast %get3A_1280 : vector<1x16xf32> to vector<16xf32>
      %mul3A_1282 = arith.mulf %get3A_1281, %broadcast_in_dim3A_1271 : vector<16xf32>
      %swap3A_1283 = arith.index_cast %add3A_1277 : i32 to index
      %swap3A_1284 = arith.constant 0 : index
      %swap3A_1285 = tpu.vector_load %arg8[%swap3A_1283, %swap3A_1284] {strides = array<i32>} : memref<256x128xf32, #tpu.memory_space<vmem>>, vector<1x16xf32>,
      %swap3A_1286 = vector.shape_cast %swap3A_1285 : vector<1x16xf32> to vector<16xf32>
      %swap3A_1287 = vector.shape_cast %mul3A_1282 : vector<16xf32> to vector<1x16xf32>
      tpu.vector_store %arg8[%swap3A_1283, %swap3A_1284], %swap3A_1287 {strides = array<i32>} : memref<256x128xf32, #tpu.memory_space<vmem>>, vector<1x16xf32>,
      %get3A_1288 = arith.index_cast %add3A_1277 : i32 to index
      %get3A_1289 = arith.constant 16 : index
      %get3A_1290 = tpu.vector_load %arg8[%get3A_1288, %get3A_1289] {strides = array<i32>} : memref<256x128xf32, #tpu.memory_space<vmem>>, vector<1x16xf32>,
      %get3A_1291 = vector.shape_cast %get3A_1290 : vector<1x16xf32> to vector<16xf32>
      %mul3A_1292 = arith.mulf %get3A_1291, %broadcast_in_dim3A_1271 : vector<16xf32>
      %swap3A_1293 = arith.index_cast %add3A_1277 : i32 to index
      %swap3A_1294 = arith.constant 16 : index
      %swap3A_1295 = tpu.vector_load %arg8[%swap3A_1293, %swap3A_1294] {strides = array<i32>} : memref<256x128xf32, #tpu.memory_space<vmem>>, vector<1x16xf32>,
      %swap3A_1296 = vector.shape_cast %swap3A_1295 : vector<1x16xf32> to vector<16xf32>
      %swap3A_1297 = vector.shape_cast %mul3A_1292 : vector<16xf32> to vector<1x16xf32>
      tpu.vector_store %arg8[%swap3A_1293, %swap3A_1294], %swap3A_1297 {strides = array<i32>} : memref<256x128xf32, #tpu.memory_space<vmem>>, vector<1x16xf32>,
      %get3A_1298 = arith.index_cast %add3A_1277 : i32 to index
      %get3A_1299 = arith.constant 32 : index
      %get3A_1300 = tpu.vector_load %arg8[%get3A_1298, %get3A_1299] {strides = array<i32>} : memref<256x128xf32, #tpu.memory_space<vmem>>, vector<1x16xf32>,
      %get3A_1301 = vector.shape_cast %get3A_1300 : vector<1x16xf32> to vector<16xf32>
      %mul3A_1302 = arith.mulf %get3A_1301, %broadcast_in_dim3A_1271 : vector<16xf32>
      %swap3A_1303 = arith.index_cast %add3A_1277 : i32 to index
      %swap3A_1304 = arith.constant 32 : index
      %swap3A_1305 = tpu.vector_load %arg8[%swap3A_1303, %swap3A_1304] {strides = array<i32>} : memref<256x128xf32, #tpu.memory_space<vmem>>, vector<1x16xf32>,
      %swap3A_1306 = vector.shape_cast %swap3A_1305 : vector<1x16xf32> to vector<16xf32>
      %swap3A_1307 = vector.shape_cast %mul3A_1302 : vector<16xf32> to vector<1x16xf32>
      tpu.vector_store %arg8[%swap3A_1303, %swap3A_1304], %swap3A_1307 {strides = array<i32>} : memref<256x128xf32, #tpu.memory_space<vmem>>, vector<1x16xf32>,
      %get3A_1308 = arith.index_cast %add3A_1277 : i32 to index
      %get3A_1309 = arith.constant 48 : index
      %get3A_1310 = tpu.vector_load %arg8[%get3A_1308, %get3A_1309] {strides = array<i32>} : memref<256x128xf32, #tpu.memory_space<vmem>>, vector<1x16xf32>,
      %get3A_1311 = vector.shape_cast %get3A_1310 : vector<1x16xf32> to vector<16xf32>
      %mul3A_1312 = arith.mulf %get3A_1311, %broadcast_in_dim3A_1271 : vector<16xf32>
      %swap3A_1313 = arith.index_cast %add3A_1277 : i32 to index
      %swap3A_1314 = arith.constant 48 : index
      %swap3A_1315 = tpu.vector_load %arg8[%swap3A_1313, %swap3A_1314] {strides = array<i32>} : memref<256x128xf32, #tpu.memory_space<vmem>>, vector<1x16xf32>,
      %swap3A_1316 = vector.shape_cast %swap3A_1315 : vector<1x16xf32> to vector<16xf32>
      %swap3A_1317 = vector.shape_cast %mul3A_1312 : vector<16xf32> to vector<1x16xf32>
      tpu.vector_store %arg8[%swap3A_1313, %swap3A_1314], %swap3A_1317 {strides = array<i32>} : memref<256x128xf32, #tpu.memory_space<vmem>>, vector<1x16xf32>,
      %get3A_1318 = arith.index_cast %add3A_1277 : i32 to index
      %get3A_1319 = arith.constant 64 : index
      %get3A_1320 = tpu.vector_load %arg8[%get3A_1318, %get3A_1319] {strides = array<i32>} : memref<256x128xf32, #tpu.memory_space<vmem>>, vector<1x16xf32>,
      %get3A_1321 = vector.shape_cast %get3A_1320 : vector<1x16xf32> to vector<16xf32>
      %mul3A_1322 = arith.mulf %get3A_1321, %broadcast_in_dim3A_1271 : vector<16xf32>
      %swap3A_1323 = arith.index_cast %add3A_1277 : i32 to index
      %swap3A_1324 = arith.constant 64 : index
      %swap3A_1325 = tpu.vector_load %arg8[%swap3A_1323, %swap3A_1324] {strides = array<i32>} : memref<256x128xf32, #tpu.memory_space<vmem>>, vector<1x16xf32>,
      %swap3A_1326 = vector.shape_cast %swap3A_1325 : vector<1x16xf32> to vector<16xf32>
      %swap3A_1327 = vector.shape_cast %mul3A_1322 : vector<16xf32> to vector<1x16xf32>
      tpu.vector_store %arg8[%swap3A_1323, %swap3A_1324], %swap3A_1327 {strides = array<i32>} : memref<256x128xf32, #tpu.memory_space<vmem>>, vector<1x16xf32>,
      %get3A_1328 = arith.index_cast %add3A_1277 : i32 to index
      %get3A_1329 = arith.constant 80 : index
      %get3A_1330 = tpu.vector_load %arg8[%get3A_1328, %get3A_1329] {strides = array<i32>} : memref<256x128xf32, #tpu.memory_space<vmem>>, vector<1x16xf32>,
      %get3A_1331 = vector.shape_cast %get3A_1330 : vector<1x16xf32> to vector<16xf32>
      %mul3A_1332 = arith.mulf %get3A_1331, %broadcast_in_dim3A_1271 : vector<16xf32>
      %swap3A_1333 = arith.index_cast %add3A_1277 : i32 to index
      %swap3A_1334 = arith.constant 80 : index
      %swap3A_1335 = tpu.vector_load %arg8[%swap3A_1333, %swap3A_1334] {strides = array<i32>} : memref<256x128xf32, #tpu.memory_space<vmem>>, vector<1x16xf32>,
      %swap3A_1336 = vector.shape_cast %swap3A_1335 : vector<1x16xf32> to vector<16xf32>
      %swap3A_1337 = vector.shape_cast %mul3A_1332 : vector<16xf32> to vector<1x16xf32>
      tpu.vector_store %arg8[%swap3A_1333, %swap3A_1334], %swap3A_1337 {strides = array<i32>} : memref<256x128xf32, #tpu.memory_space<vmem>>, vector<1x16xf32>,
      %get3A_1338 = arith.index_cast %add3A_1277 : i32 to index
      %get3A_1339 = arith.constant 96 : index
      %get3A_1340 = tpu.vector_load %arg8[%get3A_1338, %get3A_1339] {strides = array<i32>} : memref<256x128xf32, #tpu.memory_space<vmem>>, vector<1x16xf32>,
      %get3A_1341 = vector.shape_cast %get3A_1340 : vector<1x16xf32> to vector<16xf32>
      %mul3A_1342 = arith.mulf %get3A_1341, %broadcast_in_dim3A_1271 : vector<16xf32>
      %swap3A_1343 = arith.index_cast %add3A_1277 : i32 to index
      %swap3A_1344 = arith.constant 96 : index
      %swap3A_1345 = tpu.vector_load %arg8[%swap3A_1343, %swap3A_1344] {strides = array<i32>} : memref<256x128xf32, #tpu.memory_space<vmem>>, vector<1x16xf32>,
      %swap3A_1346 = vector.shape_cast %swap3A_1345 : vector<1x16xf32> to vector<16xf32>
      %swap3A_1347 = vector.shape_cast %mul3A_1342 : vector<16xf32> to vector<1x16xf32>
      tpu.vector_store %arg8[%swap3A_1343, %swap3A_1344], %swap3A_1347 {strides = array<i32>} : memref<256x128xf32, #tpu.memory_space<vmem>>, vector<1x16xf32>,
      %get3A_1348 = arith.index_cast %add3A_1277 : i32 to index
      %get3A_1349 = arith.constant 112 : index
      %get3A_1350 = tpu.vector_load %arg8[%get3A_1348, %get3A_1349] {strides = array<i32>} : memref<256x128xf32, #tpu.memory_space<vmem>>, vector<1x16xf32>,
      %get3A_1351 = vector.shape_cast %get3A_1350 : vector<1x16xf32> to vector<16xf32>
      %mul3A_1352 = arith.mulf %get3A_1351, %broadcast_in_dim3A_1271 : vector<16xf32>
      %swap3A_1353 = arith.index_cast %add3A_1277 : i32 to index
      %swap3A_1354 = arith.constant 112 : index
      %swap3A_1355 = tpu.vector_load %arg8[%swap3A_1353, %swap3A_1354] {strides = array<i32>} : memref<256x128xf32, #tpu.memory_space<vmem>>, vector<1x16xf32>,
      %swap3A_1356 = vector.shape_cast %swap3A_1355 : vector<1x16xf32> to vector<16xf32>
      %swap3A_1357 = vector.shape_cast %mul3A_1352 : vector<16xf32> to vector<1x16xf32>
      tpu.vector_store %arg8[%swap3A_1353, %swap3A_1354], %swap3A_1357 {strides = array<i32>} : memref<256x128xf32, #tpu.memory_space<vmem>>, vector<1x16xf32>,
      %slice3A_1358 = vector.extract_strided_slice %select_n3A {offsets = [4], sizes = [1], strides = [1]} : vector<16xf32> to vector<1xf32>
      %broadcast_in_dim3A_1359 = vector.shape_cast %slice3A_1358 : vector<1xf32> to vector<1xf32>
      %broadcast_in_dim3A_1360 = vector.broadcast %broadcast_in_dim3A_1359 : vector<1xf32> to vector<16xf32>
      %mul3A_1361 = arith.constant 16 : i32
      %mul3A_1362 = arith.muli %scan3A_988, %mul3A_1361 : i32
      %add3A_1363 = arith.constant 128 : i32
      %add3A_1364 = arith.addi %add3A_1363, %mul3A_1362 : i32
      %add3A_1365 = arith.constant 4 : i32
      %add3A_1366 = arith.addi %add3A_1364, %add3A_1365 : i32
      %get3A_1367 = arith.index_cast %add3A_1366 : i32 to index
      %get3A_1368 = arith.constant 0 : index
      %get3A_1369 = tpu.vector_load %arg8[%get3A_1367, %get3A_1368] {strides = array<i32>} : memref<256x128xf32, #tpu.memory_space<vmem>>, vector<1x16xf32>,
      %get3A_1370 = vector.shape_cast %get3A_1369 : vector<1x16xf32> to vector<16xf32>
      %mul3A_1371 = arith.mulf %get3A_1370, %broadcast_in_dim3A_1360 : vector<16xf32>
      %swap3A_1372 = arith.index_cast %add3A_1366 : i32 to index
      %swap3A_1373 = arith.constant 0 : index
      %swap3A_1374 = tpu.vector_load %arg8[%swap3A_1372, %swap3A_1373] {strides = array<i32>} : memref<256x128xf32, #tpu.memory_space<vmem>>, vector<1x16xf32>,
      %swap3A_1375 = vector.shape_cast %swap3A_1374 : vector<1x16xf32> to vector<16xf32>
      %swap3A_1376 = vector.shape_cast %mul3A_1371 : vector<16xf32> to vector<1x16xf32>
      tpu.vector_store %arg8[%swap3A_1372, %swap3A_1373], %swap3A_1376 {strides = array<i32>} : memref<256x128xf32, #tpu.memory_space<vmem>>, vector<1x16xf32>,
      %get3A_1377 = arith.index_cast %add3A_1366 : i32 to index
      %get3A_1378 = arith.constant 16 : index
      %get3A_1379 = tpu.vector_load %arg8[%get3A_1377, %get3A_1378] {strides = array<i32>} : memref<256x128xf32, #tpu.memory_space<vmem>>, vector<1x16xf32>,
      %get3A_1380 = vector.shape_cast %get3A_1379 : vector<1x16xf32> to vector<16xf32>
      %mul3A_1381 = arith.mulf %get3A_1380, %broadcast_in_dim3A_1360 : vector<16xf32>
      %swap3A_1382 = arith.index_cast %add3A_1366 : i32 to index
      %swap3A_1383 = arith.constant 16 : index
      %swap3A_1384 = tpu.vector_load %arg8[%swap3A_1382, %swap3A_1383] {strides = array<i32>} : memref<256x128xf32, #tpu.memory_space<vmem>>, vector<1x16xf32>,
      %swap3A_1385 = vector.shape_cast %swap3A_1384 : vector<1x16xf32> to vector<16xf32>
      %swap3A_1386 = vector.shape_cast %mul3A_1381 : vector<16xf32> to vector<1x16xf32>
      tpu.vector_store %arg8[%swap3A_1382, %swap3A_1383], %swap3A_1386 {strides = array<i32>} : memref<256x128xf32, #tpu.memory_space<vmem>>, vector<1x16xf32>,
      %get3A_1387 = arith.index_cast %add3A_1366 : i32 to index
      %get3A_1388 = arith.constant 32 : index
      %get3A_1389 = tpu.vector_load %arg8[%get3A_1387, %get3A_1388] {strides = array<i32>} : memref<256x128xf32, #tpu.memory_space<vmem>>, vector<1x16xf32>,
      %get3A_1390 = vector.shape_cast %get3A_1389 : vector<1x16xf32> to vector<16xf32>
      %mul3A_1391 = arith.mulf %get3A_1390, %broadcast_in_dim3A_1360 : vector<16xf32>
      %swap3A_1392 = arith.index_cast %add3A_1366 : i32 to index
      %swap3A_1393 = arith.constant 32 : index
      %swap3A_1394 = tpu.vector_load %arg8[%swap3A_1392, %swap3A_1393] {strides = array<i32>} : memref<256x128xf32, #tpu.memory_space<vmem>>, vector<1x16xf32>,
      %swap3A_1395 = vector.shape_cast %swap3A_1394 : vector<1x16xf32> to vector<16xf32>
      %swap3A_1396 = vector.shape_cast %mul3A_1391 : vector<16xf32> to vector<1x16xf32>
      tpu.vector_store %arg8[%swap3A_1392, %swap3A_1393], %swap3A_1396 {strides = array<i32>} : memref<256x128xf32, #tpu.memory_space<vmem>>, vector<1x16xf32>,
      %get3A_1397 = arith.index_cast %add3A_1366 : i32 to index
      %get3A_1398 = arith.constant 48 : index
      %get3A_1399 = tpu.vector_load %arg8[%get3A_1397, %get3A_1398] {strides = array<i32>} : memref<256x128xf32, #tpu.memory_space<vmem>>, vector<1x16xf32>,
      %get3A_1400 = vector.shape_cast %get3A_1399 : vector<1x16xf32> to vector<16xf32>
      %mul3A_1401 = arith.mulf %get3A_1400, %broadcast_in_dim3A_1360 : vector<16xf32>
      %swap3A_1402 = arith.index_cast %add3A_1366 : i32 to index
      %swap3A_1403 = arith.constant 48 : index
      %swap3A_1404 = tpu.vector_load %arg8[%swap3A_1402, %swap3A_1403] {strides = array<i32>} : memref<256x128xf32, #tpu.memory_space<vmem>>, vector<1x16xf32>,
      %swap3A_1405 = vector.shape_cast %swap3A_1404 : vector<1x16xf32> to vector<16xf32>
      %swap3A_1406 = vector.shape_cast %mul3A_1401 : vector<16xf32> to vector<1x16xf32>
      tpu.vector_store %arg8[%swap3A_1402, %swap3A_1403], %swap3A_1406 {strides = array<i32>} : memref<256x128xf32, #tpu.memory_space<vmem>>, vector<1x16xf32>,
      %get3A_1407 = arith.index_cast %add3A_1366 : i32 to index
      %get3A_1408 = arith.constant 64 : index
      %get3A_1409 = tpu.vector_load %arg8[%get3A_1407, %get3A_1408] {strides = array<i32>} : memref<256x128xf32, #tpu.memory_space<vmem>>, vector<1x16xf32>,
      %get3A_1410 = vector.shape_cast %get3A_1409 : vector<1x16xf32> to vector<16xf32>
      %mul3A_1411 = arith.mulf %get3A_1410, %broadcast_in_dim3A_1360 : vector<16xf32>
      %swap3A_1412 = arith.index_cast %add3A_1366 : i32 to index
      %swap3A_1413 = arith.constant 64 : index
      %swap3A_1414 = tpu.vector_load %arg8[%swap3A_1412, %swap3A_1413] {strides = array<i32>} : memref<256x128xf32, #tpu.memory_space<vmem>>, vector<1x16xf32>,
      %swap3A_1415 = vector.shape_cast %swap3A_1414 : vector<1x16xf32> to vector<16xf32>
      %swap3A_1416 = vector.shape_cast %mul3A_1411 : vector<16xf32> to vector<1x16xf32>
      tpu.vector_store %arg8[%swap3A_1412, %swap3A_1413], %swap3A_1416 {strides = array<i32>} : memref<256x128xf32, #tpu.memory_space<vmem>>, vector<1x16xf32>,
      %get3A_1417 = arith.index_cast %add3A_1366 : i32 to index
      %get3A_1418 = arith.constant 80 : index
      %get3A_1419 = tpu.vector_load %arg8[%get3A_1417, %get3A_1418] {strides = array<i32>} : memref<256x128xf32, #tpu.memory_space<vmem>>, vector<1x16xf32>,
      %get3A_1420 = vector.shape_cast %get3A_1419 : vector<1x16xf32> to vector<16xf32>
      %mul3A_1421 = arith.mulf %get3A_1420, %broadcast_in_dim3A_1360 : vector<16xf32>
      %swap3A_1422 = arith.index_cast %add3A_1366 : i32 to index
      %swap3A_1423 = arith.constant 80 : index
      %swap3A_1424 = tpu.vector_load %arg8[%swap3A_1422, %swap3A_1423] {strides = array<i32>} : memref<256x128xf32, #tpu.memory_space<vmem>>, vector<1x16xf32>,
      %swap3A_1425 = vector.shape_cast %swap3A_1424 : vector<1x16xf32> to vector<16xf32>
      %swap3A_1426 = vector.shape_cast %mul3A_1421 : vector<16xf32> to vector<1x16xf32>
      tpu.vector_store %arg8[%swap3A_1422, %swap3A_1423], %swap3A_1426 {strides = array<i32>} : memref<256x128xf32, #tpu.memory_space<vmem>>, vector<1x16xf32>,
      %get3A_1427 = arith.index_cast %add3A_1366 : i32 to index
      %get3A_1428 = arith.constant 96 : index
      %get3A_1429 = tpu.vector_load %arg8[%get3A_1427, %get3A_1428] {strides = array<i32>} : memref<256x128xf32, #tpu.memory_space<vmem>>, vector<1x16xf32>,
      %get3A_1430 = vector.shape_cast %get3A_1429 : vector<1x16xf32> to vector<16xf32>
      %mul3A_1431 = arith.mulf %get3A_1430, %broadcast_in_dim3A_1360 : vector<16xf32>
      %swap3A_1432 = arith.index_cast %add3A_1366 : i32 to index
      %swap3A_1433 = arith.constant 96 : index
      %swap3A_1434 = tpu.vector_load %arg8[%swap3A_1432, %swap3A_1433] {strides = array<i32>} : memref<256x128xf32, #tpu.memory_space<vmem>>, vector<1x16xf32>,
      %swap3A_1435 = vector.shape_cast %swap3A_1434 : vector<1x16xf32> to vector<16xf32>
      %swap3A_1436 = vector.shape_cast %mul3A_1431 : vector<16xf32> to vector<1x16xf32>
      tpu.vector_store %arg8[%swap3A_1432, %swap3A_1433], %swap3A_1436 {strides = array<i32>} : memref<256x128xf32, #tpu.memory_space<vmem>>, vector<1x16xf32>,
      %get3A_1437 = arith.index_cast %add3A_1366 : i32 to index
      %get3A_1438 = arith.constant 112 : index
      %get3A_1439 = tpu.vector_load %arg8[%get3A_1437, %get3A_1438] {strides = array<i32>} : memref<256x128xf32, #tpu.memory_space<vmem>>, vector<1x16xf32>,
      %get3A_1440 = vector.shape_cast %get3A_1439 : vector<1x16xf32> to vector<16xf32>
      %mul3A_1441 = arith.mulf %get3A_1440, %broadcast_in_dim3A_1360 : vector<16xf32>
      %swap3A_1442 = arith.index_cast %add3A_1366 : i32 to index
      %swap3A_1443 = arith.constant 112 : index
      %swap3A_1444 = tpu.vector_load %arg8[%swap3A_1442, %swap3A_1443] {strides = array<i32>} : memref<256x128xf32, #tpu.memory_space<vmem>>, vector<1x16xf32>,
      %swap3A_1445 = vector.shape_cast %swap3A_1444 : vector<1x16xf32> to vector<16xf32>
      %swap3A_1446 = vector.shape_cast %mul3A_1441 : vector<16xf32> to vector<1x16xf32>
      tpu.vector_store %arg8[%swap3A_1442, %swap3A_1443], %swap3A_1446 {strides = array<i32>} : memref<256x128xf32, #tpu.memory_space<vmem>>, vector<1x16xf32>,
      %slice3A_1447 = vector.extract_strided_slice %select_n3A {offsets = [5], sizes = [1], strides = [1]} : vector<16xf32> to vector<1xf32>
      %broadcast_in_dim3A_1448 = vector.shape_cast %slice3A_1447 : vector<1xf32> to vector<1xf32>
      %broadcast_in_dim3A_1449 = vector.broadcast %broadcast_in_dim3A_1448 : vector<1xf32> to vector<16xf32>
      %mul3A_1450 = arith.constant 16 : i32
      %mul3A_1451 = arith.muli %scan3A_988, %mul3A_1450 : i32
      %add3A_1452 = arith.constant 128 : i32
      %add3A_1453 = arith.addi %add3A_1452, %mul3A_1451 : i32
      %add3A_1454 = arith.constant 5 : i32
      %add3A_1455 = arith.addi %add3A_1453, %add3A_1454 : i32
      %get3A_1456 = arith.index_cast %add3A_1455 : i32 to index
      %get3A_1457 = arith.constant 0 : index
      %get3A_1458 = tpu.vector_load %arg8[%get3A_1456, %get3A_1457] {strides = array<i32>} : memref<256x128xf32, #tpu.memory_space<vmem>>, vector<1x16xf32>,
      %get3A_1459 = vector.shape_cast %get3A_1458 : vector<1x16xf32> to vector<16xf32>
      %mul3A_1460 = arith.mulf %get3A_1459, %broadcast_in_dim3A_1449 : vector<16xf32>
      %swap3A_1461 = arith.index_cast %add3A_1455 : i32 to index
      %swap3A_1462 = arith.constant 0 : index
      %swap3A_1463 = tpu.vector_load %arg8[%swap3A_1461, %swap3A_1462] {strides = array<i32>} : memref<256x128xf32, #tpu.memory_space<vmem>>, vector<1x16xf32>,
      %swap3A_1464 = vector.shape_cast %swap3A_1463 : vector<1x16xf32> to vector<16xf32>
      %swap3A_1465 = vector.shape_cast %mul3A_1460 : vector<16xf32> to vector<1x16xf32>
      tpu.vector_store %arg8[%swap3A_1461, %swap3A_1462], %swap3A_1465 {strides = array<i32>} : memref<256x128xf32, #tpu.memory_space<vmem>>, vector<1x16xf32>,
      %get3A_1466 = arith.index_cast %add3A_1455 : i32 to index
      %get3A_1467 = arith.constant 16 : index
      %get3A_1468 = tpu.vector_load %arg8[%get3A_1466, %get3A_1467] {strides = array<i32>} : memref<256x128xf32, #tpu.memory_space<vmem>>, vector<1x16xf32>,
      %get3A_1469 = vector.shape_cast %get3A_1468 : vector<1x16xf32> to vector<16xf32>
      %mul3A_1470 = arith.mulf %get3A_1469, %broadcast_in_dim3A_1449 : vector<16xf32>
      %swap3A_1471 = arith.index_cast %add3A_1455 : i32 to index
      %swap3A_1472 = arith.constant 16 : index
      %swap3A_1473 = tpu.vector_load %arg8[%swap3A_1471, %swap3A_1472] {strides = array<i32>} : memref<256x128xf32, #tpu.memory_space<vmem>>, vector<1x16xf32>,
      %swap3A_1474 = vector.shape_cast %swap3A_1473 : vector<1x16xf32> to vector<16xf32>
      %swap3A_1475 = vector.shape_cast %mul3A_1470 : vector<16xf32> to vector<1x16xf32>
      tpu.vector_store %arg8[%swap3A_1471, %swap3A_1472], %swap3A_1475 {strides = array<i32>} : memref<256x128xf32, #tpu.memory_space<vmem>>, vector<1x16xf32>,
      %get3A_1476 = arith.index_cast %add3A_1455 : i32 to index
      %get3A_1477 = arith.constant 32 : index
      %get3A_1478 = tpu.vector_load %arg8[%get3A_1476, %get3A_1477] {strides = array<i32>} : memref<256x128xf32, #tpu.memory_space<vmem>>, vector<1x16xf32>,
      %get3A_1479 = vector.shape_cast %get3A_1478 : vector<1x16xf32> to vector<16xf32>
      %mul3A_1480 = arith.mulf %get3A_1479, %broadcast_in_dim3A_1449 : vector<16xf32>
      %swap3A_1481 = arith.index_cast %add3A_1455 : i32 to index
      %swap3A_1482 = arith.constant 32 : index
      %swap3A_1483 = tpu.vector_load %arg8[%swap3A_1481, %swap3A_1482] {strides = array<i32>} : memref<256x128xf32, #tpu.memory_space<vmem>>, vector<1x16xf32>,
      %swap3A_1484 = vector.shape_cast %swap3A_1483 : vector<1x16xf32> to vector<16xf32>
      %swap3A_1485 = vector.shape_cast %mul3A_1480 : vector<16xf32> to vector<1x16xf32>
      tpu.vector_store %arg8[%swap3A_1481, %swap3A_1482], %swap3A_1485 {strides = array<i32>} : memref<256x128xf32, #tpu.memory_space<vmem>>, vector<1x16xf32>,
      %get3A_1486 = arith.index_cast %add3A_1455 : i32 to index
      %get3A_1487 = arith.constant 48 : index
      %get3A_1488 = tpu.vector_load %arg8[%get3A_1486, %get3A_1487] {strides = array<i32>} : memref<256x128xf32, #tpu.memory_space<vmem>>, vector<1x16xf32>,
      %get3A_1489 = vector.shape_cast %get3A_1488 : vector<1x16xf32> to vector<16xf32>
      %mul3A_1490 = arith.mulf %get3A_1489, %broadcast_in_dim3A_1449 : vector<16xf32>
      %swap3A_1491 = arith.index_cast %add3A_1455 : i32 to index
      %swap3A_1492 = arith.constant 48 : index
      %swap3A_1493 = tpu.vector_load %arg8[%swap3A_1491, %swap3A_1492] {strides = array<i32>} : memref<256x128xf32, #tpu.memory_space<vmem>>, vector<1x16xf32>,
      %swap3A_1494 = vector.shape_cast %swap3A_1493 : vector<1x16xf32> to vector<16xf32>
      %swap3A_1495 = vector.shape_cast %mul3A_1490 : vector<16xf32> to vector<1x16xf32>
      tpu.vector_store %arg8[%swap3A_1491, %swap3A_1492], %swap3A_1495 {strides = array<i32>} : memref<256x128xf32, #tpu.memory_space<vmem>>, vector<1x16xf32>,
      %get3A_1496 = arith.index_cast %add3A_1455 : i32 to index
      %get3A_1497 = arith.constant 64 : index
      %get3A_1498 = tpu.vector_load %arg8[%get3A_1496, %get3A_1497] {strides = array<i32>} : memref<256x128xf32, #tpu.memory_space<vmem>>, vector<1x16xf32>,
      %get3A_1499 = vector.shape_cast %get3A_1498 : vector<1x16xf32> to vector<16xf32>
      %mul3A_1500 = arith.mulf %get3A_1499, %broadcast_in_dim3A_1449 : vector<16xf32>
      %swap3A_1501 = arith.index_cast %add3A_1455 : i32 to index
      %swap3A_1502 = arith.constant 64 : index
      %swap3A_1503 = tpu.vector_load %arg8[%swap3A_1501, %swap3A_1502] {strides = array<i32>} : memref<256x128xf32, #tpu.memory_space<vmem>>, vector<1x16xf32>,
      %swap3A_1504 = vector.shape_cast %swap3A_1503 : vector<1x16xf32> to vector<16xf32>
      %swap3A_1505 = vector.shape_cast %mul3A_1500 : vector<16xf32> to vector<1x16xf32>
      tpu.vector_store %arg8[%swap3A_1501, %swap3A_1502], %swap3A_1505 {strides = array<i32>} : memref<256x128xf32, #tpu.memory_space<vmem>>, vector<1x16xf32>,
      %get3A_1506 = arith.index_cast %add3A_1455 : i32 to index
      %get3A_1507 = arith.constant 80 : index
      %get3A_1508 = tpu.vector_load %arg8[%get3A_1506, %get3A_1507] {strides = array<i32>} : memref<256x128xf32, #tpu.memory_space<vmem>>, vector<1x16xf32>,
      %get3A_1509 = vector.shape_cast %get3A_1508 : vector<1x16xf32> to vector<16xf32>
      %mul3A_1510 = arith.mulf %get3A_1509, %broadcast_in_dim3A_1449 : vector<16xf32>
      %swap3A_1511 = arith.index_cast %add3A_1455 : i32 to index
      %swap3A_1512 = arith.constant 80 : index
      %swap3A_1513 = tpu.vector_load %arg8[%swap3A_1511, %swap3A_1512] {strides = array<i32>} : memref<256x128xf32, #tpu.memory_space<vmem>>, vector<1x16xf32>,
      %swap3A_1514 = vector.shape_cast %swap3A_1513 : vector<1x16xf32> to vector<16xf32>
      %swap3A_1515 = vector.shape_cast %mul3A_1510 : vector<16xf32> to vector<1x16xf32>
      tpu.vector_store %arg8[%swap3A_1511, %swap3A_1512], %swap3A_1515 {strides = array<i32>} : memref<256x128xf32, #tpu.memory_space<vmem>>, vector<1x16xf32>,
      %get3A_1516 = arith.index_cast %add3A_1455 : i32 to index
      %get3A_1517 = arith.constant 96 : index
      %get3A_1518 = tpu.vector_load %arg8[%get3A_1516, %get3A_1517] {strides = array<i32>} : memref<256x128xf32, #tpu.memory_space<vmem>>, vector<1x16xf32>,
      %get3A_1519 = vector.shape_cast %get3A_1518 : vector<1x16xf32> to vector<16xf32>
      %mul3A_1520 = arith.mulf %get3A_1519, %broadcast_in_dim3A_1449 : vector<16xf32>
      %swap3A_1521 = arith.index_cast %add3A_1455 : i32 to index
      %swap3A_1522 = arith.constant 96 : index
      %swap3A_1523 = tpu.vector_load %arg8[%swap3A_1521, %swap3A_1522] {strides = array<i32>} : memref<256x128xf32, #tpu.memory_space<vmem>>, vector<1x16xf32>,
      %swap3A_1524 = vector.shape_cast %swap3A_1523 : vector<1x16xf32> to vector<16xf32>
      %swap3A_1525 = vector.shape_cast %mul3A_1520 : vector<16xf32> to vector<1x16xf32>
      tpu.vector_store %arg8[%swap3A_1521, %swap3A_1522], %swap3A_1525 {strides = array<i32>} : memref<256x128xf32, #tpu.memory_space<vmem>>, vector<1x16xf32>,
      %get3A_1526 = arith.index_cast %add3A_1455 : i32 to index
      %get3A_1527 = arith.constant 112 : index
      %get3A_1528 = tpu.vector_load %arg8[%get3A_1526, %get3A_1527] {strides = array<i32>} : memref<256x128xf32, #tpu.memory_space<vmem>>, vector<1x16xf32>,
      %get3A_1529 = vector.shape_cast %get3A_1528 : vector<1x16xf32> to vector<16xf32>
      %mul3A_1530 = arith.mulf %get3A_1529, %broadcast_in_dim3A_1449 : vector<16xf32>
      %swap3A_1531 = arith.index_cast %add3A_1455 : i32 to index
      %swap3A_1532 = arith.constant 112 : index
      %swap3A_1533 = tpu.vector_load %arg8[%swap3A_1531, %swap3A_1532] {strides = array<i32>} : memref<256x128xf32, #tpu.memory_space<vmem>>, vector<1x16xf32>,
      %swap3A_1534 = vector.shape_cast %swap3A_1533 : vector<1x16xf32> to vector<16xf32>
      %swap3A_1535 = vector.shape_cast %mul3A_1530 : vector<16xf32> to vector<1x16xf32>
      tpu.vector_store %arg8[%swap3A_1531, %swap3A_1532], %swap3A_1535 {strides = array<i32>} : memref<256x128xf32, #tpu.memory_space<vmem>>, vector<1x16xf32>,
      %slice3A_1536 = vector.extract_strided_slice %select_n3A {offsets = [6], sizes = [1], strides = [1]} : vector<16xf32> to vector<1xf32>
      %broadcast_in_dim3A_1537 = vector.shape_cast %slice3A_1536 : vector<1xf32> to vector<1xf32>
      %broadcast_in_dim3A_1538 = vector.broadcast %broadcast_in_dim3A_1537 : vector<1xf32> to vector<16xf32>
      %mul3A_1539 = arith.constant 16 : i32
      %mul3A_1540 = arith.muli %scan3A_988, %mul3A_1539 : i32
      %add3A_1541 = arith.constant 128 : i32
      %add3A_1542 = arith.addi %add3A_1541, %mul3A_1540 : i32
      %add3A_1543 = arith.constant 6 : i32
      %add3A_1544 = arith.addi %add3A_1542, %add3A_1543 : i32
      %get3A_1545 = arith.index_cast %add3A_1544 : i32 to index
      %get3A_1546 = arith.constant 0 : index
      %get3A_1547 = tpu.vector_load %arg8[%get3A_1545, %get3A_1546] {strides = array<i32>} : memref<256x128xf32, #tpu.memory_space<vmem>>, vector<1x16xf32>,
      %get3A_1548 = vector.shape_cast %get3A_1547 : vector<1x16xf32> to vector<16xf32>
      %mul3A_1549 = arith.mulf %get3A_1548, %broadcast_in_dim3A_1538 : vector<16xf32>
      %swap3A_1550 = arith.index_cast %add3A_1544 : i32 to index
      %swap3A_1551 = arith.constant 0 : index
      %swap3A_1552 = tpu.vector_load %arg8[%swap3A_1550, %swap3A_1551] {strides = array<i32>} : memref<256x128xf32, #tpu.memory_space<vmem>>, vector<1x16xf32>,
      %swap3A_1553 = vector.shape_cast %swap3A_1552 : vector<1x16xf32> to vector<16xf32>
      %swap3A_1554 = vector.shape_cast %mul3A_1549 : vector<16xf32> to vector<1x16xf32>
      tpu.vector_store %arg8[%swap3A_1550, %swap3A_1551], %swap3A_1554 {strides = array<i32>} : memref<256x128xf32, #tpu.memory_space<vmem>>, vector<1x16xf32>,
      %get3A_1555 = arith.index_cast %add3A_1544 : i32 to index
      %get3A_1556 = arith.constant 16 : index
      %get3A_1557 = tpu.vector_load %arg8[%get3A_1555, %get3A_1556] {strides = array<i32>} : memref<256x128xf32, #tpu.memory_space<vmem>>, vector<1x16xf32>,
      %get3A_1558 = vector.shape_cast %get3A_1557 : vector<1x16xf32> to vector<16xf32>
      %mul3A_1559 = arith.mulf %get3A_1558, %broadcast_in_dim3A_1538 : vector<16xf32>
      %swap3A_1560 = arith.index_cast %add3A_1544 : i32 to index
      %swap3A_1561 = arith.constant 16 : index
      %swap3A_1562 = tpu.vector_load %arg8[%swap3A_1560, %swap3A_1561] {strides = array<i32>} : memref<256x128xf32, #tpu.memory_space<vmem>>, vector<1x16xf32>,
      %swap3A_1563 = vector.shape_cast %swap3A_1562 : vector<1x16xf32> to vector<16xf32>
      %swap3A_1564 = vector.shape_cast %mul3A_1559 : vector<16xf32> to vector<1x16xf32>
      tpu.vector_store %arg8[%swap3A_1560, %swap3A_1561], %swap3A_1564 {strides = array<i32>} : memref<256x128xf32, #tpu.memory_space<vmem>>, vector<1x16xf32>,
      %get3A_1565 = arith.index_cast %add3A_1544 : i32 to index
      %get3A_1566 = arith.constant 32 : index
      %get3A_1567 = tpu.vector_load %arg8[%get3A_1565, %get3A_1566] {strides = array<i32>} : memref<256x128xf32, #tpu.memory_space<vmem>>, vector<1x16xf32>,
      %get3A_1568 = vector.shape_cast %get3A_1567 : vector<1x16xf32> to vector<16xf32>
      %mul3A_1569 = arith.mulf %get3A_1568, %broadcast_in_dim3A_1538 : vector<16xf32>
      %swap3A_1570 = arith.index_cast %add3A_1544 : i32 to index
      %swap3A_1571 = arith.constant 32 : index
      %swap3A_1572 = tpu.vector_load %arg8[%swap3A_1570, %swap3A_1571] {strides = array<i32>} : memref<256x128xf32, #tpu.memory_space<vmem>>, vector<1x16xf32>,
      %swap3A_1573 = vector.shape_cast %swap3A_1572 : vector<1x16xf32> to vector<16xf32>
      %swap3A_1574 = vector.shape_cast %mul3A_1569 : vector<16xf32> to vector<1x16xf32>
      tpu.vector_store %arg8[%swap3A_1570, %swap3A_1571], %swap3A_1574 {strides = array<i32>} : memref<256x128xf32, #tpu.memory_space<vmem>>, vector<1x16xf32>,
      %get3A_1575 = arith.index_cast %add3A_1544 : i32 to index
      %get3A_1576 = arith.constant 48 : index
      %get3A_1577 = tpu.vector_load %arg8[%get3A_1575, %get3A_1576] {strides = array<i32>} : memref<256x128xf32, #tpu.memory_space<vmem>>, vector<1x16xf32>,
      %get3A_1578 = vector.shape_cast %get3A_1577 : vector<1x16xf32> to vector<16xf32>
      %mul3A_1579 = arith.mulf %get3A_1578, %broadcast_in_dim3A_1538 : vector<16xf32>
      %swap3A_1580 = arith.index_cast %add3A_1544 : i32 to index
      %swap3A_1581 = arith.constant 48 : index
      %swap3A_1582 = tpu.vector_load %arg8[%swap3A_1580, %swap3A_1581] {strides = array<i32>} : memref<256x128xf32, #tpu.memory_space<vmem>>, vector<1x16xf32>,
      %swap3A_1583 = vector.shape_cast %swap3A_1582 : vector<1x16xf32> to vector<16xf32>
      %swap3A_1584 = vector.shape_cast %mul3A_1579 : vector<16xf32> to vector<1x16xf32>
      tpu.vector_store %arg8[%swap3A_1580, %swap3A_1581], %swap3A_1584 {strides = array<i32>} : memref<256x128xf32, #tpu.memory_space<vmem>>, vector<1x16xf32>,
      %get3A_1585 = arith.index_cast %add3A_1544 : i32 to index
      %get3A_1586 = arith.constant 64 : index
      %get3A_1587 = tpu.vector_load %arg8[%get3A_1585, %get3A_1586] {strides = array<i32>} : memref<256x128xf32, #tpu.memory_space<vmem>>, vector<1x16xf32>,
      %get3A_1588 = vector.shape_cast %get3A_1587 : vector<1x16xf32> to vector<16xf32>
      %mul3A_1589 = arith.mulf %get3A_1588, %broadcast_in_dim3A_1538 : vector<16xf32>
      %swap3A_1590 = arith.index_cast %add3A_1544 : i32 to index
      %swap3A_1591 = arith.constant 64 : index
      %swap3A_1592 = tpu.vector_load %arg8[%swap3A_1590, %swap3A_1591] {strides = array<i32>} : memref<256x128xf32, #tpu.memory_space<vmem>>, vector<1x16xf32>,
      %swap3A_1593 = vector.shape_cast %swap3A_1592 : vector<1x16xf32> to vector<16xf32>
      %swap3A_1594 = vector.shape_cast %mul3A_1589 : vector<16xf32> to vector<1x16xf32>
      tpu.vector_store %arg8[%swap3A_1590, %swap3A_1591], %swap3A_1594 {strides = array<i32>} : memref<256x128xf32, #tpu.memory_space<vmem>>, vector<1x16xf32>,
      %get3A_1595 = arith.index_cast %add3A_1544 : i32 to index
      %get3A_1596 = arith.constant 80 : index
      %get3A_1597 = tpu.vector_load %arg8[%get3A_1595, %get3A_1596] {strides = array<i32>} : memref<256x128xf32, #tpu.memory_space<vmem>>, vector<1x16xf32>,
      %get3A_1598 = vector.shape_cast %get3A_1597 : vector<1x16xf32> to vector<16xf32>
      %mul3A_1599 = arith.mulf %get3A_1598, %broadcast_in_dim3A_1538 : vector<16xf32>
      %swap3A_1600 = arith.index_cast %add3A_1544 : i32 to index
      %swap3A_1601 = arith.constant 80 : index
      %swap3A_1602 = tpu.vector_load %arg8[%swap3A_1600, %swap3A_1601] {strides = array<i32>} : memref<256x128xf32, #tpu.memory_space<vmem>>, vector<1x16xf32>,
      %swap3A_1603 = vector.shape_cast %swap3A_1602 : vector<1x16xf32> to vector<16xf32>
      %swap3A_1604 = vector.shape_cast %mul3A_1599 : vector<16xf32> to vector<1x16xf32>
      tpu.vector_store %arg8[%swap3A_1600, %swap3A_1601], %swap3A_1604 {strides = array<i32>} : memref<256x128xf32, #tpu.memory_space<vmem>>, vector<1x16xf32>,
      %get3A_1605 = arith.index_cast %add3A_1544 : i32 to index
      %get3A_1606 = arith.constant 96 : index
      %get3A_1607 = tpu.vector_load %arg8[%get3A_1605, %get3A_1606] {strides = array<i32>} : memref<256x128xf32, #tpu.memory_space<vmem>>, vector<1x16xf32>,
      %get3A_1608 = vector.shape_cast %get3A_1607 : vector<1x16xf32> to vector<16xf32>
      %mul3A_1609 = arith.mulf %get3A_1608, %broadcast_in_dim3A_1538 : vector<16xf32>
      %swap3A_1610 = arith.index_cast %add3A_1544 : i32 to index
      %swap3A_1611 = arith.constant 96 : index
      %swap3A_1612 = tpu.vector_load %arg8[%swap3A_1610, %swap3A_1611] {strides = array<i32>} : memref<256x128xf32, #tpu.memory_space<vmem>>, vector<1x16xf32>,
      %swap3A_1613 = vector.shape_cast %swap3A_1612 : vector<1x16xf32> to vector<16xf32>
      %swap3A_1614 = vector.shape_cast %mul3A_1609 : vector<16xf32> to vector<1x16xf32>
      tpu.vector_store %arg8[%swap3A_1610, %swap3A_1611], %swap3A_1614 {strides = array<i32>} : memref<256x128xf32, #tpu.memory_space<vmem>>, vector<1x16xf32>,
      %get3A_1615 = arith.index_cast %add3A_1544 : i32 to index
      %get3A_1616 = arith.constant 112 : index
      %get3A_1617 = tpu.vector_load %arg8[%get3A_1615, %get3A_1616] {strides = array<i32>} : memref<256x128xf32, #tpu.memory_space<vmem>>, vector<1x16xf32>,
      %get3A_1618 = vector.shape_cast %get3A_1617 : vector<1x16xf32> to vector<16xf32>
      %mul3A_1619 = arith.mulf %get3A_1618, %broadcast_in_dim3A_1538 : vector<16xf32>
      %swap3A_1620 = arith.index_cast %add3A_1544 : i32 to index
      %swap3A_1621 = arith.constant 112 : index
      %swap3A_1622 = tpu.vector_load %arg8[%swap3A_1620, %swap3A_1621] {strides = array<i32>} : memref<256x128xf32, #tpu.memory_space<vmem>>, vector<1x16xf32>,
      %swap3A_1623 = vector.shape_cast %swap3A_1622 : vector<1x16xf32> to vector<16xf32>
      %swap3A_1624 = vector.shape_cast %mul3A_1619 : vector<16xf32> to vector<1x16xf32>
      tpu.vector_store %arg8[%swap3A_1620, %swap3A_1621], %swap3A_1624 {strides = array<i32>} : memref<256x128xf32, #tpu.memory_space<vmem>>, vector<1x16xf32>,
      %slice3A_1625 = vector.extract_strided_slice %select_n3A {offsets = [7], sizes = [1], strides = [1]} : vector<16xf32> to vector<1xf32>
      %broadcast_in_dim3A_1626 = vector.shape_cast %slice3A_1625 : vector<1xf32> to vector<1xf32>
      %broadcast_in_dim3A_1627 = vector.broadcast %broadcast_in_dim3A_1626 : vector<1xf32> to vector<16xf32>
      %mul3A_1628 = arith.constant 16 : i32
      %mul3A_1629 = arith.muli %scan3A_988, %mul3A_1628 : i32
      %add3A_1630 = arith.constant 128 : i32
      %add3A_1631 = arith.addi %add3A_1630, %mul3A_1629 : i32
      %add3A_1632 = arith.constant 7 : i32
      %add3A_1633 = arith.addi %add3A_1631, %add3A_1632 : i32
      %get3A_1634 = arith.index_cast %add3A_1633 : i32 to index
      %get3A_1635 = arith.constant 0 : index
      %get3A_1636 = tpu.vector_load %arg8[%get3A_1634, %get3A_1635] {strides = array<i32>} : memref<256x128xf32, #tpu.memory_space<vmem>>, vector<1x16xf32>,
      %get3A_1637 = vector.shape_cast %get3A_1636 : vector<1x16xf32> to vector<16xf32>
      %mul3A_1638 = arith.mulf %get3A_1637, %broadcast_in_dim3A_1627 : vector<16xf32>
      %swap3A_1639 = arith.index_cast %add3A_1633 : i32 to index
      %swap3A_1640 = arith.constant 0 : index
      %swap3A_1641 = tpu.vector_load %arg8[%swap3A_1639, %swap3A_1640] {strides = array<i32>} : memref<256x128xf32, #tpu.memory_space<vmem>>, vector<1x16xf32>,
      %swap3A_1642 = vector.shape_cast %swap3A_1641 : vector<1x16xf32> to vector<16xf32>
      %swap3A_1643 = vector.shape_cast %mul3A_1638 : vector<16xf32> to vector<1x16xf32>
      tpu.vector_store %arg8[%swap3A_1639, %swap3A_1640], %swap3A_1643 {strides = array<i32>} : memref<256x128xf32, #tpu.memory_space<vmem>>, vector<1x16xf32>,
      %get3A_1644 = arith.index_cast %add3A_1633 : i32 to index
      %get3A_1645 = arith.constant 16 : index
      %get3A_1646 = tpu.vector_load %arg8[%get3A_1644, %get3A_1645] {strides = array<i32>} : memref<256x128xf32, #tpu.memory_space<vmem>>, vector<1x16xf32>,
      %get3A_1647 = vector.shape_cast %get3A_1646 : vector<1x16xf32> to vector<16xf32>
      %mul3A_1648 = arith.mulf %get3A_1647, %broadcast_in_dim3A_1627 : vector<16xf32>
      %swap3A_1649 = arith.index_cast %add3A_1633 : i32 to index
      %swap3A_1650 = arith.constant 16 : index
      %swap3A_1651 = tpu.vector_load %arg8[%swap3A_1649, %swap3A_1650] {strides = array<i32>} : memref<256x128xf32, #tpu.memory_space<vmem>>, vector<1x16xf32>,
      %swap3A_1652 = vector.shape_cast %swap3A_1651 : vector<1x16xf32> to vector<16xf32>
      %swap3A_1653 = vector.shape_cast %mul3A_1648 : vector<16xf32> to vector<1x16xf32>
      tpu.vector_store %arg8[%swap3A_1649, %swap3A_1650], %swap3A_1653 {strides = array<i32>} : memref<256x128xf32, #tpu.memory_space<vmem>>, vector<1x16xf32>,
      %get3A_1654 = arith.index_cast %add3A_1633 : i32 to index
      %get3A_1655 = arith.constant 32 : index
      %get3A_1656 = tpu.vector_load %arg8[%get3A_1654, %get3A_1655] {strides = array<i32>} : memref<256x128xf32, #tpu.memory_space<vmem>>, vector<1x16xf32>,
      %get3A_1657 = vector.shape_cast %get3A_1656 : vector<1x16xf32> to vector<16xf32>
      %mul3A_1658 = arith.mulf %get3A_1657, %broadcast_in_dim3A_1627 : vector<16xf32>
      %swap3A_1659 = arith.index_cast %add3A_1633 : i32 to index
      %swap3A_1660 = arith.constant 32 : index
      %swap3A_1661 = tpu.vector_load %arg8[%swap3A_1659, %swap3A_1660] {strides = array<i32>} : memref<256x128xf32, #tpu.memory_space<vmem>>, vector<1x16xf32>,
      %swap3A_1662 = vector.shape_cast %swap3A_1661 : vector<1x16xf32> to vector<16xf32>
      %swap3A_1663 = vector.shape_cast %mul3A_1658 : vector<16xf32> to vector<1x16xf32>
      tpu.vector_store %arg8[%swap3A_1659, %swap3A_1660], %swap3A_1663 {strides = array<i32>} : memref<256x128xf32, #tpu.memory_space<vmem>>, vector<1x16xf32>,
      %get3A_1664 = arith.index_cast %add3A_1633 : i32 to index
      %get3A_1665 = arith.constant 48 : index
      %get3A_1666 = tpu.vector_load %arg8[%get3A_1664, %get3A_1665] {strides = array<i32>} : memref<256x128xf32, #tpu.memory_space<vmem>>, vector<1x16xf32>,
      %get3A_1667 = vector.shape_cast %get3A_1666 : vector<1x16xf32> to vector<16xf32>
      %mul3A_1668 = arith.mulf %get3A_1667, %broadcast_in_dim3A_1627 : vector<16xf32>
      %swap3A_1669 = arith.index_cast %add3A_1633 : i32 to index
      %swap3A_1670 = arith.constant 48 : index
      %swap3A_1671 = tpu.vector_load %arg8[%swap3A_1669, %swap3A_1670] {strides = array<i32>} : memref<256x128xf32, #tpu.memory_space<vmem>>, vector<1x16xf32>,
      %swap3A_1672 = vector.shape_cast %swap3A_1671 : vector<1x16xf32> to vector<16xf32>
      %swap3A_1673 = vector.shape_cast %mul3A_1668 : vector<16xf32> to vector<1x16xf32>
      tpu.vector_store %arg8[%swap3A_1669, %swap3A_1670], %swap3A_1673 {strides = array<i32>} : memref<256x128xf32, #tpu.memory_space<vmem>>, vector<1x16xf32>,
      %get3A_1674 = arith.index_cast %add3A_1633 : i32 to index
      %get3A_1675 = arith.constant 64 : index
      %get3A_1676 = tpu.vector_load %arg8[%get3A_1674, %get3A_1675] {strides = array<i32>} : memref<256x128xf32, #tpu.memory_space<vmem>>, vector<1x16xf32>,
      %get3A_1677 = vector.shape_cast %get3A_1676 : vector<1x16xf32> to vector<16xf32>
      %mul3A_1678 = arith.mulf %get3A_1677, %broadcast_in_dim3A_1627 : vector<16xf32>
      %swap3A_1679 = arith.index_cast %add3A_1633 : i32 to index
      %swap3A_1680 = arith.constant 64 : index
      %swap3A_1681 = tpu.vector_load %arg8[%swap3A_1679, %swap3A_1680] {strides = array<i32>} : memref<256x128xf32, #tpu.memory_space<vmem>>, vector<1x16xf32>,
      %swap3A_1682 = vector.shape_cast %swap3A_1681 : vector<1x16xf32> to vector<16xf32>
      %swap3A_1683 = vector.shape_cast %mul3A_1678 : vector<16xf32> to vector<1x16xf32>
      tpu.vector_store %arg8[%swap3A_1679, %swap3A_1680], %swap3A_1683 {strides = array<i32>} : memref<256x128xf32, #tpu.memory_space<vmem>>, vector<1x16xf32>,
      %get3A_1684 = arith.index_cast %add3A_1633 : i32 to index
      %get3A_1685 = arith.constant 80 : index
      %get3A_1686 = tpu.vector_load %arg8[%get3A_1684, %get3A_1685] {strides = array<i32>} : memref<256x128xf32, #tpu.memory_space<vmem>>, vector<1x16xf32>,
      %get3A_1687 = vector.shape_cast %get3A_1686 : vector<1x16xf32> to vector<16xf32>
      %mul3A_1688 = arith.mulf %get3A_1687, %broadcast_in_dim3A_1627 : vector<16xf32>
      %swap3A_1689 = arith.index_cast %add3A_1633 : i32 to index
      %swap3A_1690 = arith.constant 80 : index
      %swap3A_1691 = tpu.vector_load %arg8[%swap3A_1689, %swap3A_1690] {strides = array<i32>} : memref<256x128xf32, #tpu.memory_space<vmem>>, vector<1x16xf32>,
      %swap3A_1692 = vector.shape_cast %swap3A_1691 : vector<1x16xf32> to vector<16xf32>
      %swap3A_1693 = vector.shape_cast %mul3A_1688 : vector<16xf32> to vector<1x16xf32>
      tpu.vector_store %arg8[%swap3A_1689, %swap3A_1690], %swap3A_1693 {strides = array<i32>} : memref<256x128xf32, #tpu.memory_space<vmem>>, vector<1x16xf32>,
      %get3A_1694 = arith.index_cast %add3A_1633 : i32 to index
      %get3A_1695 = arith.constant 96 : index
      %get3A_1696 = tpu.vector_load %arg8[%get3A_1694, %get3A_1695] {strides = array<i32>} : memref<256x128xf32, #tpu.memory_space<vmem>>, vector<1x16xf32>,
      %get3A_1697 = vector.shape_cast %get3A_1696 : vector<1x16xf32> to vector<16xf32>
      %mul3A_1698 = arith.mulf %get3A_1697, %broadcast_in_dim3A_1627 : vector<16xf32>
      %swap3A_1699 = arith.index_cast %add3A_1633 : i32 to index
      %swap3A_1700 = arith.constant 96 : index
      %swap3A_1701 = tpu.vector_load %arg8[%swap3A_1699, %swap3A_1700] {strides = array<i32>} : memref<256x128xf32, #tpu.memory_space<vmem>>, vector<1x16xf32>,
      %swap3A_1702 = vector.shape_cast %swap3A_1701 : vector<1x16xf32> to vector<16xf32>
      %swap3A_1703 = vector.shape_cast %mul3A_1698 : vector<16xf32> to vector<1x16xf32>
      tpu.vector_store %arg8[%swap3A_1699, %swap3A_1700], %swap3A_1703 {strides = array<i32>} : memref<256x128xf32, #tpu.memory_space<vmem>>, vector<1x16xf32>,
      %get3A_1704 = arith.index_cast %add3A_1633 : i32 to index
      %get3A_1705 = arith.constant 112 : index
      %get3A_1706 = tpu.vector_load %arg8[%get3A_1704, %get3A_1705] {strides = array<i32>} : memref<256x128xf32, #tpu.memory_space<vmem>>, vector<1x16xf32>,
      %get3A_1707 = vector.shape_cast %get3A_1706 : vector<1x16xf32> to vector<16xf32>
      %mul3A_1708 = arith.mulf %get3A_1707, %broadcast_in_dim3A_1627 : vector<16xf32>
      %swap3A_1709 = arith.index_cast %add3A_1633 : i32 to index
      %swap3A_1710 = arith.constant 112 : index
      %swap3A_1711 = tpu.vector_load %arg8[%swap3A_1709, %swap3A_1710] {strides = array<i32>} : memref<256x128xf32, #tpu.memory_space<vmem>>, vector<1x16xf32>,
      %swap3A_1712 = vector.shape_cast %swap3A_1711 : vector<1x16xf32> to vector<16xf32>
      %swap3A_1713 = vector.shape_cast %mul3A_1708 : vector<16xf32> to vector<1x16xf32>
      tpu.vector_store %arg8[%swap3A_1709, %swap3A_1710], %swap3A_1713 {strides = array<i32>} : memref<256x128xf32, #tpu.memory_space<vmem>>, vector<1x16xf32>,
      %slice3A_1714 = vector.extract_strided_slice %select_n3A {offsets = [8], sizes = [1], strides = [1]} : vector<16xf32> to vector<1xf32>
      %broadcast_in_dim3A_1715 = vector.shape_cast %slice3A_1714 : vector<1xf32> to vector<1xf32>
      %broadcast_in_dim3A_1716 = vector.broadcast %broadcast_in_dim3A_1715 : vector<1xf32> to vector<16xf32>
      %mul3A_1717 = arith.constant 16 : i32
      %mul3A_1718 = arith.muli %scan3A_988, %mul3A_1717 : i32
      %add3A_1719 = arith.constant 128 : i32
      %add3A_1720 = arith.addi %add3A_1719, %mul3A_1718 : i32
      %add3A_1721 = arith.constant 8 : i32
      %add3A_1722 = arith.addi %add3A_1720, %add3A_1721 : i32
      %get3A_1723 = arith.index_cast %add3A_1722 : i32 to index
      %get3A_1724 = arith.constant 0 : index
      %get3A_1725 = tpu.vector_load %arg8[%get3A_1723, %get3A_1724] {strides = array<i32>} : memref<256x128xf32, #tpu.memory_space<vmem>>, vector<1x16xf32>,
      %get3A_1726 = vector.shape_cast %get3A_1725 : vector<1x16xf32> to vector<16xf32>
      %mul3A_1727 = arith.mulf %get3A_1726, %broadcast_in_dim3A_1716 : vector<16xf32>
      %swap3A_1728 = arith.index_cast %add3A_1722 : i32 to index
      %swap3A_1729 = arith.constant 0 : index
      %swap3A_1730 = tpu.vector_load %arg8[%swap3A_1728, %swap3A_1729] {strides = array<i32>} : memref<256x128xf32, #tpu.memory_space<vmem>>, vector<1x16xf32>,
      %swap3A_1731 = vector.shape_cast %swap3A_1730 : vector<1x16xf32> to vector<16xf32>
      %swap3A_1732 = vector.shape_cast %mul3A_1727 : vector<16xf32> to vector<1x16xf32>
      tpu.vector_store %arg8[%swap3A_1728, %swap3A_1729], %swap3A_1732 {strides = array<i32>} : memref<256x128xf32, #tpu.memory_space<vmem>>, vector<1x16xf32>,
      %get3A_1733 = arith.index_cast %add3A_1722 : i32 to index
      %get3A_1734 = arith.constant 16 : index
      %get3A_1735 = tpu.vector_load %arg8[%get3A_1733, %get3A_1734] {strides = array<i32>} : memref<256x128xf32, #tpu.memory_space<vmem>>, vector<1x16xf32>,
      %get3A_1736 = vector.shape_cast %get3A_1735 : vector<1x16xf32> to vector<16xf32>
      %mul3A_1737 = arith.mulf %get3A_1736, %broadcast_in_dim3A_1716 : vector<16xf32>
      %swap3A_1738 = arith.index_cast %add3A_1722 : i32 to index
      %swap3A_1739 = arith.constant 16 : index
      %swap3A_1740 = tpu.vector_load %arg8[%swap3A_1738, %swap3A_1739] {strides = array<i32>} : memref<256x128xf32, #tpu.memory_space<vmem>>, vector<1x16xf32>,
      %swap3A_1741 = vector.shape_cast %swap3A_1740 : vector<1x16xf32> to vector<16xf32>
      %swap3A_1742 = vector.shape_cast %mul3A_1737 : vector<16xf32> to vector<1x16xf32>
      tpu.vector_store %arg8[%swap3A_1738, %swap3A_1739], %swap3A_1742 {strides = array<i32>} : memref<256x128xf32, #tpu.memory_space<vmem>>, vector<1x16xf32>,
      %get3A_1743 = arith.index_cast %add3A_1722 : i32 to index
      %get3A_1744 = arith.constant 32 : index
      %get3A_1745 = tpu.vector_load %arg8[%get3A_1743, %get3A_1744] {strides = array<i32>} : memref<256x128xf32, #tpu.memory_space<vmem>>, vector<1x16xf32>,
      %get3A_1746 = vector.shape_cast %get3A_1745 : vector<1x16xf32> to vector<16xf32>
      %mul3A_1747 = arith.mulf %get3A_1746, %broadcast_in_dim3A_1716 : vector<16xf32>
      %swap3A_1748 = arith.index_cast %add3A_1722 : i32 to index
      %swap3A_1749 = arith.constant 32 : index
      %swap3A_1750 = tpu.vector_load %arg8[%swap3A_1748, %swap3A_1749] {strides = array<i32>} : memref<256x128xf32, #tpu.memory_space<vmem>>, vector<1x16xf32>,
      %swap3A_1751 = vector.shape_cast %swap3A_1750 : vector<1x16xf32> to vector<16xf32>
      %swap3A_1752 = vector.shape_cast %mul3A_1747 : vector<16xf32> to vector<1x16xf32>
      tpu.vector_store %arg8[%swap3A_1748, %swap3A_1749], %swap3A_1752 {strides = array<i32>} : memref<256x128xf32, #tpu.memory_space<vmem>>, vector<1x16xf32>,
      %get3A_1753 = arith.index_cast %add3A_1722 : i32 to index
      %get3A_1754 = arith.constant 48 : index
      %get3A_1755 = tpu.vector_load %arg8[%get3A_1753, %get3A_1754] {strides = array<i32>} : memref<256x128xf32, #tpu.memory_space<vmem>>, vector<1x16xf32>,
      %get3A_1756 = vector.shape_cast %get3A_1755 : vector<1x16xf32> to vector<16xf32>
      %mul3A_1757 = arith.mulf %get3A_1756, %broadcast_in_dim3A_1716 : vector<16xf32>
      %swap3A_1758 = arith.index_cast %add3A_1722 : i32 to index
      %swap3A_1759 = arith.constant 48 : index
      %swap3A_1760 = tpu.vector_load %arg8[%swap3A_1758, %swap3A_1759] {strides = array<i32>} : memref<256x128xf32, #tpu.memory_space<vmem>>, vector<1x16xf32>,
      %swap3A_1761 = vector.shape_cast %swap3A_1760 : vector<1x16xf32> to vector<16xf32>
      %swap3A_1762 = vector.shape_cast %mul3A_1757 : vector<16xf32> to vector<1x16xf32>
      tpu.vector_store %arg8[%swap3A_1758, %swap3A_1759], %swap3A_1762 {strides = array<i32>} : memref<256x128xf32, #tpu.memory_space<vmem>>, vector<1x16xf32>,
      %get3A_1763 = arith.index_cast %add3A_1722 : i32 to index
      %get3A_1764 = arith.constant 64 : index
      %get3A_1765 = tpu.vector_load %arg8[%get3A_1763, %get3A_1764] {strides = array<i32>} : memref<256x128xf32, #tpu.memory_space<vmem>>, vector<1x16xf32>,
      %get3A_1766 = vector.shape_cast %get3A_1765 : vector<1x16xf32> to vector<16xf32>
      %mul3A_1767 = arith.mulf %get3A_1766, %broadcast_in_dim3A_1716 : vector<16xf32>
      %swap3A_1768 = arith.index_cast %add3A_1722 : i32 to index
      %swap3A_1769 = arith.constant 64 : index
      %swap3A_1770 = tpu.vector_load %arg8[%swap3A_1768, %swap3A_1769] {strides = array<i32>} : memref<256x128xf32, #tpu.memory_space<vmem>>, vector<1x16xf32>,
      %swap3A_1771 = vector.shape_cast %swap3A_1770 : vector<1x16xf32> to vector<16xf32>
      %swap3A_1772 = vector.shape_cast %mul3A_1767 : vector<16xf32> to vector<1x16xf32>
      tpu.vector_store %arg8[%swap3A_1768, %swap3A_1769], %swap3A_1772 {strides = array<i32>} : memref<256x128xf32, #tpu.memory_space<vmem>>, vector<1x16xf32>,
      %get3A_1773 = arith.index_cast %add3A_1722 : i32 to index
      %get3A_1774 = arith.constant 80 : index
      %get3A_1775 = tpu.vector_load %arg8[%get3A_1773, %get3A_1774] {strides = array<i32>} : memref<256x128xf32, #tpu.memory_space<vmem>>, vector<1x16xf32>,
      %get3A_1776 = vector.shape_cast %get3A_1775 : vector<1x16xf32> to vector<16xf32>
      %mul3A_1777 = arith.mulf %get3A_1776, %broadcast_in_dim3A_1716 : vector<16xf32>
      %swap3A_1778 = arith.index_cast %add3A_1722 : i32 to index
      %swap3A_1779 = arith.constant 80 : index
      %swap3A_1780 = tpu.vector_load %arg8[%swap3A_1778, %swap3A_1779] {strides = array<i32>} : memref<256x128xf32, #tpu.memory_space<vmem>>, vector<1x16xf32>,
      %swap3A_1781 = vector.shape_cast %swap3A_1780 : vector<1x16xf32> to vector<16xf32>
      %swap3A_1782 = vector.shape_cast %mul3A_1777 : vector<16xf32> to vector<1x16xf32>
      tpu.vector_store %arg8[%swap3A_1778, %swap3A_1779], %swap3A_1782 {strides = array<i32>} : memref<256x128xf32, #tpu.memory_space<vmem>>, vector<1x16xf32>,
      %get3A_1783 = arith.index_cast %add3A_1722 : i32 to index
      %get3A_1784 = arith.constant 96 : index
      %get3A_1785 = tpu.vector_load %arg8[%get3A_1783, %get3A_1784] {strides = array<i32>} : memref<256x128xf32, #tpu.memory_space<vmem>>, vector<1x16xf32>,
      %get3A_1786 = vector.shape_cast %get3A_1785 : vector<1x16xf32> to vector<16xf32>
      %mul3A_1787 = arith.mulf %get3A_1786, %broadcast_in_dim3A_1716 : vector<16xf32>
      %swap3A_1788 = arith.index_cast %add3A_1722 : i32 to index
      %swap3A_1789 = arith.constant 96 : index
      %swap3A_1790 = tpu.vector_load %arg8[%swap3A_1788, %swap3A_1789] {strides = array<i32>} : memref<256x128xf32, #tpu.memory_space<vmem>>, vector<1x16xf32>,
      %swap3A_1791 = vector.shape_cast %swap3A_1790 : vector<1x16xf32> to vector<16xf32>
      %swap3A_1792 = vector.shape_cast %mul3A_1787 : vector<16xf32> to vector<1x16xf32>
      tpu.vector_store %arg8[%swap3A_1788, %swap3A_1789], %swap3A_1792 {strides = array<i32>} : memref<256x128xf32, #tpu.memory_space<vmem>>, vector<1x16xf32>,
      %get3A_1793 = arith.index_cast %add3A_1722 : i32 to index
      %get3A_1794 = arith.constant 112 : index
      %get3A_1795 = tpu.vector_load %arg8[%get3A_1793, %get3A_1794] {strides = array<i32>} : memref<256x128xf32, #tpu.memory_space<vmem>>, vector<1x16xf32>,
      %get3A_1796 = vector.shape_cast %get3A_1795 : vector<1x16xf32> to vector<16xf32>
      %mul3A_1797 = arith.mulf %get3A_1796, %broadcast_in_dim3A_1716 : vector<16xf32>
      %swap3A_1798 = arith.index_cast %add3A_1722 : i32 to index
      %swap3A_1799 = arith.constant 112 : index
      %swap3A_1800 = tpu.vector_load %arg8[%swap3A_1798, %swap3A_1799] {strides = array<i32>} : memref<256x128xf32, #tpu.memory_space<vmem>>, vector<1x16xf32>,
      %swap3A_1801 = vector.shape_cast %swap3A_1800 : vector<1x16xf32> to vector<16xf32>
      %swap3A_1802 = vector.shape_cast %mul3A_1797 : vector<16xf32> to vector<1x16xf32>
      tpu.vector_store %arg8[%swap3A_1798, %swap3A_1799], %swap3A_1802 {strides = array<i32>} : memref<256x128xf32, #tpu.memory_space<vmem>>, vector<1x16xf32>,
      %slice3A_1803 = vector.extract_strided_slice %select_n3A {offsets = [9], sizes = [1], strides = [1]} : vector<16xf32> to vector<1xf32>
      %broadcast_in_dim3A_1804 = vector.shape_cast %slice3A_1803 : vector<1xf32> to vector<1xf32>
      %broadcast_in_dim3A_1805 = vector.broadcast %broadcast_in_dim3A_1804 : vector<1xf32> to vector<16xf32>
      %mul3A_1806 = arith.constant 16 : i32
      %mul3A_1807 = arith.muli %scan3A_988, %mul3A_1806 : i32
      %add3A_1808 = arith.constant 128 : i32
      %add3A_1809 = arith.addi %add3A_1808, %mul3A_1807 : i32
      %add3A_1810 = arith.constant 9 : i32
      %add3A_1811 = arith.addi %add3A_1809, %add3A_1810 : i32
      %get3A_1812 = arith.index_cast %add3A_1811 : i32 to index
      %get3A_1813 = arith.constant 0 : index
      %get3A_1814 = tpu.vector_load %arg8[%get3A_1812, %get3A_1813] {strides = array<i32>} : memref<256x128xf32, #tpu.memory_space<vmem>>, vector<1x16xf32>,
      %get3A_1815 = vector.shape_cast %get3A_1814 : vector<1x16xf32> to vector<16xf32>
      %mul3A_1816 = arith.mulf %get3A_1815, %broadcast_in_dim3A_1805 : vector<16xf32>
      %swap3A_1817 = arith.index_cast %add3A_1811 : i32 to index
      %swap3A_1818 = arith.constant 0 : index
      %swap3A_1819 = tpu.vector_load %arg8[%swap3A_1817, %swap3A_1818] {strides = array<i32>} : memref<256x128xf32, #tpu.memory_space<vmem>>, vector<1x16xf32>,
      %swap3A_1820 = vector.shape_cast %swap3A_1819 : vector<1x16xf32> to vector<16xf32>
      %swap3A_1821 = vector.shape_cast %mul3A_1816 : vector<16xf32> to vector<1x16xf32>
      tpu.vector_store %arg8[%swap3A_1817, %swap3A_1818], %swap3A_1821 {strides = array<i32>} : memref<256x128xf32, #tpu.memory_space<vmem>>, vector<1x16xf32>,
      %get3A_1822 = arith.index_cast %add3A_1811 : i32 to index
      %get3A_1823 = arith.constant 16 : index
      %get3A_1824 = tpu.vector_load %arg8[%get3A_1822, %get3A_1823] {strides = array<i32>} : memref<256x128xf32, #tpu.memory_space<vmem>>, vector<1x16xf32>,
      %get3A_1825 = vector.shape_cast %get3A_1824 : vector<1x16xf32> to vector<16xf32>
      %mul3A_1826 = arith.mulf %get3A_1825, %broadcast_in_dim3A_1805 : vector<16xf32>
      %swap3A_1827 = arith.index_cast %add3A_1811 : i32 to index
      %swap3A_1828 = arith.constant 16 : index
      %swap3A_1829 = tpu.vector_load %arg8[%swap3A_1827, %swap3A_1828] {strides = array<i32>} : memref<256x128xf32, #tpu.memory_space<vmem>>, vector<1x16xf32>,
      %swap3A_1830 = vector.shape_cast %swap3A_1829 : vector<1x16xf32> to vector<16xf32>
      %swap3A_1831 = vector.shape_cast %mul3A_1826 : vector<16xf32> to vector<1x16xf32>
      tpu.vector_store %arg8[%swap3A_1827, %swap3A_1828], %swap3A_1831 {strides = array<i32>} : memref<256x128xf32, #tpu.memory_space<vmem>>, vector<1x16xf32>,
      %get3A_1832 = arith.index_cast %add3A_1811 : i32 to index
      %get3A_1833 = arith.constant 32 : index
      %get3A_1834 = tpu.vector_load %arg8[%get3A_1832, %get3A_1833] {strides = array<i32>} : memref<256x128xf32, #tpu.memory_space<vmem>>, vector<1x16xf32>,
      %get3A_1835 = vector.shape_cast %get3A_1834 : vector<1x16xf32> to vector<16xf32>
      %mul3A_1836 = arith.mulf %get3A_1835, %broadcast_in_dim3A_1805 : vector<16xf32>
      %swap3A_1837 = arith.index_cast %add3A_1811 : i32 to index
      %swap3A_1838 = arith.constant 32 : index
      %swap3A_1839 = tpu.vector_load %arg8[%swap3A_1837, %swap3A_1838] {strides = array<i32>} : memref<256x128xf32, #tpu.memory_space<vmem>>, vector<1x16xf32>,
      %swap3A_1840 = vector.shape_cast %swap3A_1839 : vector<1x16xf32> to vector<16xf32>
      %swap3A_1841 = vector.shape_cast %mul3A_1836 : vector<16xf32> to vector<1x16xf32>
      tpu.vector_store %arg8[%swap3A_1837, %swap3A_1838], %swap3A_1841 {strides = array<i32>} : memref<256x128xf32, #tpu.memory_space<vmem>>, vector<1x16xf32>,
      %get3A_1842 = arith.index_cast %add3A_1811 : i32 to index
      %get3A_1843 = arith.constant 48 : index
      %get3A_1844 = tpu.vector_load %arg8[%get3A_1842, %get3A_1843] {strides = array<i32>} : memref<256x128xf32, #tpu.memory_space<vmem>>, vector<1x16xf32>,
      %get3A_1845 = vector.shape_cast %get3A_1844 : vector<1x16xf32> to vector<16xf32>
      %mul3A_1846 = arith.mulf %get3A_1845, %broadcast_in_dim3A_1805 : vector<16xf32>
      %swap3A_1847 = arith.index_cast %add3A_1811 : i32 to index
      %swap3A_1848 = arith.constant 48 : index
      %swap3A_1849 = tpu.vector_load %arg8[%swap3A_1847, %swap3A_1848] {strides = array<i32>} : memref<256x128xf32, #tpu.memory_space<vmem>>, vector<1x16xf32>,
      %swap3A_1850 = vector.shape_cast %swap3A_1849 : vector<1x16xf32> to vector<16xf32>
      %swap3A_1851 = vector.shape_cast %mul3A_1846 : vector<16xf32> to vector<1x16xf32>
      tpu.vector_store %arg8[%swap3A_1847, %swap3A_1848], %swap3A_1851 {strides = array<i32>} : memref<256x128xf32, #tpu.memory_space<vmem>>, vector<1x16xf32>,
      %get3A_1852 = arith.index_cast %add3A_1811 : i32 to index
      %get3A_1853 = arith.constant 64 : index
      %get3A_1854 = tpu.vector_load %arg8[%get3A_1852, %get3A_1853] {strides = array<i32>} : memref<256x128xf32, #tpu.memory_space<vmem>>, vector<1x16xf32>,
      %get3A_1855 = vector.shape_cast %get3A_1854 : vector<1x16xf32> to vector<16xf32>
      %mul3A_1856 = arith.mulf %get3A_1855, %broadcast_in_dim3A_1805 : vector<16xf32>
      %swap3A_1857 = arith.index_cast %add3A_1811 : i32 to index
      %swap3A_1858 = arith.constant 64 : index
      %swap3A_1859 = tpu.vector_load %arg8[%swap3A_1857, %swap3A_1858] {strides = array<i32>} : memref<256x128xf32, #tpu.memory_space<vmem>>, vector<1x16xf32>,
      %swap3A_1860 = vector.shape_cast %swap3A_1859 : vector<1x16xf32> to vector<16xf32>
      %swap3A_1861 = vector.shape_cast %mul3A_1856 : vector<16xf32> to vector<1x16xf32>
      tpu.vector_store %arg8[%swap3A_1857, %swap3A_1858], %swap3A_1861 {strides = array<i32>} : memref<256x128xf32, #tpu.memory_space<vmem>>, vector<1x16xf32>,
      %get3A_1862 = arith.index_cast %add3A_1811 : i32 to index
      %get3A_1863 = arith.constant 80 : index
      %get3A_1864 = tpu.vector_load %arg8[%get3A_1862, %get3A_1863] {strides = array<i32>} : memref<256x128xf32, #tpu.memory_space<vmem>>, vector<1x16xf32>,
      %get3A_1865 = vector.shape_cast %get3A_1864 : vector<1x16xf32> to vector<16xf32>
      %mul3A_1866 = arith.mulf %get3A_1865, %broadcast_in_dim3A_1805 : vector<16xf32>
      %swap3A_1867 = arith.index_cast %add3A_1811 : i32 to index
      %swap3A_1868 = arith.constant 80 : index
      %swap3A_1869 = tpu.vector_load %arg8[%swap3A_1867, %swap3A_1868] {strides = array<i32>} : memref<256x128xf32, #tpu.memory_space<vmem>>, vector<1x16xf32>,
      %swap3A_1870 = vector.shape_cast %swap3A_1869 : vector<1x16xf32> to vector<16xf32>
      %swap3A_1871 = vector.shape_cast %mul3A_1866 : vector<16xf32> to vector<1x16xf32>
      tpu.vector_store %arg8[%swap3A_1867, %swap3A_1868], %swap3A_1871 {strides = array<i32>} : memref<256x128xf32, #tpu.memory_space<vmem>>, vector<1x16xf32>,
      %get3A_1872 = arith.index_cast %add3A_1811 : i32 to index
      %get3A_1873 = arith.constant 96 : index
      %get3A_1874 = tpu.vector_load %arg8[%get3A_1872, %get3A_1873] {strides = array<i32>} : memref<256x128xf32, #tpu.memory_space<vmem>>, vector<1x16xf32>,
      %get3A_1875 = vector.shape_cast %get3A_1874 : vector<1x16xf32> to vector<16xf32>
      %mul3A_1876 = arith.mulf %get3A_1875, %broadcast_in_dim3A_1805 : vector<16xf32>
      %swap3A_1877 = arith.index_cast %add3A_1811 : i32 to index
      %swap3A_1878 = arith.constant 96 : index
      %swap3A_1879 = tpu.vector_load %arg8[%swap3A_1877, %swap3A_1878] {strides = array<i32>} : memref<256x128xf32, #tpu.memory_space<vmem>>, vector<1x16xf32>,
      %swap3A_1880 = vector.shape_cast %swap3A_1879 : vector<1x16xf32> to vector<16xf32>
      %swap3A_1881 = vector.shape_cast %mul3A_1876 : vector<16xf32> to vector<1x16xf32>
      tpu.vector_store %arg8[%swap3A_1877, %swap3A_1878], %swap3A_1881 {strides = array<i32>} : memref<256x128xf32, #tpu.memory_space<vmem>>, vector<1x16xf32>,
      %get3A_1882 = arith.index_cast %add3A_1811 : i32 to index
      %get3A_1883 = arith.constant 112 : index
      %get3A_1884 = tpu.vector_load %arg8[%get3A_1882, %get3A_1883] {strides = array<i32>} : memref<256x128xf32, #tpu.memory_space<vmem>>, vector<1x16xf32>,
      %get3A_1885 = vector.shape_cast %get3A_1884 : vector<1x16xf32> to vector<16xf32>
      %mul3A_1886 = arith.mulf %get3A_1885, %broadcast_in_dim3A_1805 : vector<16xf32>
      %swap3A_1887 = arith.index_cast %add3A_1811 : i32 to index
      %swap3A_1888 = arith.constant 112 : index
      %swap3A_1889 = tpu.vector_load %arg8[%swap3A_1887, %swap3A_1888] {strides = array<i32>} : memref<256x128xf32, #tpu.memory_space<vmem>>, vector<1x16xf32>,
      %swap3A_1890 = vector.shape_cast %swap3A_1889 : vector<1x16xf32> to vector<16xf32>
      %swap3A_1891 = vector.shape_cast %mul3A_1886 : vector<16xf32> to vector<1x16xf32>
      tpu.vector_store %arg8[%swap3A_1887, %swap3A_1888], %swap3A_1891 {strides = array<i32>} : memref<256x128xf32, #tpu.memory_space<vmem>>, vector<1x16xf32>,
      %slice3A_1892 = vector.extract_strided_slice %select_n3A {offsets = [10], sizes = [1], strides = [1]} : vector<16xf32> to vector<1xf32>
      %broadcast_in_dim3A_1893 = vector.shape_cast %slice3A_1892 : vector<1xf32> to vector<1xf32>
      %broadcast_in_dim3A_1894 = vector.broadcast %broadcast_in_dim3A_1893 : vector<1xf32> to vector<16xf32>
      %mul3A_1895 = arith.constant 16 : i32
      %mul3A_1896 = arith.muli %scan3A_988, %mul3A_1895 : i32
      %add3A_1897 = arith.constant 128 : i32
      %add3A_1898 = arith.addi %add3A_1897, %mul3A_1896 : i32
      %add3A_1899 = arith.constant 10 : i32
      %add3A_1900 = arith.addi %add3A_1898, %add3A_1899 : i32
      %get3A_1901 = arith.index_cast %add3A_1900 : i32 to index
      %get3A_1902 = arith.constant 0 : index
      %get3A_1903 = tpu.vector_load %arg8[%get3A_1901, %get3A_1902] {strides = array<i32>} : memref<256x128xf32, #tpu.memory_space<vmem>>, vector<1x16xf32>,
      %get3A_1904 = vector.shape_cast %get3A_1903 : vector<1x16xf32> to vector<16xf32>
      %mul3A_1905 = arith.mulf %get3A_1904, %broadcast_in_dim3A_1894 : vector<16xf32>
      %swap3A_1906 = arith.index_cast %add3A_1900 : i32 to index
      %swap3A_1907 = arith.constant 0 : index
      %swap3A_1908 = tpu.vector_load %arg8[%swap3A_1906, %swap3A_1907] {strides = array<i32>} : memref<256x128xf32, #tpu.memory_space<vmem>>, vector<1x16xf32>,
      %swap3A_1909 = vector.shape_cast %swap3A_1908 : vector<1x16xf32> to vector<16xf32>
      %swap3A_1910 = vector.shape_cast %mul3A_1905 : vector<16xf32> to vector<1x16xf32>
      tpu.vector_store %arg8[%swap3A_1906, %swap3A_1907], %swap3A_1910 {strides = array<i32>} : memref<256x128xf32, #tpu.memory_space<vmem>>, vector<1x16xf32>,
      %get3A_1911 = arith.index_cast %add3A_1900 : i32 to index
      %get3A_1912 = arith.constant 16 : index
      %get3A_1913 = tpu.vector_load %arg8[%get3A_1911, %get3A_1912] {strides = array<i32>} : memref<256x128xf32, #tpu.memory_space<vmem>>, vector<1x16xf32>,
      %get3A_1914 = vector.shape_cast %get3A_1913 : vector<1x16xf32> to vector<16xf32>
      %mul3A_1915 = arith.mulf %get3A_1914, %broadcast_in_dim3A_1894 : vector<16xf32>
      %swap3A_1916 = arith.index_cast %add3A_1900 : i32 to index
      %swap3A_1917 = arith.constant 16 : index
      %swap3A_1918 = tpu.vector_load %arg8[%swap3A_1916, %swap3A_1917] {strides = array<i32>} : memref<256x128xf32, #tpu.memory_space<vmem>>, vector<1x16xf32>,
      %swap3A_1919 = vector.shape_cast %swap3A_1918 : vector<1x16xf32> to vector<16xf32>
      %swap3A_1920 = vector.shape_cast %mul3A_1915 : vector<16xf32> to vector<1x16xf32>
      tpu.vector_store %arg8[%swap3A_1916, %swap3A_1917], %swap3A_1920 {strides = array<i32>} : memref<256x128xf32, #tpu.memory_space<vmem>>, vector<1x16xf32>,
      %get3A_1921 = arith.index_cast %add3A_1900 : i32 to index
      %get3A_1922 = arith.constant 32 : index
      %get3A_1923 = tpu.vector_load %arg8[%get3A_1921, %get3A_1922] {strides = array<i32>} : memref<256x128xf32, #tpu.memory_space<vmem>>, vector<1x16xf32>,
      %get3A_1924 = vector.shape_cast %get3A_1923 : vector<1x16xf32> to vector<16xf32>
      %mul3A_1925 = arith.mulf %get3A_1924, %broadcast_in_dim3A_1894 : vector<16xf32>
      %swap3A_1926 = arith.index_cast %add3A_1900 : i32 to index
      %swap3A_1927 = arith.constant 32 : index
      %swap3A_1928 = tpu.vector_load %arg8[%swap3A_1926, %swap3A_1927] {strides = array<i32>} : memref<256x128xf32, #tpu.memory_space<vmem>>, vector<1x16xf32>,
      %swap3A_1929 = vector.shape_cast %swap3A_1928 : vector<1x16xf32> to vector<16xf32>
      %swap3A_1930 = vector.shape_cast %mul3A_1925 : vector<16xf32> to vector<1x16xf32>
      tpu.vector_store %arg8[%swap3A_1926, %swap3A_1927], %swap3A_1930 {strides = array<i32>} : memref<256x128xf32, #tpu.memory_space<vmem>>, vector<1x16xf32>,
      %get3A_1931 = arith.index_cast %add3A_1900 : i32 to index
      %get3A_1932 = arith.constant 48 : index
      %get3A_1933 = tpu.vector_load %arg8[%get3A_1931, %get3A_1932] {strides = array<i32>} : memref<256x128xf32, #tpu.memory_space<vmem>>, vector<1x16xf32>,
      %get3A_1934 = vector.shape_cast %get3A_1933 : vector<1x16xf32> to vector<16xf32>
      %mul3A_1935 = arith.mulf %get3A_1934, %broadcast_in_dim3A_1894 : vector<16xf32>
      %swap3A_1936 = arith.index_cast %add3A_1900 : i32 to index
      %swap3A_1937 = arith.constant 48 : index
      %swap3A_1938 = tpu.vector_load %arg8[%swap3A_1936, %swap3A_1937] {strides = array<i32>} : memref<256x128xf32, #tpu.memory_space<vmem>>, vector<1x16xf32>,
      %swap3A_1939 = vector.shape_cast %swap3A_1938 : vector<1x16xf32> to vector<16xf32>
      %swap3A_1940 = vector.shape_cast %mul3A_1935 : vector<16xf32> to vector<1x16xf32>
      tpu.vector_store %arg8[%swap3A_1936, %swap3A_1937], %swap3A_1940 {strides = array<i32>} : memref<256x128xf32, #tpu.memory_space<vmem>>, vector<1x16xf32>,
      %get3A_1941 = arith.index_cast %add3A_1900 : i32 to index
      %get3A_1942 = arith.constant 64 : index
      %get3A_1943 = tpu.vector_load %arg8[%get3A_1941, %get3A_1942] {strides = array<i32>} : memref<256x128xf32, #tpu.memory_space<vmem>>, vector<1x16xf32>,
      %get3A_1944 = vector.shape_cast %get3A_1943 : vector<1x16xf32> to vector<16xf32>
      %mul3A_1945 = arith.mulf %get3A_1944, %broadcast_in_dim3A_1894 : vector<16xf32>
      %swap3A_1946 = arith.index_cast %add3A_1900 : i32 to index
      %swap3A_1947 = arith.constant 64 : index
      %swap3A_1948 = tpu.vector_load %arg8[%swap3A_1946, %swap3A_1947] {strides = array<i32>} : memref<256x128xf32, #tpu.memory_space<vmem>>, vector<1x16xf32>,
      %swap3A_1949 = vector.shape_cast %swap3A_1948 : vector<1x16xf32> to vector<16xf32>
      %swap3A_1950 = vector.shape_cast %mul3A_1945 : vector<16xf32> to vector<1x16xf32>
      tpu.vector_store %arg8[%swap3A_1946, %swap3A_1947], %swap3A_1950 {strides = array<i32>} : memref<256x128xf32, #tpu.memory_space<vmem>>, vector<1x16xf32>,
      %get3A_1951 = arith.index_cast %add3A_1900 : i32 to index
      %get3A_1952 = arith.constant 80 : index
      %get3A_1953 = tpu.vector_load %arg8[%get3A_1951, %get3A_1952] {strides = array<i32>} : memref<256x128xf32, #tpu.memory_space<vmem>>, vector<1x16xf32>,
      %get3A_1954 = vector.shape_cast %get3A_1953 : vector<1x16xf32> to vector<16xf32>
      %mul3A_1955 = arith.mulf %get3A_1954, %broadcast_in_dim3A_1894 : vector<16xf32>
      %swap3A_1956 = arith.index_cast %add3A_1900 : i32 to index
      %swap3A_1957 = arith.constant 80 : index
      %swap3A_1958 = tpu.vector_load %arg8[%swap3A_1956, %swap3A_1957] {strides = array<i32>} : memref<256x128xf32, #tpu.memory_space<vmem>>, vector<1x16xf32>,
      %swap3A_1959 = vector.shape_cast %swap3A_1958 : vector<1x16xf32> to vector<16xf32>
      %swap3A_1960 = vector.shape_cast %mul3A_1955 : vector<16xf32> to vector<1x16xf32>
      tpu.vector_store %arg8[%swap3A_1956, %swap3A_1957], %swap3A_1960 {strides = array<i32>} : memref<256x128xf32, #tpu.memory_space<vmem>>, vector<1x16xf32>,
      %get3A_1961 = arith.index_cast %add3A_1900 : i32 to index
      %get3A_1962 = arith.constant 96 : index
      %get3A_1963 = tpu.vector_load %arg8[%get3A_1961, %get3A_1962] {strides = array<i32>} : memref<256x128xf32, #tpu.memory_space<vmem>>, vector<1x16xf32>,
      %get3A_1964 = vector.shape_cast %get3A_1963 : vector<1x16xf32> to vector<16xf32>
      %mul3A_1965 = arith.mulf %get3A_1964, %broadcast_in_dim3A_1894 : vector<16xf32>
      %swap3A_1966 = arith.index_cast %add3A_1900 : i32 to index
      %swap3A_1967 = arith.constant 96 : index
      %swap3A_1968 = tpu.vector_load %arg8[%swap3A_1966, %swap3A_1967] {strides = array<i32>} : memref<256x128xf32, #tpu.memory_space<vmem>>, vector<1x16xf32>,
      %swap3A_1969 = vector.shape_cast %swap3A_1968 : vector<1x16xf32> to vector<16xf32>
      %swap3A_1970 = vector.shape_cast %mul3A_1965 : vector<16xf32> to vector<1x16xf32>
      tpu.vector_store %arg8[%swap3A_1966, %swap3A_1967], %swap3A_1970 {strides = array<i32>} : memref<256x128xf32, #tpu.memory_space<vmem>>, vector<1x16xf32>,
      %get3A_1971 = arith.index_cast %add3A_1900 : i32 to index
      %get3A_1972 = arith.constant 112 : index
      %get3A_1973 = tpu.vector_load %arg8[%get3A_1971, %get3A_1972] {strides = array<i32>} : memref<256x128xf32, #tpu.memory_space<vmem>>, vector<1x16xf32>,
      %get3A_1974 = vector.shape_cast %get3A_1973 : vector<1x16xf32> to vector<16xf32>
      %mul3A_1975 = arith.mulf %get3A_1974, %broadcast_in_dim3A_1894 : vector<16xf32>
      %swap3A_1976 = arith.index_cast %add3A_1900 : i32 to index
      %swap3A_1977 = arith.constant 112 : index
      %swap3A_1978 = tpu.vector_load %arg8[%swap3A_1976, %swap3A_1977] {strides = array<i32>} : memref<256x128xf32, #tpu.memory_space<vmem>>, vector<1x16xf32>,
      %swap3A_1979 = vector.shape_cast %swap3A_1978 : vector<1x16xf32> to vector<16xf32>
      %swap3A_1980 = vector.shape_cast %mul3A_1975 : vector<16xf32> to vector<1x16xf32>
      tpu.vector_store %arg8[%swap3A_1976, %swap3A_1977], %swap3A_1980 {strides = array<i32>} : memref<256x128xf32, #tpu.memory_space<vmem>>, vector<1x16xf32>,
      %slice3A_1981 = vector.extract_strided_slice %select_n3A {offsets = [11], sizes = [1], strides = [1]} : vector<16xf32> to vector<1xf32>
      %broadcast_in_dim3A_1982 = vector.shape_cast %slice3A_1981 : vector<1xf32> to vector<1xf32>
      %broadcast_in_dim3A_1983 = vector.broadcast %broadcast_in_dim3A_1982 : vector<1xf32> to vector<16xf32>
      %mul3A_1984 = arith.constant 16 : i32
      %mul3A_1985 = arith.muli %scan3A_988, %mul3A_1984 : i32
      %add3A_1986 = arith.constant 128 : i32
      %add3A_1987 = arith.addi %add3A_1986, %mul3A_1985 : i32
      %add3A_1988 = arith.constant 11 : i32
      %add3A_1989 = arith.addi %add3A_1987, %add3A_1988 : i32
      %get3A_1990 = arith.index_cast %add3A_1989 : i32 to index
      %get3A_1991 = arith.constant 0 : index
      %get3A_1992 = tpu.vector_load %arg8[%get3A_1990, %get3A_1991] {strides = array<i32>} : memref<256x128xf32, #tpu.memory_space<vmem>>, vector<1x16xf32>,
      %get3A_1993 = vector.shape_cast %get3A_1992 : vector<1x16xf32> to vector<16xf32>
      %mul3A_1994 = arith.mulf %get3A_1993, %broadcast_in_dim3A_1983 : vector<16xf32>
      %swap3A_1995 = arith.index_cast %add3A_1989 : i32 to index
      %swap3A_1996 = arith.constant 0 : index
      %swap3A_1997 = tpu.vector_load %arg8[%swap3A_1995, %swap3A_1996] {strides = array<i32>} : memref<256x128xf32, #tpu.memory_space<vmem>>, vector<1x16xf32>,
      %swap3A_1998 = vector.shape_cast %swap3A_1997 : vector<1x16xf32> to vector<16xf32>
      %swap3A_1999 = vector.shape_cast %mul3A_1994 : vector<16xf32> to vector<1x16xf32>
      tpu.vector_store %arg8[%swap3A_1995, %swap3A_1996], %swap3A_1999 {strides = array<i32>} : memref<256x128xf32, #tpu.memory_space<vmem>>, vector<1x16xf32>,
      %get3A_2000 = arith.index_cast %add3A_1989 : i32 to index
      %get3A_2001 = arith.constant 16 : index
      %get3A_2002 = tpu.vector_load %arg8[%get3A_2000, %get3A_2001] {strides = array<i32>} : memref<256x128xf32, #tpu.memory_space<vmem>>, vector<1x16xf32>,
      %get3A_2003 = vector.shape_cast %get3A_2002 : vector<1x16xf32> to vector<16xf32>
      %mul3A_2004 = arith.mulf %get3A_2003, %broadcast_in_dim3A_1983 : vector<16xf32>
      %swap3A_2005 = arith.index_cast %add3A_1989 : i32 to index
      %swap3A_2006 = arith.constant 16 : index
      %swap3A_2007 = tpu.vector_load %arg8[%swap3A_2005, %swap3A_2006] {strides = array<i32>} : memref<256x128xf32, #tpu.memory_space<vmem>>, vector<1x16xf32>,
      %swap3A_2008 = vector.shape_cast %swap3A_2007 : vector<1x16xf32> to vector<16xf32>
      %swap3A_2009 = vector.shape_cast %mul3A_2004 : vector<16xf32> to vector<1x16xf32>
      tpu.vector_store %arg8[%swap3A_2005, %swap3A_2006], %swap3A_2009 {strides = array<i32>} : memref<256x128xf32, #tpu.memory_space<vmem>>, vector<1x16xf32>,
      %get3A_2010 = arith.index_cast %add3A_1989 : i32 to index
      %get3A_2011 = arith.constant 32 : index
      %get3A_2012 = tpu.vector_load %arg8[%get3A_2010, %get3A_2011] {strides = array<i32>} : memref<256x128xf32, #tpu.memory_space<vmem>>, vector<1x16xf32>,
      %get3A_2013 = vector.shape_cast %get3A_2012 : vector<1x16xf32> to vector<16xf32>
      %mul3A_2014 = arith.mulf %get3A_2013, %broadcast_in_dim3A_1983 : vector<16xf32>
      %swap3A_2015 = arith.index_cast %add3A_1989 : i32 to index
      %swap3A_2016 = arith.constant 32 : index
      %swap3A_2017 = tpu.vector_load %arg8[%swap3A_2015, %swap3A_2016] {strides = array<i32>} : memref<256x128xf32, #tpu.memory_space<vmem>>, vector<1x16xf32>,
      %swap3A_2018 = vector.shape_cast %swap3A_2017 : vector<1x16xf32> to vector<16xf32>
      %swap3A_2019 = vector.shape_cast %mul3A_2014 : vector<16xf32> to vector<1x16xf32>
      tpu.vector_store %arg8[%swap3A_2015, %swap3A_2016], %swap3A_2019 {strides = array<i32>} : memref<256x128xf32, #tpu.memory_space<vmem>>, vector<1x16xf32>,
      %get3A_2020 = arith.index_cast %add3A_1989 : i32 to index
      %get3A_2021 = arith.constant 48 : index
      %get3A_2022 = tpu.vector_load %arg8[%get3A_2020, %get3A_2021] {strides = array<i32>} : memref<256x128xf32, #tpu.memory_space<vmem>>, vector<1x16xf32>,
      %get3A_2023 = vector.shape_cast %get3A_2022 : vector<1x16xf32> to vector<16xf32>
      %mul3A_2024 = arith.mulf %get3A_2023, %broadcast_in_dim3A_1983 : vector<16xf32>
      %swap3A_2025 = arith.index_cast %add3A_1989 : i32 to index
      %swap3A_2026 = arith.constant 48 : index
      %swap3A_2027 = tpu.vector_load %arg8[%swap3A_2025, %swap3A_2026] {strides = array<i32>} : memref<256x128xf32, #tpu.memory_space<vmem>>, vector<1x16xf32>,
      %swap3A_2028 = vector.shape_cast %swap3A_2027 : vector<1x16xf32> to vector<16xf32>
      %swap3A_2029 = vector.shape_cast %mul3A_2024 : vector<16xf32> to vector<1x16xf32>
      tpu.vector_store %arg8[%swap3A_2025, %swap3A_2026], %swap3A_2029 {strides = array<i32>} : memref<256x128xf32, #tpu.memory_space<vmem>>, vector<1x16xf32>,
      %get3A_2030 = arith.index_cast %add3A_1989 : i32 to index
      %get3A_2031 = arith.constant 64 : index
      %get3A_2032 = tpu.vector_load %arg8[%get3A_2030, %get3A_2031] {strides = array<i32>} : memref<256x128xf32, #tpu.memory_space<vmem>>, vector<1x16xf32>,
      %get3A_2033 = vector.shape_cast %get3A_2032 : vector<1x16xf32> to vector<16xf32>
      %mul3A_2034 = arith.mulf %get3A_2033, %broadcast_in_dim3A_1983 : vector<16xf32>
      %swap3A_2035 = arith.index_cast %add3A_1989 : i32 to index
      %swap3A_2036 = arith.constant 64 : index
      %swap3A_2037 = tpu.vector_load %arg8[%swap3A_2035, %swap3A_2036] {strides = array<i32>} : memref<256x128xf32, #tpu.memory_space<vmem>>, vector<1x16xf32>,
      %swap3A_2038 = vector.shape_cast %swap3A_2037 : vector<1x16xf32> to vector<16xf32>
      %swap3A_2039 = vector.shape_cast %mul3A_2034 : vector<16xf32> to vector<1x16xf32>
      tpu.vector_store %arg8[%swap3A_2035, %swap3A_2036], %swap3A_2039 {strides = array<i32>} : memref<256x128xf32, #tpu.memory_space<vmem>>, vector<1x16xf32>,
      %get3A_2040 = arith.index_cast %add3A_1989 : i32 to index
      %get3A_2041 = arith.constant 80 : index
      %get3A_2042 = tpu.vector_load %arg8[%get3A_2040, %get3A_2041] {strides = array<i32>} : memref<256x128xf32, #tpu.memory_space<vmem>>, vector<1x16xf32>,
      %get3A_2043 = vector.shape_cast %get3A_2042 : vector<1x16xf32> to vector<16xf32>
      %mul3A_2044 = arith.mulf %get3A_2043, %broadcast_in_dim3A_1983 : vector<16xf32>
      %swap3A_2045 = arith.index_cast %add3A_1989 : i32 to index
      %swap3A_2046 = arith.constant 80 : index
      %swap3A_2047 = tpu.vector_load %arg8[%swap3A_2045, %swap3A_2046] {strides = array<i32>} : memref<256x128xf32, #tpu.memory_space<vmem>>, vector<1x16xf32>,
      %swap3A_2048 = vector.shape_cast %swap3A_2047 : vector<1x16xf32> to vector<16xf32>
      %swap3A_2049 = vector.shape_cast %mul3A_2044 : vector<16xf32> to vector<1x16xf32>
      tpu.vector_store %arg8[%swap3A_2045, %swap3A_2046], %swap3A_2049 {strides = array<i32>} : memref<256x128xf32, #tpu.memory_space<vmem>>, vector<1x16xf32>,
      %get3A_2050 = arith.index_cast %add3A_1989 : i32 to index
      %get3A_2051 = arith.constant 96 : index
      %get3A_2052 = tpu.vector_load %arg8[%get3A_2050, %get3A_2051] {strides = array<i32>} : memref<256x128xf32, #tpu.memory_space<vmem>>, vector<1x16xf32>,
      %get3A_2053 = vector.shape_cast %get3A_2052 : vector<1x16xf32> to vector<16xf32>
      %mul3A_2054 = arith.mulf %get3A_2053, %broadcast_in_dim3A_1983 : vector<16xf32>
      %swap3A_2055 = arith.index_cast %add3A_1989 : i32 to index
      %swap3A_2056 = arith.constant 96 : index
      %swap3A_2057 = tpu.vector_load %arg8[%swap3A_2055, %swap3A_2056] {strides = array<i32>} : memref<256x128xf32, #tpu.memory_space<vmem>>, vector<1x16xf32>,
      %swap3A_2058 = vector.shape_cast %swap3A_2057 : vector<1x16xf32> to vector<16xf32>
      %swap3A_2059 = vector.shape_cast %mul3A_2054 : vector<16xf32> to vector<1x16xf32>
      tpu.vector_store %arg8[%swap3A_2055, %swap3A_2056], %swap3A_2059 {strides = array<i32>} : memref<256x128xf32, #tpu.memory_space<vmem>>, vector<1x16xf32>,
      %get3A_2060 = arith.index_cast %add3A_1989 : i32 to index
      %get3A_2061 = arith.constant 112 : index
      %get3A_2062 = tpu.vector_load %arg8[%get3A_2060, %get3A_2061] {strides = array<i32>} : memref<256x128xf32, #tpu.memory_space<vmem>>, vector<1x16xf32>,
      %get3A_2063 = vector.shape_cast %get3A_2062 : vector<1x16xf32> to vector<16xf32>
      %mul3A_2064 = arith.mulf %get3A_2063, %broadcast_in_dim3A_1983 : vector<16xf32>
      %swap3A_2065 = arith.index_cast %add3A_1989 : i32 to index
      %swap3A_2066 = arith.constant 112 : index
      %swap3A_2067 = tpu.vector_load %arg8[%swap3A_2065, %swap3A_2066] {strides = array<i32>} : memref<256x128xf32, #tpu.memory_space<vmem>>, vector<1x16xf32>,
      %swap3A_2068 = vector.shape_cast %swap3A_2067 : vector<1x16xf32> to vector<16xf32>
      %swap3A_2069 = vector.shape_cast %mul3A_2064 : vector<16xf32> to vector<1x16xf32>
      tpu.vector_store %arg8[%swap3A_2065, %swap3A_2066], %swap3A_2069 {strides = array<i32>} : memref<256x128xf32, #tpu.memory_space<vmem>>, vector<1x16xf32>,
      %slice3A_2070 = vector.extract_strided_slice %select_n3A {offsets = [12], sizes = [1], strides = [1]} : vector<16xf32> to vector<1xf32>
      %broadcast_in_dim3A_2071 = vector.shape_cast %slice3A_2070 : vector<1xf32> to vector<1xf32>
      %broadcast_in_dim3A_2072 = vector.broadcast %broadcast_in_dim3A_2071 : vector<1xf32> to vector<16xf32>
      %mul3A_2073 = arith.constant 16 : i32
      %mul3A_2074 = arith.muli %scan3A_988, %mul3A_2073 : i32
      %add3A_2075 = arith.constant 128 : i32
      %add3A_2076 = arith.addi %add3A_2075, %mul3A_2074 : i32
      %add3A_2077 = arith.constant 12 : i32
      %add3A_2078 = arith.addi %add3A_2076, %add3A_2077 : i32
      %get3A_2079 = arith.index_cast %add3A_2078 : i32 to index
      %get3A_2080 = arith.constant 0 : index
      %get3A_2081 = tpu.vector_load %arg8[%get3A_2079, %get3A_2080] {strides = array<i32>} : memref<256x128xf32, #tpu.memory_space<vmem>>, vector<1x16xf32>,
      %get3A_2082 = vector.shape_cast %get3A_2081 : vector<1x16xf32> to vector<16xf32>
      %mul3A_2083 = arith.mulf %get3A_2082, %broadcast_in_dim3A_2072 : vector<16xf32>
      %swap3A_2084 = arith.index_cast %add3A_2078 : i32 to index
      %swap3A_2085 = arith.constant 0 : index
      %swap3A_2086 = tpu.vector_load %arg8[%swap3A_2084, %swap3A_2085] {strides = array<i32>} : memref<256x128xf32, #tpu.memory_space<vmem>>, vector<1x16xf32>,
      %swap3A_2087 = vector.shape_cast %swap3A_2086 : vector<1x16xf32> to vector<16xf32>
      %swap3A_2088 = vector.shape_cast %mul3A_2083 : vector<16xf32> to vector<1x16xf32>
      tpu.vector_store %arg8[%swap3A_2084, %swap3A_2085], %swap3A_2088 {strides = array<i32>} : memref<256x128xf32, #tpu.memory_space<vmem>>, vector<1x16xf32>,
      %get3A_2089 = arith.index_cast %add3A_2078 : i32 to index
      %get3A_2090 = arith.constant 16 : index
      %get3A_2091 = tpu.vector_load %arg8[%get3A_2089, %get3A_2090] {strides = array<i32>} : memref<256x128xf32, #tpu.memory_space<vmem>>, vector<1x16xf32>,
      %get3A_2092 = vector.shape_cast %get3A_2091 : vector<1x16xf32> to vector<16xf32>
      %mul3A_2093 = arith.mulf %get3A_2092, %broadcast_in_dim3A_2072 : vector<16xf32>
      %swap3A_2094 = arith.index_cast %add3A_2078 : i32 to index
      %swap3A_2095 = arith.constant 16 : index
      %swap3A_2096 = tpu.vector_load %arg8[%swap3A_2094, %swap3A_2095] {strides = array<i32>} : memref<256x128xf32, #tpu.memory_space<vmem>>, vector<1x16xf32>,
      %swap3A_2097 = vector.shape_cast %swap3A_2096 : vector<1x16xf32> to vector<16xf32>
      %swap3A_2098 = vector.shape_cast %mul3A_2093 : vector<16xf32> to vector<1x16xf32>
      tpu.vector_store %arg8[%swap3A_2094, %swap3A_2095], %swap3A_2098 {strides = array<i32>} : memref<256x128xf32, #tpu.memory_space<vmem>>, vector<1x16xf32>,
      %get3A_2099 = arith.index_cast %add3A_2078 : i32 to index
      %get3A_2100 = arith.constant 32 : index
      %get3A_2101 = tpu.vector_load %arg8[%get3A_2099, %get3A_2100] {strides = array<i32>} : memref<256x128xf32, #tpu.memory_space<vmem>>, vector<1x16xf32>,
      %get3A_2102 = vector.shape_cast %get3A_2101 : vector<1x16xf32> to vector<16xf32>
      %mul3A_2103 = arith.mulf %get3A_2102, %broadcast_in_dim3A_2072 : vector<16xf32>
      %swap3A_2104 = arith.index_cast %add3A_2078 : i32 to index
      %swap3A_2105 = arith.constant 32 : index
      %swap3A_2106 = tpu.vector_load %arg8[%swap3A_2104, %swap3A_2105] {strides = array<i32>} : memref<256x128xf32, #tpu.memory_space<vmem>>, vector<1x16xf32>,
      %swap3A_2107 = vector.shape_cast %swap3A_2106 : vector<1x16xf32> to vector<16xf32>
      %swap3A_2108 = vector.shape_cast %mul3A_2103 : vector<16xf32> to vector<1x16xf32>
      tpu.vector_store %arg8[%swap3A_2104, %swap3A_2105], %swap3A_2108 {strides = array<i32>} : memref<256x128xf32, #tpu.memory_space<vmem>>, vector<1x16xf32>,
      %get3A_2109 = arith.index_cast %add3A_2078 : i32 to index
      %get3A_2110 = arith.constant 48 : index
      %get3A_2111 = tpu.vector_load %arg8[%get3A_2109, %get3A_2110] {strides = array<i32>} : memref<256x128xf32, #tpu.memory_space<vmem>>, vector<1x16xf32>,
      %get3A_2112 = vector.shape_cast %get3A_2111 : vector<1x16xf32> to vector<16xf32>
      %mul3A_2113 = arith.mulf %get3A_2112, %broadcast_in_dim3A_2072 : vector<16xf32>
      %swap3A_2114 = arith.index_cast %add3A_2078 : i32 to index
      %swap3A_2115 = arith.constant 48 : index
      %swap3A_2116 = tpu.vector_load %arg8[%swap3A_2114, %swap3A_2115] {strides = array<i32>} : memref<256x128xf32, #tpu.memory_space<vmem>>, vector<1x16xf32>,
      %swap3A_2117 = vector.shape_cast %swap3A_2116 : vector<1x16xf32> to vector<16xf32>
      %swap3A_2118 = vector.shape_cast %mul3A_2113 : vector<16xf32> to vector<1x16xf32>
      tpu.vector_store %arg8[%swap3A_2114, %swap3A_2115], %swap3A_2118 {strides = array<i32>} : memref<256x128xf32, #tpu.memory_space<vmem>>, vector<1x16xf32>,
      %get3A_2119 = arith.index_cast %add3A_2078 : i32 to index
      %get3A_2120 = arith.constant 64 : index
      %get3A_2121 = tpu.vector_load %arg8[%get3A_2119, %get3A_2120] {strides = array<i32>} : memref<256x128xf32, #tpu.memory_space<vmem>>, vector<1x16xf32>,
      %get3A_2122 = vector.shape_cast %get3A_2121 : vector<1x16xf32> to vector<16xf32>
      %mul3A_2123 = arith.mulf %get3A_2122, %broadcast_in_dim3A_2072 : vector<16xf32>
      %swap3A_2124 = arith.index_cast %add3A_2078 : i32 to index
      %swap3A_2125 = arith.constant 64 : index
      %swap3A_2126 = tpu.vector_load %arg8[%swap3A_2124, %swap3A_2125] {strides = array<i32>} : memref<256x128xf32, #tpu.memory_space<vmem>>, vector<1x16xf32>,
      %swap3A_2127 = vector.shape_cast %swap3A_2126 : vector<1x16xf32> to vector<16xf32>
      %swap3A_2128 = vector.shape_cast %mul3A_2123 : vector<16xf32> to vector<1x16xf32>
      tpu.vector_store %arg8[%swap3A_2124, %swap3A_2125], %swap3A_2128 {strides = array<i32>} : memref<256x128xf32, #tpu.memory_space<vmem>>, vector<1x16xf32>,
      %get3A_2129 = arith.index_cast %add3A_2078 : i32 to index
      %get3A_2130 = arith.constant 80 : index
      %get3A_2131 = tpu.vector_load %arg8[%get3A_2129, %get3A_2130] {strides = array<i32>} : memref<256x128xf32, #tpu.memory_space<vmem>>, vector<1x16xf32>,
      %get3A_2132 = vector.shape_cast %get3A_2131 : vector<1x16xf32> to vector<16xf32>
      %mul3A_2133 = arith.mulf %get3A_2132, %broadcast_in_dim3A_2072 : vector<16xf32>
      %swap3A_2134 = arith.index_cast %add3A_2078 : i32 to index
      %swap3A_2135 = arith.constant 80 : index
      %swap3A_2136 = tpu.vector_load %arg8[%swap3A_2134, %swap3A_2135] {strides = array<i32>} : memref<256x128xf32, #tpu.memory_space<vmem>>, vector<1x16xf32>,
      %swap3A_2137 = vector.shape_cast %swap3A_2136 : vector<1x16xf32> to vector<16xf32>
      %swap3A_2138 = vector.shape_cast %mul3A_2133 : vector<16xf32> to vector<1x16xf32>
      tpu.vector_store %arg8[%swap3A_2134, %swap3A_2135], %swap3A_2138 {strides = array<i32>} : memref<256x128xf32, #tpu.memory_space<vmem>>, vector<1x16xf32>,
      %get3A_2139 = arith.index_cast %add3A_2078 : i32 to index
      %get3A_2140 = arith.constant 96 : index
      %get3A_2141 = tpu.vector_load %arg8[%get3A_2139, %get3A_2140] {strides = array<i32>} : memref<256x128xf32, #tpu.memory_space<vmem>>, vector<1x16xf32>,
      %get3A_2142 = vector.shape_cast %get3A_2141 : vector<1x16xf32> to vector<16xf32>
      %mul3A_2143 = arith.mulf %get3A_2142, %broadcast_in_dim3A_2072 : vector<16xf32>
      %swap3A_2144 = arith.index_cast %add3A_2078 : i32 to index
      %swap3A_2145 = arith.constant 96 : index
      %swap3A_2146 = tpu.vector_load %arg8[%swap3A_2144, %swap3A_2145] {strides = array<i32>} : memref<256x128xf32, #tpu.memory_space<vmem>>, vector<1x16xf32>,
      %swap3A_2147 = vector.shape_cast %swap3A_2146 : vector<1x16xf32> to vector<16xf32>
      %swap3A_2148 = vector.shape_cast %mul3A_2143 : vector<16xf32> to vector<1x16xf32>
      tpu.vector_store %arg8[%swap3A_2144, %swap3A_2145], %swap3A_2148 {strides = array<i32>} : memref<256x128xf32, #tpu.memory_space<vmem>>, vector<1x16xf32>,
      %get3A_2149 = arith.index_cast %add3A_2078 : i32 to index
      %get3A_2150 = arith.constant 112 : index
      %get3A_2151 = tpu.vector_load %arg8[%get3A_2149, %get3A_2150] {strides = array<i32>} : memref<256x128xf32, #tpu.memory_space<vmem>>, vector<1x16xf32>,
      %get3A_2152 = vector.shape_cast %get3A_2151 : vector<1x16xf32> to vector<16xf32>
      %mul3A_2153 = arith.mulf %get3A_2152, %broadcast_in_dim3A_2072 : vector<16xf32>
      %swap3A_2154 = arith.index_cast %add3A_2078 : i32 to index
      %swap3A_2155 = arith.constant 112 : index
      %swap3A_2156 = tpu.vector_load %arg8[%swap3A_2154, %swap3A_2155] {strides = array<i32>} : memref<256x128xf32, #tpu.memory_space<vmem>>, vector<1x16xf32>,
      %swap3A_2157 = vector.shape_cast %swap3A_2156 : vector<1x16xf32> to vector<16xf32>
      %swap3A_2158 = vector.shape_cast %mul3A_2153 : vector<16xf32> to vector<1x16xf32>
      tpu.vector_store %arg8[%swap3A_2154, %swap3A_2155], %swap3A_2158 {strides = array<i32>} : memref<256x128xf32, #tpu.memory_space<vmem>>, vector<1x16xf32>,
      %slice3A_2159 = vector.extract_strided_slice %select_n3A {offsets = [13], sizes = [1], strides = [1]} : vector<16xf32> to vector<1xf32>
      %broadcast_in_dim3A_2160 = vector.shape_cast %slice3A_2159 : vector<1xf32> to vector<1xf32>
      %broadcast_in_dim3A_2161 = vector.broadcast %broadcast_in_dim3A_2160 : vector<1xf32> to vector<16xf32>
      %mul3A_2162 = arith.constant 16 : i32
      %mul3A_2163 = arith.muli %scan3A_988, %mul3A_2162 : i32
      %add3A_2164 = arith.constant 128 : i32
      %add3A_2165 = arith.addi %add3A_2164, %mul3A_2163 : i32
      %add3A_2166 = arith.constant 13 : i32
      %add3A_2167 = arith.addi %add3A_2165, %add3A_2166 : i32
      %get3A_2168 = arith.index_cast %add3A_2167 : i32 to index
      %get3A_2169 = arith.constant 0 : index
      %get3A_2170 = tpu.vector_load %arg8[%get3A_2168, %get3A_2169] {strides = array<i32>} : memref<256x128xf32, #tpu.memory_space<vmem>>, vector<1x16xf32>,
      %get3A_2171 = vector.shape_cast %get3A_2170 : vector<1x16xf32> to vector<16xf32>
      %mul3A_2172 = arith.mulf %get3A_2171, %broadcast_in_dim3A_2161 : vector<16xf32>
      %swap3A_2173 = arith.index_cast %add3A_2167 : i32 to index
      %swap3A_2174 = arith.constant 0 : index
      %swap3A_2175 = tpu.vector_load %arg8[%swap3A_2173, %swap3A_2174] {strides = array<i32>} : memref<256x128xf32, #tpu.memory_space<vmem>>, vector<1x16xf32>,
      %swap3A_2176 = vector.shape_cast %swap3A_2175 : vector<1x16xf32> to vector<16xf32>
      %swap3A_2177 = vector.shape_cast %mul3A_2172 : vector<16xf32> to vector<1x16xf32>
      tpu.vector_store %arg8[%swap3A_2173, %swap3A_2174], %swap3A_2177 {strides = array<i32>} : memref<256x128xf32, #tpu.memory_space<vmem>>, vector<1x16xf32>,
      %get3A_2178 = arith.index_cast %add3A_2167 : i32 to index
      %get3A_2179 = arith.constant 16 : index
      %get3A_2180 = tpu.vector_load %arg8[%get3A_2178, %get3A_2179] {strides = array<i32>} : memref<256x128xf32, #tpu.memory_space<vmem>>, vector<1x16xf32>,
      %get3A_2181 = vector.shape_cast %get3A_2180 : vector<1x16xf32> to vector<16xf32>
      %mul3A_2182 = arith.mulf %get3A_2181, %broadcast_in_dim3A_2161 : vector<16xf32>
      %swap3A_2183 = arith.index_cast %add3A_2167 : i32 to index
      %swap3A_2184 = arith.constant 16 : index
      %swap3A_2185 = tpu.vector_load %arg8[%swap3A_2183, %swap3A_2184] {strides = array<i32>} : memref<256x128xf32, #tpu.memory_space<vmem>>, vector<1x16xf32>,
      %swap3A_2186 = vector.shape_cast %swap3A_2185 : vector<1x16xf32> to vector<16xf32>
      %swap3A_2187 = vector.shape_cast %mul3A_2182 : vector<16xf32> to vector<1x16xf32>
      tpu.vector_store %arg8[%swap3A_2183, %swap3A_2184], %swap3A_2187 {strides = array<i32>} : memref<256x128xf32, #tpu.memory_space<vmem>>, vector<1x16xf32>,
      %get3A_2188 = arith.index_cast %add3A_2167 : i32 to index
      %get3A_2189 = arith.constant 32 : index
      %get3A_2190 = tpu.vector_load %arg8[%get3A_2188, %get3A_2189] {strides = array<i32>} : memref<256x128xf32, #tpu.memory_space<vmem>>, vector<1x16xf32>,
      %get3A_2191 = vector.shape_cast %get3A_2190 : vector<1x16xf32> to vector<16xf32>
      %mul3A_2192 = arith.mulf %get3A_2191, %broadcast_in_dim3A_2161 : vector<16xf32>
      %swap3A_2193 = arith.index_cast %add3A_2167 : i32 to index
      %swap3A_2194 = arith.constant 32 : index
      %swap3A_2195 = tpu.vector_load %arg8[%swap3A_2193, %swap3A_2194] {strides = array<i32>} : memref<256x128xf32, #tpu.memory_space<vmem>>, vector<1x16xf32>,
      %swap3A_2196 = vector.shape_cast %swap3A_2195 : vector<1x16xf32> to vector<16xf32>
      %swap3A_2197 = vector.shape_cast %mul3A_2192 : vector<16xf32> to vector<1x16xf32>
      tpu.vector_store %arg8[%swap3A_2193, %swap3A_2194], %swap3A_2197 {strides = array<i32>} : memref<256x128xf32, #tpu.memory_space<vmem>>, vector<1x16xf32>,
      %get3A_2198 = arith.index_cast %add3A_2167 : i32 to index
      %get3A_2199 = arith.constant 48 : index
      %get3A_2200 = tpu.vector_load %arg8[%get3A_2198, %get3A_2199] {strides = array<i32>} : memref<256x128xf32, #tpu.memory_space<vmem>>, vector<1x16xf32>,
      %get3A_2201 = vector.shape_cast %get3A_2200 : vector<1x16xf32> to vector<16xf32>
      %mul3A_2202 = arith.mulf %get3A_2201, %broadcast_in_dim3A_2161 : vector<16xf32>
      %swap3A_2203 = arith.index_cast %add3A_2167 : i32 to index
      %swap3A_2204 = arith.constant 48 : index
      %swap3A_2205 = tpu.vector_load %arg8[%swap3A_2203, %swap3A_2204] {strides = array<i32>} : memref<256x128xf32, #tpu.memory_space<vmem>>, vector<1x16xf32>,
      %swap3A_2206 = vector.shape_cast %swap3A_2205 : vector<1x16xf32> to vector<16xf32>
      %swap3A_2207 = vector.shape_cast %mul3A_2202 : vector<16xf32> to vector<1x16xf32>
      tpu.vector_store %arg8[%swap3A_2203, %swap3A_2204], %swap3A_2207 {strides = array<i32>} : memref<256x128xf32, #tpu.memory_space<vmem>>, vector<1x16xf32>,
      %get3A_2208 = arith.index_cast %add3A_2167 : i32 to index
      %get3A_2209 = arith.constant 64 : index
      %get3A_2210 = tpu.vector_load %arg8[%get3A_2208, %get3A_2209] {strides = array<i32>} : memref<256x128xf32, #tpu.memory_space<vmem>>, vector<1x16xf32>,
      %get3A_2211 = vector.shape_cast %get3A_2210 : vector<1x16xf32> to vector<16xf32>
      %mul3A_2212 = arith.mulf %get3A_2211, %broadcast_in_dim3A_2161 : vector<16xf32>
      %swap3A_2213 = arith.index_cast %add3A_2167 : i32 to index
      %swap3A_2214 = arith.constant 64 : index
      %swap3A_2215 = tpu.vector_load %arg8[%swap3A_2213, %swap3A_2214] {strides = array<i32>} : memref<256x128xf32, #tpu.memory_space<vmem>>, vector<1x16xf32>,
      %swap3A_2216 = vector.shape_cast %swap3A_2215 : vector<1x16xf32> to vector<16xf32>
      %swap3A_2217 = vector.shape_cast %mul3A_2212 : vector<16xf32> to vector<1x16xf32>
      tpu.vector_store %arg8[%swap3A_2213, %swap3A_2214], %swap3A_2217 {strides = array<i32>} : memref<256x128xf32, #tpu.memory_space<vmem>>, vector<1x16xf32>,
      %get3A_2218 = arith.index_cast %add3A_2167 : i32 to index
      %get3A_2219 = arith.constant 80 : index
      %get3A_2220 = tpu.vector_load %arg8[%get3A_2218, %get3A_2219] {strides = array<i32>} : memref<256x128xf32, #tpu.memory_space<vmem>>, vector<1x16xf32>,
      %get3A_2221 = vector.shape_cast %get3A_2220 : vector<1x16xf32> to vector<16xf32>
      %mul3A_2222 = arith.mulf %get3A_2221, %broadcast_in_dim3A_2161 : vector<16xf32>
      %swap3A_2223 = arith.index_cast %add3A_2167 : i32 to index
      %swap3A_2224 = arith.constant 80 : index
      %swap3A_2225 = tpu.vector_load %arg8[%swap3A_2223, %swap3A_2224] {strides = array<i32>} : memref<256x128xf32, #tpu.memory_space<vmem>>, vector<1x16xf32>,
      %swap3A_2226 = vector.shape_cast %swap3A_2225 : vector<1x16xf32> to vector<16xf32>
      %swap3A_2227 = vector.shape_cast %mul3A_2222 : vector<16xf32> to vector<1x16xf32>
      tpu.vector_store %arg8[%swap3A_2223, %swap3A_2224], %swap3A_2227 {strides = array<i32>} : memref<256x128xf32, #tpu.memory_space<vmem>>, vector<1x16xf32>,
      %get3A_2228 = arith.index_cast %add3A_2167 : i32 to index
      %get3A_2229 = arith.constant 96 : index
      %get3A_2230 = tpu.vector_load %arg8[%get3A_2228, %get3A_2229] {strides = array<i32>} : memref<256x128xf32, #tpu.memory_space<vmem>>, vector<1x16xf32>,
      %get3A_2231 = vector.shape_cast %get3A_2230 : vector<1x16xf32> to vector<16xf32>
      %mul3A_2232 = arith.mulf %get3A_2231, %broadcast_in_dim3A_2161 : vector<16xf32>
      %swap3A_2233 = arith.index_cast %add3A_2167 : i32 to index
      %swap3A_2234 = arith.constant 96 : index
      %swap3A_2235 = tpu.vector_load %arg8[%swap3A_2233, %swap3A_2234] {strides = array<i32>} : memref<256x128xf32, #tpu.memory_space<vmem>>, vector<1x16xf32>,
      %swap3A_2236 = vector.shape_cast %swap3A_2235 : vector<1x16xf32> to vector<16xf32>
      %swap3A_2237 = vector.shape_cast %mul3A_2232 : vector<16xf32> to vector<1x16xf32>
      tpu.vector_store %arg8[%swap3A_2233, %swap3A_2234], %swap3A_2237 {strides = array<i32>} : memref<256x128xf32, #tpu.memory_space<vmem>>, vector<1x16xf32>,
      %get3A_2238 = arith.index_cast %add3A_2167 : i32 to index
      %get3A_2239 = arith.constant 112 : index
      %get3A_2240 = tpu.vector_load %arg8[%get3A_2238, %get3A_2239] {strides = array<i32>} : memref<256x128xf32, #tpu.memory_space<vmem>>, vector<1x16xf32>,
      %get3A_2241 = vector.shape_cast %get3A_2240 : vector<1x16xf32> to vector<16xf32>
      %mul3A_2242 = arith.mulf %get3A_2241, %broadcast_in_dim3A_2161 : vector<16xf32>
      %swap3A_2243 = arith.index_cast %add3A_2167 : i32 to index
      %swap3A_2244 = arith.constant 112 : index
      %swap3A_2245 = tpu.vector_load %arg8[%swap3A_2243, %swap3A_2244] {strides = array<i32>} : memref<256x128xf32, #tpu.memory_space<vmem>>, vector<1x16xf32>,
      %swap3A_2246 = vector.shape_cast %swap3A_2245 : vector<1x16xf32> to vector<16xf32>
      %swap3A_2247 = vector.shape_cast %mul3A_2242 : vector<16xf32> to vector<1x16xf32>
      tpu.vector_store %arg8[%swap3A_2243, %swap3A_2244], %swap3A_2247 {strides = array<i32>} : memref<256x128xf32, #tpu.memory_space<vmem>>, vector<1x16xf32>,
      %slice3A_2248 = vector.extract_strided_slice %select_n3A {offsets = [14], sizes = [1], strides = [1]} : vector<16xf32> to vector<1xf32>
      %broadcast_in_dim3A_2249 = vector.shape_cast %slice3A_2248 : vector<1xf32> to vector<1xf32>
      %broadcast_in_dim3A_2250 = vector.broadcast %broadcast_in_dim3A_2249 : vector<1xf32> to vector<16xf32>
      %mul3A_2251 = arith.constant 16 : i32
      %mul3A_2252 = arith.muli %scan3A_988, %mul3A_2251 : i32
      %add3A_2253 = arith.constant 128 : i32
      %add3A_2254 = arith.addi %add3A_2253, %mul3A_2252 : i32
      %add3A_2255 = arith.constant 14 : i32
      %add3A_2256 = arith.addi %add3A_2254, %add3A_2255 : i32
      %get3A_2257 = arith.index_cast %add3A_2256 : i32 to index
      %get3A_2258 = arith.constant 0 : index
      %get3A_2259 = tpu.vector_load %arg8[%get3A_2257, %get3A_2258] {strides = array<i32>} : memref<256x128xf32, #tpu.memory_space<vmem>>, vector<1x16xf32>,
      %get3A_2260 = vector.shape_cast %get3A_2259 : vector<1x16xf32> to vector<16xf32>
      %mul3A_2261 = arith.mulf %get3A_2260, %broadcast_in_dim3A_2250 : vector<16xf32>
      %swap3A_2262 = arith.index_cast %add3A_2256 : i32 to index
      %swap3A_2263 = arith.constant 0 : index
      %swap3A_2264 = tpu.vector_load %arg8[%swap3A_2262, %swap3A_2263] {strides = array<i32>} : memref<256x128xf32, #tpu.memory_space<vmem>>, vector<1x16xf32>,
      %swap3A_2265 = vector.shape_cast %swap3A_2264 : vector<1x16xf32> to vector<16xf32>
      %swap3A_2266 = vector.shape_cast %mul3A_2261 : vector<16xf32> to vector<1x16xf32>
      tpu.vector_store %arg8[%swap3A_2262, %swap3A_2263], %swap3A_2266 {strides = array<i32>} : memref<256x128xf32, #tpu.memory_space<vmem>>, vector<1x16xf32>,
      %get3A_2267 = arith.index_cast %add3A_2256 : i32 to index
      %get3A_2268 = arith.constant 16 : index
      %get3A_2269 = tpu.vector_load %arg8[%get3A_2267, %get3A_2268] {strides = array<i32>} : memref<256x128xf32, #tpu.memory_space<vmem>>, vector<1x16xf32>,
      %get3A_2270 = vector.shape_cast %get3A_2269 : vector<1x16xf32> to vector<16xf32>
      %mul3A_2271 = arith.mulf %get3A_2270, %broadcast_in_dim3A_2250 : vector<16xf32>
      %swap3A_2272 = arith.index_cast %add3A_2256 : i32 to index
      %swap3A_2273 = arith.constant 16 : index
      %swap3A_2274 = tpu.vector_load %arg8[%swap3A_2272, %swap3A_2273] {strides = array<i32>} : memref<256x128xf32, #tpu.memory_space<vmem>>, vector<1x16xf32>,
      %swap3A_2275 = vector.shape_cast %swap3A_2274 : vector<1x16xf32> to vector<16xf32>
      %swap3A_2276 = vector.shape_cast %mul3A_2271 : vector<16xf32> to vector<1x16xf32>
      tpu.vector_store %arg8[%swap3A_2272, %swap3A_2273], %swap3A_2276 {strides = array<i32>} : memref<256x128xf32, #tpu.memory_space<vmem>>, vector<1x16xf32>,
      %get3A_2277 = arith.index_cast %add3A_2256 : i32 to index
      %get3A_2278 = arith.constant 32 : index
      %get3A_2279 = tpu.vector_load %arg8[%get3A_2277, %get3A_2278] {strides = array<i32>} : memref<256x128xf32, #tpu.memory_space<vmem>>, vector<1x16xf32>,
      %get3A_2280 = vector.shape_cast %get3A_2279 : vector<1x16xf32> to vector<16xf32>
      %mul3A_2281 = arith.mulf %get3A_2280, %broadcast_in_dim3A_2250 : vector<16xf32>
      %swap3A_2282 = arith.index_cast %add3A_2256 : i32 to index
      %swap3A_2283 = arith.constant 32 : index
      %swap3A_2284 = tpu.vector_load %arg8[%swap3A_2282, %swap3A_2283] {strides = array<i32>} : memref<256x128xf32, #tpu.memory_space<vmem>>, vector<1x16xf32>,
      %swap3A_2285 = vector.shape_cast %swap3A_2284 : vector<1x16xf32> to vector<16xf32>
      %swap3A_2286 = vector.shape_cast %mul3A_2281 : vector<16xf32> to vector<1x16xf32>
      tpu.vector_store %arg8[%swap3A_2282, %swap3A_2283], %swap3A_2286 {strides = array<i32>} : memref<256x128xf32, #tpu.memory_space<vmem>>, vector<1x16xf32>,
      %get3A_2287 = arith.index_cast %add3A_2256 : i32 to index
      %get3A_2288 = arith.constant 48 : index
      %get3A_2289 = tpu.vector_load %arg8[%get3A_2287, %get3A_2288] {strides = array<i32>} : memref<256x128xf32, #tpu.memory_space<vmem>>, vector<1x16xf32>,
      %get3A_2290 = vector.shape_cast %get3A_2289 : vector<1x16xf32> to vector<16xf32>
      %mul3A_2291 = arith.mulf %get3A_2290, %broadcast_in_dim3A_2250 : vector<16xf32>
      %swap3A_2292 = arith.index_cast %add3A_2256 : i32 to index
      %swap3A_2293 = arith.constant 48 : index
      %swap3A_2294 = tpu.vector_load %arg8[%swap3A_2292, %swap3A_2293] {strides = array<i32>} : memref<256x128xf32, #tpu.memory_space<vmem>>, vector<1x16xf32>,
      %swap3A_2295 = vector.shape_cast %swap3A_2294 : vector<1x16xf32> to vector<16xf32>
      %swap3A_2296 = vector.shape_cast %mul3A_2291 : vector<16xf32> to vector<1x16xf32>
      tpu.vector_store %arg8[%swap3A_2292, %swap3A_2293], %swap3A_2296 {strides = array<i32>} : memref<256x128xf32, #tpu.memory_space<vmem>>, vector<1x16xf32>,
      %get3A_2297 = arith.index_cast %add3A_2256 : i32 to index
      %get3A_2298 = arith.constant 64 : index
      %get3A_2299 = tpu.vector_load %arg8[%get3A_2297, %get3A_2298] {strides = array<i32>} : memref<256x128xf32, #tpu.memory_space<vmem>>, vector<1x16xf32>,
      %get3A_2300 = vector.shape_cast %get3A_2299 : vector<1x16xf32> to vector<16xf32>
      %mul3A_2301 = arith.mulf %get3A_2300, %broadcast_in_dim3A_2250 : vector<16xf32>
      %swap3A_2302 = arith.index_cast %add3A_2256 : i32 to index
      %swap3A_2303 = arith.constant 64 : index
      %swap3A_2304 = tpu.vector_load %arg8[%swap3A_2302, %swap3A_2303] {strides = array<i32>} : memref<256x128xf32, #tpu.memory_space<vmem>>, vector<1x16xf32>,
      %swap3A_2305 = vector.shape_cast %swap3A_2304 : vector<1x16xf32> to vector<16xf32>
      %swap3A_2306 = vector.shape_cast %mul3A_2301 : vector<16xf32> to vector<1x16xf32>
      tpu.vector_store %arg8[%swap3A_2302, %swap3A_2303], %swap3A_2306 {strides = array<i32>} : memref<256x128xf32, #tpu.memory_space<vmem>>, vector<1x16xf32>,
      %get3A_2307 = arith.index_cast %add3A_2256 : i32 to index
      %get3A_2308 = arith.constant 80 : index
      %get3A_2309 = tpu.vector_load %arg8[%get3A_2307, %get3A_2308] {strides = array<i32>} : memref<256x128xf32, #tpu.memory_space<vmem>>, vector<1x16xf32>,
      %get3A_2310 = vector.shape_cast %get3A_2309 : vector<1x16xf32> to vector<16xf32>
      %mul3A_2311 = arith.mulf %get3A_2310, %broadcast_in_dim3A_2250 : vector<16xf32>
      %swap3A_2312 = arith.index_cast %add3A_2256 : i32 to index
      %swap3A_2313 = arith.constant 80 : index
      %swap3A_2314 = tpu.vector_load %arg8[%swap3A_2312, %swap3A_2313] {strides = array<i32>} : memref<256x128xf32, #tpu.memory_space<vmem>>, vector<1x16xf32>,
      %swap3A_2315 = vector.shape_cast %swap3A_2314 : vector<1x16xf32> to vector<16xf32>
      %swap3A_2316 = vector.shape_cast %mul3A_2311 : vector<16xf32> to vector<1x16xf32>
      tpu.vector_store %arg8[%swap3A_2312, %swap3A_2313], %swap3A_2316 {strides = array<i32>} : memref<256x128xf32, #tpu.memory_space<vmem>>, vector<1x16xf32>,
      %get3A_2317 = arith.index_cast %add3A_2256 : i32 to index
      %get3A_2318 = arith.constant 96 : index
      %get3A_2319 = tpu.vector_load %arg8[%get3A_2317, %get3A_2318] {strides = array<i32>} : memref<256x128xf32, #tpu.memory_space<vmem>>, vector<1x16xf32>,
      %get3A_2320 = vector.shape_cast %get3A_2319 : vector<1x16xf32> to vector<16xf32>
      %mul3A_2321 = arith.mulf %get3A_2320, %broadcast_in_dim3A_2250 : vector<16xf32>
      %swap3A_2322 = arith.index_cast %add3A_2256 : i32 to index
      %swap3A_2323 = arith.constant 96 : index
      %swap3A_2324 = tpu.vector_load %arg8[%swap3A_2322, %swap3A_2323] {strides = array<i32>} : memref<256x128xf32, #tpu.memory_space<vmem>>, vector<1x16xf32>,
      %swap3A_2325 = vector.shape_cast %swap3A_2324 : vector<1x16xf32> to vector<16xf32>
      %swap3A_2326 = vector.shape_cast %mul3A_2321 : vector<16xf32> to vector<1x16xf32>
      tpu.vector_store %arg8[%swap3A_2322, %swap3A_2323], %swap3A_2326 {strides = array<i32>} : memref<256x128xf32, #tpu.memory_space<vmem>>, vector<1x16xf32>,
      %get3A_2327 = arith.index_cast %add3A_2256 : i32 to index
      %get3A_2328 = arith.constant 112 : index
      %get3A_2329 = tpu.vector_load %arg8[%get3A_2327, %get3A_2328] {strides = array<i32>} : memref<256x128xf32, #tpu.memory_space<vmem>>, vector<1x16xf32>,
      %get3A_2330 = vector.shape_cast %get3A_2329 : vector<1x16xf32> to vector<16xf32>
      %mul3A_2331 = arith.mulf %get3A_2330, %broadcast_in_dim3A_2250 : vector<16xf32>
      %swap3A_2332 = arith.index_cast %add3A_2256 : i32 to index
      %swap3A_2333 = arith.constant 112 : index
      %swap3A_2334 = tpu.vector_load %arg8[%swap3A_2332, %swap3A_2333] {strides = array<i32>} : memref<256x128xf32, #tpu.memory_space<vmem>>, vector<1x16xf32>,
      %swap3A_2335 = vector.shape_cast %swap3A_2334 : vector<1x16xf32> to vector<16xf32>
      %swap3A_2336 = vector.shape_cast %mul3A_2331 : vector<16xf32> to vector<1x16xf32>
      tpu.vector_store %arg8[%swap3A_2332, %swap3A_2333], %swap3A_2336 {strides = array<i32>} : memref<256x128xf32, #tpu.memory_space<vmem>>, vector<1x16xf32>,
      %slice3A_2337 = vector.extract_strided_slice %select_n3A {offsets = [15], sizes = [1], strides = [1]} : vector<16xf32> to vector<1xf32>
      %broadcast_in_dim3A_2338 = vector.shape_cast %slice3A_2337 : vector<1xf32> to vector<1xf32>
      %broadcast_in_dim3A_2339 = vector.broadcast %broadcast_in_dim3A_2338 : vector<1xf32> to vector<16xf32>
      %mul3A_2340 = arith.constant 16 : i32
      %mul3A_2341 = arith.muli %scan3A_988, %mul3A_2340 : i32
      %add3A_2342 = arith.constant 128 : i32
      %add3A_2343 = arith.addi %add3A_2342, %mul3A_2341 : i32
      %add3A_2344 = arith.constant 15 : i32
      %add3A_2345 = arith.addi %add3A_2343, %add3A_2344 : i32
      %get3A_2346 = arith.index_cast %add3A_2345 : i32 to index
      %get3A_2347 = arith.constant 0 : index
      %get3A_2348 = tpu.vector_load %arg8[%get3A_2346, %get3A_2347] {strides = array<i32>} : memref<256x128xf32, #tpu.memory_space<vmem>>, vector<1x16xf32>,
      %get3A_2349 = vector.shape_cast %get3A_2348 : vector<1x16xf32> to vector<16xf32>
      %mul3A_2350 = arith.mulf %get3A_2349, %broadcast_in_dim3A_2339 : vector<16xf32>
      %swap3A_2351 = arith.index_cast %add3A_2345 : i32 to index
      %swap3A_2352 = arith.constant 0 : index
      %swap3A_2353 = tpu.vector_load %arg8[%swap3A_2351, %swap3A_2352] {strides = array<i32>} : memref<256x128xf32, #tpu.memory_space<vmem>>, vector<1x16xf32>,
      %swap3A_2354 = vector.shape_cast %swap3A_2353 : vector<1x16xf32> to vector<16xf32>
      %swap3A_2355 = vector.shape_cast %mul3A_2350 : vector<16xf32> to vector<1x16xf32>
      tpu.vector_store %arg8[%swap3A_2351, %swap3A_2352], %swap3A_2355 {strides = array<i32>} : memref<256x128xf32, #tpu.memory_space<vmem>>, vector<1x16xf32>,
      %get3A_2356 = arith.index_cast %add3A_2345 : i32 to index
      %get3A_2357 = arith.constant 16 : index
      %get3A_2358 = tpu.vector_load %arg8[%get3A_2356, %get3A_2357] {strides = array<i32>} : memref<256x128xf32, #tpu.memory_space<vmem>>, vector<1x16xf32>,
      %get3A_2359 = vector.shape_cast %get3A_2358 : vector<1x16xf32> to vector<16xf32>
      %mul3A_2360 = arith.mulf %get3A_2359, %broadcast_in_dim3A_2339 : vector<16xf32>
      %swap3A_2361 = arith.index_cast %add3A_2345 : i32 to index
      %swap3A_2362 = arith.constant 16 : index
      %swap3A_2363 = tpu.vector_load %arg8[%swap3A_2361, %swap3A_2362] {strides = array<i32>} : memref<256x128xf32, #tpu.memory_space<vmem>>, vector<1x16xf32>,
      %swap3A_2364 = vector.shape_cast %swap3A_2363 : vector<1x16xf32> to vector<16xf32>
      %swap3A_2365 = vector.shape_cast %mul3A_2360 : vector<16xf32> to vector<1x16xf32>
      tpu.vector_store %arg8[%swap3A_2361, %swap3A_2362], %swap3A_2365 {strides = array<i32>} : memref<256x128xf32, #tpu.memory_space<vmem>>, vector<1x16xf32>,
      %get3A_2366 = arith.index_cast %add3A_2345 : i32 to index
      %get3A_2367 = arith.constant 32 : index
      %get3A_2368 = tpu.vector_load %arg8[%get3A_2366, %get3A_2367] {strides = array<i32>} : memref<256x128xf32, #tpu.memory_space<vmem>>, vector<1x16xf32>,
      %get3A_2369 = vector.shape_cast %get3A_2368 : vector<1x16xf32> to vector<16xf32>
      %mul3A_2370 = arith.mulf %get3A_2369, %broadcast_in_dim3A_2339 : vector<16xf32>
      %swap3A_2371 = arith.index_cast %add3A_2345 : i32 to index
      %swap3A_2372 = arith.constant 32 : index
      %swap3A_2373 = tpu.vector_load %arg8[%swap3A_2371, %swap3A_2372] {strides = array<i32>} : memref<256x128xf32, #tpu.memory_space<vmem>>, vector<1x16xf32>,
      %swap3A_2374 = vector.shape_cast %swap3A_2373 : vector<1x16xf32> to vector<16xf32>
      %swap3A_2375 = vector.shape_cast %mul3A_2370 : vector<16xf32> to vector<1x16xf32>
      tpu.vector_store %arg8[%swap3A_2371, %swap3A_2372], %swap3A_2375 {strides = array<i32>} : memref<256x128xf32, #tpu.memory_space<vmem>>, vector<1x16xf32>,
      %get3A_2376 = arith.index_cast %add3A_2345 : i32 to index
      %get3A_2377 = arith.constant 48 : index
      %get3A_2378 = tpu.vector_load %arg8[%get3A_2376, %get3A_2377] {strides = array<i32>} : memref<256x128xf32, #tpu.memory_space<vmem>>, vector<1x16xf32>,
      %get3A_2379 = vector.shape_cast %get3A_2378 : vector<1x16xf32> to vector<16xf32>
      %mul3A_2380 = arith.mulf %get3A_2379, %broadcast_in_dim3A_2339 : vector<16xf32>
      %swap3A_2381 = arith.index_cast %add3A_2345 : i32 to index
      %swap3A_2382 = arith.constant 48 : index
      %swap3A_2383 = tpu.vector_load %arg8[%swap3A_2381, %swap3A_2382] {strides = array<i32>} : memref<256x128xf32, #tpu.memory_space<vmem>>, vector<1x16xf32>,
      %swap3A_2384 = vector.shape_cast %swap3A_2383 : vector<1x16xf32> to vector<16xf32>
      %swap3A_2385 = vector.shape_cast %mul3A_2380 : vector<16xf32> to vector<1x16xf32>
      tpu.vector_store %arg8[%swap3A_2381, %swap3A_2382], %swap3A_2385 {strides = array<i32>} : memref<256x128xf32, #tpu.memory_space<vmem>>, vector<1x16xf32>,
      %get3A_2386 = arith.index_cast %add3A_2345 : i32 to index
      %get3A_2387 = arith.constant 64 : index
      %get3A_2388 = tpu.vector_load %arg8[%get3A_2386, %get3A_2387] {strides = array<i32>} : memref<256x128xf32, #tpu.memory_space<vmem>>, vector<1x16xf32>,
      %get3A_2389 = vector.shape_cast %get3A_2388 : vector<1x16xf32> to vector<16xf32>
      %mul3A_2390 = arith.mulf %get3A_2389, %broadcast_in_dim3A_2339 : vector<16xf32>
      %swap3A_2391 = arith.index_cast %add3A_2345 : i32 to index
      %swap3A_2392 = arith.constant 64 : index
      %swap3A_2393 = tpu.vector_load %arg8[%swap3A_2391, %swap3A_2392] {strides = array<i32>} : memref<256x128xf32, #tpu.memory_space<vmem>>, vector<1x16xf32>,
      %swap3A_2394 = vector.shape_cast %swap3A_2393 : vector<1x16xf32> to vector<16xf32>
      %swap3A_2395 = vector.shape_cast %mul3A_2390 : vector<16xf32> to vector<1x16xf32>
      tpu.vector_store %arg8[%swap3A_2391, %swap3A_2392], %swap3A_2395 {strides = array<i32>} : memref<256x128xf32, #tpu.memory_space<vmem>>, vector<1x16xf32>,
      %get3A_2396 = arith.index_cast %add3A_2345 : i32 to index
      %get3A_2397 = arith.constant 80 : index
      %get3A_2398 = tpu.vector_load %arg8[%get3A_2396, %get3A_2397] {strides = array<i32>} : memref<256x128xf32, #tpu.memory_space<vmem>>, vector<1x16xf32>,
      %get3A_2399 = vector.shape_cast %get3A_2398 : vector<1x16xf32> to vector<16xf32>
      %mul3A_2400 = arith.mulf %get3A_2399, %broadcast_in_dim3A_2339 : vector<16xf32>
      %swap3A_2401 = arith.index_cast %add3A_2345 : i32 to index
      %swap3A_2402 = arith.constant 80 : index
      %swap3A_2403 = tpu.vector_load %arg8[%swap3A_2401, %swap3A_2402] {strides = array<i32>} : memref<256x128xf32, #tpu.memory_space<vmem>>, vector<1x16xf32>,
      %swap3A_2404 = vector.shape_cast %swap3A_2403 : vector<1x16xf32> to vector<16xf32>
      %swap3A_2405 = vector.shape_cast %mul3A_2400 : vector<16xf32> to vector<1x16xf32>
      tpu.vector_store %arg8[%swap3A_2401, %swap3A_2402], %swap3A_2405 {strides = array<i32>} : memref<256x128xf32, #tpu.memory_space<vmem>>, vector<1x16xf32>,
      %get3A_2406 = arith.index_cast %add3A_2345 : i32 to index
      %get3A_2407 = arith.constant 96 : index
      %get3A_2408 = tpu.vector_load %arg8[%get3A_2406, %get3A_2407] {strides = array<i32>} : memref<256x128xf32, #tpu.memory_space<vmem>>, vector<1x16xf32>,
      %get3A_2409 = vector.shape_cast %get3A_2408 : vector<1x16xf32> to vector<16xf32>
      %mul3A_2410 = arith.mulf %get3A_2409, %broadcast_in_dim3A_2339 : vector<16xf32>
      %swap3A_2411 = arith.index_cast %add3A_2345 : i32 to index
      %swap3A_2412 = arith.constant 96 : index
      %swap3A_2413 = tpu.vector_load %arg8[%swap3A_2411, %swap3A_2412] {strides = array<i32>} : memref<256x128xf32, #tpu.memory_space<vmem>>, vector<1x16xf32>,
      %swap3A_2414 = vector.shape_cast %swap3A_2413 : vector<1x16xf32> to vector<16xf32>
      %swap3A_2415 = vector.shape_cast %mul3A_2410 : vector<16xf32> to vector<1x16xf32>
      tpu.vector_store %arg8[%swap3A_2411, %swap3A_2412], %swap3A_2415 {strides = array<i32>} : memref<256x128xf32, #tpu.memory_space<vmem>>, vector<1x16xf32>,
      %get3A_2416 = arith.index_cast %add3A_2345 : i32 to index
      %get3A_2417 = arith.constant 112 : index
      %get3A_2418 = tpu.vector_load %arg8[%get3A_2416, %get3A_2417] {strides = array<i32>} : memref<256x128xf32, #tpu.memory_space<vmem>>, vector<1x16xf32>,
      %get3A_2419 = vector.shape_cast %get3A_2418 : vector<1x16xf32> to vector<16xf32>
      %mul3A_2420 = arith.mulf %get3A_2419, %broadcast_in_dim3A_2339 : vector<16xf32>
      %swap3A_2421 = arith.index_cast %add3A_2345 : i32 to index
      %swap3A_2422 = arith.constant 112 : index
      %swap3A_2423 = tpu.vector_load %arg8[%swap3A_2421, %swap3A_2422] {strides = array<i32>} : memref<256x128xf32, #tpu.memory_space<vmem>>, vector<1x16xf32>,
      %swap3A_2424 = vector.shape_cast %swap3A_2423 : vector<1x16xf32> to vector<16xf32>
      %swap3A_2425 = vector.shape_cast %mul3A_2420 : vector<16xf32> to vector<1x16xf32>
      tpu.vector_store %arg8[%swap3A_2421, %swap3A_2422], %swap3A_2425 {strides = array<i32>} : memref<256x128xf32, #tpu.memory_space<vmem>>, vector<1x16xf32>,
      %scan3A_2426 = arith.constant 0 : i32
      scf.yield %scan3A_2426 : i32
    }
    %scan3A_957 = arith.constant 8 : i32
    %dma_start3A_958 = arith.constant 1 : i32
    %dma_start3A_959 = arith.constant 128 : i32
    %dma_start3A_960 = arith.constant 0 : i32
    %dma_start3A_961 = tpu.memref_slice %arg8[%dma_start3A_959, %dma_start3A_960] : memref<256x128xf32, #tpu.memory_space<vmem>> -> memref<128x128xf32, #tpu.memory_space<vmem>>
    %dma_start3A_962 = arith.constant 0 : i32
    %dma_start3A_963 = tpu.memref_slice %arg7[%dma_start3A_958, %dma_start3A_962] : memref<2x128xi32, #tpu.memory_space<vmem>> -> memref<1x128xi32, #tpu.memory_space<vmem>>
    %dma_start3A_964 = tpu.memref_squeeze %dma_start3A_963 : memref<1x128xi32, #tpu.memory_space<vmem>> -> memref<128xi32, #tpu.memory_space<vmem>>
    %dma_start3A_965 = arith.constant 0 : i32
    %dma_start3A_966 = arith.constant 0 : i32
    %dma_start3A_967 = tpu.memref_slice %arg4[%dma_start3A_965, %dma_start3A_966] : memref<8192x128xf32, #tpu.memory_space<hbm>> -> memref<8192x128xf32, #tpu.memory_space<hbm>>
    tpu.enqueue_indirect_dma source(%dma_start3A_961 : memref<128x128xf32, #tpu.memory_space<vmem>>) target(%dma_start3A_967 : memref<8192x128xf32, #tpu.memory_space<hbm>>) offsets(%dma_start3A_964 : memref<128xi32, #tpu.memory_space<vmem>>) semaphore(%arg12 : memref<!tpu.dma_semaphore, #tpu.memory_space<semaphore_mem>>)
    %dma_wait3A_968 = arith.constant 0 : i32
    %dma_wait3A_969 = arith.constant 0 : i32
    %dma_wait3A_970 = arith.constant 0 : i32
    %dma_wait3A_971 = tpu.memref_slice %arg8[%dma_wait3A_969, %dma_wait3A_970] : memref<256x128xf32, #tpu.memory_space<vmem>> -> memref<128x128xf32, #tpu.memory_space<vmem>>
    %dma_wait3A_972 = arith.constant 0 : i32
    %dma_wait3A_973 = tpu.memref_slice %arg7[%dma_wait3A_968, %dma_wait3A_972] : memref<2x128xi32, #tpu.memory_space<vmem>> -> memref<1x128xi32, #tpu.memory_space<vmem>>
    %dma_wait3A_974 = tpu.memref_squeeze %dma_wait3A_973 : memref<1x128xi32, #tpu.memory_space<vmem>> -> memref<128xi32, #tpu.memory_space<vmem>>
    %dma_wait3A_975 = arith.constant 0 : i32
    %dma_wait3A_976 = arith.constant 0 : i32
    %dma_wait3A_977 = tpu.memref_slice %arg4[%dma_wait3A_975, %dma_wait3A_976] : memref<8192x128xf32, #tpu.memory_space<hbm>> -> memref<8192x128xf32, #tpu.memory_space<hbm>>
    tpu.wait_indirect_dma semaphore(%arg12 : memref<!tpu.dma_semaphore, #tpu.memory_space<semaphore_mem>>) src(%dma_wait3A_971 : memref<128x128xf32, #tpu.memory_space<vmem>>) dst(%dma_wait3A_977 : memref<8192x128xf32, #tpu.memory_space<hbm>>)
    %dma_wait3A_978 = arith.constant 1 : i32
    %dma_wait3A_979 = arith.constant 128 : i32
    %dma_wait3A_980 = arith.constant 0 : i32
    %dma_wait3A_981 = tpu.memref_slice %arg8[%dma_wait3A_979, %dma_wait3A_980] : memref<256x128xf32, #tpu.memory_space<vmem>> -> memref<128x128xf32, #tpu.memory_space<vmem>>
    %dma_wait3A_982 = arith.constant 0 : i32
    %dma_wait3A_983 = tpu.memref_slice %arg7[%dma_wait3A_978, %dma_wait3A_982] : memref<2x128xi32, #tpu.memory_space<vmem>> -> memref<1x128xi32, #tpu.memory_space<vmem>>
    %dma_wait3A_984 = tpu.memref_squeeze %dma_wait3A_983 : memref<1x128xi32, #tpu.memory_space<vmem>> -> memref<128xi32, #tpu.memory_space<vmem>>
    %dma_wait3A_985 = arith.constant 0 : i32
    %dma_wait3A_986 = arith.constant 0 : i32
    %dma_wait3A_987 = tpu.memref_slice %arg4[%dma_wait3A_985, %dma_wait3A_986] : memref<8192x128xf32, #tpu.memory_space<hbm>> -> memref<8192x128xf32, #tpu.memory_space<hbm>>
    tpu.wait_indirect_dma semaphore(%arg12 : memref<!tpu.dma_semaphore, #tpu.memory_space<semaphore_mem>>) src(%dma_wait3A_981 : memref<128x128xf32, #tpu.memory_space<vmem>>) dst(%dma_wait3A_987 : memref<8192x128xf32, #tpu.memory_space<hbm>>)
    return
  }
}

</mosaic_0001>

<sc_bundles>
// kernel: kernel.3.cloned.1.call-start
scs
__scs_entry_jumppad:
0x0: {  	(pc) =	sbr.rel $0x88, $3  }
0x1: {  	(tag) =	ssettag $0x0;
	lr =	simm.s32 $0x1  }
0x2: {  	[smem:$0x3F9E] =	sst lr;
	_ =	strace $0xD0000000  }
0x3: {  	_ = 	snop  }
0x4: {  	_ = 	snop  }
0x5: {  	_ = 	snop  }
0x6: {  	_ = 	snop  }
0x7: {  	_ = 	snop  }
__scs_overlays_trampoline_lowered:
0x8: {  	[smem:$0x3FAD] =	sst s0  }
0x9: {  	[smem:$0x3FAE] =	sst s1  }
0xa: {  	[smem:$0x3FAF] =	sst s2  }
0xb: {  	[smem:$0x3FB0] =	sst s3  }
0xc: {  	[smem:$0x3FB1] =	sst s4  }
0xd: {  	[smem:$0x3FB2] =	sst s5  }
0xe: {  	[smem:$0x3FB3] =	sst s6  }
0xf: {  	[smem:$0x3FB4] =	sst s7  }
0x10: {  	[smem:$0x3FB5] =	sst s8  }
0x11: {  	[smem:$0x3FB6] =	sst s9;
	s0 =	simm.s32 @!p0 $0x0  }
0x12: {  	s1 =	sld [smem:$0x3F9C];
	s0 =	simm.s32 @p0 $0x1  }
0x13: {  	[smem:$0x3FB7] =	sst s0;
	s0 =	simm.s32 @!p1 $0x0  }
0x14: {  	s2 =	sld [smem:$0x3F9B];
	s0 =	simm.s32 @p1 $0x1  }
0x15: {  	[smem:$0x3FB8] =	sst s0;
	s0 =	simm.s32 @!p2 $0x0  }
0x16: {  	s3 =	sld [smem:$0x3FDB];
	s0 =	simm.s32 @p2 $0x1  }
0x17: {  	s4 =	simm.s32 $0x1BF5;
	[smem:$0x3FBA] =	sst s0  }
0x18: {  	s0 =	sld [smem:$0x3F9D];
	_ =	swait.ge [sflag:s4], $0x0  }
0x19: {  	s7 =	sld [smem:$0x3F9E]  }
0x1a: {  	s8 =	sadd.s32 $0xFFFFE003, lr  }
0x1b: {  	s9 =	sadd.s32 $0xFFFFFEF7, lr;
	s5 =	simm.s32 $0xFFFFFFFF;
	p2 =	slt.u32 s8, $0xFFFFF086  }
0x1c: {  	p1 =	slt.u32 s9, $0xF7A;
	s5 =	simm.s32 @!p2 $0x0  }
0x1d: {  	s5 =	simm.s32 @p1 $0x1;
	p0 =	seq.s32 s7, s2  }
0x1e: {  	s7 =	smul.u32 @!p0 $0xF7A, s2;
	p2 =	seq.s32 @!p0 s5, $0x0  }
0x1f: {  	s9 =	smul.u32 $0xF7A, s1;
	s8 =	simm.s32 @!p0 $0x1BF5;
	p2 =	por !p2, p0  }
0x20: {  	[sflag:s8] =	ssyncset.s32 @!p0 $0xFFFFF086;
	s6 =	sadd.s32 @!p0 s3, s7;
	s7 =	simm.s32 @!p0 $0x108  }
0x21: {  	s3 =	sadd.s32 s3, s9;
	s6 =	sadd.s32 @!p0 $0x88, s6;
	s7 =	simm.s32 @p2 $0x1082  }
0x22: {  	[simem:s7], [sflag:s8] =	dma.local @!p0 [hbm:s6], $0xF7A  }
0x23: {  	s9 =	sor.u32 $0xD0000000, s2;
	s6 =	simm.s32 $0x108;
	_ =	swait.ge @!p0 [sflag:s8], $0x0  }
0x24: {  	s3 =	sadd.s32 $0x88, s3;
	s6 =	simm.s32 @!p1 $0x1082;
	[sflag:s4] =	ssyncset.s32 $0xFFFFF086  }
0x25: {  	[simem:s6], [sflag:s4] =	dma.local [hbm:s3], $0xF7A  }
0x26: {  	[smem:$0x3F9E] =	sst s1;
	(tag) =	ssettag s2;
	_ =	strace s9  }
0x27: {  	s1 =	sld [smem:$0x3FAE]  }
0x28: {  	s2 =	sld [smem:$0x3FAF]  }
0x29: {  	s4 =	sld [smem:$0x3FB1]  }
0x2a: {  	p0 =	seq.s32 s5, $0x0;
	s5 =	sld [smem:$0x3FB2]  }
0x2b: {  	s6 =	sld [smem:$0x3FB3]  }
0x2c: {  	s7 =	sld [smem:$0x3FB4]  }
0x2d: {  	s3 =	simm.s32 $0x108;
	s8 =	sld [smem:$0x3FB5]  }
0x2e: {  	s3 =	simm.s32 @!p0 $0x1082;
	s9 =	sld [smem:$0x3FB6]  }
0x2f: {  	lr =	sadd.s32 s0, s3;
	s0 =	sld [smem:$0x3FAD]  }
0x30: {  	s3 =	sld [smem:$0x3FB0]  }
0x31: {  	[smem:$0x3FB9] =	sst s10  }
0x32: {  	s10 =	sld [smem:$0x3FB7];
	_ =	sdelay $0x3  }
0x33: {  	p0 =	seq.s32 s10, $0x1;
	s10 =	sld [smem:$0x3FB9];
	_ =	sdelay $0x3  }
0x34: {  	[smem:$0x3FB9] =	sst s10  }
0x35: {  	s10 =	sld [smem:$0x3FB8];
	_ =	sdelay $0x3  }
0x36: {  	p1 =	seq.s32 s10, $0x1;
	s10 =	sld [smem:$0x3FB9];
	_ =	sdelay $0x3  }
0x37: {  	[smem:$0x3FB9] =	sst s10  }
0x38: {  	s10 =	sld [smem:$0x3FBA]  }
0x39: {  	_ = 	snop;
	(pc) =	sbr.ind lr, $3  }
0x3a: {  	_ = 	snop  }
0x3b: {  	_ = 	snop  }
0x3c: {  	p2 =	seq.s32 s10, $0x1;
	s10 =	sld [smem:$0x3FB9]  }
0x3d: {  	_ =	shalt  }
0x3e: {  	_ =	shalt  }
0x3f: {  	_ =	shalt  }
0x40: {  	_ =	shalt  }
0x41: {  	_ =	shalt  }
0x42: {  	_ =	shalt  }
0x43: {  	_ =	shalt  }
0x44: {  	_ =	shalt  }
0x45: {  	_ =	shalt  }
0x46: {  	_ =	shalt  }
0x47: {  	_ =	shalt  }
0x48: {  	_ =	shalt  }
0x49: {  	_ =	shalt  }
0x4a: {  	_ =	shalt  }
0x4b: {  	_ =	shalt  }
0x4c: {  	_ =	shalt  }
0x4d: {  	_ =	shalt  }
0x4e: {  	_ =	shalt  }
0x4f: {  	_ =	shalt  }
0x50: {  	_ =	shalt  }
0x51: {  	_ =	shalt  }
0x52: {  	_ =	shalt  }
0x53: {  	_ =	shalt  }
0x54: {  	_ =	shalt  }
0x55: {  	_ =	shalt  }
0x56: {  	_ =	shalt  }
0x57: {  	_ =	shalt  }
0x58: {  	_ =	shalt  }
0x59: {  	_ =	shalt  }
0x5a: {  	_ =	shalt  }
0x5b: {  	_ =	shalt  }
0x5c: {  	_ =	shalt  }
0x5d: {  	_ =	shalt  }
0x5e: {  	_ =	shalt  }
0x5f: {  	_ =	shalt  }
0x60: {  	_ =	shalt  }
0x61: {  	_ =	shalt  }
0x62: {  	_ =	shalt  }
0x63: {  	_ =	shalt  }
0x64: {  	_ =	shalt  }
0x65: {  	_ =	shalt  }
0x66: {  	_ =	shalt  }
0x67: {  	_ =	shalt  }
0x68: {  	_ =	shalt  }
0x69: {  	_ =	shalt  }
0x6a: {  	_ =	shalt  }
0x6b: {  	_ =	shalt  }
0x6c: {  	_ =	shalt  }
0x6d: {  	_ =	shalt  }
0x6e: {  	_ =	shalt  }
0x6f: {  	_ =	shalt  }
0x70: {  	_ =	shalt  }
0x71: {  	_ =	shalt  }
0x72: {  	_ =	shalt  }
0x73: {  	_ =	shalt  }
0x74: {  	_ =	shalt  }
0x75: {  	_ =	shalt  }
0x76: {  	_ =	shalt  }
0x77: {  	_ =	shalt  }
0x78: {  	_ =	shalt  }
0x79: {  	_ =	shalt  }
0x7a: {  	_ =	shalt  }
0x7b: {  	_ =	shalt  }
0x7c: {  	_ =	shalt  }
0x7d: {  	_ =	shalt  }
0x7e: {  	_ =	shalt  }
0x7f: {  	_ =	shalt  }
0x80: {  	_ =	shalt  }
0x81: {  	_ =	shalt  }
0x82: {  	_ =	shalt  }
0x83: {  	_ =	shalt  }
0x84: {  	_ =	shalt  }
0x85: {  	_ =	shalt  }
0x86: {  	_ =	shalt  }
0x87: {  	_ =	shalt  }
.Lfunc_end0:
.L_simem_size_0:
called_computation_lowered:
.L_overlay_start_0:
0x88: {  	s2 =	sld [smem:$0x3FD9]  }
0x89: {  	s3 =	sld [smem:$0x3FFE];
	_ =	sdelay $0x1  }
0x8a: {  	s1 =	srdreg.scid  }
0x8b: {  	s0 =	sand.u32 $0x1, s1  }
0x8c: {  	s17 =	sshll.u32 s0, $0xA;
	s2 =	sadd.s32 s3, s2  }
0x8d: {  	s2 =	sadd.s32 s2, s17  }
0x8e: {  	[smem:$0x3FC5] =	sst s2  }
0x8f: {  	_ = 	snop  }
0x90: {  	s2 =	sld [smem:$0x3FC9]  }
0x91: {  	s18 =	sld [smem:$0x3FD0];
	(tm) =	ssettm $0x1  }
0x92: {  	s4 =	sld [smem:$0x3FFB];
	_ =	sdelay $0x3  }
0x93: {  	_ =	strace s4  }
0x94: {  	s4 =	sld [smem:$0x3FFC];
	_ =	sdelay $0x3  }
0x95: {  	_ =	strace s4  }
0x96: {  	s4 =	sld [smem:$0x3FFD];
	_ =	sdelay $0x3  }
0x97: {  	_ =	strace s4  }
0x98: {  	_ =	strace $0x8FFFFFFF  }
0x99: {  	s19 =	sld [smem:$0x3FDB];
	_ =	sdelay $0x1  }
0x9a: {  	s5 =	simm.s32 $_scs_section_size  }
0x9b: {  	s6 =	simm.s32 $_size__tile_overlayer_lowered;
	s7 =	simm.s32 $_tile_overlayer_lowered  }
0x9c: {  	s22 =	simm.s32 $0x1BFF;
	s21 =	sshll.u32 s7, $0x1;
	s4 =	sadd.s32 s5, s19  }
0x9d: {  	s8 =	simm.s32 $0x0;
	s20 =	sshll.u32 s6, $0x1;
	s6 =	sadd.s32 s21, s4  }
0x9e: {  	[timem:s8], [sflag:s22] =	dma.local [hbm:s6], s20  }
0x9f: {  	_ =	swait.ge [sflag:s22], s20  }
0xa0: {  	s5 =	ssub.s32 $0x0, s20;
	[sflag:s22] =	ssyncset.done $0x0  }
0xa1: {  	[sflag:s22] =	ssyncadd.s32 s5;
	_ =	sdelay $0x1  }
0xa2: {  	s23 =	simm.s32 $0x1B8B  }
0xa3: {  	_ =	swait.ge [sflag:s23], $0x1  }
0xa4: {  	[sflag:s23] =	ssyncset.done $0x0  }
0xa5: {  	s25 =	simm.s32 $0x1B8E;
	s24 =	sld [smem:$0x3FFE];
	[sflag:s23] =	ssyncadd.s32 $0xFFFFFFFF  }
0xa6: {  	s26 =	simm.s32 $execute0_lowered;
	[smem:$0x3FD2] =	sst s25  }
0xa7: {  	s6 =	sshll.u32 s26, $0x1;
	_ =	strace $0x80000046;
	[dreg:$0x1] =	wrdreg $0xFFFFFFFF  }
0xa8: {  	s28 =	simm.s32 $_size_execute0_lowered;
	s4 =	sadd.s32 s4, s6;
	[dreg:$0x0] =	wrdreg $0x0  }
0xa9: {  	s6 =	sshll.u32 s28, $0x1;
	[dreg:$0x2] =	wrdreg s4  }
0xaa: {  	[dreg:$0x3] =	wrdreg s6  }
0xab: {  	[dreg:$0x4] =	wrdreg $0xC0  }
0xac: {  	_ =	task [dreg:s8], $0x5FFFF  }
0xad: {  	[dreg:$0x1] =	wrdreg $0xFFFFFFFF  }
0xae: {  	[dreg:$0x0] =	wrdreg $0x60  }
0xaf: {  	[dreg:$0x2] =	wrdreg s2  }
0xb0: {  	[dreg:$0x3] =	wrdreg s24  }
0xb1: {  	[dreg:$0x4] =	wrdreg s18  }
0xb2: {  	[dreg:$0x5] =	wrdreg $0x9  }
0xb3: {  	_ =	task.clear_ibuf [dreg:s8], $0x6FFFF;
	_ =	strace $0x90000046  }
0xb4: {  	s29 =	simm.s32 $0x9;
	_ =	strace $0x80000048  }
0xb5: {  	_ =	swait.ge [sflag:s29], $0x1  }
0xb6: {  	[sflag:s29] =	ssyncadd.s32 $0xFFFFFFFF  }
0xb7: {  	_ =	strace $0x90000048  }
0xb8: {  	_ =	sfence  }
0xb9: {  	s30 =	sld [smem:$0x0];
	_ =	sdelay $0x2  }
0xba: {  	s31 =	sshll.u32 s1, $0xD;
	s1 =	sshrl.u32 s1, $0x2  }
0xbb: {  	s3 =	sand.u32 $0x4000, s31;
	s1 =	sadd.s32 s1, s30  }
0xbc: {  	s0 =	sor.u32 s3, s0;
	s1 =	sshll.u32 s1, $0x11  }
0xbd: {  	s0 =	sor.u32 s1, s0  }
0xbe: {  	s0 =	sadd.s32 $0x8F2B, s0  }
0xbf: {  	[sflag:s0] =	ssyncadd.remote.s32 $0x1  }
0xc0: {  	_ =	sfence.sel $0xFFFF  }
0xc1: {  	[dreg:$0x0] =	wrdreg $0xFFFFFFFF;
	(pc) =	sbr.abs _section_cstart, $3  }
0xc2: {  	[dreg:$0x1] =	wrdreg $0xFFFFFFFF  }
0xc3: {  	_ =	task.clear_ibuf [dreg:s8], $0x2FFFF;
	_ =	strace $0x9FFFFFFF  }
0xc4: {  	(tm) =	ssettm $0x7FFFFFFF  }
0xc5: {  	_ =	shalt  }
tec
execute0_lowered:
.L_overlay_start_1:
0x0: {  	(tag) =	ssettag $0x1  }
0x1: {  	v13 =	vlaneseq.u32;
	v24 =	vimm.s32 $0x0  }
0x2: {  	v25 =	vimm.s32 $0x3F800000;
	v26 =	vimm.s32 $0x1;
	v27 =	vimm.s32 $0x2  }
0x3: {  	v28 =	vimm.s32 $0x3;
	v29 =	vimm.s32 $0x4;
	v30 =	vimm.s32 $0x5  }
0x4: {  	v31 =	vimm.s32 $0x6;
	v32 =	vimm.s32 $0x7;
	v33 =	vimm.s32 $0x8  }
0x5: {  	s1 =	srdreg.scid;
	v34 =	vimm.s32 $0x9;
	v35 =	vimm.s32 $0xA;
	v36 =	vimm.s32 $0xB  }
0x6: {  	s0 =	stileid.u32;
	s7 =	rddreg [dreg:$0x1];
	v37 =	vimm.s32 $0xC;
	v38 =	vimm.s32 $0xD;
	v8 =	vmul.u32 $0x40, v13  }
0x7: {  	s3 =	rddreg [dreg:$0x2];
	s4 =	simm.s32 $0x0;
	s10 =	simm.s32 $0x80;
	v39 =	vimm.s32 $0xE;
	v40 =	vimm.s32 $0xF;
	v13 =	vmul.u32 $0x1000, v13  }
0x8: {  	s11 =	simm.s32 $0x200;
	s12 =	simm.s32 $0x400;
	s5 =	sand.u32 $0x1, s1;
	v9 =	vor.u32 $0x400, v8;
	v10 =	vor.u32 $0x800, v8;
	v11 =	vor.u32 $0xC00, v8  }
0x9: {  	s13 =	simm.s32 $0x4;
	s30 =	sshll.u32 s0, $0x2;
	s2 =	sshll.u32 s5, $0x1;
	v12 =	vor.u32 $0x1000, v8;
	v14 =	vor.u32 $0x1400, v8;
	v15 =	vor.u32 $0x1800, v8  }
0xa: {  	s14 =	simm.s32 $0x280;
	s15 =	simm.s32 $0x4400;
	s6 =	sor.u32 s2, s30;
	v16 =	vor.u32 $0x1C00, v8;
	v17 =	vor.u32 $0x10000, v13;
	v18 =	vor.u32 $0x20000, v13  }
0xb: {  	s16 =	simm.s32 $0x2;
	s17 =	simm.s32 $0x300;
	s18 =	simm.s32 $0x3;
	v19 =	vor.u32 $0x30000, v13;
	v20 =	vor.u32 $0x40000, v13;
	v0 =	vor.u32 s6, v8  }
0xc: {  	s19 =	simm.s32 $0x380;
	s20 =	simm.s32 $0x0;
	s1 =	rddreg [dreg:$0x0];
	v1 =	vor.u32 s6, v9;
	v2 =	vor.u32 s6, v10;
	v3 =	vor.u32 s6, v11  }
0xd: {  	[smem:$0x7FF] =	sst s4;
	s5 =	ssub.s32 $0x2, s5;
	v4 =	vor.u32 s6, v12;
	s8 =	sor.u32 $0x1, s6;
	v5 =	vor.u32 s6, v14;
	v6 =	vor.u32 s6, v15  }
0xe: {  	s7 =	sadd.s32 $0x400, s7;
	s2 =	rddreg [dreg:$0x3];
	s9 =	sshrl.u32 s5, $0x1;
	v7 =	vor.u32 s6, v16;
	v8 =	vor.u32 s8, v8;
	v9 =	vor.u32 s8, v9  }
0xf: {  	_ =	strace $0x80000047;
	s6 =	sshll.u32 s6, $0x5;
	s9 =	ssub.s32 s5, s9;
	v10 =	vor.u32 s8, v10;
	v11 =	vor.u32 s8, v11;
	v12 =	vor.u32 s8, v12  }
0x10: {  	v14 =	vor.u32 s8, v14;
	v15 =	vor.u32 s8, v15;
	v16 =	vor.u32 s8, v16;
	s5 =	sadd.s32 s7, s6;
	s31 =	sshll.u32 s8, $0x5;
	s8 =	simm.s32 $0x100  }
0x11: {  	v21 =	vor.u32 $0x50000, v13;
	v22 =	vor.u32 $0x60000, v13;
	v23 =	vor.u32 $0x70000, v13;
	s6 =	sadd.s32 s7, s31;
	s7 =	smax.u32 s9, $0x1;
	s9 =	simm.s32 $0x1  }
.LBB2_1:
0x12: {  	[tilespmem:s4], [sflag:$0x1] =	stream.linear.gather [hbm4b:s5+s4], $0x100, $0x38;
	[tilespmem:$0x8400] =	vst v63  }
0x13: {  	_ = 	snop  }
0x14: {  	[tilespmem:s8], [sflag:$0x4] =	stream.linear.gather [hbm4b:s6+s4], $0x100, $0x38;
	[tilespmem:$0x8400] =	vst v63  }
0x15: {  	_ =	swait.ge [sflag:s9], $0x100  }
0x16: {  	[sflag:s9] =	ssyncset.done $0x0  }
0x17: {  	[sflag:s9] =	ssyncadd.s32 $0xFFFFFF00  }
0x18: {  	v41 =	vld [tilespmem:$0x0]  }
0x19: {  	v42 =	vld [tilespmem:$0x80]  }
0x1a: {  	v43 =	vld [tilespmem:$0x10]  }
0x1b: {  	v44 =	vld [tilespmem:$0x90]  }
0x1c: {  	v45 =	vld [tilespmem:$0x20]  }
0x1d: {  	v46 =	vld [tilespmem:$0xA0]  }
0x1e: {  	v47 =	vld [tilespmem:$0x30]  }
0x1f: {  	v63 =	vld [tilespmem:$0xB0]  }
0x20: {  	v48 =	vld [tilespmem:$0x40]  }
0x21: {  	v58 =	vld [tilespmem:$0xD0]  }
0x22: {  	[tilespmem:$0x300] =	vst v0;
	v41 =	vshll.u32 v41, $0x6  }
0x23: {  	v53 =	vld [tilespmem:$0xC0];
	[tilespmem:$0x310] =	vst v1;
	v42 =	vand.u32 $0x3F, v42;
	v62 =	vshll.u32 v43, $0x6;
	v44 =	vand.u32 $0x3F, v44  }
0x24: {  	v55 =	vld [tilespmem:$0x50];
	[tilespmem:$0x320] =	vst v2;
	v52 =	vshll.u32 v45, $0x6;
	v54 =	vand.u32 $0x3F, v46;
	v57 =	vshll.u32 v47, $0x6  }
0x25: {  	v59 =	vld [tilespmem:$0x60];
	[tilespmem:$0x330] =	vst v3;
	v43 =	vand.u32 $0x3F, v63;
	v61 =	vshll.u32 v48, $0x6;
	v41 =	vand.u32 $0xFC0, v41  }
0x26: {  	[tilespmem:$0x340] =	vst v4;
	v45 =	vand.u32 $0x3F, v58;
	v41 =	vor.u32 v42, v41;
	v42 =	vand.u32 $0xFC0, v62  }
0x27: {  	[tilespmem:$0x350] =	vst v5;
	v63 =	vld [tilespmem:$0x70];
	v41 =	vor.u32 v13, v41;
	v51 =	vor.u32 v44, v42;
	v42 =	vand.u32 $0xFC0, v52  }
0x28: {  	v62 =	vld [tilespmem:$0xE0];
	v44 =	vand.u32 $0x3F, v53;
	[tilespmem:$0x200] =	vst v41;
	v41 =	vor.u32 v17, v51;
	v56 =	vor.u32 v54, v42  }
0x29: {  	v53 =	vshll.u32 v55, $0x6;
	v42 =	vand.u32 $0xFC0, v57;
	v54 =	vld [tilespmem:$0xF0];
	[tilespmem:$0x210] =	vst v41;
	v41 =	vor.u32 v18, v56  }
0x2a: {  	[tilespmem:$0x360] =	vst v6;
	v60 =	vor.u32 v43, v42;
	v42 =	vand.u32 $0xFC0, v61;
	v56 =	vshll.u32 v59, $0x6  }
0x2b: {  	[tilespmem:$0x220] =	vst v41;
	v41 =	vor.u32 v19, v60;
	v52 =	vor.u32 v44, v42;
	v42 =	vand.u32 $0xFC0, v53  }
0x2c: {  	v58 =	vshll.u32 v63, $0x6;
	[tilespmem:$0x230] =	vst v41;
	v41 =	vor.u32 v20, v52;
	v55 =	vor.u32 v45, v42  }
0x2d: {  	v42 =	vand.u32 $0xFC0, v56;
	v43 =	vand.u32 $0x3F, v62;
	[tilespmem:$0x240] =	vst v41;
	v41 =	vor.u32 v21, v55  }
0x2e: {  	[tilespmem:$0x370] =	vst v7;
	v57 =	vor.u32 v43, v42;
	v42 =	vand.u32 $0xFC0, v58;
	v59 =	vand.u32 $0x3F, v54  }
0x2f: {  	[tilespmem:$0x250] =	vst v41;
	v41 =	vor.u32 v22, v57;
	v60 =	vor.u32 v59, v42  }
0x30: {  	[tilespmem:$0x260] =	vst v41;
	v41 =	vor.u32 v23, v60  }
0x31: {  	[tilespmem:$0x270] =	vst v41  }
0x32: {  	[tilespmem:s12], [sflag:$0x2] =	stream.indirect.gather [hbm4b:s1+s10], $0x80, s11, s10, $0xb8;
	[tilespmem:$0x8400] =	vst v63  }
0x33: {  	_ =	swait.ge [sflag:s13], $0x100  }
0x34: {  	[sflag:s13] =	ssyncset.done $0x0  }
0x35: {  	[sflag:s13] =	ssyncadd.s32 $0xFFFFFF00  }
0x36: {  	v61 =	vld [tilespmem:$0x100]  }
0x37: {  	v62 =	vld [tilespmem:$0x180]  }
0x38: {  	v63 =	vld [tilespmem:$0x110]  }
0x39: {  	v52 =	vld [tilespmem:$0x190]  }
0x3a: {  	v53 =	vld [tilespmem:$0x120]  }
0x3b: {  	v54 =	vld [tilespmem:$0x1A0]  }
0x3c: {  	v55 =	vld [tilespmem:$0x130]  }
0x3d: {  	v56 =	vld [tilespmem:$0x1B0]  }
0x3e: {  	v49 =	vld [tilespmem:$0x140]  }
0x3f: {  	v58 =	vld [tilespmem:$0x1C0]  }
0x40: {  	v50 =	vld [tilespmem:$0x150]  }
0x41: {  	v51 =	vld [tilespmem:$0x160]  }
0x42: {  	[tilespmem:$0x380] =	vst v8;
	v41 =	vshll.u32 v61, $0x6;
	v42 =	vand.u32 $0x3F, v62  }
0x43: {  	[tilespmem:$0x390] =	vst v9;
	v57 =	vshll.u32 v63, $0x6;
	v44 =	vand.u32 $0x3F, v52;
	v45 =	vshll.u32 v53, $0x6  }
0x44: {  	[tilespmem:$0x3A0] =	vst v10;
	v60 =	vshll.u32 v55, $0x6;
	v46 =	vand.u32 $0x3F, v54;
	v48 =	vand.u32 $0x3F, v56;
	v63 =	vld [tilespmem:$0x1E0]  }
0x45: {  	[tilespmem:$0x3B0] =	vst v11;
	v61 =	vld [tilespmem:$0x1D0];
	v62 =	vshll.u32 v49, $0x6;
	v43 =	vand.u32 $0x3F, v58;
	v53 =	vshll.u32 v50, $0x6  }
0x46: {  	[tilespmem:$0x3C0] =	vst v12;
	v58 =	vshll.u32 v51, $0x6;
	v41 =	vand.u32 $0xFC0, v41;
	v59 =	vand.u32 $0xFC0, v45  }
0x47: {  	[tilespmem:$0x3D0] =	vst v14;
	v45 =	vand.u32 $0xFC0, v60;
	v41 =	vor.u32 v42, v41;
	v42 =	vand.u32 $0xFC0, v57  }
0x48: {  	[tilespmem:$0x3E0] =	vst v15;
	v42 =	vor.u32 v44, v42;
	v44 =	vor.u32 v46, v59;
	v46 =	vand.u32 $0xFC0, v62;
	v62 =	vld [tilespmem:$0x170]  }
0x49: {  	[tilespmem:$0x3F0] =	vst v16;
	v41 =	vor.u32 v13, v41;
	v52 =	vor.u32 v43, v46;
	v60 =	vand.u32 $0x3F, v63;
	v63 =	vld [tilespmem:$0x1F0]  }
0x4a: {  	[tilespmem:$0x280] =	vst v41;
	v42 =	vor.u32 v17, v42;
	v43 =	vand.u32 $0xFC0, v53;
	v55 =	vand.u32 $0x3F, v61  }
0x4b: {  	v59 =	vand.u32 $0xFC0, v58;
	[tilespmem:$0x290] =	vst v42;
	v41 =	vor.u32 v20, v52;
	v56 =	vor.u32 v55, v43  }
0x4c: {  	[tilespmem:$0x2C0] =	vst v41;
	v61 =	vor.u32 v60, v59;
	v42 =	vor.u32 v21, v56  }
0x4d: {  	v45 =	vor.u32 v48, v45;
	v41 =	vor.u32 v22, v61;
	[tilespmem:$0x2D0] =	vst v42;
	v42 =	vshll.u32 v62, $0x6  }
0x4e: {  	v57 =	vor.u32 v19, v45;
	[tilespmem:$0x2E0] =	vst v41;
	v42 =	vand.u32 $0xFC0, v42;
	v41 =	vand.u32 $0x3F, v63  }
0x4f: {  	v54 =	vor.u32 v18, v44;
	[tilespmem:$0x2B0] =	vst v57;
	v41 =	vor.u32 v41, v42  }
0x50: {  	[tilespmem:$0x2A0] =	vst v54;
	v41 =	vor.u32 v23, v41  }
0x51: {  	[tilespmem:$0x2F0] =	vst v41  }
0x52: {  	[tilespmem:s15], [sflag:$0x3] =	stream.indirect.gather [hbm4b:s1+s10], $0x80, s14, s10, $0xb8;
	[tilespmem:$0x8400] =	vst v63  }
0x53: {  	_ =	swait.ge [sflag:s16], $0x4000  }
0x54: {  	[sflag:s16] =	ssyncset.done $0x0  }
0x55: {  	s21 =	simm.s32 $0x0;
	[sflag:s16] =	ssyncadd.s32 $0xFFFFC000  }
.LBB2_2:
0x56: {  	s22 =	sshll.u32 s21, $0x4  }
0x57: {  	s22 =	sand.u32 $0x3FFFFFF0, s22  }
0x58: {  	v41 =	vld [tilespmem:s22+$0x0];
	_ =	sdelay $0x1  }
0x59: {  	s31 =	sshll.u32 s21, $0xB  }
0x5a: {  	s22 =	sand.u32 $0x3FFFF800, s31  }
0x5b: {  	v42 =	vld [tilespmem:s22+$0x400]  }
0x5c: {  	v43 =	vld [tilespmem:s22+$0x410];
	vm0 =	vlt.s32 v41, $0x0  }
0x5d: {  	v44 =	vld [tilespmem:s22+$0x420];
	v41 =	vsel vm0, $0x0, v25  }
0x5e: {  	v46 =	vld [tilespmem:s22+$0x430];
	v45 =	vperm.xlane v41, v24  }
0x5f: {  	v47 =	vld [tilespmem:s22+$0x440]  }
0x60: {  	v48 =	vld [tilespmem:s22+$0x450];
	v42 =	vmul.f32 v45, v42  }
0x61: {  	v49 =	vld [tilespmem:s22+$0x460];
	v43 =	vmul.f32 v45, v43  }
0x62: {  	v60 =	vld [tilespmem:s22+$0x470];
	v59 =	vmul.f32 v45, v44;
	[tilespmem:s22+$0x400] =	vst v42  }
0x63: {  	v62 =	vld [tilespmem:s22+$0x480];
	v61 =	vmul.f32 v45, v46;
	[tilespmem:s22+$0x410] =	vst v43  }
0x64: {  	v52 =	vld [tilespmem:s22+$0x490];
	v63 =	vmul.f32 v45, v47;
	[tilespmem:s22+$0x420] =	vst v59  }
0x65: {  	v54 =	vld [tilespmem:s22+$0x4A0];
	v53 =	vmul.f32 v45, v48;
	[tilespmem:s22+$0x430] =	vst v61  }
0x66: {  	v50 =	vld [tilespmem:s22+$0x4B0];
	v55 =	vmul.f32 v45, v49;
	v49 =	vperm.xlane v41, v26;
	[tilespmem:s22+$0x440] =	vst v63  }
0x67: {  	v57 =	vld [tilespmem:s22+$0x4C0];
	v56 =	vmul.f32 v45, v60;
	[tilespmem:s22+$0x450] =	vst v53  }
0x68: {  	[tilespmem:s22+$0x460] =	vst v55;
	v58 =	vmul.f32 v49, v62;
	v59 =	vld [tilespmem:s22+$0x4D0]  }
0x69: {  	[tilespmem:s22+$0x470] =	vst v56;
	v60 =	vmul.f32 v49, v52;
	v61 =	vld [tilespmem:s22+$0x4E0]  }
0x6a: {  	v62 =	vmul.f32 v49, v54;
	v63 =	vld [tilespmem:s22+$0x4F0];
	[tilespmem:s22+$0x480] =	vst v58  }
0x6b: {  	v52 =	vmul.f32 v49, v50;
	v53 =	vld [tilespmem:s22+$0x500];
	[tilespmem:s22+$0x490] =	vst v60  }
0x6c: {  	v54 =	vmul.f32 v49, v57;
	v55 =	vld [tilespmem:s22+$0x510];
	[tilespmem:s22+$0x4A0] =	vst v62  }
0x6d: {  	v57 =	vld [tilespmem:s22+$0x520];
	[tilespmem:s22+$0x4B0] =	vst v52;
	v56 =	vmul.f32 v49, v59  }
0x6e: {  	v46 =	vperm.xlane v41, v27;
	[tilespmem:s22+$0x4C0] =	vst v54;
	v58 =	vmul.f32 v49, v61;
	v59 =	vld [tilespmem:s22+$0x530]  }
0x6f: {  	v60 =	vmul.f32 v49, v63;
	v61 =	vld [tilespmem:s22+$0x540];
	[tilespmem:s22+$0x4D0] =	vst v56  }
0x70: {  	v62 =	vmul.f32 v46, v53;
	v63 =	vld [tilespmem:s22+$0x550];
	[tilespmem:s22+$0x4E0] =	vst v58  }
0x71: {  	v52 =	vmul.f32 v46, v55;
	v53 =	vld [tilespmem:s22+$0x560];
	[tilespmem:s22+$0x4F0] =	vst v60  }
0x72: {  	v54 =	vmul.f32 v46, v57;
	v55 =	vld [tilespmem:s22+$0x570];
	[tilespmem:s22+$0x500] =	vst v62  }
0x73: {  	v57 =	vld [tilespmem:s22+$0x580];
	[tilespmem:s22+$0x510] =	vst v52;
	v56 =	vmul.f32 v46, v59  }
0x74: {  	[tilespmem:s22+$0x520] =	vst v54;
	v58 =	vmul.f32 v46, v61;
	v59 =	vld [tilespmem:s22+$0x590]  }
0x75: {  	v60 =	vmul.f32 v46, v63;
	v61 =	vld [tilespmem:s22+$0x5A0];
	[tilespmem:s22+$0x530] =	vst v56  }
0x76: {  	v44 =	vperm.xlane v41, v28;
	v62 =	vmul.f32 v46, v53;
	v63 =	vld [tilespmem:s22+$0x5B0];
	[tilespmem:s22+$0x540] =	vst v58  }
0x77: {  	v52 =	vmul.f32 v46, v55;
	v53 =	vld [tilespmem:s22+$0x5C0];
	[tilespmem:s22+$0x550] =	vst v60  }
0x78: {  	v54 =	vmul.f32 v44, v57;
	v55 =	vld [tilespmem:s22+$0x5D0];
	[tilespmem:s22+$0x560] =	vst v62  }
0x79: {  	v57 =	vld [tilespmem:s22+$0x5E0];
	[tilespmem:s22+$0x570] =	vst v52;
	v56 =	vmul.f32 v44, v59  }
0x7a: {  	[tilespmem:s22+$0x580] =	vst v54;
	v58 =	vmul.f32 v44, v61;
	v59 =	vld [tilespmem:s22+$0x5F0]  }
0x7b: {  	v60 =	vmul.f32 v44, v63;
	v61 =	vld [tilespmem:s22+$0x600];
	[tilespmem:s22+$0x590] =	vst v56  }
0x7c: {  	v62 =	vmul.f32 v44, v53;
	v63 =	vld [tilespmem:s22+$0x610];
	[tilespmem:s22+$0x5A0] =	vst v58  }
0x7d: {  	v52 =	vmul.f32 v44, v55;
	v53 =	vld [tilespmem:s22+$0x620];
	[tilespmem:s22+$0x5B0] =	vst v60  }
0x7e: {  	v47 =	vperm.xlane v41, v29;
	v54 =	vmul.f32 v44, v57;
	v55 =	vld [tilespmem:s22+$0x630];
	[tilespmem:s22+$0x5C0] =	vst v62  }
0x7f: {  	v57 =	vld [tilespmem:s22+$0x640];
	[tilespmem:s22+$0x5D0] =	vst v52;
	v56 =	vmul.f32 v44, v59  }
0x80: {  	[tilespmem:s22+$0x5E0] =	vst v54;
	v58 =	vmul.f32 v47, v61;
	v59 =	vld [tilespmem:s22+$0x650]  }
0x81: {  	v60 =	vmul.f32 v47, v63;
	v61 =	vld [tilespmem:s22+$0x660];
	[tilespmem:s22+$0x5F0] =	vst v56  }
0x82: {  	v62 =	vmul.f32 v47, v53;
	v63 =	vld [tilespmem:s22+$0x670];
	[tilespmem:s22+$0x600] =	vst v58  }
0x83: {  	v52 =	vmul.f32 v47, v55;
	v53 =	vld [tilespmem:s22+$0x680];
	[tilespmem:s22+$0x610] =	vst v60  }
0x84: {  	v54 =	vmul.f32 v47, v57;
	v55 =	vld [tilespmem:s22+$0x690];
	[tilespmem:s22+$0x620] =	vst v62  }
0x85: {  	v57 =	vld [tilespmem:s22+$0x6A0];
	[tilespmem:s22+$0x630] =	vst v52;
	v56 =	vmul.f32 v47, v59  }
0x86: {  	v45 =	vperm.xlane v41, v30;
	[tilespmem:s22+$0x640] =	vst v54;
	v58 =	vmul.f32 v47, v61;
	v59 =	vld [tilespmem:s22+$0x6B0]  }
0x87: {  	v60 =	vmul.f32 v47, v63;
	v61 =	vld [tilespmem:s22+$0x6C0];
	[tilespmem:s22+$0x650] =	vst v56  }
0x88: {  	v62 =	vmul.f32 v45, v53;
	v63 =	vld [tilespmem:s22+$0x6D0];
	[tilespmem:s22+$0x660] =	vst v58  }
0x89: {  	v52 =	vmul.f32 v45, v55;
	v53 =	vld [tilespmem:s22+$0x6E0];
	[tilespmem:s22+$0x670] =	vst v60  }
0x8a: {  	v54 =	vmul.f32 v45, v57;
	v55 =	vld [tilespmem:s22+$0x6F0];
	[tilespmem:s22+$0x680] =	vst v62  }
0x8b: {  	v57 =	vld [tilespmem:s22+$0x700];
	[tilespmem:s22+$0x690] =	vst v52;
	v56 =	vmul.f32 v45, v59  }
0x8c: {  	[tilespmem:s22+$0x6A0] =	vst v54;
	v58 =	vmul.f32 v45, v61;
	v59 =	vld [tilespmem:s22+$0x710]  }
0x8d: {  	v60 =	vmul.f32 v45, v63;
	v61 =	vld [tilespmem:s22+$0x720];
	[tilespmem:s22+$0x6B0] =	vst v56  }
0x8e: {  	v44 =	vperm.xlane v41, v31;
	v62 =	vmul.f32 v45, v53;
	v63 =	vld [tilespmem:s22+$0x730];
	[tilespmem:s22+$0x6C0] =	vst v58  }
0x8f: {  	v52 =	vmul.f32 v45, v55;
	v53 =	vld [tilespmem:s22+$0x740];
	[tilespmem:s22+$0x6D0] =	vst v60  }
0x90: {  	v54 =	vmul.f32 v44, v57;
	v55 =	vld [tilespmem:s22+$0x750];
	[tilespmem:s22+$0x6E0] =	vst v62  }
0x91: {  	v57 =	vld [tilespmem:s22+$0x760];
	[tilespmem:s22+$0x6F0] =	vst v52;
	v56 =	vmul.f32 v44, v59  }
0x92: {  	[tilespmem:s22+$0x700] =	vst v54;
	v58 =	vmul.f32 v44, v61;
	v59 =	vld [tilespmem:s22+$0x770]  }
0x93: {  	v60 =	vmul.f32 v44, v63;
	v61 =	vld [tilespmem:s22+$0x780];
	[tilespmem:s22+$0x710] =	vst v56  }
0x94: {  	v62 =	vmul.f32 v44, v53;
	v63 =	vld [tilespmem:s22+$0x790];
	[tilespmem:s22+$0x720] =	vst v58  }
0x95: {  	v52 =	vmul.f32 v44, v55;
	v53 =	vld [tilespmem:s22+$0x7A0];
	[tilespmem:s22+$0x730] =	vst v60  }
0x96: {  	v46 =	vperm.xlane v41, v32;
	v54 =	vmul.f32 v44, v57;
	v55 =	vld [tilespmem:s22+$0x7B0];
	[tilespmem:s22+$0x740] =	vst v62  }
0x97: {  	v57 =	vld [tilespmem:s22+$0x7C0];
	[tilespmem:s22+$0x750] =	vst v52;
	v56 =	vmul.f32 v44, v59  }
0x98: {  	[tilespmem:s22+$0x760] =	vst v54;
	v58 =	vmul.f32 v46, v61;
	v59 =	vld [tilespmem:s22+$0x7D0]  }
0x99: {  	v60 =	vmul.f32 v46, v63;
	v61 =	vld [tilespmem:s22+$0x7E0];
	[tilespmem:s22+$0x770] =	vst v56  }
0x9a: {  	v62 =	vmul.f32 v46, v53;
	v63 =	vld [tilespmem:s22+$0x7F0];
	[tilespmem:s22+$0x780] =	vst v58  }
0x9b: {  	v52 =	vmul.f32 v46, v55;
	v53 =	vld [tilespmem:s22+$0x800];
	[tilespmem:s22+$0x790] =	vst v60  }
0x9c: {  	v54 =	vmul.f32 v46, v57;
	v55 =	vld [tilespmem:s22+$0x810];
	[tilespmem:s22+$0x7A0] =	vst v62  }
0x9d: {  	v57 =	vld [tilespmem:s22+$0x820];
	[tilespmem:s22+$0x7B0] =	vst v52;
	v56 =	vmul.f32 v46, v59  }
0x9e: {  	v45 =	vperm.xlane v41, v33;
	[tilespmem:s22+$0x7C0] =	vst v54;
	v58 =	vmul.f32 v46, v61;
	v59 =	vld [tilespmem:s22+$0x830]  }
0x9f: {  	v60 =	vmul.f32 v46, v63;
	v61 =	vld [tilespmem:s22+$0x840];
	[tilespmem:s22+$0x7D0] =	vst v56  }
0xa0: {  	v62 =	vmul.f32 v45, v53;
	v63 =	vld [tilespmem:s22+$0x850];
	[tilespmem:s22+$0x7E0] =	vst v58  }
0xa1: {  	v52 =	vmul.f32 v45, v55;
	v53 =	vld [tilespmem:s22+$0x860];
	[tilespmem:s22+$0x7F0] =	vst v60  }
0xa2: {  	v54 =	vmul.f32 v45, v57;
	v55 =	vld [tilespmem:s22+$0x870];
	[tilespmem:s22+$0x800] =	vst v62  }
0xa3: {  	v57 =	vld [tilespmem:s22+$0x880];
	[tilespmem:s22+$0x810] =	vst v52;
	v56 =	vmul.f32 v45, v59  }
0xa4: {  	[tilespmem:s22+$0x820] =	vst v54;
	v58 =	vmul.f32 v45, v61;
	v59 =	vld [tilespmem:s22+$0x890]  }
0xa5: {  	v60 =	vmul.f32 v45, v63;
	v61 =	vld [tilespmem:s22+$0x8A0];
	[tilespmem:s22+$0x830] =	vst v56  }
0xa6: {  	v44 =	vperm.xlane v41, v34;
	v62 =	vmul.f32 v45, v53;
	v63 =	vld [tilespmem:s22+$0x8B0];
	[tilespmem:s22+$0x840] =	vst v58  }
0xa7: {  	v52 =	vmul.f32 v45, v55;
	v53 =	vld [tilespmem:s22+$0x8C0];
	[tilespmem:s22+$0x850] =	vst v60  }
0xa8: {  	v54 =	vmul.f32 v44, v57;
	v55 =	vld [tilespmem:s22+$0x8D0];
	[tilespmem:s22+$0x860] =	vst v62  }
0xa9: {  	v57 =	vld [tilespmem:s22+$0x8E0];
	[tilespmem:s22+$0x870] =	vst v52;
	v56 =	vmul.f32 v44, v59  }
0xaa: {  	[tilespmem:s22+$0x880] =	vst v54;
	v58 =	vmul.f32 v44, v61;
	v59 =	vld [tilespmem:s22+$0x8F0]  }
0xab: {  	v60 =	vmul.f32 v44, v63;
	v61 =	vld [tilespmem:s22+$0x900];
	[tilespmem:s22+$0x890] =	vst v56  }
0xac: {  	v62 =	vmul.f32 v44, v53;
	v63 =	vld [tilespmem:s22+$0x910];
	[tilespmem:s22+$0x8A0] =	vst v58  }
0xad: {  	v52 =	vmul.f32 v44, v55;
	v53 =	vld [tilespmem:s22+$0x920];
	[tilespmem:s22+$0x8B0] =	vst v60  }
0xae: {  	v46 =	vperm.xlane v41, v35;
	v54 =	vmul.f32 v44, v57;
	v55 =	vld [tilespmem:s22+$0x930];
	[tilespmem:s22+$0x8C0] =	vst v62  }
0xaf: {  	v57 =	vld [tilespmem:s22+$0x940];
	[tilespmem:s22+$0x8D0] =	vst v52;
	v56 =	vmul.f32 v44, v59  }
0xb0: {  	[tilespmem:s22+$0x8E0] =	vst v54;
	v58 =	vmul.f32 v46, v61;
	v59 =	vld [tilespmem:s22+$0x950]  }
0xb1: {  	v60 =	vmul.f32 v46, v63;
	v61 =	vld [tilespmem:s22+$0x960];
	[tilespmem:s22+$0x8F0] =	vst v56  }
0xb2: {  	v62 =	vmul.f32 v46, v53;
	v63 =	vld [tilespmem:s22+$0x970];
	[tilespmem:s22+$0x900] =	vst v58  }
0xb3: {  	v52 =	vmul.f32 v46, v55;
	v53 =	vld [tilespmem:s22+$0x980];
	[tilespmem:s22+$0x910] =	vst v60  }
0xb4: {  	v54 =	vmul.f32 v46, v57;
	v55 =	vld [tilespmem:s22+$0x990];
	[tilespmem:s22+$0x920] =	vst v62  }
0xb5: {  	v57 =	vld [tilespmem:s22+$0x9A0];
	[tilespmem:s22+$0x930] =	vst v52;
	v56 =	vmul.f32 v46, v59  }
0xb6: {  	v45 =	vperm.xlane v41, v36;
	[tilespmem:s22+$0x940] =	vst v54;
	v58 =	vmul.f32 v46, v61;
	v59 =	vld [tilespmem:s22+$0x9B0]  }
0xb7: {  	v60 =	vmul.f32 v46, v63;
	v61 =	vld [tilespmem:s22+$0x9C0];
	[tilespmem:s22+$0x950] =	vst v56  }
0xb8: {  	v62 =	vmul.f32 v45, v53;
	v63 =	vld [tilespmem:s22+$0x9D0];
	[tilespmem:s22+$0x960] =	vst v58  }
0xb9: {  	v52 =	vmul.f32 v45, v55;
	v53 =	vld [tilespmem:s22+$0x9E0];
	[tilespmem:s22+$0x970] =	vst v60  }
0xba: {  	v54 =	vmul.f32 v45, v57;
	v55 =	vld [tilespmem:s22+$0x9F0];
	[tilespmem:s22+$0x980] =	vst v62  }
0xbb: {  	v57 =	vld [tilespmem:s22+$0xA00];
	[tilespmem:s22+$0x990] =	vst v52;
	v56 =	vmul.f32 v45, v59  }
0xbc: {  	[tilespmem:s22+$0x9A0] =	vst v54;
	v58 =	vmul.f32 v45, v61;
	v59 =	vld [tilespmem:s22+$0xA10]  }
0xbd: {  	v60 =	vmul.f32 v45, v63;
	v61 =	vld [tilespmem:s22+$0xA20];
	[tilespmem:s22+$0x9B0] =	vst v56  }
0xbe: {  	v44 =	vperm.xlane v41, v37;
	v62 =	vmul.f32 v45, v53;
	v63 =	vld [tilespmem:s22+$0xA30];
	[tilespmem:s22+$0x9C0] =	vst v58  }
0xbf: {  	v52 =	vmul.f32 v45, v55;
	v53 =	vld [tilespmem:s22+$0xA40];
	[tilespmem:s22+$0x9D0] =	vst v60  }
0xc0: {  	v54 =	vmul.f32 v44, v57;
	v55 =	vld [tilespmem:s22+$0xA50];
	[tilespmem:s22+$0x9E0] =	vst v62  }
0xc1: {  	v57 =	vld [tilespmem:s22+$0xA60];
	[tilespmem:s22+$0x9F0] =	vst v52;
	v56 =	vmul.f32 v44, v59  }
0xc2: {  	[tilespmem:s22+$0xA00] =	vst v54;
	v58 =	vmul.f32 v44, v61;
	v59 =	vld [tilespmem:s22+$0xA70]  }
0xc3: {  	v60 =	vmul.f32 v44, v63;
	v61 =	vld [tilespmem:s22+$0xA80];
	[tilespmem:s22+$0xA10] =	vst v56  }
0xc4: {  	v62 =	vmul.f32 v44, v53;
	v63 =	vld [tilespmem:s22+$0xA90];
	[tilespmem:s22+$0xA20] =	vst v58  }
0xc5: {  	v52 =	vmul.f32 v44, v55;
	v53 =	vld [tilespmem:s22+$0xAA0];
	[tilespmem:s22+$0xA30] =	vst v60  }
0xc6: {  	v46 =	vperm.xlane v41, v38;
	v54 =	vmul.f32 v44, v57;
	v55 =	vld [tilespmem:s22+$0xAB0];
	[tilespmem:s22+$0xA40] =	vst v62  }
0xc7: {  	v57 =	vld [tilespmem:s22+$0xAC0];
	[tilespmem:s22+$0xA50] =	vst v52;
	v56 =	vmul.f32 v44, v59  }
0xc8: {  	[tilespmem:s22+$0xA60] =	vst v54;
	v58 =	vmul.f32 v46, v61;
	v59 =	vld [tilespmem:s22+$0xAD0]  }
0xc9: {  	v60 =	vmul.f32 v46, v63;
	v61 =	vld [tilespmem:s22+$0xAE0];
	[tilespmem:s22+$0xA70] =	vst v56  }
0xca: {  	v62 =	vmul.f32 v46, v53;
	v63 =	vld [tilespmem:s22+$0xAF0];
	[tilespmem:s22+$0xA80] =	vst v58  }
0xcb: {  	v52 =	vmul.f32 v46, v55;
	v53 =	vld [tilespmem:s22+$0xB00];
	[tilespmem:s22+$0xA90] =	vst v60  }
0xcc: {  	v54 =	vmul.f32 v46, v57;
	v55 =	vld [tilespmem:s22+$0xB10];
	[tilespmem:s22+$0xAA0] =	vst v62  }
0xcd: {  	v57 =	vld [tilespmem:s22+$0xB20];
	[tilespmem:s22+$0xAB0] =	vst v52;
	v56 =	vmul.f32 v46, v59  }
0xce: {  	v45 =	vperm.xlane v41, v39;
	[tilespmem:s22+$0xAC0] =	vst v54;
	v58 =	vmul.f32 v46, v61;
	v59 =	vld [tilespmem:s22+$0xB30]  }
0xcf: {  	v60 =	vmul.f32 v46, v63;
	v61 =	vld [tilespmem:s22+$0xB40];
	[tilespmem:s22+$0xAD0] =	vst v56  }
0xd0: {  	v62 =	vmul.f32 v45, v53;
	v63 =	vld [tilespmem:s22+$0xB50];
	[tilespmem:s22+$0xAE0] =	vst v58  }
0xd1: {  	v52 =	vmul.f32 v45, v55;
	v53 =	vld [tilespmem:s22+$0xB60];
	[tilespmem:s22+$0xAF0] =	vst v60  }
0xd2: {  	v54 =	vmul.f32 v45, v57;
	v55 =	vld [tilespmem:s22+$0xB70];
	[tilespmem:s22+$0xB00] =	vst v62  }
0xd3: {  	v57 =	vld [tilespmem:s22+$0xB80];
	[tilespmem:s22+$0xB10] =	vst v52;
	v56 =	vmul.f32 v45, v59  }
0xd4: {  	[tilespmem:s22+$0xB20] =	vst v54;
	v58 =	vmul.f32 v45, v61;
	v59 =	vld [tilespmem:s22+$0xB90]  }
0xd5: {  	v60 =	vmul.f32 v45, v63;
	v61 =	vld [tilespmem:s22+$0xBA0];
	[tilespmem:s22+$0xB30] =	vst v56  }
0xd6: {  	v41 =	vperm.xlane v41, v40;
	v62 =	vmul.f32 v45, v53;
	v63 =	vld [tilespmem:s22+$0xBB0];
	[tilespmem:s22+$0xB40] =	vst v58  }
0xd7: {  	v52 =	vmul.f32 v45, v55;
	v53 =	vld [tilespmem:s22+$0xBC0];
	[tilespmem:s22+$0xB50] =	vst v60  }
0xd8: {  	v54 =	vmul.f32 v41, v57;
	v55 =	vld [tilespmem:s22+$0xBD0];
	[tilespmem:s22+$0xB60] =	vst v62  }
0xd9: {  	v57 =	vld [tilespmem:s22+$0xBE0];
	[tilespmem:s22+$0xB70] =	vst v52;
	v56 =	vmul.f32 v41, v59  }
0xda: {  	[tilespmem:s22+$0xB80] =	vst v54;
	v58 =	vmul.f32 v41, v61;
	v59 =	vld [tilespmem:s22+$0xBF0]  }
0xdb: {  	v60 =	vmul.f32 v41, v63;
	[tilespmem:s22+$0xB90] =	vst v56  }
0xdc: {  	p0 =	sne.s32 s21, $0x7;
	v61 =	vmul.f32 v41, v53;
	[tilespmem:s22+$0xBA0] =	vst v58  }
.Ltmp0:
0xdd: {  	v62 =	vmul.f32 v41, v55;
	[tilespmem:s22+$0xBB0] =	vst v60;
	(pc) =	sbr.rel @p0 .LBB2_2-.Ltmp0, $4  }
0xde: {  	v63 =	vmul.f32 v41, v57;
	[tilespmem:s22+$0xBC0] =	vst v61  }
0xdf: {  	[tilespmem:s22+$0xBD0] =	vst v62;
	v41 =	vmul.f32 v41, v59  }
0xe0: {  	[tilespmem:s22+$0xBE0] =	vst v63  }
0xe1: {  	s21 =	sadd.s32 $0x1, s21;
	[tilespmem:s22+$0xBF0] =	vst v41  }
0xe2: {  	[hbm4b:s3+s10] =	stream.indirect.scatter [tilespmem:s12], [sflag:$0x4], $0x80, s17, s10, $0xb8;
	[tilespmem:$0x8400] =	vst v63  }
0xe3: {  	_ =	swait.ge [sflag:s18], $0x4000  }
0xe4: {  	[sflag:s18] =	ssyncset.done $0x0  }
0xe5: {  	s21 =	simm.s32 $0x0;
	[sflag:s18] =	ssyncadd.s32 $0xFFFFC000  }
.LBB2_4:
0xe6: {  	s22 =	sshll.u32 s21, $0x4  }
0xe7: {  	s22 =	sand.u32 $0x3FFFFFF0, s22  }
0xe8: {  	v41 =	vld [tilespmem:s22+$0x100];
	_ =	sdelay $0x1  }
0xe9: {  	s31 =	sshll.u32 s21, $0xB  }
0xea: {  	s22 =	sand.u32 $0x3FFFF800, s31  }
0xeb: {  	v42 =	vld [tilespmem:s22+$0x4400]  }
0xec: {  	v43 =	vld [tilespmem:s22+$0x4410];
	vm0 =	vlt.s32 v41, $0x0  }
0xed: {  	v44 =	vld [tilespmem:s22+$0x4420];
	v41 =	vsel vm0, $0x0, v25  }
0xee: {  	v46 =	vld [tilespmem:s22+$0x4430];
	v45 =	vperm.xlane v41, v24  }
0xef: {  	v47 =	vld [tilespmem:s22+$0x4440]  }
0xf0: {  	v48 =	vld [tilespmem:s22+$0x4450];
	v42 =	vmul.f32 v45, v42  }
0xf1: {  	v49 =	vld [tilespmem:s22+$0x4460];
	v43 =	vmul.f32 v45, v43  }
0xf2: {  	v60 =	vld [tilespmem:s22+$0x4470];
	v59 =	vmul.f32 v45, v44;
	[tilespmem:s22+$0x4400] =	vst v42  }
0xf3: {  	v62 =	vld [tilespmem:s22+$0x4480];
	v61 =	vmul.f32 v45, v46;
	[tilespmem:s22+$0x4410] =	vst v43  }
0xf4: {  	v52 =	vld [tilespmem:s22+$0x4490];
	v63 =	vmul.f32 v45, v47;
	[tilespmem:s22+$0x4420] =	vst v59  }
0xf5: {  	v54 =	vld [tilespmem:s22+$0x44A0];
	v53 =	vmul.f32 v45, v48;
	[tilespmem:s22+$0x4430] =	vst v61  }
0xf6: {  	v50 =	vld [tilespmem:s22+$0x44B0];
	v55 =	vmul.f32 v45, v49;
	v49 =	vperm.xlane v41, v26;
	[tilespmem:s22+$0x4440] =	vst v63  }
0xf7: {  	v57 =	vld [tilespmem:s22+$0x44C0];
	v56 =	vmul.f32 v45, v60;
	[tilespmem:s22+$0x4450] =	vst v53  }
0xf8: {  	[tilespmem:s22+$0x4460] =	vst v55;
	v58 =	vmul.f32 v49, v62;
	v59 =	vld [tilespmem:s22+$0x44D0]  }
0xf9: {  	[tilespmem:s22+$0x4470] =	vst v56;
	v60 =	vmul.f32 v49, v52;
	v61 =	vld [tilespmem:s22+$0x44E0]  }
0xfa: {  	v62 =	vmul.f32 v49, v54;
	v63 =	vld [tilespmem:s22+$0x44F0];
	[tilespmem:s22+$0x4480] =	vst v58  }
0xfb: {  	v52 =	vmul.f32 v49, v50;
	v53 =	vld [tilespmem:s22+$0x4500];
	[tilespmem:s22+$0x4490] =	vst v60  }
0xfc: {  	v54 =	vmul.f32 v49, v57;
	v55 =	vld [tilespmem:s22+$0x4510];
	[tilespmem:s22+$0x44A0] =	vst v62  }
0xfd: {  	v57 =	vld [tilespmem:s22+$0x4520];
	[tilespmem:s22+$0x44B0] =	vst v52;
	v56 =	vmul.f32 v49, v59  }
0xfe: {  	v46 =	vperm.xlane v41, v27;
	[tilespmem:s22+$0x44C0] =	vst v54;
	v58 =	vmul.f32 v49, v61;
	v59 =	vld [tilespmem:s22+$0x4530]  }
0xff: {  	v60 =	vmul.f32 v49, v63;
	v61 =	vld [tilespmem:s22+$0x4540];
	[tilespmem:s22+$0x44D0] =	vst v56  }
0x100: {  	v62 =	vmul.f32 v46, v53;
	v63 =	vld [tilespmem:s22+$0x4550];
	[tilespmem:s22+$0x44E0] =	vst v58  }
0x101: {  	v52 =	vmul.f32 v46, v55;
	v53 =	vld [tilespmem:s22+$0x4560];
	[tilespmem:s22+$0x44F0] =	vst v60  }
0x102: {  	v54 =	vmul.f32 v46, v57;
	v55 =	vld [tilespmem:s22+$0x4570];
	[tilespmem:s22+$0x4500] =	vst v62  }
0x103: {  	v57 =	vld [tilespmem:s22+$0x4580];
	[tilespmem:s22+$0x4510] =	vst v52;
	v56 =	vmul.f32 v46, v59  }
0x104: {  	[tilespmem:s22+$0x4520] =	vst v54;
	v58 =	vmul.f32 v46, v61;
	v59 =	vld [tilespmem:s22+$0x4590]  }
0x105: {  	v60 =	vmul.f32 v46, v63;
	v61 =	vld [tilespmem:s22+$0x45A0];
	[tilespmem:s22+$0x4530] =	vst v56  }
0x106: {  	v44 =	vperm.xlane v41, v28;
	v62 =	vmul.f32 v46, v53;
	v63 =	vld [tilespmem:s22+$0x45B0];
	[tilespmem:s22+$0x4540] =	vst v58  }
0x107: {  	v52 =	vmul.f32 v46, v55;
	v53 =	vld [tilespmem:s22+$0x45C0];
	[tilespmem:s22+$0x4550] =	vst v60  }
0x108: {  	v54 =	vmul.f32 v44, v57;
	v55 =	vld [tilespmem:s22+$0x45D0];
	[tilespmem:s22+$0x4560] =	vst v62  }
0x109: {  	v57 =	vld [tilespmem:s22+$0x45E0];
	[tilespmem:s22+$0x4570] =	vst v52;
	v56 =	vmul.f32 v44, v59  }
0x10a: {  	[tilespmem:s22+$0x4580] =	vst v54;
	v58 =	vmul.f32 v44, v61;
	v59 =	vld [tilespmem:s22+$0x45F0]  }
0x10b: {  	v60 =	vmul.f32 v44, v63;
	v61 =	vld [tilespmem:s22+$0x4600];
	[tilespmem:s22+$0x4590] =	vst v56  }
0x10c: {  	v62 =	vmul.f32 v44, v53;
	v63 =	vld [tilespmem:s22+$0x4610];
	[tilespmem:s22+$0x45A0] =	vst v58  }
0x10d: {  	v52 =	vmul.f32 v44, v55;
	v53 =	vld [tilespmem:s22+$0x4620];
	[tilespmem:s22+$0x45B0] =	vst v60  }
0x10e: {  	v47 =	vperm.xlane v41, v29;
	v54 =	vmul.f32 v44, v57;
	v55 =	vld [tilespmem:s22+$0x4630];
	[tilespmem:s22+$0x45C0] =	vst v62  }
0x10f: {  	v57 =	vld [tilespmem:s22+$0x4640];
	[tilespmem:s22+$0x45D0] =	vst v52;
	v56 =	vmul.f32 v44, v59  }
0x110: {  	[tilespmem:s22+$0x45E0] =	vst v54;
	v58 =	vmul.f32 v47, v61;
	v59 =	vld [tilespmem:s22+$0x4650]  }
0x111: {  	v60 =	vmul.f32 v47, v63;
	v61 =	vld [tilespmem:s22+$0x4660];
	[tilespmem:s22+$0x45F0] =	vst v56  }
0x112: {  	v62 =	vmul.f32 v47, v53;
	v63 =	vld [tilespmem:s22+$0x4670];
	[tilespmem:s22+$0x4600] =	vst v58  }
0x113: {  	v52 =	vmul.f32 v47, v55;
	v53 =	vld [tilespmem:s22+$0x4680];
	[tilespmem:s22+$0x4610] =	vst v60  }
0x114: {  	v54 =	vmul.f32 v47, v57;
	v55 =	vld [tilespmem:s22+$0x4690];
	[tilespmem:s22+$0x4620] =	vst v62  }
0x115: {  	v57 =	vld [tilespmem:s22+$0x46A0];
	[tilespmem:s22+$0x4630] =	vst v52;
	v56 =	vmul.f32 v47, v59  }
0x116: {  	v45 =	vperm.xlane v41, v30;
	[tilespmem:s22+$0x4640] =	vst v54;
	v58 =	vmul.f32 v47, v61;
	v59 =	vld [tilespmem:s22+$0x46B0]  }
0x117: {  	v60 =	vmul.f32 v47, v63;
	v61 =	vld [tilespmem:s22+$0x46C0];
	[tilespmem:s22+$0x4650] =	vst v56  }
0x118: {  	v62 =	vmul.f32 v45, v53;
	v63 =	vld [tilespmem:s22+$0x46D0];
	[tilespmem:s22+$0x4660] =	vst v58  }
0x119: {  	v52 =	vmul.f32 v45, v55;
	v53 =	vld [tilespmem:s22+$0x46E0];
	[tilespmem:s22+$0x4670] =	vst v60  }
0x11a: {  	v54 =	vmul.f32 v45, v57;
	v55 =	vld [tilespmem:s22+$0x46F0];
	[tilespmem:s22+$0x4680] =	vst v62  }
0x11b: {  	v57 =	vld [tilespmem:s22+$0x4700];
	[tilespmem:s22+$0x4690] =	vst v52;
	v56 =	vmul.f32 v45, v59  }
0x11c: {  	[tilespmem:s22+$0x46A0] =	vst v54;
	v58 =	vmul.f32 v45, v61;
	v59 =	vld [tilespmem:s22+$0x4710]  }
0x11d: {  	v60 =	vmul.f32 v45, v63;
	v61 =	vld [tilespmem:s22+$0x4720];
	[tilespmem:s22+$0x46B0] =	vst v56  }
0x11e: {  	v44 =	vperm.xlane v41, v31;
	v62 =	vmul.f32 v45, v53;
	v63 =	vld [tilespmem:s22+$0x4730];
	[tilespmem:s22+$0x46C0] =	vst v58  }
0x11f: {  	v52 =	vmul.f32 v45, v55;
	v53 =	vld [tilespmem:s22+$0x4740];
	[tilespmem:s22+$0x46D0] =	vst v60  }
0x120: {  	v54 =	vmul.f32 v44, v57;
	v55 =	vld [tilespmem:s22+$0x4750];
	[tilespmem:s22+$0x46E0] =	vst v62  }
0x121: {  	v57 =	vld [tilespmem:s22+$0x4760];
	[tilespmem:s22+$0x46F0] =	vst v52;
	v56 =	vmul.f32 v44, v59  }
0x122: {  	[tilespmem:s22+$0x4700] =	vst v54;
	v58 =	vmul.f32 v44, v61;
	v59 =	vld [tilespmem:s22+$0x4770]  }
0x123: {  	v60 =	vmul.f32 v44, v63;
	v61 =	vld [tilespmem:s22+$0x4780];
	[tilespmem:s22+$0x4710] =	vst v56  }
0x124: {  	v62 =	vmul.f32 v44, v53;
	v63 =	vld [tilespmem:s22+$0x4790];
	[tilespmem:s22+$0x4720] =	vst v58  }
0x125: {  	v52 =	vmul.f32 v44, v55;
	v53 =	vld [tilespmem:s22+$0x47A0];
	[tilespmem:s22+$0x4730] =	vst v60  }
0x126: {  	v46 =	vperm.xlane v41, v32;
	v54 =	vmul.f32 v44, v57;
	v55 =	vld [tilespmem:s22+$0x47B0];
	[tilespmem:s22+$0x4740] =	vst v62  }
0x127: {  	v57 =	vld [tilespmem:s22+$0x47C0];
	[tilespmem:s22+$0x4750] =	vst v52;
	v56 =	vmul.f32 v44, v59  }
0x128: {  	[tilespmem:s22+$0x4760] =	vst v54;
	v58 =	vmul.f32 v46, v61;
	v59 =	vld [tilespmem:s22+$0x47D0]  }
0x129: {  	v60 =	vmul.f32 v46, v63;
	v61 =	vld [tilespmem:s22+$0x47E0];
	[tilespmem:s22+$0x4770] =	vst v56  }
0x12a: {  	v62 =	vmul.f32 v46, v53;
	v63 =	vld [tilespmem:s22+$0x47F0];
	[tilespmem:s22+$0x4780] =	vst v58  }
0x12b: {  	v52 =	vmul.f32 v46, v55;
	v53 =	vld [tilespmem:s22+$0x4800];
	[tilespmem:s22+$0x4790] =	vst v60  }
0x12c: {  	v54 =	vmul.f32 v46, v57;
	v55 =	vld [tilespmem:s22+$0x4810];
	[tilespmem:s22+$0x47A0] =	vst v62  }
0x12d: {  	v57 =	vld [tilespmem:s22+$0x4820];
	[tilespmem:s22+$0x47B0] =	vst v52;
	v56 =	vmul.f32 v46, v59  }
0x12e: {  	v45 =	vperm.xlane v41, v33;
	[tilespmem:s22+$0x47C0] =	vst v54;
	v58 =	vmul.f32 v46, v61;
	v59 =	vld [tilespmem:s22+$0x4830]  }
0x12f: {  	v60 =	vmul.f32 v46, v63;
	v61 =	vld [tilespmem:s22+$0x4840];
	[tilespmem:s22+$0x47D0] =	vst v56  }
0x130: {  	v62 =	vmul.f32 v45, v53;
	v63 =	vld [tilespmem:s22+$0x4850];
	[tilespmem:s22+$0x47E0] =	vst v58  }
0x131: {  	v52 =	vmul.f32 v45, v55;
	v53 =	vld [tilespmem:s22+$0x4860];
	[tilespmem:s22+$0x47F0] =	vst v60  }
0x132: {  	v54 =	vmul.f32 v45, v57;
	v55 =	vld [tilespmem:s22+$0x4870];
	[tilespmem:s22+$0x4800] =	vst v62  }
0x133: {  	v57 =	vld [tilespmem:s22+$0x4880];
	[tilespmem:s22+$0x4810] =	vst v52;
	v56 =	vmul.f32 v45, v59  }
0x134: {  	[tilespmem:s22+$0x4820] =	vst v54;
	v58 =	vmul.f32 v45, v61;
	v59 =	vld [tilespmem:s22+$0x4890]  }
0x135: {  	v60 =	vmul.f32 v45, v63;
	v61 =	vld [tilespmem:s22+$0x48A0];
	[tilespmem:s22+$0x4830] =	vst v56  }
0x136: {  	v44 =	vperm.xlane v41, v34;
	v62 =	vmul.f32 v45, v53;
	v63 =	vld [tilespmem:s22+$0x48B0];
	[tilespmem:s22+$0x4840] =	vst v58  }
0x137: {  	v52 =	vmul.f32 v45, v55;
	v53 =	vld [tilespmem:s22+$0x48C0];
	[tilespmem:s22+$0x4850] =	vst v60  }
0x138: {  	v54 =	vmul.f32 v44, v57;
	v55 =	vld [tilespmem:s22+$0x48D0];
	[tilespmem:s22+$0x4860] =	vst v62  }
0x139: {  	v57 =	vld [tilespmem:s22+$0x48E0];
	[tilespmem:s22+$0x4870] =	vst v52;
	v56 =	vmul.f32 v44, v59  }
0x13a: {  	[tilespmem:s22+$0x4880] =	vst v54;
	v58 =	vmul.f32 v44, v61;
	v59 =	vld [tilespmem:s22+$0x48F0]  }
0x13b: {  	v60 =	vmul.f32 v44, v63;
	v61 =	vld [tilespmem:s22+$0x4900];
	[tilespmem:s22+$0x4890] =	vst v56  }
0x13c: {  	v62 =	vmul.f32 v44, v53;
	v63 =	vld [tilespmem:s22+$0x4910];
	[tilespmem:s22+$0x48A0] =	vst v58  }
0x13d: {  	v52 =	vmul.f32 v44, v55;
	v53 =	vld [tilespmem:s22+$0x4920];
	[tilespmem:s22+$0x48B0] =	vst v60  }
0x13e: {  	v46 =	vperm.xlane v41, v35;
	v54 =	vmul.f32 v44, v57;
	v55 =	vld [tilespmem:s22+$0x4930];
	[tilespmem:s22+$0x48C0] =	vst v62  }
0x13f: {  	v57 =	vld [tilespmem:s22+$0x4940];
	[tilespmem:s22+$0x48D0] =	vst v52;
	v56 =	vmul.f32 v44, v59  }
0x140: {  	[tilespmem:s22+$0x48E0] =	vst v54;
	v58 =	vmul.f32 v46, v61;
	v59 =	vld [tilespmem:s22+$0x4950]  }
0x141: {  	v60 =	vmul.f32 v46, v63;
	v61 =	vld [tilespmem:s22+$0x4960];
	[tilespmem:s22+$0x48F0] =	vst v56  }
0x142: {  	v62 =	vmul.f32 v46, v53;
	v63 =	vld [tilespmem:s22+$0x4970];
	[tilespmem:s22+$0x4900] =	vst v58  }
0x143: {  	v52 =	vmul.f32 v46, v55;
	v53 =	vld [tilespmem:s22+$0x4980];
	[tilespmem:s22+$0x4910] =	vst v60  }
0x144: {  	v54 =	vmul.f32 v46, v57;
	v55 =	vld [tilespmem:s22+$0x4990];
	[tilespmem:s22+$0x4920] =	vst v62  }
0x145: {  	v57 =	vld [tilespmem:s22+$0x49A0];
	[tilespmem:s22+$0x4930] =	vst v52;
	v56 =	vmul.f32 v46, v59  }
0x146: {  	v45 =	vperm.xlane v41, v36;
	[tilespmem:s22+$0x4940] =	vst v54;
	v58 =	vmul.f32 v46, v61;
	v59 =	vld [tilespmem:s22+$0x49B0]  }
0x147: {  	v60 =	vmul.f32 v46, v63;
	v61 =	vld [tilespmem:s22+$0x49C0];
	[tilespmem:s22+$0x4950] =	vst v56  }
0x148: {  	v62 =	vmul.f32 v45, v53;
	v63 =	vld [tilespmem:s22+$0x49D0];
	[tilespmem:s22+$0x4960] =	vst v58  }
0x149: {  	v52 =	vmul.f32 v45, v55;
	v53 =	vld [tilespmem:s22+$0x49E0];
	[tilespmem:s22+$0x4970] =	vst v60  }
0x14a: {  	v54 =	vmul.f32 v45, v57;
	v55 =	vld [tilespmem:s22+$0x49F0];
	[tilespmem:s22+$0x4980] =	vst v62  }
0x14b: {  	v57 =	vld [tilespmem:s22+$0x4A00];
	[tilespmem:s22+$0x4990] =	vst v52;
	v56 =	vmul.f32 v45, v59  }
0x14c: {  	[tilespmem:s22+$0x49A0] =	vst v54;
	v58 =	vmul.f32 v45, v61;
	v59 =	vld [tilespmem:s22+$0x4A10]  }
0x14d: {  	v60 =	vmul.f32 v45, v63;
	v61 =	vld [tilespmem:s22+$0x4A20];
	[tilespmem:s22+$0x49B0] =	vst v56  }
0x14e: {  	v44 =	vperm.xlane v41, v37;
	v62 =	vmul.f32 v45, v53;
	v63 =	vld [tilespmem:s22+$0x4A30];
	[tilespmem:s22+$0x49C0] =	vst v58  }
0x14f: {  	v52 =	vmul.f32 v45, v55;
	v53 =	vld [tilespmem:s22+$0x4A40];
	[tilespmem:s22+$0x49D0] =	vst v60  }
0x150: {  	v54 =	vmul.f32 v44, v57;
	v55 =	vld [tilespmem:s22+$0x4A50];
	[tilespmem:s22+$0x49E0] =	vst v62  }
0x151: {  	v57 =	vld [tilespmem:s22+$0x4A60];
	[tilespmem:s22+$0x49F0] =	vst v52;
	v56 =	vmul.f32 v44, v59  }
0x152: {  	[tilespmem:s22+$0x4A00] =	vst v54;
	v58 =	vmul.f32 v44, v61;
	v59 =	vld [tilespmem:s22+$0x4A70]  }
0x153: {  	v60 =	vmul.f32 v44, v63;
	v61 =	vld [tilespmem:s22+$0x4A80];
	[tilespmem:s22+$0x4A10] =	vst v56  }
0x154: {  	v62 =	vmul.f32 v44, v53;
	v63 =	vld [tilespmem:s22+$0x4A90];
	[tilespmem:s22+$0x4A20] =	vst v58  }
0x155: {  	v52 =	vmul.f32 v44, v55;
	v53 =	vld [tilespmem:s22+$0x4AA0];
	[tilespmem:s22+$0x4A30] =	vst v60  }
0x156: {  	v46 =	vperm.xlane v41, v38;
	v54 =	vmul.f32 v44, v57;
	v55 =	vld [tilespmem:s22+$0x4AB0];
	[tilespmem:s22+$0x4A40] =	vst v62  }
0x157: {  	v57 =	vld [tilespmem:s22+$0x4AC0];
	[tilespmem:s22+$0x4A50] =	vst v52;
	v56 =	vmul.f32 v44, v59  }
0x158: {  	[tilespmem:s22+$0x4A60] =	vst v54;
	v58 =	vmul.f32 v46, v61;
	v59 =	vld [tilespmem:s22+$0x4AD0]  }
0x159: {  	v60 =	vmul.f32 v46, v63;
	v61 =	vld [tilespmem:s22+$0x4AE0];
	[tilespmem:s22+$0x4A70] =	vst v56  }
0x15a: {  	v62 =	vmul.f32 v46, v53;
	v63 =	vld [tilespmem:s22+$0x4AF0];
	[tilespmem:s22+$0x4A80] =	vst v58  }
0x15b: {  	v52 =	vmul.f32 v46, v55;
	v53 =	vld [tilespmem:s22+$0x4B00];
	[tilespmem:s22+$0x4A90] =	vst v60  }
0x15c: {  	v54 =	vmul.f32 v46, v57;
	v55 =	vld [tilespmem:s22+$0x4B10];
	[tilespmem:s22+$0x4AA0] =	vst v62  }
0x15d: {  	v57 =	vld [tilespmem:s22+$0x4B20];
	[tilespmem:s22+$0x4AB0] =	vst v52;
	v56 =	vmul.f32 v46, v59  }
0x15e: {  	v45 =	vperm.xlane v41, v39;
	[tilespmem:s22+$0x4AC0] =	vst v54;
	v58 =	vmul.f32 v46, v61;
	v59 =	vld [tilespmem:s22+$0x4B30]  }
0x15f: {  	v60 =	vmul.f32 v46, v63;
	v61 =	vld [tilespmem:s22+$0x4B40];
	[tilespmem:s22+$0x4AD0] =	vst v56  }
0x160: {  	v62 =	vmul.f32 v45, v53;
	v63 =	vld [tilespmem:s22+$0x4B50];
	[tilespmem:s22+$0x4AE0] =	vst v58  }
0x161: {  	v52 =	vmul.f32 v45, v55;
	v53 =	vld [tilespmem:s22+$0x4B60];
	[tilespmem:s22+$0x4AF0] =	vst v60  }
0x162: {  	v54 =	vmul.f32 v45, v57;
	v55 =	vld [tilespmem:s22+$0x4B70];
	[tilespmem:s22+$0x4B00] =	vst v62  }
0x163: {  	v57 =	vld [tilespmem:s22+$0x4B80];
	[tilespmem:s22+$0x4B10] =	vst v52;
	v56 =	vmul.f32 v45, v59  }
0x164: {  	[tilespmem:s22+$0x4B20] =	vst v54;
	v58 =	vmul.f32 v45, v61;
	v59 =	vld [tilespmem:s22+$0x4B90]  }
0x165: {  	v60 =	vmul.f32 v45, v63;
	v61 =	vld [tilespmem:s22+$0x4BA0];
	[tilespmem:s22+$0x4B30] =	vst v56  }
0x166: {  	v41 =	vperm.xlane v41, v40;
	v62 =	vmul.f32 v45, v53;
	v63 =	vld [tilespmem:s22+$0x4BB0];
	[tilespmem:s22+$0x4B40] =	vst v58  }
0x167: {  	v52 =	vmul.f32 v45, v55;
	v53 =	vld [tilespmem:s22+$0x4BC0];
	[tilespmem:s22+$0x4B50] =	vst v60  }
0x168: {  	v54 =	vmul.f32 v41, v57;
	v55 =	vld [tilespmem:s22+$0x4BD0];
	[tilespmem:s22+$0x4B60] =	vst v62  }
0x169: {  	v57 =	vld [tilespmem:s22+$0x4BE0];
	[tilespmem:s22+$0x4B70] =	vst v52;
	v56 =	vmul.f32 v41, v59  }
0x16a: {  	[tilespmem:s22+$0x4B80] =	vst v54;
	v58 =	vmul.f32 v41, v61;
	v59 =	vld [tilespmem:s22+$0x4BF0]  }
0x16b: {  	v60 =	vmul.f32 v41, v63;
	[tilespmem:s22+$0x4B90] =	vst v56  }
0x16c: {  	p0 =	sne.s32 s21, $0x7;
	v61 =	vmul.f32 v41, v53;
	[tilespmem:s22+$0x4BA0] =	vst v58  }
.Ltmp1:
0x16d: {  	v62 =	vmul.f32 v41, v55;
	[tilespmem:s22+$0x4BB0] =	vst v60;
	(pc) =	sbr.rel @p0 .LBB2_4-.Ltmp1, $4  }
0x16e: {  	v63 =	vmul.f32 v41, v57;
	[tilespmem:s22+$0x4BC0] =	vst v61  }
0x16f: {  	[tilespmem:s22+$0x4BD0] =	vst v62;
	v41 =	vmul.f32 v41, v59  }
0x170: {  	[tilespmem:s22+$0x4BE0] =	vst v63  }
0x171: {  	s21 =	sadd.s32 $0x1, s21;
	[tilespmem:s22+$0x4BF0] =	vst v41  }
0x172: {  	[hbm4b:s3+s10] =	stream.indirect.scatter [tilespmem:s15], [sflag:$0x4], $0x80, s19, s10, $0xb8;
	[tilespmem:$0x8400] =	vst v63  }
0x173: {  	s20 =	sadd.s32 $0x1, s20  }
0x174: {  	_ =	swait.ge [sflag:s13], $0x4000;
	p0 =	sne.s32 s20, s7  }
.Ltmp2:
0x175: {  	[sflag:s13] =	ssyncset.done $0x0;
	(pc) =	sbr.rel @p0 .LBB2_1-.Ltmp2, $4  }
0x176: {  	[sflag:s13] =	ssyncadd.s32 $0xFFFFC000  }
0x177: {  	_ =	swait.ge [sflag:s13], $0x4000  }
0x178: {  	[sflag:s13] =	ssyncset.done $0x0  }
0x179: {  	[sflag:s13] =	ssyncadd.s32 $0xFFFFC000  }
0x17a: {  	_ =	sfence.sel $0x180000  }
0x17b: {  	[bflag:$0x0] =	sbarrier.arrive $0xFFFF  }
0x17c: {  	p0 =	sne.s32 s0, $0x0;
	_ =	strace $0x90000047  }
0x17d: {  	s0 =	sadd.s32 @!p0 $0x100000, s2;
	[bflag:$0x2] =	sbarrier.arrive $0xFFFF  }
0x17e: {  	[sflag:s0] =	ssyncadd.tile.s32 @!p0 $0x1;
	_ =	shalt  }
.Lfunc_end2:
_tile_overlayer_lowered:
.L_overlay_start_2:
0x17f: {  	(tag) =	ssettag $0x2  }
0x180: {  	s0 =	rddreg [dreg:$0x0];
	s2 =	stileid.u32  }
0x181: {  	s1 =	rddreg [dreg:$0x1];
	p0 =	sne.s32 s2, $0x0  }
0x182: {  	s3 =	rddreg [dreg:$0x2];
	[bflag:$0x3] =	sbarrier.arrive $0xFFFF;
	s2 =	simm.s32 @!p0 $0x1C05  }
0x183: {  	[timem:s3], [sflag:s2] =	dma.local @!p0 [hbm:s0], s1  }
0x184: {  	s0 =	simm.s32 @!p0 $0x5  }
0x185: {  	_ =	swait.ge @!p0 [sflag:s0], s1  }
0x186: {  	s1 =	ssub.s32 @!p0 $0x0, s1;
	[sflag:s0] =	ssyncset.done @!p0 $0x0  }
0x187: {  	[sflag:s0] =	ssyncadd.s32 @!p0 s1  }
0x188: {  	[bflag:$0x3] =	sbarrier.arrive $0xFFFF  }
0x189: {  	_ =	shalt  }

</sc_bundles>
